<compile_context>
chip_gen: v7x
topology: tpu7x:2x2x1
jax: 0.10.2.dev20260603
libtpu: 0.0.44.dev20260713+nightly
codegen_flags: <defaults>
</compile_context>

<pallas_src>
import functools

import jax
import jax.numpy as jnp
from jax import lax
from jax.experimental import pallas as pl
from jax.experimental.pallas import tpu as pltpu
from jax.experimental.pallas import tpu_sc as plsc

N = 10000
E = 160000
E_LG = 640000
B = 256
D = 128
N_ITER = 4


K = 128
CH = 10240
NCH = 16
ACC = CH + 256
NB = E_LG // K + NCH


def _seg_body(h_hbm, srcp_hbm, dstp_hbm, base_hbm, z_hbm, m_hbm,
              base_v, idx_v, dloc_v, rows_v, zbuf, acc, sem, sem2):
    cid = lax.axis_index("c")
    sid = lax.axis_index("s")
    pltpu.async_copy(base_hbm, base_v, sem).wait()
    pltpu.async_copy(z_hbm, zbuf, sem).wait()

    def _zero_my_slice():
        r0 = sid * 656
        for o, n in ((0, 128), (128, 128), (256, 128), (384, 128),
                     (512, 128), (640, 16)):
            pltpu.async_copy(zbuf.at[pl.ds(0, n)], acc.at[pl.ds(r0 + o, n)],
                             sem).wait()

    _zero_my_slice()
    plsc.subcore_barrier()

    bv0 = base_v[pl.ds(0, 16)]
    bv1 = base_v[pl.ds(16, 16)]

    def _at(j):
        return bv0[j] if j < 16 else bv1[j - 16]

    for i in range(NCH // 2):
        chunk = 2 * i + cid
        lo = jnp.where(cid == 0, _at(2 * i), _at(2 * i + 1))
        hi = jnp.where(cid == 0, _at(2 * i + 1), _at(2 * i + 2))

        @pl.loop(lo + sid, hi, step=16)
        def _blk(b):
            ci = pltpu.async_copy(srcp_hbm.at[pl.ds(b * K, K)], idx_v, sem)
            cd = pltpu.async_copy(dstp_hbm.at[pl.ds(b * K, K)], dloc_v, sem2)
            ci.wait()
            cd.wait()
            pltpu.async_copy(h_hbm.at[idx_v], rows_v, sem).wait()
            pltpu.async_copy(rows_v, acc.at[dloc_v], sem2, add=True).wait()

        plsc.subcore_barrier()
        out0 = chunk * CH + sid * 640
        a0 = sid * 640
        for o in range(0, 640, 128):
            @pl.when(out0 + o + 128 <= E)
            def _w(o=o):
                pltpu.async_copy(acc.at[pl.ds(a0 + o, 128)], rows_v, sem).wait()
                pltpu.async_copy(rows_v, m_hbm.at[pl.ds(out0 + o, 128)],
                                 sem).wait()
        _zero_my_slice()
        plsc.subcore_barrier()


@jax.jit
def _segsum_sc(h, src_pad, dst_pad, base_pad, zrows):
    fn = pl.kernel(
        _seg_body,
        mesh=plsc.VectorSubcoreMesh(core_axis_name="c", subcore_axis_name="s"),
        out_type=jax.ShapeDtypeStruct((E, D), jnp.float32),
        scratch_types=[
            pltpu.VMEM((32,), jnp.int32),
            pltpu.VMEM((K,), jnp.int32),
            pltpu.VMEM((K,), jnp.int32),
            pltpu.VMEM((K, D), jnp.float32),
            pltpu.VMEM((K, D), jnp.float32),
            pltpu.VMEM_SHARED((ACC, D), jnp.float32),
            pltpu.SemaphoreType.DMA,
            pltpu.SemaphoreType.DMA,
        ],
    )
    return fn(h, src_pad, dst_pad, base_pad, zrows)


def _lg_preprocess(lg_src, lg_dst):
    order = jnp.argsort(lg_dst)
    srcs = lg_src[order]
    dsts = lg_dst[order]
    chunk_starts = jnp.searchsorted(
        dsts, jnp.minimum(jnp.arange(NCH + 1) * CH, E)).astype(jnp.int32)
    n_c = chunk_starts[1:] - chunk_starts[:-1]
    nb_c = (n_c + K - 1) // K
    blk_base = jnp.concatenate([jnp.zeros((1,), jnp.int32), jnp.cumsum(nb_c)]).astype(jnp.int32)
    base_pad = jnp.zeros((32,), jnp.int32).at[:NCH + 1].set(blk_base)
    b = jnp.arange(NB, dtype=jnp.int32)
    c_of_b = jnp.clip(jnp.searchsorted(blk_base, b, side="right") - 1, 0, NCH - 1).astype(jnp.int32)
    slot = (chunk_starts[c_of_b][:, None]
            + (b[:, None] - blk_base[c_of_b][:, None]) * K
            + jnp.arange(K, dtype=jnp.int32)[None, :])
    valid = slot < chunk_starts[c_of_b + 1][:, None]
    src_pad = jnp.where(valid, jnp.take(srcs, slot, mode="clip"), 0).astype(jnp.int32)
    dst_pad = jnp.where(valid, jnp.take(dsts, slot, mode="clip") - c_of_b[:, None] * CH,
                        CH).astype(jnp.int32)
    zrows = jnp.zeros((K, D), jnp.float32)
    return src_pad.reshape(-1), dst_pad.reshape(-1), base_pad, zrows


def _mm_body(a_ref, b_ref, o_ref):
    o_ref[...] = jnp.dot(a_ref[...], b_ref[...],
                         preferred_element_type=jnp.float32)


def _mm(a, b, blk_rows):
    m, k = a.shape
    _, n = b.shape
    assert m % blk_rows == 0
    return pl.pallas_call(
        _mm_body,
        grid=(m // blk_rows,),
        in_specs=[pl.BlockSpec((blk_rows, k), lambda i: (i, 0)),
                  pl.BlockSpec((k, n), lambda i: (0, 0))],
        out_specs=pl.BlockSpec((blk_rows, n), lambda i: (i, 0)),
        out_shape=jax.ShapeDtypeStruct((m, n), jnp.float32),
    )(a, b)


def _mlp_body(x_ref, w1_ref, b1_ref, w2_ref, b2_ref, o_ref):
    h = jnp.maximum(
        jnp.dot(x_ref[...], w1_ref[...], preferred_element_type=jnp.float32)
        + b1_ref[...], 0.0)
    o_ref[...] = jnp.dot(h, w2_ref[...],
                         preferred_element_type=jnp.float32) + b2_ref[...]


def _mlp(x, w1, b1, w2, b2, blk_rows):
    m, k = x.shape
    _, n2 = w1.shape
    _, n = w2.shape
    return pl.pallas_call(
        _mlp_body,
        grid=(m // blk_rows,),
        in_specs=[pl.BlockSpec((blk_rows, k), lambda i: (i, 0)),
                  pl.BlockSpec((k, n2), lambda i: (0, 0)),
                  pl.BlockSpec((1, n2), lambda i: (0, 0)),
                  pl.BlockSpec((n2, n), lambda i: (0, 0)),
                  pl.BlockSpec((1, n), lambda i: (0, 0))],
        out_specs=pl.BlockSpec((blk_rows, n), lambda i: (i, 0)),
        out_shape=jax.ShapeDtypeStruct((m, n), jnp.float32),
    )(x, w1.reshape(k, n2), b1.reshape(1, n2), w2, b2.reshape(1, n))


def kernel(x, edge_index, edge_attr, line_graph_edge_index, edge_index_batch,
           W_u, W_v, W_edge, W_rel, W_root, b_conv, a, a_bias,
           W_gout, b_gout, W_lb1, b_lb1, W_lb2, b_lb2):
    src, dst = edge_index[0], edge_index[1]
    lg_src, lg_dst = line_graph_edge_index[0], line_graph_edge_index[1]

    gu = _mm(x, W_u, 2000)
    gv = _mm(x, W_v, 2000)
    euv = _mm(edge_attr, W_edge, 8000)
    ea = (gu[src] + gv[dst] + euv) / 3.0

    src_pad, dst_pad, base_pad, zrows = _lg_preprocess(lg_src, lg_dst)
    hs = []
    ms = []
    h = ea
    for t in range(N_ITER + 1):
        m = _segsum_sc(h, src_pad, dst_pad, base_pad, zrows)
        ms.append(m)
        if t < N_ITER:
            h = ea + m
            hs.append(h)

    gembs = []
    for t in range(N_ITER):
        x_conv = ms[t + 1] @ W_rel + hs[t] @ W_root + b_conv
        mx = jax.ops.segment_max(x_conv, edge_index_batch, num_segments=B)
        mx = jnp.where(jnp.isfinite(mx), mx, 0.0)
        ex = jnp.exp(x_conv - mx[edge_index_batch])
        denom = jax.ops.segment_sum(ex, edge_index_batch, num_segments=B)
        scores = ex / (denom[edge_index_batch] + 1e-16)
        gembs.append(jax.ops.segment_sum(hs[t] * scores, edge_index_batch,
                                         num_segments=B))

    gemb_all = jnp.concatenate(gembs, axis=0)
    gout_all = jnp.tanh(_mm(gemb_all, W_gout, B) + b_gout)
    gout_all = gout_all.reshape(N_ITER, B, D).transpose(1, 2, 0)
    sc = jnp.sum(gout_all * a, axis=1, keepdims=True) + a_bias
    sc = jax.nn.softmax(sc, axis=-1)
    sc_e = sc[edge_index_batch.astype(jnp.int32)][:, 0, :]

    out_sum = jnp.zeros((E, D), jnp.float32)
    for t in range(N_ITER):
        out_sum = out_sum + hs[t] * sc_e[:, t:t + 1]

    xn = x + jax.ops.segment_sum(out_sum, dst, num_segments=N)
    return _mlp(xn, W_lb1, b_lb1, W_lb2, b_lb2, 2000)

# --- scband reference (transcript-rebuilt; emitter-appended) ---
"""Pipeline reference for scband-dmpnn-11647951307194 (READ-ONLY COPY).

The authoritative reference and input builder live on the scoring server;
editing this copy changes nothing except your own understanding.
"""

import jax, jax.numpy as jnp
import numpy as np

N = 10000
E = 160000
E_LG = 640000
B = 256
D = 128
D_EDGE = 16
N_ITER = 4


def setup_inputs(seed: int = 0):
    key = jax.random.key(seed)
    ks = jax.random.split(key, 16)
    s = 0.05
    inp = {}
    inp["x"] = jax.random.normal(ks[0], (N, D), dtype=jnp.float32)
    inp["edge_index"] = jax.random.randint(ks[1], (2, E), 0, N, dtype=jnp.int32)
    inp["edge_attr"] = jax.random.normal(ks[2], (E, D_EDGE), dtype=jnp.float32)
    inp["line_graph_edge_index"] = jax.random.randint(ks[3], (2, E_LG), 0, E, dtype=jnp.int32)
    inp["edge_index_batch"] = jnp.sort(jax.random.randint(ks[4], (E,), 0, B, dtype=jnp.int32))
    inp["W_u"] = jax.random.normal(ks[5], (D, D), dtype=jnp.float32) * s
    inp["W_v"] = jax.random.normal(ks[6], (D, D), dtype=jnp.float32) * s
    inp["W_edge"] = jax.random.normal(ks[7], (D_EDGE, D), dtype=jnp.float32) * s
    inp["W_rel"] = jax.random.normal(ks[8], (D, 1), dtype=jnp.float32) * s
    inp["W_root"] = jax.random.normal(ks[9], (D, 1), dtype=jnp.float32) * s
    inp["b_conv"] = jnp.zeros((1,), dtype=jnp.float32)
    inp["a"] = jax.random.normal(ks[10], (1, D, N_ITER), dtype=jnp.float32) * s
    inp["a_bias"] = jnp.zeros((1, 1, N_ITER), dtype=jnp.float32)
    inp["W_gout"] = jax.random.normal(ks[11], (D, D), dtype=jnp.float32) * s
    inp["b_gout"] = jnp.zeros((D,), dtype=jnp.float32)
    inp["W_lb1"] = jax.random.normal(ks[12], (D, 2 * D), dtype=jnp.float32) * s
    inp["b_lb1"] = jnp.zeros((2 * D,), dtype=jnp.float32)
    inp["W_lb2"] = jax.random.normal(ks[13], (2 * D, D), dtype=jnp.float32) * s
    inp["b_lb2"] = jnp.zeros((D,), dtype=jnp.float32)
    return inp


def reference(x, edge_index, edge_attr, line_graph_edge_index, edge_index_batch,
              W_u, W_v, W_edge, W_rel, W_root, b_conv, a, a_bias,
              W_gout, b_gout, W_lb1, b_lb1, W_lb2, b_lb2):
    src, dst = edge_index[0], edge_index[1]
    lg_src, lg_dst = line_graph_edge_index[0], line_graph_edge_index[1]
    edge_u = x @ W_u
    edge_v = x @ W_v
    edge_uv = edge_attr @ W_edge
    ea = (edge_u[src] + edge_v[dst] + edge_uv) / 3.0
    out = ea
    out_list = []
    gout_list = []
    for _ in range(N_ITER):
        # directed message passing on the line graph (scatter-add)
        agg = jax.ops.segment_sum(out[lg_src], lg_dst, num_segments=E)
        out = ea + agg
        # GlobalAttentionPool: GraphConv(hidden_dim -> 1) on the line graph
        neigh = jax.ops.segment_sum(out[lg_src], lg_dst, num_segments=E)
        x_conv = neigh @ W_rel + out @ W_root + b_conv  # [E, 1]
        # scatter softmax of x_conv over graphs (edge_index_batch)
        mx = jax.ops.segment_max(x_conv, edge_index_batch, num_segments=B)
        mx = jnp.where(jnp.isfinite(mx), mx, 0.0)
        ex = jnp.exp(x_conv - mx[edge_index_batch])
        denom = jax.ops.segment_sum(ex, edge_index_batch, num_segments=B)
        scores = ex / (denom[edge_index_batch] + 1e-16)
        # global_add_pool(out * scores, batch)
        gemb = jax.ops.segment_sum(out * scores, edge_index_batch, num_segments=B)
        out_list.append(out)
        gout_list.append(jnp.tanh(gemb @ W_gout + b_gout))
    gout_all = jnp.stack(gout_list, axis=-1)  # [B, D, T]
    out_all = jnp.stack(out_list, axis=-1)    # [E, D, T]
    sc = jnp.sum(gout_all * a, axis=1, keepdims=True) + a_bias  # [B, 1, T]
    sc = jax.nn.softmax(sc, axis=-1)
    counts = jnp.bincount(edge_index_batch, length=B)
    sc_e = jnp.repeat(sc, counts, axis=0, total_repeat_length=E)  # [E, 1, T]
    out_sum = jnp.sum(out_all * sc_e, axis=-1)  # [E, D]
    xn = x + jax.ops.segment_sum(out_sum, dst, num_segments=N)
    # LinearBlock (2-layer MLP stand-in)
    h = jax.nn.relu(xn @ W_lb1 + b_lb1)
    h = h @ W_lb2 + b_lb2
    return h


if False:  # reference __main__ guard neutralized (emitter)
    inp = setup_inputs()
    o = reference(**inp)
    print(o.shape, o.dtype)

if __name__ == "__main__":
    import jax
    _d = setup_inputs()
    print(jax.jit(kernel)(*tuple(_d.values())))

</pallas_src>

<mosaic_0001>
#map = affine_map<(d0, d1) -> (0, 0)>
#map1 = affine_map<(d0, d1) -> (0)>
module attributes {stable_mosaic.version = 14 : i64} {
  func.func @_seg_body(%arg0: i32, %arg1: i32, %arg2: memref<160000x128xf32, #tpu.memory_space<hbm>>, %arg3: memref<642048xi32, #tpu.memory_space<hbm>>, %arg4: memref<642048xi32, #tpu.memory_space<hbm>>, %arg5: memref<32xi32, #tpu.memory_space<hbm>>, %arg6: memref<128x128xf32, #tpu.memory_space<hbm>>, %arg7: memref<160000x128xf32, #tpu.memory_space<hbm>>, %arg8: memref<32xi32, #tpu.memory_space<vmem>>, %arg9: memref<128xi32, #tpu.memory_space<vmem>>, %arg10: memref<128xi32, #tpu.memory_space<vmem>>, %arg11: memref<128x128xf32, #tpu.memory_space<vmem>>, %arg12: memref<128x128xf32, #tpu.memory_space<vmem>>, %arg13: memref<10496x128xf32, #tpu.memory_space<vmem_shared>>, %arg14: memref<!tpu.dma_semaphore, #tpu.memory_space<semaphore_mem>>, %arg15: memref<!tpu.dma_semaphore, #tpu.memory_space<semaphore_mem>>) attributes {dimension_semantics = [#tpu.dimension_semantics<core_parallel>, #tpu.dimension_semantics<subcore_parallel>], iteration_bounds = array<i64: 2, 16>, scalar_prefetch = 0 : i64, scratch_operands = 8 : i64, tpu.core_type = #tpu.core_type<sc_vector_subcore>, window_params = [{transform_indices = #map}, {transform_indices = #map1}, {transform_indices = #map1}, {transform_indices = #map1}, {transform_indices = #map}, {transform_indices = #map}]} {
    tpu.enqueue_dma source(%arg5 : memref<32xi32, #tpu.memory_space<hbm>>) target(%arg8 : memref<32xi32, #tpu.memory_space<vmem>>) target_semaphore(%arg14 : memref<!tpu.dma_semaphore, #tpu.memory_space<semaphore_mem>>)
    tpu.wait_dma2 semaphore(%arg14 : memref<!tpu.dma_semaphore, #tpu.memory_space<semaphore_mem>>) src(%arg5 : memref<32xi32, #tpu.memory_space<hbm>>) dst(%arg8 : memref<32xi32, #tpu.memory_space<vmem>>)
    tpu.enqueue_dma source(%arg6 : memref<128x128xf32, #tpu.memory_space<hbm>>) target(%arg12 : memref<128x128xf32, #tpu.memory_space<vmem>>) target_semaphore(%arg14 : memref<!tpu.dma_semaphore, #tpu.memory_space<semaphore_mem>>)
    tpu.wait_dma2 semaphore(%arg14 : memref<!tpu.dma_semaphore, #tpu.memory_space<semaphore_mem>>) src(%arg6 : memref<128x128xf32, #tpu.memory_space<hbm>>) dst(%arg12 : memref<128x128xf32, #tpu.memory_space<vmem>>)
    %mul3A = arith.constant 656 : i32
    %mul3A_0 = arith.muli %arg1, %mul3A : i32
    %add3A = arith.constant 0 : i32
    %add3A_1 = arith.addi %mul3A_0, %add3A : i32
    %dma_start3A = arith.constant 0 : i32
    %dma_start3A_2 = arith.constant 0 : i32
    %dma_start3A_3 = tpu.memref_slice %arg12[%dma_start3A, %dma_start3A_2] : memref<128x128xf32, #tpu.memory_space<vmem>> -> memref<128x128xf32, #tpu.memory_space<vmem>>
    %dma_start3A_4 = arith.constant 0 : i32
    %dma_start3A_5 = tpu.memref_slice %arg13[%add3A_1, %dma_start3A_4] : memref<10496x128xf32, #tpu.memory_space<vmem_shared>> -> memref<128x128xf32, #tpu.memory_space<vmem_shared>>
    %dma_start3A_6 = arith.constant 0 : i32
    %dma_start3A_7 = tpu.memref_slice %arg13[%add3A_1, %dma_start3A_6] : memref<10496x128xf32, #tpu.memory_space<vmem_shared>> -> memref<128x128xf32, #tpu.memory_space<vmem_shared>>
    %dma_start3A_8 = arith.constant 0 : i32
    %dma_start3A_9 = arith.constant 0 : i32
    %dma_start3A_10 = tpu.memref_slice %arg12[%dma_start3A_8, %dma_start3A_9] : memref<128x128xf32, #tpu.memory_space<vmem>> -> memref<128x128xf32, #tpu.memory_space<vmem>>
    tpu.enqueue_dma source(%dma_start3A_10 : memref<128x128xf32, #tpu.memory_space<vmem>>) target(%dma_start3A_7 : memref<128x128xf32, #tpu.memory_space<vmem_shared>>) target_semaphore(%arg14 : memref<!tpu.dma_semaphore, #tpu.memory_space<semaphore_mem>>)
    %dma_wait3A = arith.constant 0 : i32
    %dma_wait3A_11 = arith.constant 0 : i32
    %dma_wait3A_12 = tpu.memref_slice %arg12[%dma_wait3A, %dma_wait3A_11] : memref<128x128xf32, #tpu.memory_space<vmem>> -> memref<128x128xf32, #tpu.memory_space<vmem>>
    %dma_wait3A_13 = arith.constant 0 : i32
    %dma_wait3A_14 = tpu.memref_slice %arg13[%add3A_1, %dma_wait3A_13] : memref<10496x128xf32, #tpu.memory_space<vmem_shared>> -> memref<128x128xf32, #tpu.memory_space<vmem_shared>>
    %dma_wait3A_15 = arith.constant 0 : i32
    %dma_wait3A_16 = tpu.memref_slice %arg13[%add3A_1, %dma_wait3A_15] : memref<10496x128xf32, #tpu.memory_space<vmem_shared>> -> memref<128x128xf32, #tpu.memory_space<vmem_shared>>
    %dma_wait3A_17 = arith.constant 0 : i32
    %dma_wait3A_18 = arith.constant 0 : i32
    %dma_wait3A_19 = tpu.memref_slice %arg12[%dma_wait3A_17, %dma_wait3A_18] : memref<128x128xf32, #tpu.memory_space<vmem>> -> memref<128x128xf32, #tpu.memory_space<vmem>>
    tpu.wait_dma2 semaphore(%arg14 : memref<!tpu.dma_semaphore, #tpu.memory_space<semaphore_mem>>) src(%dma_wait3A_19 : memref<128x128xf32, #tpu.memory_space<vmem>>) dst(%dma_wait3A_16 : memref<128x128xf32, #tpu.memory_space<vmem_shared>>)
    %add3A_20 = arith.constant 128 : i32
    %add3A_21 = arith.addi %mul3A_0, %add3A_20 : i32
    %dma_start3A_22 = arith.constant 0 : i32
    %dma_start3A_23 = arith.constant 0 : i32
    %dma_start3A_24 = tpu.memref_slice %arg12[%dma_start3A_22, %dma_start3A_23] : memref<128x128xf32, #tpu.memory_space<vmem>> -> memref<128x128xf32, #tpu.memory_space<vmem>>
    %dma_start3A_25 = arith.constant 0 : i32
    %dma_start3A_26 = tpu.memref_slice %arg13[%add3A_21, %dma_start3A_25] : memref<10496x128xf32, #tpu.memory_space<vmem_shared>> -> memref<128x128xf32, #tpu.memory_space<vmem_shared>>
    %dma_start3A_27 = arith.constant 0 : i32
    %dma_start3A_28 = tpu.memref_slice %arg13[%add3A_21, %dma_start3A_27] : memref<10496x128xf32, #tpu.memory_space<vmem_shared>> -> memref<128x128xf32, #tpu.memory_space<vmem_shared>>
    %dma_start3A_29 = arith.constant 0 : i32
    %dma_start3A_30 = arith.constant 0 : i32
    %dma_start3A_31 = tpu.memref_slice %arg12[%dma_start3A_29, %dma_start3A_30] : memref<128x128xf32, #tpu.memory_space<vmem>> -> memref<128x128xf32, #tpu.memory_space<vmem>>
    tpu.enqueue_dma source(%dma_start3A_31 : memref<128x128xf32, #tpu.memory_space<vmem>>) target(%dma_start3A_28 : memref<128x128xf32, #tpu.memory_space<vmem_shared>>) target_semaphore(%arg14 : memref<!tpu.dma_semaphore, #tpu.memory_space<semaphore_mem>>)
    %dma_wait3A_32 = arith.constant 0 : i32
    %dma_wait3A_33 = arith.constant 0 : i32
    %dma_wait3A_34 = tpu.memref_slice %arg12[%dma_wait3A_32, %dma_wait3A_33] : memref<128x128xf32, #tpu.memory_space<vmem>> -> memref<128x128xf32, #tpu.memory_space<vmem>>
    %dma_wait3A_35 = arith.constant 0 : i32
    %dma_wait3A_36 = tpu.memref_slice %arg13[%add3A_21, %dma_wait3A_35] : memref<10496x128xf32, #tpu.memory_space<vmem_shared>> -> memref<128x128xf32, #tpu.memory_space<vmem_shared>>
    %dma_wait3A_37 = arith.constant 0 : i32
    %dma_wait3A_38 = tpu.memref_slice %arg13[%add3A_21, %dma_wait3A_37] : memref<10496x128xf32, #tpu.memory_space<vmem_shared>> -> memref<128x128xf32, #tpu.memory_space<vmem_shared>>
    %dma_wait3A_39 = arith.constant 0 : i32
    %dma_wait3A_40 = arith.constant 0 : i32
    %dma_wait3A_41 = tpu.memref_slice %arg12[%dma_wait3A_39, %dma_wait3A_40] : memref<128x128xf32, #tpu.memory_space<vmem>> -> memref<128x128xf32, #tpu.memory_space<vmem>>
    tpu.wait_dma2 semaphore(%arg14 : memref<!tpu.dma_semaphore, #tpu.memory_space<semaphore_mem>>) src(%dma_wait3A_41 : memref<128x128xf32, #tpu.memory_space<vmem>>) dst(%dma_wait3A_38 : memref<128x128xf32, #tpu.memory_space<vmem_shared>>)
    %add3A_42 = arith.constant 256 : i32
    %add3A_43 = arith.addi %mul3A_0, %add3A_42 : i32
    %dma_start3A_44 = arith.constant 0 : i32
    %dma_start3A_45 = arith.constant 0 : i32
    %dma_start3A_46 = tpu.memref_slice %arg12[%dma_start3A_44, %dma_start3A_45] : memref<128x128xf32, #tpu.memory_space<vmem>> -> memref<128x128xf32, #tpu.memory_space<vmem>>
    %dma_start3A_47 = arith.constant 0 : i32
    %dma_start3A_48 = tpu.memref_slice %arg13[%add3A_43, %dma_start3A_47] : memref<10496x128xf32, #tpu.memory_space<vmem_shared>> -> memref<128x128xf32, #tpu.memory_space<vmem_shared>>
    %dma_start3A_49 = arith.constant 0 : i32
    %dma_start3A_50 = tpu.memref_slice %arg13[%add3A_43, %dma_start3A_49] : memref<10496x128xf32, #tpu.memory_space<vmem_shared>> -> memref<128x128xf32, #tpu.memory_space<vmem_shared>>
    %dma_start3A_51 = arith.constant 0 : i32
    %dma_start3A_52 = arith.constant 0 : i32
    %dma_start3A_53 = tpu.memref_slice %arg12[%dma_start3A_51, %dma_start3A_52] : memref<128x128xf32, #tpu.memory_space<vmem>> -> memref<128x128xf32, #tpu.memory_space<vmem>>
    tpu.enqueue_dma source(%dma_start3A_53 : memref<128x128xf32, #tpu.memory_space<vmem>>) target(%dma_start3A_50 : memref<128x128xf32, #tpu.memory_space<vmem_shared>>) target_semaphore(%arg14 : memref<!tpu.dma_semaphore, #tpu.memory_space<semaphore_mem>>)
    %dma_wait3A_54 = arith.constant 0 : i32
    %dma_wait3A_55 = arith.constant 0 : i32
    %dma_wait3A_56 = tpu.memref_slice %arg12[%dma_wait3A_54, %dma_wait3A_55] : memref<128x128xf32, #tpu.memory_space<vmem>> -> memref<128x128xf32, #tpu.memory_space<vmem>>
    %dma_wait3A_57 = arith.constant 0 : i32
    %dma_wait3A_58 = tpu.memref_slice %arg13[%add3A_43, %dma_wait3A_57] : memref<10496x128xf32, #tpu.memory_space<vmem_shared>> -> memref<128x128xf32, #tpu.memory_space<vmem_shared>>
    %dma_wait3A_59 = arith.constant 0 : i32
    %dma_wait3A_60 = tpu.memref_slice %arg13[%add3A_43, %dma_wait3A_59] : memref<10496x128xf32, #tpu.memory_space<vmem_shared>> -> memref<128x128xf32, #tpu.memory_space<vmem_shared>>
    %dma_wait3A_61 = arith.constant 0 : i32
    %dma_wait3A_62 = arith.constant 0 : i32
    %dma_wait3A_63 = tpu.memref_slice %arg12[%dma_wait3A_61, %dma_wait3A_62] : memref<128x128xf32, #tpu.memory_space<vmem>> -> memref<128x128xf32, #tpu.memory_space<vmem>>
    tpu.wait_dma2 semaphore(%arg14 : memref<!tpu.dma_semaphore, #tpu.memory_space<semaphore_mem>>) src(%dma_wait3A_63 : memref<128x128xf32, #tpu.memory_space<vmem>>) dst(%dma_wait3A_60 : memref<128x128xf32, #tpu.memory_space<vmem_shared>>)
    %add3A_64 = arith.constant 384 : i32
    %add3A_65 = arith.addi %mul3A_0, %add3A_64 : i32
    %dma_start3A_66 = arith.constant 0 : i32
    %dma_start3A_67 = arith.constant 0 : i32
    %dma_start3A_68 = tpu.memref_slice %arg12[%dma_start3A_66, %dma_start3A_67] : memref<128x128xf32, #tpu.memory_space<vmem>> -> memref<128x128xf32, #tpu.memory_space<vmem>>
    %dma_start3A_69 = arith.constant 0 : i32
    %dma_start3A_70 = tpu.memref_slice %arg13[%add3A_65, %dma_start3A_69] : memref<10496x128xf32, #tpu.memory_space<vmem_shared>> -> memref<128x128xf32, #tpu.memory_space<vmem_shared>>
    %dma_start3A_71 = arith.constant 0 : i32
    %dma_start3A_72 = tpu.memref_slice %arg13[%add3A_65, %dma_start3A_71] : memref<10496x128xf32, #tpu.memory_space<vmem_shared>> -> memref<128x128xf32, #tpu.memory_space<vmem_shared>>
    %dma_start3A_73 = arith.constant 0 : i32
    %dma_start3A_74 = arith.constant 0 : i32
    %dma_start3A_75 = tpu.memref_slice %arg12[%dma_start3A_73, %dma_start3A_74] : memref<128x128xf32, #tpu.memory_space<vmem>> -> memref<128x128xf32, #tpu.memory_space<vmem>>
    tpu.enqueue_dma source(%dma_start3A_75 : memref<128x128xf32, #tpu.memory_space<vmem>>) target(%dma_start3A_72 : memref<128x128xf32, #tpu.memory_space<vmem_shared>>) target_semaphore(%arg14 : memref<!tpu.dma_semaphore, #tpu.memory_space<semaphore_mem>>)
    %dma_wait3A_76 = arith.constant 0 : i32
    %dma_wait3A_77 = arith.constant 0 : i32
    %dma_wait3A_78 = tpu.memref_slice %arg12[%dma_wait3A_76, %dma_wait3A_77] : memref<128x128xf32, #tpu.memory_space<vmem>> -> memref<128x128xf32, #tpu.memory_space<vmem>>
    %dma_wait3A_79 = arith.constant 0 : i32
    %dma_wait3A_80 = tpu.memref_slice %arg13[%add3A_65, %dma_wait3A_79] : memref<10496x128xf32, #tpu.memory_space<vmem_shared>> -> memref<128x128xf32, #tpu.memory_space<vmem_shared>>
    %dma_wait3A_81 = arith.constant 0 : i32
    %dma_wait3A_82 = tpu.memref_slice %arg13[%add3A_65, %dma_wait3A_81] : memref<10496x128xf32, #tpu.memory_space<vmem_shared>> -> memref<128x128xf32, #tpu.memory_space<vmem_shared>>
    %dma_wait3A_83 = arith.constant 0 : i32
    %dma_wait3A_84 = arith.constant 0 : i32
    %dma_wait3A_85 = tpu.memref_slice %arg12[%dma_wait3A_83, %dma_wait3A_84] : memref<128x128xf32, #tpu.memory_space<vmem>> -> memref<128x128xf32, #tpu.memory_space<vmem>>
    tpu.wait_dma2 semaphore(%arg14 : memref<!tpu.dma_semaphore, #tpu.memory_space<semaphore_mem>>) src(%dma_wait3A_85 : memref<128x128xf32, #tpu.memory_space<vmem>>) dst(%dma_wait3A_82 : memref<128x128xf32, #tpu.memory_space<vmem_shared>>)
    %add3A_86 = arith.constant 512 : i32
    %add3A_87 = arith.addi %mul3A_0, %add3A_86 : i32
    %dma_start3A_88 = arith.constant 0 : i32
    %dma_start3A_89 = arith.constant 0 : i32
    %dma_start3A_90 = tpu.memref_slice %arg12[%dma_start3A_88, %dma_start3A_89] : memref<128x128xf32, #tpu.memory_space<vmem>> -> memref<128x128xf32, #tpu.memory_space<vmem>>
    %dma_start3A_91 = arith.constant 0 : i32
    %dma_start3A_92 = tpu.memref_slice %arg13[%add3A_87, %dma_start3A_91] : memref<10496x128xf32, #tpu.memory_space<vmem_shared>> -> memref<128x128xf32, #tpu.memory_space<vmem_shared>>
    %dma_start3A_93 = arith.constant 0 : i32
    %dma_start3A_94 = tpu.memref_slice %arg13[%add3A_87, %dma_start3A_93] : memref<10496x128xf32, #tpu.memory_space<vmem_shared>> -> memref<128x128xf32, #tpu.memory_space<vmem_shared>>
    %dma_start3A_95 = arith.constant 0 : i32
    %dma_start3A_96 = arith.constant 0 : i32
    %dma_start3A_97 = tpu.memref_slice %arg12[%dma_start3A_95, %dma_start3A_96] : memref<128x128xf32, #tpu.memory_space<vmem>> -> memref<128x128xf32, #tpu.memory_space<vmem>>
    tpu.enqueue_dma source(%dma_start3A_97 : memref<128x128xf32, #tpu.memory_space<vmem>>) target(%dma_start3A_94 : memref<128x128xf32, #tpu.memory_space<vmem_shared>>) target_semaphore(%arg14 : memref<!tpu.dma_semaphore, #tpu.memory_space<semaphore_mem>>)
    %dma_wait3A_98 = arith.constant 0 : i32
    %dma_wait3A_99 = arith.constant 0 : i32
    %dma_wait3A_100 = tpu.memref_slice %arg12[%dma_wait3A_98, %dma_wait3A_99] : memref<128x128xf32, #tpu.memory_space<vmem>> -> memref<128x128xf32, #tpu.memory_space<vmem>>
    %dma_wait3A_101 = arith.constant 0 : i32
    %dma_wait3A_102 = tpu.memref_slice %arg13[%add3A_87, %dma_wait3A_101] : memref<10496x128xf32, #tpu.memory_space<vmem_shared>> -> memref<128x128xf32, #tpu.memory_space<vmem_shared>>
    %dma_wait3A_103 = arith.constant 0 : i32
    %dma_wait3A_104 = tpu.memref_slice %arg13[%add3A_87, %dma_wait3A_103] : memref<10496x128xf32, #tpu.memory_space<vmem_shared>> -> memref<128x128xf32, #tpu.memory_space<vmem_shared>>
    %dma_wait3A_105 = arith.constant 0 : i32
    %dma_wait3A_106 = arith.constant 0 : i32
    %dma_wait3A_107 = tpu.memref_slice %arg12[%dma_wait3A_105, %dma_wait3A_106] : memref<128x128xf32, #tpu.memory_space<vmem>> -> memref<128x128xf32, #tpu.memory_space<vmem>>
    tpu.wait_dma2 semaphore(%arg14 : memref<!tpu.dma_semaphore, #tpu.memory_space<semaphore_mem>>) src(%dma_wait3A_107 : memref<128x128xf32, #tpu.memory_space<vmem>>) dst(%dma_wait3A_104 : memref<128x128xf32, #tpu.memory_space<vmem_shared>>)
    %add3A_108 = arith.constant 640 : i32
    %add3A_109 = arith.addi %mul3A_0, %add3A_108 : i32
    %dma_start3A_110 = arith.constant 0 : i32
    %dma_start3A_111 = arith.constant 0 : i32
    %dma_start3A_112 = tpu.memref_slice %arg12[%dma_start3A_110, %dma_start3A_111] : memref<128x128xf32, #tpu.memory_space<vmem>> -> memref<16x128xf32, #tpu.memory_space<vmem>>
    %dma_start3A_113 = arith.constant 0 : i32
    %dma_start3A_114 = tpu.memref_slice %arg13[%add3A_109, %dma_start3A_113] : memref<10496x128xf32, #tpu.memory_space<vmem_shared>> -> memref<16x128xf32, #tpu.memory_space<vmem_shared>>
    %dma_start3A_115 = arith.constant 0 : i32
    %dma_start3A_116 = tpu.memref_slice %arg13[%add3A_109, %dma_start3A_115] : memref<10496x128xf32, #tpu.memory_space<vmem_shared>> -> memref<16x128xf32, #tpu.memory_space<vmem_shared>>
    %dma_start3A_117 = arith.constant 0 : i32
    %dma_start3A_118 = arith.constant 0 : i32
    %dma_start3A_119 = tpu.memref_slice %arg12[%dma_start3A_117, %dma_start3A_118] : memref<128x128xf32, #tpu.memory_space<vmem>> -> memref<16x128xf32, #tpu.memory_space<vmem>>
    tpu.enqueue_dma source(%dma_start3A_119 : memref<16x128xf32, #tpu.memory_space<vmem>>) target(%dma_start3A_116 : memref<16x128xf32, #tpu.memory_space<vmem_shared>>) target_semaphore(%arg14 : memref<!tpu.dma_semaphore, #tpu.memory_space<semaphore_mem>>)
    %dma_wait3A_120 = arith.constant 0 : i32
    %dma_wait3A_121 = arith.constant 0 : i32
    %dma_wait3A_122 = tpu.memref_slice %arg12[%dma_wait3A_120, %dma_wait3A_121] : memref<128x128xf32, #tpu.memory_space<vmem>> -> memref<16x128xf32, #tpu.memory_space<vmem>>
    %dma_wait3A_123 = arith.constant 0 : i32
    %dma_wait3A_124 = tpu.memref_slice %arg13[%add3A_109, %dma_wait3A_123] : memref<10496x128xf32, #tpu.memory_space<vmem_shared>> -> memref<16x128xf32, #tpu.memory_space<vmem_shared>>
    %dma_wait3A_125 = arith.constant 0 : i32
    %dma_wait3A_126 = tpu.memref_slice %arg13[%add3A_109, %dma_wait3A_125] : memref<10496x128xf32, #tpu.memory_space<vmem_shared>> -> memref<16x128xf32, #tpu.memory_space<vmem_shared>>
    %dma_wait3A_127 = arith.constant 0 : i32
    %dma_wait3A_128 = arith.constant 0 : i32
    %dma_wait3A_129 = tpu.memref_slice %arg12[%dma_wait3A_127, %dma_wait3A_128] : memref<128x128xf32, #tpu.memory_space<vmem>> -> memref<16x128xf32, #tpu.memory_space<vmem>>
    tpu.wait_dma2 semaphore(%arg14 : memref<!tpu.dma_semaphore, #tpu.memory_space<semaphore_mem>>) src(%dma_wait3A_129 : memref<16x128xf32, #tpu.memory_space<vmem>>) dst(%dma_wait3A_126 : memref<16x128xf32, #tpu.memory_space<vmem_shared>>)
    %barrier3A = arith.constant 0 : index
    tpu.barrier barrier_id(%barrier3A)
    %get3A = arith.constant 0 : index
    %get3A_130 = tpu.vector_load %arg8[%get3A] {strides = array<i32>} : memref<32xi32, #tpu.memory_space<vmem>>, vector<16xi32>,
    %get3A_131 = vector.shape_cast %get3A_130 : vector<16xi32> to vector<16xi32>
    %get3A_132 = arith.constant 16 : index
    %get3A_133 = tpu.vector_load %arg8[%get3A_132] {strides = array<i32>} : memref<32xi32, #tpu.memory_space<vmem>>, vector<16xi32>,
    %get3A_134 = vector.shape_cast %get3A_133 : vector<16xi32> to vector<16xi32>
    %add3A_135 = arith.constant 0 : i32
    %add3A_136 = arith.addi %add3A_135, %arg0 : i32
    %eq3A = arith.constant 0 : i32
    %eq3A_137 = arith.cmpi eq, %arg0, %eq3A : i32
    %slice3A = vector.extract_strided_slice %get3A_131 {offsets = [0], sizes = [1], strides = [1]} : vector<16xi32> to vector<1xi32>
    %squeeze3A = vector.extract %slice3A[0] : i32 from vector<1xi32>
    %slice3A_138 = vector.extract_strided_slice %get3A_131 {offsets = [1], sizes = [1], strides = [1]} : vector<16xi32> to vector<1xi32>
    %squeeze3A_139 = vector.extract %slice3A_138[0] : i32 from vector<1xi32>
    %select_n3A = arith.select %eq3A_137, %squeeze3A, %squeeze3A_139 : i32
    %eq3A_140 = arith.constant 0 : i32
    %eq3A_141 = arith.cmpi eq, %arg0, %eq3A_140 : i32
    %slice3A_142 = vector.extract_strided_slice %get3A_131 {offsets = [1], sizes = [1], strides = [1]} : vector<16xi32> to vector<1xi32>
    %squeeze3A_143 = vector.extract %slice3A_142[0] : i32 from vector<1xi32>
    %slice3A_144 = vector.extract_strided_slice %get3A_131 {offsets = [2], sizes = [1], strides = [1]} : vector<16xi32> to vector<1xi32>
    %squeeze3A_145 = vector.extract %slice3A_144[0] : i32 from vector<1xi32>
    %select_n3A_146 = arith.select %eq3A_141, %squeeze3A_143, %squeeze3A_145 : i32
    %add3A_147 = arith.addi %select_n3A, %arg1 : i32
    %sub3A = arith.subi %select_n3A_146, %add3A_147 : i32
    %sub3A_148 = arith.constant 16 : i32
    %sub3A_149 = arith.constant 1 : i32
    %sub3A_150 = arith.subi %sub3A_148, %sub3A_149 : i32
    %add3A_151 = arith.addi %sub3A, %sub3A_150 : i32
    %div3A = arith.constant 16 : i32
    %div3A_152 = arith.divsi %add3A_151, %div3A : i32
    %while3A = arith.constant 16 : i32
    %while3A_153 = arith.constant 0 : i32
    %while3A_154 = arith.subi %div3A_152, %while3A_153 : i32
    %while3A_155 = arith.addi %while3A_153, %while3A_154 : i32
    %while3A_156 = arith.constant 1 : i32
    %while3A_157 = arith.divsi %while3A_154, %while3A_156 : i32
    %while3A_158 = arith.muli %while3A_157, %while3A_156 : i32
    %while3A_159 = arith.addi %while3A_153, %while3A_158 : i32
    %while3A_160 = arith.constant 1 : i32
    scf.for %while3A_1901 = %while3A_153 to %while3A_159 step %while3A_160  : i32 {
      %mul3A_1902 = arith.muli %while3A_1901, %while3A : i32
      %add3A_1903 = arith.addi %add3A_147, %mul3A_1902 : i32
      %mul3A_1904 = arith.constant 128 : i32
      %mul3A_1905 = arith.muli %add3A_1903, %mul3A_1904 : i32
      %dma_start3A_1906 = tpu.memref_slice %arg3[%mul3A_1905] : memref<642048xi32, #tpu.memory_space<hbm>> -> memref<128xi32, #tpu.memory_space<hbm>>
      %dma_start3A_1907 = tpu.memref_slice %arg3[%mul3A_1905] : memref<642048xi32, #tpu.memory_space<hbm>> -> memref<128xi32, #tpu.memory_space<hbm>>
      tpu.enqueue_dma source(%dma_start3A_1907 : memref<128xi32, #tpu.memory_space<hbm>>) target(%arg9 : memref<128xi32, #tpu.memory_space<vmem>>) target_semaphore(%arg14 : memref<!tpu.dma_semaphore, #tpu.memory_space<semaphore_mem>>)
      %mul3A_1908 = arith.constant 128 : i32
      %mul3A_1909 = arith.muli %add3A_1903, %mul3A_1908 : i32
      %dma_start3A_1910 = tpu.memref_slice %arg4[%mul3A_1909] : memref<642048xi32, #tpu.memory_space<hbm>> -> memref<128xi32, #tpu.memory_space<hbm>>
      %dma_start3A_1911 = tpu.memref_slice %arg4[%mul3A_1909] : memref<642048xi32, #tpu.memory_space<hbm>> -> memref<128xi32, #tpu.memory_space<hbm>>
      tpu.enqueue_dma source(%dma_start3A_1911 : memref<128xi32, #tpu.memory_space<hbm>>) target(%arg10 : memref<128xi32, #tpu.memory_space<vmem>>) target_semaphore(%arg15 : memref<!tpu.dma_semaphore, #tpu.memory_space<semaphore_mem>>)
      %dma_wait3A_1912 = tpu.memref_slice %arg3[%mul3A_1905] : memref<642048xi32, #tpu.memory_space<hbm>> -> memref<128xi32, #tpu.memory_space<hbm>>
      %dma_wait3A_1913 = tpu.memref_slice %arg3[%mul3A_1905] : memref<642048xi32, #tpu.memory_space<hbm>> -> memref<128xi32, #tpu.memory_space<hbm>>
      tpu.wait_dma2 semaphore(%arg14 : memref<!tpu.dma_semaphore, #tpu.memory_space<semaphore_mem>>) src(%dma_wait3A_1913 : memref<128xi32, #tpu.memory_space<hbm>>) dst(%arg9 : memref<128xi32, #tpu.memory_space<vmem>>)
      %dma_wait3A_1914 = tpu.memref_slice %arg4[%mul3A_1909] : memref<642048xi32, #tpu.memory_space<hbm>> -> memref<128xi32, #tpu.memory_space<hbm>>
      %dma_wait3A_1915 = tpu.memref_slice %arg4[%mul3A_1909] : memref<642048xi32, #tpu.memory_space<hbm>> -> memref<128xi32, #tpu.memory_space<hbm>>
      tpu.wait_dma2 semaphore(%arg15 : memref<!tpu.dma_semaphore, #tpu.memory_space<semaphore_mem>>) src(%dma_wait3A_1915 : memref<128xi32, #tpu.memory_space<hbm>>) dst(%arg10 : memref<128xi32, #tpu.memory_space<vmem>>)
      %dma_start3A_1916 = arith.constant 0 : i32
      %dma_start3A_1917 = arith.constant 0 : i32
      %dma_start3A_1918 = tpu.memref_slice %arg2[%dma_start3A_1916, %dma_start3A_1917] : memref<160000x128xf32, #tpu.memory_space<hbm>> -> memref<160000x128xf32, #tpu.memory_space<hbm>>
      tpu.enqueue_indirect_dma source(%dma_start3A_1918 : memref<160000x128xf32, #tpu.memory_space<hbm>>) target(%arg11 : memref<128x128xf32, #tpu.memory_space<vmem>>) offsets(%arg9 : memref<128xi32, #tpu.memory_space<vmem>>) semaphore(%arg14 : memref<!tpu.dma_semaphore, #tpu.memory_space<semaphore_mem>>)
      %dma_wait3A_1919 = arith.constant 0 : i32
      %dma_wait3A_1920 = arith.constant 0 : i32
      %dma_wait3A_1921 = tpu.memref_slice %arg2[%dma_wait3A_1919, %dma_wait3A_1920] : memref<160000x128xf32, #tpu.memory_space<hbm>> -> memref<160000x128xf32, #tpu.memory_space<hbm>>
      tpu.wait_indirect_dma semaphore(%arg14 : memref<!tpu.dma_semaphore, #tpu.memory_space<semaphore_mem>>) src(%dma_wait3A_1921 : memref<160000x128xf32, #tpu.memory_space<hbm>>) dst(%arg11 : memref<128x128xf32, #tpu.memory_space<vmem>>)
      %dma_start3A_1922 = arith.constant 0 : i32
      %dma_start3A_1923 = arith.constant 0 : i32
      %dma_start3A_1924 = tpu.memref_slice %arg13[%dma_start3A_1922, %dma_start3A_1923] : memref<10496x128xf32, #tpu.memory_space<vmem_shared>> -> memref<10496x128xf32, #tpu.memory_space<vmem_shared>>
      tpu.enqueue_indirect_dma source(%arg11 : memref<128x128xf32, #tpu.memory_space<vmem>>) target(%dma_start3A_1924 : memref<10496x128xf32, #tpu.memory_space<vmem_shared>>) offsets(%arg10 : memref<128xi32, #tpu.memory_space<vmem>>) semaphore(%arg15 : memref<!tpu.dma_semaphore, #tpu.memory_space<semaphore_mem>>) {add = true}
      %dma_wait3A_1925 = arith.constant 0 : i32
      %dma_wait3A_1926 = arith.constant 0 : i32
      %dma_wait3A_1927 = tpu.memref_slice %arg13[%dma_wait3A_1925, %dma_wait3A_1926] : memref<10496x128xf32, #tpu.memory_space<vmem_shared>> -> memref<10496x128xf32, #tpu.memory_space<vmem_shared>>
      tpu.wait_indirect_dma semaphore(%arg15 : memref<!tpu.dma_semaphore, #tpu.memory_space<semaphore_mem>>) src(%arg11 : memref<128x128xf32, #tpu.memory_space<vmem>>) dst(%dma_wait3A_1927 : memref<10496x128xf32, #tpu.memory_space<vmem_shared>>)
    }
    %while3A_161 = arith.constant 1 : i32
    scf.for %while3A_1901 = %while3A_159 to %while3A_155 step %while3A_161  : i32 {
      %mul3A_1902 = arith.muli %while3A_1901, %while3A : i32
      %add3A_1903 = arith.addi %add3A_147, %mul3A_1902 : i32
      %mul3A_1904 = arith.constant 128 : i32
      %mul3A_1905 = arith.muli %add3A_1903, %mul3A_1904 : i32
      %dma_start3A_1906 = tpu.memref_slice %arg3[%mul3A_1905] : memref<642048xi32, #tpu.memory_space<hbm>> -> memref<128xi32, #tpu.memory_space<hbm>>
      %dma_start3A_1907 = tpu.memref_slice %arg3[%mul3A_1905] : memref<642048xi32, #tpu.memory_space<hbm>> -> memref<128xi32, #tpu.memory_space<hbm>>
      tpu.enqueue_dma source(%dma_start3A_1907 : memref<128xi32, #tpu.memory_space<hbm>>) target(%arg9 : memref<128xi32, #tpu.memory_space<vmem>>) target_semaphore(%arg14 : memref<!tpu.dma_semaphore, #tpu.memory_space<semaphore_mem>>)
      %mul3A_1908 = arith.constant 128 : i32
      %mul3A_1909 = arith.muli %add3A_1903, %mul3A_1908 : i32
      %dma_start3A_1910 = tpu.memref_slice %arg4[%mul3A_1909] : memref<642048xi32, #tpu.memory_space<hbm>> -> memref<128xi32, #tpu.memory_space<hbm>>
      %dma_start3A_1911 = tpu.memref_slice %arg4[%mul3A_1909] : memref<642048xi32, #tpu.memory_space<hbm>> -> memref<128xi32, #tpu.memory_space<hbm>>
      tpu.enqueue_dma source(%dma_start3A_1911 : memref<128xi32, #tpu.memory_space<hbm>>) target(%arg10 : memref<128xi32, #tpu.memory_space<vmem>>) target_semaphore(%arg15 : memref<!tpu.dma_semaphore, #tpu.memory_space<semaphore_mem>>)
      %dma_wait3A_1912 = tpu.memref_slice %arg3[%mul3A_1905] : memref<642048xi32, #tpu.memory_space<hbm>> -> memref<128xi32, #tpu.memory_space<hbm>>
      %dma_wait3A_1913 = tpu.memref_slice %arg3[%mul3A_1905] : memref<642048xi32, #tpu.memory_space<hbm>> -> memref<128xi32, #tpu.memory_space<hbm>>
      tpu.wait_dma2 semaphore(%arg14 : memref<!tpu.dma_semaphore, #tpu.memory_space<semaphore_mem>>) src(%dma_wait3A_1913 : memref<128xi32, #tpu.memory_space<hbm>>) dst(%arg9 : memref<128xi32, #tpu.memory_space<vmem>>)
      %dma_wait3A_1914 = tpu.memref_slice %arg4[%mul3A_1909] : memref<642048xi32, #tpu.memory_space<hbm>> -> memref<128xi32, #tpu.memory_space<hbm>>
      %dma_wait3A_1915 = tpu.memref_slice %arg4[%mul3A_1909] : memref<642048xi32, #tpu.memory_space<hbm>> -> memref<128xi32, #tpu.memory_space<hbm>>
      tpu.wait_dma2 semaphore(%arg15 : memref<!tpu.dma_semaphore, #tpu.memory_space<semaphore_mem>>) src(%dma_wait3A_1915 : memref<128xi32, #tpu.memory_space<hbm>>) dst(%arg10 : memref<128xi32, #tpu.memory_space<vmem>>)
      %dma_start3A_1916 = arith.constant 0 : i32
      %dma_start3A_1917 = arith.constant 0 : i32
      %dma_start3A_1918 = tpu.memref_slice %arg2[%dma_start3A_1916, %dma_start3A_1917] : memref<160000x128xf32, #tpu.memory_space<hbm>> -> memref<160000x128xf32, #tpu.memory_space<hbm>>
      tpu.enqueue_indirect_dma source(%dma_start3A_1918 : memref<160000x128xf32, #tpu.memory_space<hbm>>) target(%arg11 : memref<128x128xf32, #tpu.memory_space<vmem>>) offsets(%arg9 : memref<128xi32, #tpu.memory_space<vmem>>) semaphore(%arg14 : memref<!tpu.dma_semaphore, #tpu.memory_space<semaphore_mem>>)
      %dma_wait3A_1919 = arith.constant 0 : i32
      %dma_wait3A_1920 = arith.constant 0 : i32
      %dma_wait3A_1921 = tpu.memref_slice %arg2[%dma_wait3A_1919, %dma_wait3A_1920] : memref<160000x128xf32, #tpu.memory_space<hbm>> -> memref<160000x128xf32, #tpu.memory_space<hbm>>
      tpu.wait_indirect_dma semaphore(%arg14 : memref<!tpu.dma_semaphore, #tpu.memory_space<semaphore_mem>>) src(%dma_wait3A_1921 : memref<160000x128xf32, #tpu.memory_space<hbm>>) dst(%arg11 : memref<128x128xf32, #tpu.memory_space<vmem>>)
      %dma_start3A_1922 = arith.constant 0 : i32
      %dma_start3A_1923 = arith.constant 0 : i32
      %dma_start3A_1924 = tpu.memref_slice %arg13[%dma_start3A_1922, %dma_start3A_1923] : memref<10496x128xf32, #tpu.memory_space<vmem_shared>> -> memref<10496x128xf32, #tpu.memory_space<vmem_shared>>
      tpu.enqueue_indirect_dma source(%arg11 : memref<128x128xf32, #tpu.memory_space<vmem>>) target(%dma_start3A_1924 : memref<10496x128xf32, #tpu.memory_space<vmem_shared>>) offsets(%arg10 : memref<128xi32, #tpu.memory_space<vmem>>) semaphore(%arg15 : memref<!tpu.dma_semaphore, #tpu.memory_space<semaphore_mem>>) {add = true}
      %dma_wait3A_1925 = arith.constant 0 : i32
      %dma_wait3A_1926 = arith.constant 0 : i32
      %dma_wait3A_1927 = tpu.memref_slice %arg13[%dma_wait3A_1925, %dma_wait3A_1926] : memref<10496x128xf32, #tpu.memory_space<vmem_shared>> -> memref<10496x128xf32, #tpu.memory_space<vmem_shared>>
      tpu.wait_indirect_dma semaphore(%arg15 : memref<!tpu.dma_semaphore, #tpu.memory_space<semaphore_mem>>) src(%arg11 : memref<128x128xf32, #tpu.memory_space<vmem>>) dst(%dma_wait3A_1927 : memref<10496x128xf32, #tpu.memory_space<vmem_shared>>)
    }
    %barrier3A_162 = arith.constant 0 : index
    tpu.barrier barrier_id(%barrier3A_162)
    %mul3A_163 = arith.constant 10240 : i32
    %mul3A_164 = arith.muli %add3A_136, %mul3A_163 : i32
    %mul3A_165 = arith.constant 640 : i32
    %mul3A_166 = arith.muli %arg1, %mul3A_165 : i32
    %add3A_167 = arith.addi %mul3A_164, %mul3A_166 : i32
    %mul3A_168 = arith.constant 640 : i32
    %mul3A_169 = arith.muli %arg1, %mul3A_168 : i32
    %add3A_170 = arith.constant 0 : i32
    %add3A_171 = arith.addi %add3A_167, %add3A_170 : i32
    %add3A_172 = arith.constant 128 : i32
    %add3A_173 = arith.addi %add3A_171, %add3A_172 : i32
    %le3A = arith.constant 160000 : i32
    %le3A_174 = arith.cmpi sle, %add3A_173, %le3A : i32
    %convert_element_type3A = arith.extui %le3A_174 : i1 to i32
    %cond3A = arith.constant 0 : i32
    %cond3A_175 = arith.cmpi ne, %convert_element_type3A, %cond3A : i32
    scf.if %cond3A_175 {
      %add3A_1901 = arith.constant 0 : i32
      %add3A_1902 = arith.addi %mul3A_169, %add3A_1901 : i32
      %dma_start3A_1903 = arith.constant 0 : i32
      %dma_start3A_1904 = tpu.memref_slice %arg13[%add3A_1902, %dma_start3A_1903] : memref<10496x128xf32, #tpu.memory_space<vmem_shared>> -> memref<128x128xf32, #tpu.memory_space<vmem_shared>>
      %dma_start3A_1905 = arith.constant 0 : i32
      %dma_start3A_1906 = tpu.memref_slice %arg13[%add3A_1902, %dma_start3A_1905] : memref<10496x128xf32, #tpu.memory_space<vmem_shared>> -> memref<128x128xf32, #tpu.memory_space<vmem_shared>>
      tpu.enqueue_dma source(%dma_start3A_1906 : memref<128x128xf32, #tpu.memory_space<vmem_shared>>) target(%arg11 : memref<128x128xf32, #tpu.memory_space<vmem>>) target_semaphore(%arg14 : memref<!tpu.dma_semaphore, #tpu.memory_space<semaphore_mem>>)
      %dma_wait3A_1907 = arith.constant 0 : i32
      %dma_wait3A_1908 = tpu.memref_slice %arg13[%add3A_1902, %dma_wait3A_1907] : memref<10496x128xf32, #tpu.memory_space<vmem_shared>> -> memref<128x128xf32, #tpu.memory_space<vmem_shared>>
      %dma_wait3A_1909 = arith.constant 0 : i32
      %dma_wait3A_1910 = tpu.memref_slice %arg13[%add3A_1902, %dma_wait3A_1909] : memref<10496x128xf32, #tpu.memory_space<vmem_shared>> -> memref<128x128xf32, #tpu.memory_space<vmem_shared>>
      tpu.wait_dma2 semaphore(%arg14 : memref<!tpu.dma_semaphore, #tpu.memory_space<semaphore_mem>>) src(%dma_wait3A_1910 : memref<128x128xf32, #tpu.memory_space<vmem_shared>>) dst(%arg11 : memref<128x128xf32, #tpu.memory_space<vmem>>)
      %add3A_1911 = arith.constant 0 : i32
      %add3A_1912 = arith.addi %add3A_167, %add3A_1911 : i32
      %dma_start3A_1913 = arith.constant 0 : i32
      %dma_start3A_1914 = tpu.memref_slice %arg7[%add3A_1912, %dma_start3A_1913] : memref<160000x128xf32, #tpu.memory_space<hbm>> -> memref<128x128xf32, #tpu.memory_space<hbm>>
      %dma_start3A_1915 = arith.constant 0 : i32
      %dma_start3A_1916 = tpu.memref_slice %arg7[%add3A_1912, %dma_start3A_1915] : memref<160000x128xf32, #tpu.memory_space<hbm>> -> memref<128x128xf32, #tpu.memory_space<hbm>>
      tpu.enqueue_dma source(%arg11 : memref<128x128xf32, #tpu.memory_space<vmem>>) target(%dma_start3A_1916 : memref<128x128xf32, #tpu.memory_space<hbm>>) target_semaphore(%arg14 : memref<!tpu.dma_semaphore, #tpu.memory_space<semaphore_mem>>)
      %dma_wait3A_1917 = arith.constant 0 : i32
      %dma_wait3A_1918 = tpu.memref_slice %arg7[%add3A_1912, %dma_wait3A_1917] : memref<160000x128xf32, #tpu.memory_space<hbm>> -> memref<128x128xf32, #tpu.memory_space<hbm>>
      %dma_wait3A_1919 = arith.constant 0 : i32
      %dma_wait3A_1920 = tpu.memref_slice %arg7[%add3A_1912, %dma_wait3A_1919] : memref<160000x128xf32, #tpu.memory_space<hbm>> -> memref<128x128xf32, #tpu.memory_space<hbm>>
      tpu.wait_dma2 semaphore(%arg14 : memref<!tpu.dma_semaphore, #tpu.memory_space<semaphore_mem>>) src(%arg11 : memref<128x128xf32, #tpu.memory_space<vmem>>) dst(%dma_wait3A_1920 : memref<128x128xf32, #tpu.memory_space<hbm>>)
    } else {
    }
    %add3A_176 = arith.constant 128 : i32
    %add3A_177 = arith.addi %add3A_167, %add3A_176 : i32
    %add3A_178 = arith.constant 128 : i32
    %add3A_179 = arith.addi %add3A_177, %add3A_178 : i32
    %le3A_180 = arith.constant 160000 : i32
    %le3A_181 = arith.cmpi sle, %add3A_179, %le3A_180 : i32
    %convert_element_type3A_182 = arith.extui %le3A_181 : i1 to i32
    %cond3A_183 = arith.constant 0 : i32
    %cond3A_184 = arith.cmpi ne, %convert_element_type3A_182, %cond3A_183 : i32
    scf.if %cond3A_184 {
      %add3A_1901 = arith.constant 128 : i32
      %add3A_1902 = arith.addi %mul3A_169, %add3A_1901 : i32
      %dma_start3A_1903 = arith.constant 0 : i32
      %dma_start3A_1904 = tpu.memref_slice %arg13[%add3A_1902, %dma_start3A_1903] : memref<10496x128xf32, #tpu.memory_space<vmem_shared>> -> memref<128x128xf32, #tpu.memory_space<vmem_shared>>
      %dma_start3A_1905 = arith.constant 0 : i32
      %dma_start3A_1906 = tpu.memref_slice %arg13[%add3A_1902, %dma_start3A_1905] : memref<10496x128xf32, #tpu.memory_space<vmem_shared>> -> memref<128x128xf32, #tpu.memory_space<vmem_shared>>
      tpu.enqueue_dma source(%dma_start3A_1906 : memref<128x128xf32, #tpu.memory_space<vmem_shared>>) target(%arg11 : memref<128x128xf32, #tpu.memory_space<vmem>>) target_semaphore(%arg14 : memref<!tpu.dma_semaphore, #tpu.memory_space<semaphore_mem>>)
      %dma_wait3A_1907 = arith.constant 0 : i32
      %dma_wait3A_1908 = tpu.memref_slice %arg13[%add3A_1902, %dma_wait3A_1907] : memref<10496x128xf32, #tpu.memory_space<vmem_shared>> -> memref<128x128xf32, #tpu.memory_space<vmem_shared>>
      %dma_wait3A_1909 = arith.constant 0 : i32
      %dma_wait3A_1910 = tpu.memref_slice %arg13[%add3A_1902, %dma_wait3A_1909] : memref<10496x128xf32, #tpu.memory_space<vmem_shared>> -> memref<128x128xf32, #tpu.memory_space<vmem_shared>>
      tpu.wait_dma2 semaphore(%arg14 : memref<!tpu.dma_semaphore, #tpu.memory_space<semaphore_mem>>) src(%dma_wait3A_1910 : memref<128x128xf32, #tpu.memory_space<vmem_shared>>) dst(%arg11 : memref<128x128xf32, #tpu.memory_space<vmem>>)
      %add3A_1911 = arith.constant 128 : i32
      %add3A_1912 = arith.addi %add3A_167, %add3A_1911 : i32
      %dma_start3A_1913 = arith.constant 0 : i32
      %dma_start3A_1914 = tpu.memref_slice %arg7[%add3A_1912, %dma_start3A_1913] : memref<160000x128xf32, #tpu.memory_space<hbm>> -> memref<128x128xf32, #tpu.memory_space<hbm>>
      %dma_start3A_1915 = arith.constant 0 : i32
      %dma_start3A_1916 = tpu.memref_slice %arg7[%add3A_1912, %dma_start3A_1915] : memref<160000x128xf32, #tpu.memory_space<hbm>> -> memref<128x128xf32, #tpu.memory_space<hbm>>
      tpu.enqueue_dma source(%arg11 : memref<128x128xf32, #tpu.memory_space<vmem>>) target(%dma_start3A_1916 : memref<128x128xf32, #tpu.memory_space<hbm>>) target_semaphore(%arg14 : memref<!tpu.dma_semaphore, #tpu.memory_space<semaphore_mem>>)
      %dma_wait3A_1917 = arith.constant 0 : i32
      %dma_wait3A_1918 = tpu.memref_slice %arg7[%add3A_1912, %dma_wait3A_1917] : memref<160000x128xf32, #tpu.memory_space<hbm>> -> memref<128x128xf32, #tpu.memory_space<hbm>>
      %dma_wait3A_1919 = arith.constant 0 : i32
      %dma_wait3A_1920 = tpu.memref_slice %arg7[%add3A_1912, %dma_wait3A_1919] : memref<160000x128xf32, #tpu.memory_space<hbm>> -> memref<128x128xf32, #tpu.memory_space<hbm>>
      tpu.wait_dma2 semaphore(%arg14 : memref<!tpu.dma_semaphore, #tpu.memory_space<semaphore_mem>>) src(%arg11 : memref<128x128xf32, #tpu.memory_space<vmem>>) dst(%dma_wait3A_1920 : memref<128x128xf32, #tpu.memory_space<hbm>>)
    } else {
    }
    %add3A_185 = arith.constant 256 : i32
    %add3A_186 = arith.addi %add3A_167, %add3A_185 : i32
    %add3A_187 = arith.constant 128 : i32
    %add3A_188 = arith.addi %add3A_186, %add3A_187 : i32
    %le3A_189 = arith.constant 160000 : i32
    %le3A_190 = arith.cmpi sle, %add3A_188, %le3A_189 : i32
    %convert_element_type3A_191 = arith.extui %le3A_190 : i1 to i32
    %cond3A_192 = arith.constant 0 : i32
    %cond3A_193 = arith.cmpi ne, %convert_element_type3A_191, %cond3A_192 : i32
    scf.if %cond3A_193 {
      %add3A_1901 = arith.constant 256 : i32
      %add3A_1902 = arith.addi %mul3A_169, %add3A_1901 : i32
      %dma_start3A_1903 = arith.constant 0 : i32
      %dma_start3A_1904 = tpu.memref_slice %arg13[%add3A_1902, %dma_start3A_1903] : memref<10496x128xf32, #tpu.memory_space<vmem_shared>> -> memref<128x128xf32, #tpu.memory_space<vmem_shared>>
      %dma_start3A_1905 = arith.constant 0 : i32
      %dma_start3A_1906 = tpu.memref_slice %arg13[%add3A_1902, %dma_start3A_1905] : memref<10496x128xf32, #tpu.memory_space<vmem_shared>> -> memref<128x128xf32, #tpu.memory_space<vmem_shared>>
      tpu.enqueue_dma source(%dma_start3A_1906 : memref<128x128xf32, #tpu.memory_space<vmem_shared>>) target(%arg11 : memref<128x128xf32, #tpu.memory_space<vmem>>) target_semaphore(%arg14 : memref<!tpu.dma_semaphore, #tpu.memory_space<semaphore_mem>>)
      %dma_wait3A_1907 = arith.constant 0 : i32
      %dma_wait3A_1908 = tpu.memref_slice %arg13[%add3A_1902, %dma_wait3A_1907] : memref<10496x128xf32, #tpu.memory_space<vmem_shared>> -> memref<128x128xf32, #tpu.memory_space<vmem_shared>>
      %dma_wait3A_1909 = arith.constant 0 : i32
      %dma_wait3A_1910 = tpu.memref_slice %arg13[%add3A_1902, %dma_wait3A_1909] : memref<10496x128xf32, #tpu.memory_space<vmem_shared>> -> memref<128x128xf32, #tpu.memory_space<vmem_shared>>
      tpu.wait_dma2 semaphore(%arg14 : memref<!tpu.dma_semaphore, #tpu.memory_space<semaphore_mem>>) src(%dma_wait3A_1910 : memref<128x128xf32, #tpu.memory_space<vmem_shared>>) dst(%arg11 : memref<128x128xf32, #tpu.memory_space<vmem>>)
      %add3A_1911 = arith.constant 256 : i32
      %add3A_1912 = arith.addi %add3A_167, %add3A_1911 : i32
      %dma_start3A_1913 = arith.constant 0 : i32
      %dma_start3A_1914 = tpu.memref_slice %arg7[%add3A_1912, %dma_start3A_1913] : memref<160000x128xf32, #tpu.memory_space<hbm>> -> memref<128x128xf32, #tpu.memory_space<hbm>>
      %dma_start3A_1915 = arith.constant 0 : i32
      %dma_start3A_1916 = tpu.memref_slice %arg7[%add3A_1912, %dma_start3A_1915] : memref<160000x128xf32, #tpu.memory_space<hbm>> -> memref<128x128xf32, #tpu.memory_space<hbm>>
      tpu.enqueue_dma source(%arg11 : memref<128x128xf32, #tpu.memory_space<vmem>>) target(%dma_start3A_1916 : memref<128x128xf32, #tpu.memory_space<hbm>>) target_semaphore(%arg14 : memref<!tpu.dma_semaphore, #tpu.memory_space<semaphore_mem>>)
      %dma_wait3A_1917 = arith.constant 0 : i32
      %dma_wait3A_1918 = tpu.memref_slice %arg7[%add3A_1912, %dma_wait3A_1917] : memref<160000x128xf32, #tpu.memory_space<hbm>> -> memref<128x128xf32, #tpu.memory_space<hbm>>
      %dma_wait3A_1919 = arith.constant 0 : i32
      %dma_wait3A_1920 = tpu.memref_slice %arg7[%add3A_1912, %dma_wait3A_1919] : memref<160000x128xf32, #tpu.memory_space<hbm>> -> memref<128x128xf32, #tpu.memory_space<hbm>>
      tpu.wait_dma2 semaphore(%arg14 : memref<!tpu.dma_semaphore, #tpu.memory_space<semaphore_mem>>) src(%arg11 : memref<128x128xf32, #tpu.memory_space<vmem>>) dst(%dma_wait3A_1920 : memref<128x128xf32, #tpu.memory_space<hbm>>)
    } else {
    }
    %add3A_194 = arith.constant 384 : i32
    %add3A_195 = arith.addi %add3A_167, %add3A_194 : i32
    %add3A_196 = arith.constant 128 : i32
    %add3A_197 = arith.addi %add3A_195, %add3A_196 : i32
    %le3A_198 = arith.constant 160000 : i32
    %le3A_199 = arith.cmpi sle, %add3A_197, %le3A_198 : i32
    %convert_element_type3A_200 = arith.extui %le3A_199 : i1 to i32
    %cond3A_201 = arith.constant 0 : i32
    %cond3A_202 = arith.cmpi ne, %convert_element_type3A_200, %cond3A_201 : i32
    scf.if %cond3A_202 {
      %add3A_1901 = arith.constant 384 : i32
      %add3A_1902 = arith.addi %mul3A_169, %add3A_1901 : i32
      %dma_start3A_1903 = arith.constant 0 : i32
      %dma_start3A_1904 = tpu.memref_slice %arg13[%add3A_1902, %dma_start3A_1903] : memref<10496x128xf32, #tpu.memory_space<vmem_shared>> -> memref<128x128xf32, #tpu.memory_space<vmem_shared>>
      %dma_start3A_1905 = arith.constant 0 : i32
      %dma_start3A_1906 = tpu.memref_slice %arg13[%add3A_1902, %dma_start3A_1905] : memref<10496x128xf32, #tpu.memory_space<vmem_shared>> -> memref<128x128xf32, #tpu.memory_space<vmem_shared>>
      tpu.enqueue_dma source(%dma_start3A_1906 : memref<128x128xf32, #tpu.memory_space<vmem_shared>>) target(%arg11 : memref<128x128xf32, #tpu.memory_space<vmem>>) target_semaphore(%arg14 : memref<!tpu.dma_semaphore, #tpu.memory_space<semaphore_mem>>)
      %dma_wait3A_1907 = arith.constant 0 : i32
      %dma_wait3A_1908 = tpu.memref_slice %arg13[%add3A_1902, %dma_wait3A_1907] : memref<10496x128xf32, #tpu.memory_space<vmem_shared>> -> memref<128x128xf32, #tpu.memory_space<vmem_shared>>
      %dma_wait3A_1909 = arith.constant 0 : i32
      %dma_wait3A_1910 = tpu.memref_slice %arg13[%add3A_1902, %dma_wait3A_1909] : memref<10496x128xf32, #tpu.memory_space<vmem_shared>> -> memref<128x128xf32, #tpu.memory_space<vmem_shared>>
      tpu.wait_dma2 semaphore(%arg14 : memref<!tpu.dma_semaphore, #tpu.memory_space<semaphore_mem>>) src(%dma_wait3A_1910 : memref<128x128xf32, #tpu.memory_space<vmem_shared>>) dst(%arg11 : memref<128x128xf32, #tpu.memory_space<vmem>>)
      %add3A_1911 = arith.constant 384 : i32
      %add3A_1912 = arith.addi %add3A_167, %add3A_1911 : i32
      %dma_start3A_1913 = arith.constant 0 : i32
      %dma_start3A_1914 = tpu.memref_slice %arg7[%add3A_1912, %dma_start3A_1913] : memref<160000x128xf32, #tpu.memory_space<hbm>> -> memref<128x128xf32, #tpu.memory_space<hbm>>
      %dma_start3A_1915 = arith.constant 0 : i32
      %dma_start3A_1916 = tpu.memref_slice %arg7[%add3A_1912, %dma_start3A_1915] : memref<160000x128xf32, #tpu.memory_space<hbm>> -> memref<128x128xf32, #tpu.memory_space<hbm>>
      tpu.enqueue_dma source(%arg11 : memref<128x128xf32, #tpu.memory_space<vmem>>) target(%dma_start3A_1916 : memref<128x128xf32, #tpu.memory_space<hbm>>) target_semaphore(%arg14 : memref<!tpu.dma_semaphore, #tpu.memory_space<semaphore_mem>>)
      %dma_wait3A_1917 = arith.constant 0 : i32
      %dma_wait3A_1918 = tpu.memref_slice %arg7[%add3A_1912, %dma_wait3A_1917] : memref<160000x128xf32, #tpu.memory_space<hbm>> -> memref<128x128xf32, #tpu.memory_space<hbm>>
      %dma_wait3A_1919 = arith.constant 0 : i32
      %dma_wait3A_1920 = tpu.memref_slice %arg7[%add3A_1912, %dma_wait3A_1919] : memref<160000x128xf32, #tpu.memory_space<hbm>> -> memref<128x128xf32, #tpu.memory_space<hbm>>
      tpu.wait_dma2 semaphore(%arg14 : memref<!tpu.dma_semaphore, #tpu.memory_space<semaphore_mem>>) src(%arg11 : memref<128x128xf32, #tpu.memory_space<vmem>>) dst(%dma_wait3A_1920 : memref<128x128xf32, #tpu.memory_space<hbm>>)
    } else {
    }
    %add3A_203 = arith.constant 512 : i32
    %add3A_204 = arith.addi %add3A_167, %add3A_203 : i32
    %add3A_205 = arith.constant 128 : i32
    %add3A_206 = arith.addi %add3A_204, %add3A_205 : i32
    %le3A_207 = arith.constant 160000 : i32
    %le3A_208 = arith.cmpi sle, %add3A_206, %le3A_207 : i32
    %convert_element_type3A_209 = arith.extui %le3A_208 : i1 to i32
    %cond3A_210 = arith.constant 0 : i32
    %cond3A_211 = arith.cmpi ne, %convert_element_type3A_209, %cond3A_210 : i32
    scf.if %cond3A_211 {
      %add3A_1901 = arith.constant 512 : i32
      %add3A_1902 = arith.addi %mul3A_169, %add3A_1901 : i32
      %dma_start3A_1903 = arith.constant 0 : i32
      %dma_start3A_1904 = tpu.memref_slice %arg13[%add3A_1902, %dma_start3A_1903] : memref<10496x128xf32, #tpu.memory_space<vmem_shared>> -> memref<128x128xf32, #tpu.memory_space<vmem_shared>>
      %dma_start3A_1905 = arith.constant 0 : i32
      %dma_start3A_1906 = tpu.memref_slice %arg13[%add3A_1902, %dma_start3A_1905] : memref<10496x128xf32, #tpu.memory_space<vmem_shared>> -> memref<128x128xf32, #tpu.memory_space<vmem_shared>>
      tpu.enqueue_dma source(%dma_start3A_1906 : memref<128x128xf32, #tpu.memory_space<vmem_shared>>) target(%arg11 : memref<128x128xf32, #tpu.memory_space<vmem>>) target_semaphore(%arg14 : memref<!tpu.dma_semaphore, #tpu.memory_space<semaphore_mem>>)
      %dma_wait3A_1907 = arith.constant 0 : i32
      %dma_wait3A_1908 = tpu.memref_slice %arg13[%add3A_1902, %dma_wait3A_1907] : memref<10496x128xf32, #tpu.memory_space<vmem_shared>> -> memref<128x128xf32, #tpu.memory_space<vmem_shared>>
      %dma_wait3A_1909 = arith.constant 0 : i32
      %dma_wait3A_1910 = tpu.memref_slice %arg13[%add3A_1902, %dma_wait3A_1909] : memref<10496x128xf32, #tpu.memory_space<vmem_shared>> -> memref<128x128xf32, #tpu.memory_space<vmem_shared>>
      tpu.wait_dma2 semaphore(%arg14 : memref<!tpu.dma_semaphore, #tpu.memory_space<semaphore_mem>>) src(%dma_wait3A_1910 : memref<128x128xf32, #tpu.memory_space<vmem_shared>>) dst(%arg11 : memref<128x128xf32, #tpu.memory_space<vmem>>)
      %add3A_1911 = arith.constant 512 : i32
      %add3A_1912 = arith.addi %add3A_167, %add3A_1911 : i32
      %dma_start3A_1913 = arith.constant 0 : i32
      %dma_start3A_1914 = tpu.memref_slice %arg7[%add3A_1912, %dma_start3A_1913] : memref<160000x128xf32, #tpu.memory_space<hbm>> -> memref<128x128xf32, #tpu.memory_space<hbm>>
      %dma_start3A_1915 = arith.constant 0 : i32
      %dma_start3A_1916 = tpu.memref_slice %arg7[%add3A_1912, %dma_start3A_1915] : memref<160000x128xf32, #tpu.memory_space<hbm>> -> memref<128x128xf32, #tpu.memory_space<hbm>>
      tpu.enqueue_dma source(%arg11 : memref<128x128xf32, #tpu.memory_space<vmem>>) target(%dma_start3A_1916 : memref<128x128xf32, #tpu.memory_space<hbm>>) target_semaphore(%arg14 : memref<!tpu.dma_semaphore, #tpu.memory_space<semaphore_mem>>)
      %dma_wait3A_1917 = arith.constant 0 : i32
      %dma_wait3A_1918 = tpu.memref_slice %arg7[%add3A_1912, %dma_wait3A_1917] : memref<160000x128xf32, #tpu.memory_space<hbm>> -> memref<128x128xf32, #tpu.memory_space<hbm>>
      %dma_wait3A_1919 = arith.constant 0 : i32
      %dma_wait3A_1920 = tpu.memref_slice %arg7[%add3A_1912, %dma_wait3A_1919] : memref<160000x128xf32, #tpu.memory_space<hbm>> -> memref<128x128xf32, #tpu.memory_space<hbm>>
      tpu.wait_dma2 semaphore(%arg14 : memref<!tpu.dma_semaphore, #tpu.memory_space<semaphore_mem>>) src(%arg11 : memref<128x128xf32, #tpu.memory_space<vmem>>) dst(%dma_wait3A_1920 : memref<128x128xf32, #tpu.memory_space<hbm>>)
    } else {
    }
    %mul3A_212 = arith.constant 656 : i32
    %mul3A_213 = arith.muli %arg1, %mul3A_212 : i32
    %add3A_214 = arith.constant 0 : i32
    %add3A_215 = arith.addi %mul3A_213, %add3A_214 : i32
    %dma_start3A_216 = arith.constant 0 : i32
    %dma_start3A_217 = arith.constant 0 : i32
    %dma_start3A_218 = tpu.memref_slice %arg12[%dma_start3A_216, %dma_start3A_217] : memref<128x128xf32, #tpu.memory_space<vmem>> -> memref<128x128xf32, #tpu.memory_space<vmem>>
    %dma_start3A_219 = arith.constant 0 : i32
    %dma_start3A_220 = tpu.memref_slice %arg13[%add3A_215, %dma_start3A_219] : memref<10496x128xf32, #tpu.memory_space<vmem_shared>> -> memref<128x128xf32, #tpu.memory_space<vmem_shared>>
    %dma_start3A_221 = arith.constant 0 : i32
    %dma_start3A_222 = tpu.memref_slice %arg13[%add3A_215, %dma_start3A_221] : memref<10496x128xf32, #tpu.memory_space<vmem_shared>> -> memref<128x128xf32, #tpu.memory_space<vmem_shared>>
    %dma_start3A_223 = arith.constant 0 : i32
    %dma_start3A_224 = arith.constant 0 : i32
    %dma_start3A_225 = tpu.memref_slice %arg12[%dma_start3A_223, %dma_start3A_224] : memref<128x128xf32, #tpu.memory_space<vmem>> -> memref<128x128xf32, #tpu.memory_space<vmem>>
    tpu.enqueue_dma source(%dma_start3A_225 : memref<128x128xf32, #tpu.memory_space<vmem>>) target(%dma_start3A_222 : memref<128x128xf32, #tpu.memory_space<vmem_shared>>) target_semaphore(%arg14 : memref<!tpu.dma_semaphore, #tpu.memory_space<semaphore_mem>>)
    %dma_wait3A_226 = arith.constant 0 : i32
    %dma_wait3A_227 = arith.constant 0 : i32
    %dma_wait3A_228 = tpu.memref_slice %arg12[%dma_wait3A_226, %dma_wait3A_227] : memref<128x128xf32, #tpu.memory_space<vmem>> -> memref<128x128xf32, #tpu.memory_space<vmem>>
    %dma_wait3A_229 = arith.constant 0 : i32
    %dma_wait3A_230 = tpu.memref_slice %arg13[%add3A_215, %dma_wait3A_229] : memref<10496x128xf32, #tpu.memory_space<vmem_shared>> -> memref<128x128xf32, #tpu.memory_space<vmem_shared>>
    %dma_wait3A_231 = arith.constant 0 : i32
    %dma_wait3A_232 = tpu.memref_slice %arg13[%add3A_215, %dma_wait3A_231] : memref<10496x128xf32, #tpu.memory_space<vmem_shared>> -> memref<128x128xf32, #tpu.memory_space<vmem_shared>>
    %dma_wait3A_233 = arith.constant 0 : i32
    %dma_wait3A_234 = arith.constant 0 : i32
    %dma_wait3A_235 = tpu.memref_slice %arg12[%dma_wait3A_233, %dma_wait3A_234] : memref<128x128xf32, #tpu.memory_space<vmem>> -> memref<128x128xf32, #tpu.memory_space<vmem>>
    tpu.wait_dma2 semaphore(%arg14 : memref<!tpu.dma_semaphore, #tpu.memory_space<semaphore_mem>>) src(%dma_wait3A_235 : memref<128x128xf32, #tpu.memory_space<vmem>>) dst(%dma_wait3A_232 : memref<128x128xf32, #tpu.memory_space<vmem_shared>>)
    %add3A_236 = arith.constant 128 : i32
    %add3A_237 = arith.addi %mul3A_213, %add3A_236 : i32
    %dma_start3A_238 = arith.constant 0 : i32
    %dma_start3A_239 = arith.constant 0 : i32
    %dma_start3A_240 = tpu.memref_slice %arg12[%dma_start3A_238, %dma_start3A_239] : memref<128x128xf32, #tpu.memory_space<vmem>> -> memref<128x128xf32, #tpu.memory_space<vmem>>
    %dma_start3A_241 = arith.constant 0 : i32
    %dma_start3A_242 = tpu.memref_slice %arg13[%add3A_237, %dma_start3A_241] : memref<10496x128xf32, #tpu.memory_space<vmem_shared>> -> memref<128x128xf32, #tpu.memory_space<vmem_shared>>
    %dma_start3A_243 = arith.constant 0 : i32
    %dma_start3A_244 = tpu.memref_slice %arg13[%add3A_237, %dma_start3A_243] : memref<10496x128xf32, #tpu.memory_space<vmem_shared>> -> memref<128x128xf32, #tpu.memory_space<vmem_shared>>
    %dma_start3A_245 = arith.constant 0 : i32
    %dma_start3A_246 = arith.constant 0 : i32
    %dma_start3A_247 = tpu.memref_slice %arg12[%dma_start3A_245, %dma_start3A_246] : memref<128x128xf32, #tpu.memory_space<vmem>> -> memref<128x128xf32, #tpu.memory_space<vmem>>
    tpu.enqueue_dma source(%dma_start3A_247 : memref<128x128xf32, #tpu.memory_space<vmem>>) target(%dma_start3A_244 : memref<128x128xf32, #tpu.memory_space<vmem_shared>>) target_semaphore(%arg14 : memref<!tpu.dma_semaphore, #tpu.memory_space<semaphore_mem>>)
    %dma_wait3A_248 = arith.constant 0 : i32
    %dma_wait3A_249 = arith.constant 0 : i32
    %dma_wait3A_250 = tpu.memref_slice %arg12[%dma_wait3A_248, %dma_wait3A_249] : memref<128x128xf32, #tpu.memory_space<vmem>> -> memref<128x128xf32, #tpu.memory_space<vmem>>
    %dma_wait3A_251 = arith.constant 0 : i32
    %dma_wait3A_252 = tpu.memref_slice %arg13[%add3A_237, %dma_wait3A_251] : memref<10496x128xf32, #tpu.memory_space<vmem_shared>> -> memref<128x128xf32, #tpu.memory_space<vmem_shared>>
    %dma_wait3A_253 = arith.constant 0 : i32
    %dma_wait3A_254 = tpu.memref_slice %arg13[%add3A_237, %dma_wait3A_253] : memref<10496x128xf32, #tpu.memory_space<vmem_shared>> -> memref<128x128xf32, #tpu.memory_space<vmem_shared>>
    %dma_wait3A_255 = arith.constant 0 : i32
    %dma_wait3A_256 = arith.constant 0 : i32
    %dma_wait3A_257 = tpu.memref_slice %arg12[%dma_wait3A_255, %dma_wait3A_256] : memref<128x128xf32, #tpu.memory_space<vmem>> -> memref<128x128xf32, #tpu.memory_space<vmem>>
    tpu.wait_dma2 semaphore(%arg14 : memref<!tpu.dma_semaphore, #tpu.memory_space<semaphore_mem>>) src(%dma_wait3A_257 : memref<128x128xf32, #tpu.memory_space<vmem>>) dst(%dma_wait3A_254 : memref<128x128xf32, #tpu.memory_space<vmem_shared>>)
    %add3A_258 = arith.constant 256 : i32
    %add3A_259 = arith.addi %mul3A_213, %add3A_258 : i32
    %dma_start3A_260 = arith.constant 0 : i32
    %dma_start3A_261 = arith.constant 0 : i32
    %dma_start3A_262 = tpu.memref_slice %arg12[%dma_start3A_260, %dma_start3A_261] : memref<128x128xf32, #tpu.memory_space<vmem>> -> memref<128x128xf32, #tpu.memory_space<vmem>>
    %dma_start3A_263 = arith.constant 0 : i32
    %dma_start3A_264 = tpu.memref_slice %arg13[%add3A_259, %dma_start3A_263] : memref<10496x128xf32, #tpu.memory_space<vmem_shared>> -> memref<128x128xf32, #tpu.memory_space<vmem_shared>>
    %dma_start3A_265 = arith.constant 0 : i32
    %dma_start3A_266 = tpu.memref_slice %arg13[%add3A_259, %dma_start3A_265] : memref<10496x128xf32, #tpu.memory_space<vmem_shared>> -> memref<128x128xf32, #tpu.memory_space<vmem_shared>>
    %dma_start3A_267 = arith.constant 0 : i32
    %dma_start3A_268 = arith.constant 0 : i32
    %dma_start3A_269 = tpu.memref_slice %arg12[%dma_start3A_267, %dma_start3A_268] : memref<128x128xf32, #tpu.memory_space<vmem>> -> memref<128x128xf32, #tpu.memory_space<vmem>>
    tpu.enqueue_dma source(%dma_start3A_269 : memref<128x128xf32, #tpu.memory_space<vmem>>) target(%dma_start3A_266 : memref<128x128xf32, #tpu.memory_space<vmem_shared>>) target_semaphore(%arg14 : memref<!tpu.dma_semaphore, #tpu.memory_space<semaphore_mem>>)
    %dma_wait3A_270 = arith.constant 0 : i32
    %dma_wait3A_271 = arith.constant 0 : i32
    %dma_wait3A_272 = tpu.memref_slice %arg12[%dma_wait3A_270, %dma_wait3A_271] : memref<128x128xf32, #tpu.memory_space<vmem>> -> memref<128x128xf32, #tpu.memory_space<vmem>>
    %dma_wait3A_273 = arith.constant 0 : i32
    %dma_wait3A_274 = tpu.memref_slice %arg13[%add3A_259, %dma_wait3A_273] : memref<10496x128xf32, #tpu.memory_space<vmem_shared>> -> memref<128x128xf32, #tpu.memory_space<vmem_shared>>
    %dma_wait3A_275 = arith.constant 0 : i32
    %dma_wait3A_276 = tpu.memref_slice %arg13[%add3A_259, %dma_wait3A_275] : memref<10496x128xf32, #tpu.memory_space<vmem_shared>> -> memref<128x128xf32, #tpu.memory_space<vmem_shared>>
    %dma_wait3A_277 = arith.constant 0 : i32
    %dma_wait3A_278 = arith.constant 0 : i32
    %dma_wait3A_279 = tpu.memref_slice %arg12[%dma_wait3A_277, %dma_wait3A_278] : memref<128x128xf32, #tpu.memory_space<vmem>> -> memref<128x128xf32, #tpu.memory_space<vmem>>
    tpu.wait_dma2 semaphore(%arg14 : memref<!tpu.dma_semaphore, #tpu.memory_space<semaphore_mem>>) src(%dma_wait3A_279 : memref<128x128xf32, #tpu.memory_space<vmem>>) dst(%dma_wait3A_276 : memref<128x128xf32, #tpu.memory_space<vmem_shared>>)
    %add3A_280 = arith.constant 384 : i32
    %add3A_281 = arith.addi %mul3A_213, %add3A_280 : i32
    %dma_start3A_282 = arith.constant 0 : i32
    %dma_start3A_283 = arith.constant 0 : i32
    %dma_start3A_284 = tpu.memref_slice %arg12[%dma_start3A_282, %dma_start3A_283] : memref<128x128xf32, #tpu.memory_space<vmem>> -> memref<128x128xf32, #tpu.memory_space<vmem>>
    %dma_start3A_285 = arith.constant 0 : i32
    %dma_start3A_286 = tpu.memref_slice %arg13[%add3A_281, %dma_start3A_285] : memref<10496x128xf32, #tpu.memory_space<vmem_shared>> -> memref<128x128xf32, #tpu.memory_space<vmem_shared>>
    %dma_start3A_287 = arith.constant 0 : i32
    %dma_start3A_288 = tpu.memref_slice %arg13[%add3A_281, %dma_start3A_287] : memref<10496x128xf32, #tpu.memory_space<vmem_shared>> -> memref<128x128xf32, #tpu.memory_space<vmem_shared>>
    %dma_start3A_289 = arith.constant 0 : i32
    %dma_start3A_290 = arith.constant 0 : i32
    %dma_start3A_291 = tpu.memref_slice %arg12[%dma_start3A_289, %dma_start3A_290] : memref<128x128xf32, #tpu.memory_space<vmem>> -> memref<128x128xf32, #tpu.memory_space<vmem>>
    tpu.enqueue_dma source(%dma_start3A_291 : memref<128x128xf32, #tpu.memory_space<vmem>>) target(%dma_start3A_288 : memref<128x128xf32, #tpu.memory_space<vmem_shared>>) target_semaphore(%arg14 : memref<!tpu.dma_semaphore, #tpu.memory_space<semaphore_mem>>)
    %dma_wait3A_292 = arith.constant 0 : i32
    %dma_wait3A_293 = arith.constant 0 : i32
    %dma_wait3A_294 = tpu.memref_slice %arg12[%dma_wait3A_292, %dma_wait3A_293] : memref<128x128xf32, #tpu.memory_space<vmem>> -> memref<128x128xf32, #tpu.memory_space<vmem>>
    %dma_wait3A_295 = arith.constant 0 : i32
    %dma_wait3A_296 = tpu.memref_slice %arg13[%add3A_281, %dma_wait3A_295] : memref<10496x128xf32, #tpu.memory_space<vmem_shared>> -> memref<128x128xf32, #tpu.memory_space<vmem_shared>>
    %dma_wait3A_297 = arith.constant 0 : i32
    %dma_wait3A_298 = tpu.memref_slice %arg13[%add3A_281, %dma_wait3A_297] : memref<10496x128xf32, #tpu.memory_space<vmem_shared>> -> memref<128x128xf32, #tpu.memory_space<vmem_shared>>
    %dma_wait3A_299 = arith.constant 0 : i32
    %dma_wait3A_300 = arith.constant 0 : i32
    %dma_wait3A_301 = tpu.memref_slice %arg12[%dma_wait3A_299, %dma_wait3A_300] : memref<128x128xf32, #tpu.memory_space<vmem>> -> memref<128x128xf32, #tpu.memory_space<vmem>>
    tpu.wait_dma2 semaphore(%arg14 : memref<!tpu.dma_semaphore, #tpu.memory_space<semaphore_mem>>) src(%dma_wait3A_301 : memref<128x128xf32, #tpu.memory_space<vmem>>) dst(%dma_wait3A_298 : memref<128x128xf32, #tpu.memory_space<vmem_shared>>)
    %add3A_302 = arith.constant 512 : i32
    %add3A_303 = arith.addi %mul3A_213, %add3A_302 : i32
    %dma_start3A_304 = arith.constant 0 : i32
    %dma_start3A_305 = arith.constant 0 : i32
    %dma_start3A_306 = tpu.memref_slice %arg12[%dma_start3A_304, %dma_start3A_305] : memref<128x128xf32, #tpu.memory_space<vmem>> -> memref<128x128xf32, #tpu.memory_space<vmem>>
    %dma_start3A_307 = arith.constant 0 : i32
    %dma_start3A_308 = tpu.memref_slice %arg13[%add3A_303, %dma_start3A_307] : memref<10496x128xf32, #tpu.memory_space<vmem_shared>> -> memref<128x128xf32, #tpu.memory_space<vmem_shared>>
    %dma_start3A_309 = arith.constant 0 : i32
    %dma_start3A_310 = tpu.memref_slice %arg13[%add3A_303, %dma_start3A_309] : memref<10496x128xf32, #tpu.memory_space<vmem_shared>> -> memref<128x128xf32, #tpu.memory_space<vmem_shared>>
    %dma_start3A_311 = arith.constant 0 : i32
    %dma_start3A_312 = arith.constant 0 : i32
    %dma_start3A_313 = tpu.memref_slice %arg12[%dma_start3A_311, %dma_start3A_312] : memref<128x128xf32, #tpu.memory_space<vmem>> -> memref<128x128xf32, #tpu.memory_space<vmem>>
    tpu.enqueue_dma source(%dma_start3A_313 : memref<128x128xf32, #tpu.memory_space<vmem>>) target(%dma_start3A_310 : memref<128x128xf32, #tpu.memory_space<vmem_shared>>) target_semaphore(%arg14 : memref<!tpu.dma_semaphore, #tpu.memory_space<semaphore_mem>>)
    %dma_wait3A_314 = arith.constant 0 : i32
    %dma_wait3A_315 = arith.constant 0 : i32
    %dma_wait3A_316 = tpu.memref_slice %arg12[%dma_wait3A_314, %dma_wait3A_315] : memref<128x128xf32, #tpu.memory_space<vmem>> -> memref<128x128xf32, #tpu.memory_space<vmem>>
    %dma_wait3A_317 = arith.constant 0 : i32
    %dma_wait3A_318 = tpu.memref_slice %arg13[%add3A_303, %dma_wait3A_317] : memref<10496x128xf32, #tpu.memory_space<vmem_shared>> -> memref<128x128xf32, #tpu.memory_space<vmem_shared>>
    %dma_wait3A_319 = arith.constant 0 : i32
    %dma_wait3A_320 = tpu.memref_slice %arg13[%add3A_303, %dma_wait3A_319] : memref<10496x128xf32, #tpu.memory_space<vmem_shared>> -> memref<128x128xf32, #tpu.memory_space<vmem_shared>>
    %dma_wait3A_321 = arith.constant 0 : i32
    %dma_wait3A_322 = arith.constant 0 : i32
    %dma_wait3A_323 = tpu.memref_slice %arg12[%dma_wait3A_321, %dma_wait3A_322] : memref<128x128xf32, #tpu.memory_space<vmem>> -> memref<128x128xf32, #tpu.memory_space<vmem>>
    tpu.wait_dma2 semaphore(%arg14 : memref<!tpu.dma_semaphore, #tpu.memory_space<semaphore_mem>>) src(%dma_wait3A_323 : memref<128x128xf32, #tpu.memory_space<vmem>>) dst(%dma_wait3A_320 : memref<128x128xf32, #tpu.memory_space<vmem_shared>>)
    %add3A_324 = arith.constant 640 : i32
    %add3A_325 = arith.addi %mul3A_213, %add3A_324 : i32
    %dma_start3A_326 = arith.constant 0 : i32
    %dma_start3A_327 = arith.constant 0 : i32
    %dma_start3A_328 = tpu.memref_slice %arg12[%dma_start3A_326, %dma_start3A_327] : memref<128x128xf32, #tpu.memory_space<vmem>> -> memref<16x128xf32, #tpu.memory_space<vmem>>
    %dma_start3A_329 = arith.constant 0 : i32
    %dma_start3A_330 = tpu.memref_slice %arg13[%add3A_325, %dma_start3A_329] : memref<10496x128xf32, #tpu.memory_space<vmem_shared>> -> memref<16x128xf32, #tpu.memory_space<vmem_shared>>
    %dma_start3A_331 = arith.constant 0 : i32
    %dma_start3A_332 = tpu.memref_slice %arg13[%add3A_325, %dma_start3A_331] : memref<10496x128xf32, #tpu.memory_space<vmem_shared>> -> memref<16x128xf32, #tpu.memory_space<vmem_shared>>
    %dma_start3A_333 = arith.constant 0 : i32
    %dma_start3A_334 = arith.constant 0 : i32
    %dma_start3A_335 = tpu.memref_slice %arg12[%dma_start3A_333, %dma_start3A_334] : memref<128x128xf32, #tpu.memory_space<vmem>> -> memref<16x128xf32, #tpu.memory_space<vmem>>
    tpu.enqueue_dma source(%dma_start3A_335 : memref<16x128xf32, #tpu.memory_space<vmem>>) target(%dma_start3A_332 : memref<16x128xf32, #tpu.memory_space<vmem_shared>>) target_semaphore(%arg14 : memref<!tpu.dma_semaphore, #tpu.memory_space<semaphore_mem>>)
    %dma_wait3A_336 = arith.constant 0 : i32
    %dma_wait3A_337 = arith.constant 0 : i32
    %dma_wait3A_338 = tpu.memref_slice %arg12[%dma_wait3A_336, %dma_wait3A_337] : memref<128x128xf32, #tpu.memory_space<vmem>> -> memref<16x128xf32, #tpu.memory_space<vmem>>
    %dma_wait3A_339 = arith.constant 0 : i32
    %dma_wait3A_340 = tpu.memref_slice %arg13[%add3A_325, %dma_wait3A_339] : memref<10496x128xf32, #tpu.memory_space<vmem_shared>> -> memref<16x128xf32, #tpu.memory_space<vmem_shared>>
    %dma_wait3A_341 = arith.constant 0 : i32
    %dma_wait3A_342 = tpu.memref_slice %arg13[%add3A_325, %dma_wait3A_341] : memref<10496x128xf32, #tpu.memory_space<vmem_shared>> -> memref<16x128xf32, #tpu.memory_space<vmem_shared>>
    %dma_wait3A_343 = arith.constant 0 : i32
    %dma_wait3A_344 = arith.constant 0 : i32
    %dma_wait3A_345 = tpu.memref_slice %arg12[%dma_wait3A_343, %dma_wait3A_344] : memref<128x128xf32, #tpu.memory_space<vmem>> -> memref<16x128xf32, #tpu.memory_space<vmem>>
    tpu.wait_dma2 semaphore(%arg14 : memref<!tpu.dma_semaphore, #tpu.memory_space<semaphore_mem>>) src(%dma_wait3A_345 : memref<16x128xf32, #tpu.memory_space<vmem>>) dst(%dma_wait3A_342 : memref<16x128xf32, #tpu.memory_space<vmem_shared>>)
    %barrier3A_346 = arith.constant 0 : index
    tpu.barrier barrier_id(%barrier3A_346)
    %add3A_347 = arith.constant 2 : i32
    %add3A_348 = arith.addi %add3A_347, %arg0 : i32
    %eq3A_349 = arith.constant 0 : i32
    %eq3A_350 = arith.cmpi eq, %arg0, %eq3A_349 : i32
    %slice3A_351 = vector.extract_strided_slice %get3A_131 {offsets = [2], sizes = [1], strides = [1]} : vector<16xi32> to vector<1xi32>
    %squeeze3A_352 = vector.extract %slice3A_351[0] : i32 from vector<1xi32>
    %slice3A_353 = vector.extract_strided_slice %get3A_131 {offsets = [3], sizes = [1], strides = [1]} : vector<16xi32> to vector<1xi32>
    %squeeze3A_354 = vector.extract %slice3A_353[0] : i32 from vector<1xi32>
    %select_n3A_355 = arith.select %eq3A_350, %squeeze3A_352, %squeeze3A_354 : i32
    %eq3A_356 = arith.constant 0 : i32
    %eq3A_357 = arith.cmpi eq, %arg0, %eq3A_356 : i32
    %slice3A_358 = vector.extract_strided_slice %get3A_131 {offsets = [3], sizes = [1], strides = [1]} : vector<16xi32> to vector<1xi32>
    %squeeze3A_359 = vector.extract %slice3A_358[0] : i32 from vector<1xi32>
    %slice3A_360 = vector.extract_strided_slice %get3A_131 {offsets = [4], sizes = [1], strides = [1]} : vector<16xi32> to vector<1xi32>
    %squeeze3A_361 = vector.extract %slice3A_360[0] : i32 from vector<1xi32>
    %select_n3A_362 = arith.select %eq3A_357, %squeeze3A_359, %squeeze3A_361 : i32
    %add3A_363 = arith.addi %select_n3A_355, %arg1 : i32
    %sub3A_364 = arith.subi %select_n3A_362, %add3A_363 : i32
    %sub3A_365 = arith.constant 16 : i32
    %sub3A_366 = arith.constant 1 : i32
    %sub3A_367 = arith.subi %sub3A_365, %sub3A_366 : i32
    %add3A_368 = arith.addi %sub3A_364, %sub3A_367 : i32
    %div3A_369 = arith.constant 16 : i32
    %div3A_370 = arith.divsi %add3A_368, %div3A_369 : i32
    %while3A_371 = arith.constant 16 : i32
    %while3A_372 = arith.constant 0 : i32
    %while3A_373 = arith.subi %div3A_370, %while3A_372 : i32
    %while3A_374 = arith.addi %while3A_372, %while3A_373 : i32
    %while3A_375 = arith.constant 1 : i32
    %while3A_376 = arith.divsi %while3A_373, %while3A_375 : i32
    %while3A_377 = arith.muli %while3A_376, %while3A_375 : i32
    %while3A_378 = arith.addi %while3A_372, %while3A_377 : i32
    %while3A_379 = arith.constant 1 : i32
    scf.for %while3A_1901 = %while3A_372 to %while3A_378 step %while3A_379  : i32 {
      %mul3A_1902 = arith.muli %while3A_1901, %while3A_371 : i32
      %add3A_1903 = arith.addi %add3A_363, %mul3A_1902 : i32
      %mul3A_1904 = arith.constant 128 : i32
      %mul3A_1905 = arith.muli %add3A_1903, %mul3A_1904 : i32
      %dma_start3A_1906 = tpu.memref_slice %arg3[%mul3A_1905] : memref<642048xi32, #tpu.memory_space<hbm>> -> memref<128xi32, #tpu.memory_space<hbm>>
      %dma_start3A_1907 = tpu.memref_slice %arg3[%mul3A_1905] : memref<642048xi32, #tpu.memory_space<hbm>> -> memref<128xi32, #tpu.memory_space<hbm>>
      tpu.enqueue_dma source(%dma_start3A_1907 : memref<128xi32, #tpu.memory_space<hbm>>) target(%arg9 : memref<128xi32, #tpu.memory_space<vmem>>) target_semaphore(%arg14 : memref<!tpu.dma_semaphore, #tpu.memory_space<semaphore_mem>>)
      %mul3A_1908 = arith.constant 128 : i32
      %mul3A_1909 = arith.muli %add3A_1903, %mul3A_1908 : i32
      %dma_start3A_1910 = tpu.memref_slice %arg4[%mul3A_1909] : memref<642048xi32, #tpu.memory_space<hbm>> -> memref<128xi32, #tpu.memory_space<hbm>>
      %dma_start3A_1911 = tpu.memref_slice %arg4[%mul3A_1909] : memref<642048xi32, #tpu.memory_space<hbm>> -> memref<128xi32, #tpu.memory_space<hbm>>
      tpu.enqueue_dma source(%dma_start3A_1911 : memref<128xi32, #tpu.memory_space<hbm>>) target(%arg10 : memref<128xi32, #tpu.memory_space<vmem>>) target_semaphore(%arg15 : memref<!tpu.dma_semaphore, #tpu.memory_space<semaphore_mem>>)
      %dma_wait3A_1912 = tpu.memref_slice %arg3[%mul3A_1905] : memref<642048xi32, #tpu.memory_space<hbm>> -> memref<128xi32, #tpu.memory_space<hbm>>
      %dma_wait3A_1913 = tpu.memref_slice %arg3[%mul3A_1905] : memref<642048xi32, #tpu.memory_space<hbm>> -> memref<128xi32, #tpu.memory_space<hbm>>
      tpu.wait_dma2 semaphore(%arg14 : memref<!tpu.dma_semaphore, #tpu.memory_space<semaphore_mem>>) src(%dma_wait3A_1913 : memref<128xi32, #tpu.memory_space<hbm>>) dst(%arg9 : memref<128xi32, #tpu.memory_space<vmem>>)
      %dma_wait3A_1914 = tpu.memref_slice %arg4[%mul3A_1909] : memref<642048xi32, #tpu.memory_space<hbm>> -> memref<128xi32, #tpu.memory_space<hbm>>
      %dma_wait3A_1915 = tpu.memref_slice %arg4[%mul3A_1909] : memref<642048xi32, #tpu.memory_space<hbm>> -> memref<128xi32, #tpu.memory_space<hbm>>
      tpu.wait_dma2 semaphore(%arg15 : memref<!tpu.dma_semaphore, #tpu.memory_space<semaphore_mem>>) src(%dma_wait3A_1915 : memref<128xi32, #tpu.memory_space<hbm>>) dst(%arg10 : memref<128xi32, #tpu.memory_space<vmem>>)
      %dma_start3A_1916 = arith.constant 0 : i32
      %dma_start3A_1917 = arith.constant 0 : i32
      %dma_start3A_1918 = tpu.memref_slice %arg2[%dma_start3A_1916, %dma_start3A_1917] : memref<160000x128xf32, #tpu.memory_space<hbm>> -> memref<160000x128xf32, #tpu.memory_space<hbm>>
      tpu.enqueue_indirect_dma source(%dma_start3A_1918 : memref<160000x128xf32, #tpu.memory_space<hbm>>) target(%arg11 : memref<128x128xf32, #tpu.memory_space<vmem>>) offsets(%arg9 : memref<128xi32, #tpu.memory_space<vmem>>) semaphore(%arg14 : memref<!tpu.dma_semaphore, #tpu.memory_space<semaphore_mem>>)
      %dma_wait3A_1919 = arith.constant 0 : i32
      %dma_wait3A_1920 = arith.constant 0 : i32
      %dma_wait3A_1921 = tpu.memref_slice %arg2[%dma_wait3A_1919, %dma_wait3A_1920] : memref<160000x128xf32, #tpu.memory_space<hbm>> -> memref<160000x128xf32, #tpu.memory_space<hbm>>
      tpu.wait_indirect_dma semaphore(%arg14 : memref<!tpu.dma_semaphore, #tpu.memory_space<semaphore_mem>>) src(%dma_wait3A_1921 : memref<160000x128xf32, #tpu.memory_space<hbm>>) dst(%arg11 : memref<128x128xf32, #tpu.memory_space<vmem>>)
      %dma_start3A_1922 = arith.constant 0 : i32
      %dma_start3A_1923 = arith.constant 0 : i32
      %dma_start3A_1924 = tpu.memref_slice %arg13[%dma_start3A_1922, %dma_start3A_1923] : memref<10496x128xf32, #tpu.memory_space<vmem_shared>> -> memref<10496x128xf32, #tpu.memory_space<vmem_shared>>
      tpu.enqueue_indirect_dma source(%arg11 : memref<128x128xf32, #tpu.memory_space<vmem>>) target(%dma_start3A_1924 : memref<10496x128xf32, #tpu.memory_space<vmem_shared>>) offsets(%arg10 : memref<128xi32, #tpu.memory_space<vmem>>) semaphore(%arg15 : memref<!tpu.dma_semaphore, #tpu.memory_space<semaphore_mem>>) {add = true}
      %dma_wait3A_1925 = arith.constant 0 : i32
      %dma_wait3A_1926 = arith.constant 0 : i32
      %dma_wait3A_1927 = tpu.memref_slice %arg13[%dma_wait3A_1925, %dma_wait3A_1926] : memref<10496x128xf32, #tpu.memory_space<vmem_shared>> -> memref<10496x128xf32, #tpu.memory_space<vmem_shared>>
      tpu.wait_indirect_dma semaphore(%arg15 : memref<!tpu.dma_semaphore, #tpu.memory_space<semaphore_mem>>) src(%arg11 : memref<128x128xf32, #tpu.memory_space<vmem>>) dst(%dma_wait3A_1927 : memref<10496x128xf32, #tpu.memory_space<vmem_shared>>)
    }
    %while3A_380 = arith.constant 1 : i32
    scf.for %while3A_1901 = %while3A_378 to %while3A_374 step %while3A_380  : i32 {
      %mul3A_1902 = arith.muli %while3A_1901, %while3A_371 : i32
      %add3A_1903 = arith.addi %add3A_363, %mul3A_1902 : i32
      %mul3A_1904 = arith.constant 128 : i32
      %mul3A_1905 = arith.muli %add3A_1903, %mul3A_1904 : i32
      %dma_start3A_1906 = tpu.memref_slice %arg3[%mul3A_1905] : memref<642048xi32, #tpu.memory_space<hbm>> -> memref<128xi32, #tpu.memory_space<hbm>>
      %dma_start3A_1907 = tpu.memref_slice %arg3[%mul3A_1905] : memref<642048xi32, #tpu.memory_space<hbm>> -> memref<128xi32, #tpu.memory_space<hbm>>
      tpu.enqueue_dma source(%dma_start3A_1907 : memref<128xi32, #tpu.memory_space<hbm>>) target(%arg9 : memref<128xi32, #tpu.memory_space<vmem>>) target_semaphore(%arg14 : memref<!tpu.dma_semaphore, #tpu.memory_space<semaphore_mem>>)
      %mul3A_1908 = arith.constant 128 : i32
      %mul3A_1909 = arith.muli %add3A_1903, %mul3A_1908 : i32
      %dma_start3A_1910 = tpu.memref_slice %arg4[%mul3A_1909] : memref<642048xi32, #tpu.memory_space<hbm>> -> memref<128xi32, #tpu.memory_space<hbm>>
      %dma_start3A_1911 = tpu.memref_slice %arg4[%mul3A_1909] : memref<642048xi32, #tpu.memory_space<hbm>> -> memref<128xi32, #tpu.memory_space<hbm>>
      tpu.enqueue_dma source(%dma_start3A_1911 : memref<128xi32, #tpu.memory_space<hbm>>) target(%arg10 : memref<128xi32, #tpu.memory_space<vmem>>) target_semaphore(%arg15 : memref<!tpu.dma_semaphore, #tpu.memory_space<semaphore_mem>>)
      %dma_wait3A_1912 = tpu.memref_slice %arg3[%mul3A_1905] : memref<642048xi32, #tpu.memory_space<hbm>> -> memref<128xi32, #tpu.memory_space<hbm>>
      %dma_wait3A_1913 = tpu.memref_slice %arg3[%mul3A_1905] : memref<642048xi32, #tpu.memory_space<hbm>> -> memref<128xi32, #tpu.memory_space<hbm>>
      tpu.wait_dma2 semaphore(%arg14 : memref<!tpu.dma_semaphore, #tpu.memory_space<semaphore_mem>>) src(%dma_wait3A_1913 : memref<128xi32, #tpu.memory_space<hbm>>) dst(%arg9 : memref<128xi32, #tpu.memory_space<vmem>>)
      %dma_wait3A_1914 = tpu.memref_slice %arg4[%mul3A_1909] : memref<642048xi32, #tpu.memory_space<hbm>> -> memref<128xi32, #tpu.memory_space<hbm>>
      %dma_wait3A_1915 = tpu.memref_slice %arg4[%mul3A_1909] : memref<642048xi32, #tpu.memory_space<hbm>> -> memref<128xi32, #tpu.memory_space<hbm>>
      tpu.wait_dma2 semaphore(%arg15 : memref<!tpu.dma_semaphore, #tpu.memory_space<semaphore_mem>>) src(%dma_wait3A_1915 : memref<128xi32, #tpu.memory_space<hbm>>) dst(%arg10 : memref<128xi32, #tpu.memory_space<vmem>>)
      %dma_start3A_1916 = arith.constant 0 : i32
      %dma_start3A_1917 = arith.constant 0 : i32
      %dma_start3A_1918 = tpu.memref_slice %arg2[%dma_start3A_1916, %dma_start3A_1917] : memref<160000x128xf32, #tpu.memory_space<hbm>> -> memref<160000x128xf32, #tpu.memory_space<hbm>>
      tpu.enqueue_indirect_dma source(%dma_start3A_1918 : memref<160000x128xf32, #tpu.memory_space<hbm>>) target(%arg11 : memref<128x128xf32, #tpu.memory_space<vmem>>) offsets(%arg9 : memref<128xi32, #tpu.memory_space<vmem>>) semaphore(%arg14 : memref<!tpu.dma_semaphore, #tpu.memory_space<semaphore_mem>>)
      %dma_wait3A_1919 = arith.constant 0 : i32
      %dma_wait3A_1920 = arith.constant 0 : i32
      %dma_wait3A_1921 = tpu.memref_slice %arg2[%dma_wait3A_1919, %dma_wait3A_1920] : memref<160000x128xf32, #tpu.memory_space<hbm>> -> memref<160000x128xf32, #tpu.memory_space<hbm>>
      tpu.wait_indirect_dma semaphore(%arg14 : memref<!tpu.dma_semaphore, #tpu.memory_space<semaphore_mem>>) src(%dma_wait3A_1921 : memref<160000x128xf32, #tpu.memory_space<hbm>>) dst(%arg11 : memref<128x128xf32, #tpu.memory_space<vmem>>)
      %dma_start3A_1922 = arith.constant 0 : i32
      %dma_start3A_1923 = arith.constant 0 : i32
      %dma_start3A_1924 = tpu.memref_slice %arg13[%dma_start3A_1922, %dma_start3A_1923] : memref<10496x128xf32, #tpu.memory_space<vmem_shared>> -> memref<10496x128xf32, #tpu.memory_space<vmem_shared>>
      tpu.enqueue_indirect_dma source(%arg11 : memref<128x128xf32, #tpu.memory_space<vmem>>) target(%dma_start3A_1924 : memref<10496x128xf32, #tpu.memory_space<vmem_shared>>) offsets(%arg10 : memref<128xi32, #tpu.memory_space<vmem>>) semaphore(%arg15 : memref<!tpu.dma_semaphore, #tpu.memory_space<semaphore_mem>>) {add = true}
      %dma_wait3A_1925 = arith.constant 0 : i32
      %dma_wait3A_1926 = arith.constant 0 : i32
      %dma_wait3A_1927 = tpu.memref_slice %arg13[%dma_wait3A_1925, %dma_wait3A_1926] : memref<10496x128xf32, #tpu.memory_space<vmem_shared>> -> memref<10496x128xf32, #tpu.memory_space<vmem_shared>>
      tpu.wait_indirect_dma semaphore(%arg15 : memref<!tpu.dma_semaphore, #tpu.memory_space<semaphore_mem>>) src(%arg11 : memref<128x128xf32, #tpu.memory_space<vmem>>) dst(%dma_wait3A_1927 : memref<10496x128xf32, #tpu.memory_space<vmem_shared>>)
    }
    %barrier3A_381 = arith.constant 0 : index
    tpu.barrier barrier_id(%barrier3A_381)
    %mul3A_382 = arith.constant 10240 : i32
    %mul3A_383 = arith.muli %add3A_348, %mul3A_382 : i32
    %mul3A_384 = arith.constant 640 : i32
    %mul3A_385 = arith.muli %arg1, %mul3A_384 : i32
    %add3A_386 = arith.addi %mul3A_383, %mul3A_385 : i32
    %mul3A_387 = arith.constant 640 : i32
    %mul3A_388 = arith.muli %arg1, %mul3A_387 : i32
    %add3A_389 = arith.constant 0 : i32
    %add3A_390 = arith.addi %add3A_386, %add3A_389 : i32
    %add3A_391 = arith.constant 128 : i32
    %add3A_392 = arith.addi %add3A_390, %add3A_391 : i32
    %le3A_393 = arith.constant 160000 : i32
    %le3A_394 = arith.cmpi sle, %add3A_392, %le3A_393 : i32
    %convert_element_type3A_395 = arith.extui %le3A_394 : i1 to i32
    %cond3A_396 = arith.constant 0 : i32
    %cond3A_397 = arith.cmpi ne, %convert_element_type3A_395, %cond3A_396 : i32
    scf.if %cond3A_397 {
      %add3A_1901 = arith.constant 0 : i32
      %add3A_1902 = arith.addi %mul3A_388, %add3A_1901 : i32
      %dma_start3A_1903 = arith.constant 0 : i32
      %dma_start3A_1904 = tpu.memref_slice %arg13[%add3A_1902, %dma_start3A_1903] : memref<10496x128xf32, #tpu.memory_space<vmem_shared>> -> memref<128x128xf32, #tpu.memory_space<vmem_shared>>
      %dma_start3A_1905 = arith.constant 0 : i32
      %dma_start3A_1906 = tpu.memref_slice %arg13[%add3A_1902, %dma_start3A_1905] : memref<10496x128xf32, #tpu.memory_space<vmem_shared>> -> memref<128x128xf32, #tpu.memory_space<vmem_shared>>
      tpu.enqueue_dma source(%dma_start3A_1906 : memref<128x128xf32, #tpu.memory_space<vmem_shared>>) target(%arg11 : memref<128x128xf32, #tpu.memory_space<vmem>>) target_semaphore(%arg14 : memref<!tpu.dma_semaphore, #tpu.memory_space<semaphore_mem>>)
      %dma_wait3A_1907 = arith.constant 0 : i32
      %dma_wait3A_1908 = tpu.memref_slice %arg13[%add3A_1902, %dma_wait3A_1907] : memref<10496x128xf32, #tpu.memory_space<vmem_shared>> -> memref<128x128xf32, #tpu.memory_space<vmem_shared>>
      %dma_wait3A_1909 = arith.constant 0 : i32
      %dma_wait3A_1910 = tpu.memref_slice %arg13[%add3A_1902, %dma_wait3A_1909] : memref<10496x128xf32, #tpu.memory_space<vmem_shared>> -> memref<128x128xf32, #tpu.memory_space<vmem_shared>>
      tpu.wait_dma2 semaphore(%arg14 : memref<!tpu.dma_semaphore, #tpu.memory_space<semaphore_mem>>) src(%dma_wait3A_1910 : memref<128x128xf32, #tpu.memory_space<vmem_shared>>) dst(%arg11 : memref<128x128xf32, #tpu.memory_space<vmem>>)
      %add3A_1911 = arith.constant 0 : i32
      %add3A_1912 = arith.addi %add3A_386, %add3A_1911 : i32
      %dma_start3A_1913 = arith.constant 0 : i32
      %dma_start3A_1914 = tpu.memref_slice %arg7[%add3A_1912, %dma_start3A_1913] : memref<160000x128xf32, #tpu.memory_space<hbm>> -> memref<128x128xf32, #tpu.memory_space<hbm>>
      %dma_start3A_1915 = arith.constant 0 : i32
      %dma_start3A_1916 = tpu.memref_slice %arg7[%add3A_1912, %dma_start3A_1915] : memref<160000x128xf32, #tpu.memory_space<hbm>> -> memref<128x128xf32, #tpu.memory_space<hbm>>
      tpu.enqueue_dma source(%arg11 : memref<128x128xf32, #tpu.memory_space<vmem>>) target(%dma_start3A_1916 : memref<128x128xf32, #tpu.memory_space<hbm>>) target_semaphore(%arg14 : memref<!tpu.dma_semaphore, #tpu.memory_space<semaphore_mem>>)
      %dma_wait3A_1917 = arith.constant 0 : i32
      %dma_wait3A_1918 = tpu.memref_slice %arg7[%add3A_1912, %dma_wait3A_1917] : memref<160000x128xf32, #tpu.memory_space<hbm>> -> memref<128x128xf32, #tpu.memory_space<hbm>>
      %dma_wait3A_1919 = arith.constant 0 : i32
      %dma_wait3A_1920 = tpu.memref_slice %arg7[%add3A_1912, %dma_wait3A_1919] : memref<160000x128xf32, #tpu.memory_space<hbm>> -> memref<128x128xf32, #tpu.memory_space<hbm>>
      tpu.wait_dma2 semaphore(%arg14 : memref<!tpu.dma_semaphore, #tpu.memory_space<semaphore_mem>>) src(%arg11 : memref<128x128xf32, #tpu.memory_space<vmem>>) dst(%dma_wait3A_1920 : memref<128x128xf32, #tpu.memory_space<hbm>>)
    } else {
    }
    %add3A_398 = arith.constant 128 : i32
    %add3A_399 = arith.addi %add3A_386, %add3A_398 : i32
    %add3A_400 = arith.constant 128 : i32
    %add3A_401 = arith.addi %add3A_399, %add3A_400 : i32
    %le3A_402 = arith.constant 160000 : i32
    %le3A_403 = arith.cmpi sle, %add3A_401, %le3A_402 : i32
    %convert_element_type3A_404 = arith.extui %le3A_403 : i1 to i32
    %cond3A_405 = arith.constant 0 : i32
    %cond3A_406 = arith.cmpi ne, %convert_element_type3A_404, %cond3A_405 : i32
    scf.if %cond3A_406 {
      %add3A_1901 = arith.constant 128 : i32
      %add3A_1902 = arith.addi %mul3A_388, %add3A_1901 : i32
      %dma_start3A_1903 = arith.constant 0 : i32
      %dma_start3A_1904 = tpu.memref_slice %arg13[%add3A_1902, %dma_start3A_1903] : memref<10496x128xf32, #tpu.memory_space<vmem_shared>> -> memref<128x128xf32, #tpu.memory_space<vmem_shared>>
      %dma_start3A_1905 = arith.constant 0 : i32
      %dma_start3A_1906 = tpu.memref_slice %arg13[%add3A_1902, %dma_start3A_1905] : memref<10496x128xf32, #tpu.memory_space<vmem_shared>> -> memref<128x128xf32, #tpu.memory_space<vmem_shared>>
      tpu.enqueue_dma source(%dma_start3A_1906 : memref<128x128xf32, #tpu.memory_space<vmem_shared>>) target(%arg11 : memref<128x128xf32, #tpu.memory_space<vmem>>) target_semaphore(%arg14 : memref<!tpu.dma_semaphore, #tpu.memory_space<semaphore_mem>>)
      %dma_wait3A_1907 = arith.constant 0 : i32
      %dma_wait3A_1908 = tpu.memref_slice %arg13[%add3A_1902, %dma_wait3A_1907] : memref<10496x128xf32, #tpu.memory_space<vmem_shared>> -> memref<128x128xf32, #tpu.memory_space<vmem_shared>>
      %dma_wait3A_1909 = arith.constant 0 : i32
      %dma_wait3A_1910 = tpu.memref_slice %arg13[%add3A_1902, %dma_wait3A_1909] : memref<10496x128xf32, #tpu.memory_space<vmem_shared>> -> memref<128x128xf32, #tpu.memory_space<vmem_shared>>
      tpu.wait_dma2 semaphore(%arg14 : memref<!tpu.dma_semaphore, #tpu.memory_space<semaphore_mem>>) src(%dma_wait3A_1910 : memref<128x128xf32, #tpu.memory_space<vmem_shared>>) dst(%arg11 : memref<128x128xf32, #tpu.memory_space<vmem>>)
      %add3A_1911 = arith.constant 128 : i32
      %add3A_1912 = arith.addi %add3A_386, %add3A_1911 : i32
      %dma_start3A_1913 = arith.constant 0 : i32
      %dma_start3A_1914 = tpu.memref_slice %arg7[%add3A_1912, %dma_start3A_1913] : memref<160000x128xf32, #tpu.memory_space<hbm>> -> memref<128x128xf32, #tpu.memory_space<hbm>>
      %dma_start3A_1915 = arith.constant 0 : i32
      %dma_start3A_1916 = tpu.memref_slice %arg7[%add3A_1912, %dma_start3A_1915] : memref<160000x128xf32, #tpu.memory_space<hbm>> -> memref<128x128xf32, #tpu.memory_space<hbm>>
      tpu.enqueue_dma source(%arg11 : memref<128x128xf32, #tpu.memory_space<vmem>>) target(%dma_start3A_1916 : memref<128x128xf32, #tpu.memory_space<hbm>>) target_semaphore(%arg14 : memref<!tpu.dma_semaphore, #tpu.memory_space<semaphore_mem>>)
      %dma_wait3A_1917 = arith.constant 0 : i32
      %dma_wait3A_1918 = tpu.memref_slice %arg7[%add3A_1912, %dma_wait3A_1917] : memref<160000x128xf32, #tpu.memory_space<hbm>> -> memref<128x128xf32, #tpu.memory_space<hbm>>
      %dma_wait3A_1919 = arith.constant 0 : i32
      %dma_wait3A_1920 = tpu.memref_slice %arg7[%add3A_1912, %dma_wait3A_1919] : memref<160000x128xf32, #tpu.memory_space<hbm>> -> memref<128x128xf32, #tpu.memory_space<hbm>>
      tpu.wait_dma2 semaphore(%arg14 : memref<!tpu.dma_semaphore, #tpu.memory_space<semaphore_mem>>) src(%arg11 : memref<128x128xf32, #tpu.memory_space<vmem>>) dst(%dma_wait3A_1920 : memref<128x128xf32, #tpu.memory_space<hbm>>)
    } else {
    }
    %add3A_407 = arith.constant 256 : i32
    %add3A_408 = arith.addi %add3A_386, %add3A_407 : i32
    %add3A_409 = arith.constant 128 : i32
    %add3A_410 = arith.addi %add3A_408, %add3A_409 : i32
    %le3A_411 = arith.constant 160000 : i32
    %le3A_412 = arith.cmpi sle, %add3A_410, %le3A_411 : i32
    %convert_element_type3A_413 = arith.extui %le3A_412 : i1 to i32
    %cond3A_414 = arith.constant 0 : i32
    %cond3A_415 = arith.cmpi ne, %convert_element_type3A_413, %cond3A_414 : i32
    scf.if %cond3A_415 {
      %add3A_1901 = arith.constant 256 : i32
      %add3A_1902 = arith.addi %mul3A_388, %add3A_1901 : i32
      %dma_start3A_1903 = arith.constant 0 : i32
      %dma_start3A_1904 = tpu.memref_slice %arg13[%add3A_1902, %dma_start3A_1903] : memref<10496x128xf32, #tpu.memory_space<vmem_shared>> -> memref<128x128xf32, #tpu.memory_space<vmem_shared>>
      %dma_start3A_1905 = arith.constant 0 : i32
      %dma_start3A_1906 = tpu.memref_slice %arg13[%add3A_1902, %dma_start3A_1905] : memref<10496x128xf32, #tpu.memory_space<vmem_shared>> -> memref<128x128xf32, #tpu.memory_space<vmem_shared>>
      tpu.enqueue_dma source(%dma_start3A_1906 : memref<128x128xf32, #tpu.memory_space<vmem_shared>>) target(%arg11 : memref<128x128xf32, #tpu.memory_space<vmem>>) target_semaphore(%arg14 : memref<!tpu.dma_semaphore, #tpu.memory_space<semaphore_mem>>)
      %dma_wait3A_1907 = arith.constant 0 : i32
      %dma_wait3A_1908 = tpu.memref_slice %arg13[%add3A_1902, %dma_wait3A_1907] : memref<10496x128xf32, #tpu.memory_space<vmem_shared>> -> memref<128x128xf32, #tpu.memory_space<vmem_shared>>
      %dma_wait3A_1909 = arith.constant 0 : i32
      %dma_wait3A_1910 = tpu.memref_slice %arg13[%add3A_1902, %dma_wait3A_1909] : memref<10496x128xf32, #tpu.memory_space<vmem_shared>> -> memref<128x128xf32, #tpu.memory_space<vmem_shared>>
      tpu.wait_dma2 semaphore(%arg14 : memref<!tpu.dma_semaphore, #tpu.memory_space<semaphore_mem>>) src(%dma_wait3A_1910 : memref<128x128xf32, #tpu.memory_space<vmem_shared>>) dst(%arg11 : memref<128x128xf32, #tpu.memory_space<vmem>>)
      %add3A_1911 = arith.constant 256 : i32
      %add3A_1912 = arith.addi %add3A_386, %add3A_1911 : i32
      %dma_start3A_1913 = arith.constant 0 : i32
      %dma_start3A_1914 = tpu.memref_slice %arg7[%add3A_1912, %dma_start3A_1913] : memref<160000x128xf32, #tpu.memory_space<hbm>> -> memref<128x128xf32, #tpu.memory_space<hbm>>
      %dma_start3A_1915 = arith.constant 0 : i32
      %dma_start3A_1916 = tpu.memref_slice %arg7[%add3A_1912, %dma_start3A_1915] : memref<160000x128xf32, #tpu.memory_space<hbm>> -> memref<128x128xf32, #tpu.memory_space<hbm>>
      tpu.enqueue_dma source(%arg11 : memref<128x128xf32, #tpu.memory_space<vmem>>) target(%dma_start3A_1916 : memref<128x128xf32, #tpu.memory_space<hbm>>) target_semaphore(%arg14 : memref<!tpu.dma_semaphore, #tpu.memory_space<semaphore_mem>>)
      %dma_wait3A_1917 = arith.constant 0 : i32
      %dma_wait3A_1918 = tpu.memref_slice %arg7[%add3A_1912, %dma_wait3A_1917] : memref<160000x128xf32, #tpu.memory_space<hbm>> -> memref<128x128xf32, #tpu.memory_space<hbm>>
      %dma_wait3A_1919 = arith.constant 0 : i32
      %dma_wait3A_1920 = tpu.memref_slice %arg7[%add3A_1912, %dma_wait3A_1919] : memref<160000x128xf32, #tpu.memory_space<hbm>> -> memref<128x128xf32, #tpu.memory_space<hbm>>
      tpu.wait_dma2 semaphore(%arg14 : memref<!tpu.dma_semaphore, #tpu.memory_space<semaphore_mem>>) src(%arg11 : memref<128x128xf32, #tpu.memory_space<vmem>>) dst(%dma_wait3A_1920 : memref<128x128xf32, #tpu.memory_space<hbm>>)
    } else {
    }
    %add3A_416 = arith.constant 384 : i32
    %add3A_417 = arith.addi %add3A_386, %add3A_416 : i32
    %add3A_418 = arith.constant 128 : i32
    %add3A_419 = arith.addi %add3A_417, %add3A_418 : i32
    %le3A_420 = arith.constant 160000 : i32
    %le3A_421 = arith.cmpi sle, %add3A_419, %le3A_420 : i32
    %convert_element_type3A_422 = arith.extui %le3A_421 : i1 to i32
    %cond3A_423 = arith.constant 0 : i32
    %cond3A_424 = arith.cmpi ne, %convert_element_type3A_422, %cond3A_423 : i32
    scf.if %cond3A_424 {
      %add3A_1901 = arith.constant 384 : i32
      %add3A_1902 = arith.addi %mul3A_388, %add3A_1901 : i32
      %dma_start3A_1903 = arith.constant 0 : i32
      %dma_start3A_1904 = tpu.memref_slice %arg13[%add3A_1902, %dma_start3A_1903] : memref<10496x128xf32, #tpu.memory_space<vmem_shared>> -> memref<128x128xf32, #tpu.memory_space<vmem_shared>>
      %dma_start3A_1905 = arith.constant 0 : i32
      %dma_start3A_1906 = tpu.memref_slice %arg13[%add3A_1902, %dma_start3A_1905] : memref<10496x128xf32, #tpu.memory_space<vmem_shared>> -> memref<128x128xf32, #tpu.memory_space<vmem_shared>>
      tpu.enqueue_dma source(%dma_start3A_1906 : memref<128x128xf32, #tpu.memory_space<vmem_shared>>) target(%arg11 : memref<128x128xf32, #tpu.memory_space<vmem>>) target_semaphore(%arg14 : memref<!tpu.dma_semaphore, #tpu.memory_space<semaphore_mem>>)
      %dma_wait3A_1907 = arith.constant 0 : i32
      %dma_wait3A_1908 = tpu.memref_slice %arg13[%add3A_1902, %dma_wait3A_1907] : memref<10496x128xf32, #tpu.memory_space<vmem_shared>> -> memref<128x128xf32, #tpu.memory_space<vmem_shared>>
      %dma_wait3A_1909 = arith.constant 0 : i32
      %dma_wait3A_1910 = tpu.memref_slice %arg13[%add3A_1902, %dma_wait3A_1909] : memref<10496x128xf32, #tpu.memory_space<vmem_shared>> -> memref<128x128xf32, #tpu.memory_space<vmem_shared>>
      tpu.wait_dma2 semaphore(%arg14 : memref<!tpu.dma_semaphore, #tpu.memory_space<semaphore_mem>>) src(%dma_wait3A_1910 : memref<128x128xf32, #tpu.memory_space<vmem_shared>>) dst(%arg11 : memref<128x128xf32, #tpu.memory_space<vmem>>)
      %add3A_1911 = arith.constant 384 : i32
      %add3A_1912 = arith.addi %add3A_386, %add3A_1911 : i32
      %dma_start3A_1913 = arith.constant 0 : i32
      %dma_start3A_1914 = tpu.memref_slice %arg7[%add3A_1912, %dma_start3A_1913] : memref<160000x128xf32, #tpu.memory_space<hbm>> -> memref<128x128xf32, #tpu.memory_space<hbm>>
      %dma_start3A_1915 = arith.constant 0 : i32
      %dma_start3A_1916 = tpu.memref_slice %arg7[%add3A_1912, %dma_start3A_1915] : memref<160000x128xf32, #tpu.memory_space<hbm>> -> memref<128x128xf32, #tpu.memory_space<hbm>>
      tpu.enqueue_dma source(%arg11 : memref<128x128xf32, #tpu.memory_space<vmem>>) target(%dma_start3A_1916 : memref<128x128xf32, #tpu.memory_space<hbm>>) target_semaphore(%arg14 : memref<!tpu.dma_semaphore, #tpu.memory_space<semaphore_mem>>)
      %dma_wait3A_1917 = arith.constant 0 : i32
      %dma_wait3A_1918 = tpu.memref_slice %arg7[%add3A_1912, %dma_wait3A_1917] : memref<160000x128xf32, #tpu.memory_space<hbm>> -> memref<128x128xf32, #tpu.memory_space<hbm>>
      %dma_wait3A_1919 = arith.constant 0 : i32
      %dma_wait3A_1920 = tpu.memref_slice %arg7[%add3A_1912, %dma_wait3A_1919] : memref<160000x128xf32, #tpu.memory_space<hbm>> -> memref<128x128xf32, #tpu.memory_space<hbm>>
      tpu.wait_dma2 semaphore(%arg14 : memref<!tpu.dma_semaphore, #tpu.memory_space<semaphore_mem>>) src(%arg11 : memref<128x128xf32, #tpu.memory_space<vmem>>) dst(%dma_wait3A_1920 : memref<128x128xf32, #tpu.memory_space<hbm>>)
    } else {
    }
    %add3A_425 = arith.constant 512 : i32
    %add3A_426 = arith.addi %add3A_386, %add3A_425 : i32
    %add3A_427 = arith.constant 128 : i32
    %add3A_428 = arith.addi %add3A_426, %add3A_427 : i32
    %le3A_429 = arith.constant 160000 : i32
    %le3A_430 = arith.cmpi sle, %add3A_428, %le3A_429 : i32
    %convert_element_type3A_431 = arith.extui %le3A_430 : i1 to i32
    %cond3A_432 = arith.constant 0 : i32
    %cond3A_433 = arith.cmpi ne, %convert_element_type3A_431, %cond3A_432 : i32
    scf.if %cond3A_433 {
      %add3A_1901 = arith.constant 512 : i32
      %add3A_1902 = arith.addi %mul3A_388, %add3A_1901 : i32
      %dma_start3A_1903 = arith.constant 0 : i32
      %dma_start3A_1904 = tpu.memref_slice %arg13[%add3A_1902, %dma_start3A_1903] : memref<10496x128xf32, #tpu.memory_space<vmem_shared>> -> memref<128x128xf32, #tpu.memory_space<vmem_shared>>
      %dma_start3A_1905 = arith.constant 0 : i32
      %dma_start3A_1906 = tpu.memref_slice %arg13[%add3A_1902, %dma_start3A_1905] : memref<10496x128xf32, #tpu.memory_space<vmem_shared>> -> memref<128x128xf32, #tpu.memory_space<vmem_shared>>
      tpu.enqueue_dma source(%dma_start3A_1906 : memref<128x128xf32, #tpu.memory_space<vmem_shared>>) target(%arg11 : memref<128x128xf32, #tpu.memory_space<vmem>>) target_semaphore(%arg14 : memref<!tpu.dma_semaphore, #tpu.memory_space<semaphore_mem>>)
      %dma_wait3A_1907 = arith.constant 0 : i32
      %dma_wait3A_1908 = tpu.memref_slice %arg13[%add3A_1902, %dma_wait3A_1907] : memref<10496x128xf32, #tpu.memory_space<vmem_shared>> -> memref<128x128xf32, #tpu.memory_space<vmem_shared>>
      %dma_wait3A_1909 = arith.constant 0 : i32
      %dma_wait3A_1910 = tpu.memref_slice %arg13[%add3A_1902, %dma_wait3A_1909] : memref<10496x128xf32, #tpu.memory_space<vmem_shared>> -> memref<128x128xf32, #tpu.memory_space<vmem_shared>>
      tpu.wait_dma2 semaphore(%arg14 : memref<!tpu.dma_semaphore, #tpu.memory_space<semaphore_mem>>) src(%dma_wait3A_1910 : memref<128x128xf32, #tpu.memory_space<vmem_shared>>) dst(%arg11 : memref<128x128xf32, #tpu.memory_space<vmem>>)
      %add3A_1911 = arith.constant 512 : i32
      %add3A_1912 = arith.addi %add3A_386, %add3A_1911 : i32
      %dma_start3A_1913 = arith.constant 0 : i32
      %dma_start3A_1914 = tpu.memref_slice %arg7[%add3A_1912, %dma_start3A_1913] : memref<160000x128xf32, #tpu.memory_space<hbm>> -> memref<128x128xf32, #tpu.memory_space<hbm>>
      %dma_start3A_1915 = arith.constant 0 : i32
      %dma_start3A_1916 = tpu.memref_slice %arg7[%add3A_1912, %dma_start3A_1915] : memref<160000x128xf32, #tpu.memory_space<hbm>> -> memref<128x128xf32, #tpu.memory_space<hbm>>
      tpu.enqueue_dma source(%arg11 : memref<128x128xf32, #tpu.memory_space<vmem>>) target(%dma_start3A_1916 : memref<128x128xf32, #tpu.memory_space<hbm>>) target_semaphore(%arg14 : memref<!tpu.dma_semaphore, #tpu.memory_space<semaphore_mem>>)
      %dma_wait3A_1917 = arith.constant 0 : i32
      %dma_wait3A_1918 = tpu.memref_slice %arg7[%add3A_1912, %dma_wait3A_1917] : memref<160000x128xf32, #tpu.memory_space<hbm>> -> memref<128x128xf32, #tpu.memory_space<hbm>>
      %dma_wait3A_1919 = arith.constant 0 : i32
      %dma_wait3A_1920 = tpu.memref_slice %arg7[%add3A_1912, %dma_wait3A_1919] : memref<160000x128xf32, #tpu.memory_space<hbm>> -> memref<128x128xf32, #tpu.memory_space<hbm>>
      tpu.wait_dma2 semaphore(%arg14 : memref<!tpu.dma_semaphore, #tpu.memory_space<semaphore_mem>>) src(%arg11 : memref<128x128xf32, #tpu.memory_space<vmem>>) dst(%dma_wait3A_1920 : memref<128x128xf32, #tpu.memory_space<hbm>>)
    } else {
    }
    %mul3A_434 = arith.constant 656 : i32
    %mul3A_435 = arith.muli %arg1, %mul3A_434 : i32
    %add3A_436 = arith.constant 0 : i32
    %add3A_437 = arith.addi %mul3A_435, %add3A_436 : i32
    %dma_start3A_438 = arith.constant 0 : i32
    %dma_start3A_439 = arith.constant 0 : i32
    %dma_start3A_440 = tpu.memref_slice %arg12[%dma_start3A_438, %dma_start3A_439] : memref<128x128xf32, #tpu.memory_space<vmem>> -> memref<128x128xf32, #tpu.memory_space<vmem>>
    %dma_start3A_441 = arith.constant 0 : i32
    %dma_start3A_442 = tpu.memref_slice %arg13[%add3A_437, %dma_start3A_441] : memref<10496x128xf32, #tpu.memory_space<vmem_shared>> -> memref<128x128xf32, #tpu.memory_space<vmem_shared>>
    %dma_start3A_443 = arith.constant 0 : i32
    %dma_start3A_444 = tpu.memref_slice %arg13[%add3A_437, %dma_start3A_443] : memref<10496x128xf32, #tpu.memory_space<vmem_shared>> -> memref<128x128xf32, #tpu.memory_space<vmem_shared>>
    %dma_start3A_445 = arith.constant 0 : i32
    %dma_start3A_446 = arith.constant 0 : i32
    %dma_start3A_447 = tpu.memref_slice %arg12[%dma_start3A_445, %dma_start3A_446] : memref<128x128xf32, #tpu.memory_space<vmem>> -> memref<128x128xf32, #tpu.memory_space<vmem>>
    tpu.enqueue_dma source(%dma_start3A_447 : memref<128x128xf32, #tpu.memory_space<vmem>>) target(%dma_start3A_444 : memref<128x128xf32, #tpu.memory_space<vmem_shared>>) target_semaphore(%arg14 : memref<!tpu.dma_semaphore, #tpu.memory_space<semaphore_mem>>)
    %dma_wait3A_448 = arith.constant 0 : i32
    %dma_wait3A_449 = arith.constant 0 : i32
    %dma_wait3A_450 = tpu.memref_slice %arg12[%dma_wait3A_448, %dma_wait3A_449] : memref<128x128xf32, #tpu.memory_space<vmem>> -> memref<128x128xf32, #tpu.memory_space<vmem>>
    %dma_wait3A_451 = arith.constant 0 : i32
    %dma_wait3A_452 = tpu.memref_slice %arg13[%add3A_437, %dma_wait3A_451] : memref<10496x128xf32, #tpu.memory_space<vmem_shared>> -> memref<128x128xf32, #tpu.memory_space<vmem_shared>>
    %dma_wait3A_453 = arith.constant 0 : i32
    %dma_wait3A_454 = tpu.memref_slice %arg13[%add3A_437, %dma_wait3A_453] : memref<10496x128xf32, #tpu.memory_space<vmem_shared>> -> memref<128x128xf32, #tpu.memory_space<vmem_shared>>
    %dma_wait3A_455 = arith.constant 0 : i32
    %dma_wait3A_456 = arith.constant 0 : i32
    %dma_wait3A_457 = tpu.memref_slice %arg12[%dma_wait3A_455, %dma_wait3A_456] : memref<128x128xf32, #tpu.memory_space<vmem>> -> memref<128x128xf32, #tpu.memory_space<vmem>>
    tpu.wait_dma2 semaphore(%arg14 : memref<!tpu.dma_semaphore, #tpu.memory_space<semaphore_mem>>) src(%dma_wait3A_457 : memref<128x128xf32, #tpu.memory_space<vmem>>) dst(%dma_wait3A_454 : memref<128x128xf32, #tpu.memory_space<vmem_shared>>)
    %add3A_458 = arith.constant 128 : i32
    %add3A_459 = arith.addi %mul3A_435, %add3A_458 : i32
    %dma_start3A_460 = arith.constant 0 : i32
    %dma_start3A_461 = arith.constant 0 : i32
    %dma_start3A_462 = tpu.memref_slice %arg12[%dma_start3A_460, %dma_start3A_461] : memref<128x128xf32, #tpu.memory_space<vmem>> -> memref<128x128xf32, #tpu.memory_space<vmem>>
    %dma_start3A_463 = arith.constant 0 : i32
    %dma_start3A_464 = tpu.memref_slice %arg13[%add3A_459, %dma_start3A_463] : memref<10496x128xf32, #tpu.memory_space<vmem_shared>> -> memref<128x128xf32, #tpu.memory_space<vmem_shared>>
    %dma_start3A_465 = arith.constant 0 : i32
    %dma_start3A_466 = tpu.memref_slice %arg13[%add3A_459, %dma_start3A_465] : memref<10496x128xf32, #tpu.memory_space<vmem_shared>> -> memref<128x128xf32, #tpu.memory_space<vmem_shared>>
    %dma_start3A_467 = arith.constant 0 : i32
    %dma_start3A_468 = arith.constant 0 : i32
    %dma_start3A_469 = tpu.memref_slice %arg12[%dma_start3A_467, %dma_start3A_468] : memref<128x128xf32, #tpu.memory_space<vmem>> -> memref<128x128xf32, #tpu.memory_space<vmem>>
    tpu.enqueue_dma source(%dma_start3A_469 : memref<128x128xf32, #tpu.memory_space<vmem>>) target(%dma_start3A_466 : memref<128x128xf32, #tpu.memory_space<vmem_shared>>) target_semaphore(%arg14 : memref<!tpu.dma_semaphore, #tpu.memory_space<semaphore_mem>>)
    %dma_wait3A_470 = arith.constant 0 : i32
    %dma_wait3A_471 = arith.constant 0 : i32
    %dma_wait3A_472 = tpu.memref_slice %arg12[%dma_wait3A_470, %dma_wait3A_471] : memref<128x128xf32, #tpu.memory_space<vmem>> -> memref<128x128xf32, #tpu.memory_space<vmem>>
    %dma_wait3A_473 = arith.constant 0 : i32
    %dma_wait3A_474 = tpu.memref_slice %arg13[%add3A_459, %dma_wait3A_473] : memref<10496x128xf32, #tpu.memory_space<vmem_shared>> -> memref<128x128xf32, #tpu.memory_space<vmem_shared>>
    %dma_wait3A_475 = arith.constant 0 : i32
    %dma_wait3A_476 = tpu.memref_slice %arg13[%add3A_459, %dma_wait3A_475] : memref<10496x128xf32, #tpu.memory_space<vmem_shared>> -> memref<128x128xf32, #tpu.memory_space<vmem_shared>>
    %dma_wait3A_477 = arith.constant 0 : i32
    %dma_wait3A_478 = arith.constant 0 : i32
    %dma_wait3A_479 = tpu.memref_slice %arg12[%dma_wait3A_477, %dma_wait3A_478] : memref<128x128xf32, #tpu.memory_space<vmem>> -> memref<128x128xf32, #tpu.memory_space<vmem>>
    tpu.wait_dma2 semaphore(%arg14 : memref<!tpu.dma_semaphore, #tpu.memory_space<semaphore_mem>>) src(%dma_wait3A_479 : memref<128x128xf32, #tpu.memory_space<vmem>>) dst(%dma_wait3A_476 : memref<128x128xf32, #tpu.memory_space<vmem_shared>>)
    %add3A_480 = arith.constant 256 : i32
    %add3A_481 = arith.addi %mul3A_435, %add3A_480 : i32
    %dma_start3A_482 = arith.constant 0 : i32
    %dma_start3A_483 = arith.constant 0 : i32
    %dma_start3A_484 = tpu.memref_slice %arg12[%dma_start3A_482, %dma_start3A_483] : memref<128x128xf32, #tpu.memory_space<vmem>> -> memref<128x128xf32, #tpu.memory_space<vmem>>
    %dma_start3A_485 = arith.constant 0 : i32
    %dma_start3A_486 = tpu.memref_slice %arg13[%add3A_481, %dma_start3A_485] : memref<10496x128xf32, #tpu.memory_space<vmem_shared>> -> memref<128x128xf32, #tpu.memory_space<vmem_shared>>
    %dma_start3A_487 = arith.constant 0 : i32
    %dma_start3A_488 = tpu.memref_slice %arg13[%add3A_481, %dma_start3A_487] : memref<10496x128xf32, #tpu.memory_space<vmem_shared>> -> memref<128x128xf32, #tpu.memory_space<vmem_shared>>
    %dma_start3A_489 = arith.constant 0 : i32
    %dma_start3A_490 = arith.constant 0 : i32
    %dma_start3A_491 = tpu.memref_slice %arg12[%dma_start3A_489, %dma_start3A_490] : memref<128x128xf32, #tpu.memory_space<vmem>> -> memref<128x128xf32, #tpu.memory_space<vmem>>
    tpu.enqueue_dma source(%dma_start3A_491 : memref<128x128xf32, #tpu.memory_space<vmem>>) target(%dma_start3A_488 : memref<128x128xf32, #tpu.memory_space<vmem_shared>>) target_semaphore(%arg14 : memref<!tpu.dma_semaphore, #tpu.memory_space<semaphore_mem>>)
    %dma_wait3A_492 = arith.constant 0 : i32
    %dma_wait3A_493 = arith.constant 0 : i32
    %dma_wait3A_494 = tpu.memref_slice %arg12[%dma_wait3A_492, %dma_wait3A_493] : memref<128x128xf32, #tpu.memory_space<vmem>> -> memref<128x128xf32, #tpu.memory_space<vmem>>
    %dma_wait3A_495 = arith.constant 0 : i32
    %dma_wait3A_496 = tpu.memref_slice %arg13[%add3A_481, %dma_wait3A_495] : memref<10496x128xf32, #tpu.memory_space<vmem_shared>> -> memref<128x128xf32, #tpu.memory_space<vmem_shared>>
    %dma_wait3A_497 = arith.constant 0 : i32
    %dma_wait3A_498 = tpu.memref_slice %arg13[%add3A_481, %dma_wait3A_497] : memref<10496x128xf32, #tpu.memory_space<vmem_shared>> -> memref<128x128xf32, #tpu.memory_space<vmem_shared>>
    %dma_wait3A_499 = arith.constant 0 : i32
    %dma_wait3A_500 = arith.constant 0 : i32
    %dma_wait3A_501 = tpu.memref_slice %arg12[%dma_wait3A_499, %dma_wait3A_500] : memref<128x128xf32, #tpu.memory_space<vmem>> -> memref<128x128xf32, #tpu.memory_space<vmem>>
    tpu.wait_dma2 semaphore(%arg14 : memref<!tpu.dma_semaphore, #tpu.memory_space<semaphore_mem>>) src(%dma_wait3A_501 : memref<128x128xf32, #tpu.memory_space<vmem>>) dst(%dma_wait3A_498 : memref<128x128xf32, #tpu.memory_space<vmem_shared>>)
    %add3A_502 = arith.constant 384 : i32
    %add3A_503 = arith.addi %mul3A_435, %add3A_502 : i32
    %dma_start3A_504 = arith.constant 0 : i32
    %dma_start3A_505 = arith.constant 0 : i32
    %dma_start3A_506 = tpu.memref_slice %arg12[%dma_start3A_504, %dma_start3A_505] : memref<128x128xf32, #tpu.memory_space<vmem>> -> memref<128x128xf32, #tpu.memory_space<vmem>>
    %dma_start3A_507 = arith.constant 0 : i32
    %dma_start3A_508 = tpu.memref_slice %arg13[%add3A_503, %dma_start3A_507] : memref<10496x128xf32, #tpu.memory_space<vmem_shared>> -> memref<128x128xf32, #tpu.memory_space<vmem_shared>>
    %dma_start3A_509 = arith.constant 0 : i32
    %dma_start3A_510 = tpu.memref_slice %arg13[%add3A_503, %dma_start3A_509] : memref<10496x128xf32, #tpu.memory_space<vmem_shared>> -> memref<128x128xf32, #tpu.memory_space<vmem_shared>>
    %dma_start3A_511 = arith.constant 0 : i32
    %dma_start3A_512 = arith.constant 0 : i32
    %dma_start3A_513 = tpu.memref_slice %arg12[%dma_start3A_511, %dma_start3A_512] : memref<128x128xf32, #tpu.memory_space<vmem>> -> memref<128x128xf32, #tpu.memory_space<vmem>>
    tpu.enqueue_dma source(%dma_start3A_513 : memref<128x128xf32, #tpu.memory_space<vmem>>) target(%dma_start3A_510 : memref<128x128xf32, #tpu.memory_space<vmem_shared>>) target_semaphore(%arg14 : memref<!tpu.dma_semaphore, #tpu.memory_space<semaphore_mem>>)
    %dma_wait3A_514 = arith.constant 0 : i32
    %dma_wait3A_515 = arith.constant 0 : i32
    %dma_wait3A_516 = tpu.memref_slice %arg12[%dma_wait3A_514, %dma_wait3A_515] : memref<128x128xf32, #tpu.memory_space<vmem>> -> memref<128x128xf32, #tpu.memory_space<vmem>>
    %dma_wait3A_517 = arith.constant 0 : i32
    %dma_wait3A_518 = tpu.memref_slice %arg13[%add3A_503, %dma_wait3A_517] : memref<10496x128xf32, #tpu.memory_space<vmem_shared>> -> memref<128x128xf32, #tpu.memory_space<vmem_shared>>
    %dma_wait3A_519 = arith.constant 0 : i32
    %dma_wait3A_520 = tpu.memref_slice %arg13[%add3A_503, %dma_wait3A_519] : memref<10496x128xf32, #tpu.memory_space<vmem_shared>> -> memref<128x128xf32, #tpu.memory_space<vmem_shared>>
    %dma_wait3A_521 = arith.constant 0 : i32
    %dma_wait3A_522 = arith.constant 0 : i32
    %dma_wait3A_523 = tpu.memref_slice %arg12[%dma_wait3A_521, %dma_wait3A_522] : memref<128x128xf32, #tpu.memory_space<vmem>> -> memref<128x128xf32, #tpu.memory_space<vmem>>
    tpu.wait_dma2 semaphore(%arg14 : memref<!tpu.dma_semaphore, #tpu.memory_space<semaphore_mem>>) src(%dma_wait3A_523 : memref<128x128xf32, #tpu.memory_space<vmem>>) dst(%dma_wait3A_520 : memref<128x128xf32, #tpu.memory_space<vmem_shared>>)
    %add3A_524 = arith.constant 512 : i32
    %add3A_525 = arith.addi %mul3A_435, %add3A_524 : i32
    %dma_start3A_526 = arith.constant 0 : i32
    %dma_start3A_527 = arith.constant 0 : i32
    %dma_start3A_528 = tpu.memref_slice %arg12[%dma_start3A_526, %dma_start3A_527] : memref<128x128xf32, #tpu.memory_space<vmem>> -> memref<128x128xf32, #tpu.memory_space<vmem>>
    %dma_start3A_529 = arith.constant 0 : i32
    %dma_start3A_530 = tpu.memref_slice %arg13[%add3A_525, %dma_start3A_529] : memref<10496x128xf32, #tpu.memory_space<vmem_shared>> -> memref<128x128xf32, #tpu.memory_space<vmem_shared>>
    %dma_start3A_531 = arith.constant 0 : i32
    %dma_start3A_532 = tpu.memref_slice %arg13[%add3A_525, %dma_start3A_531] : memref<10496x128xf32, #tpu.memory_space<vmem_shared>> -> memref<128x128xf32, #tpu.memory_space<vmem_shared>>
    %dma_start3A_533 = arith.constant 0 : i32
    %dma_start3A_534 = arith.constant 0 : i32
    %dma_start3A_535 = tpu.memref_slice %arg12[%dma_start3A_533, %dma_start3A_534] : memref<128x128xf32, #tpu.memory_space<vmem>> -> memref<128x128xf32, #tpu.memory_space<vmem>>
    tpu.enqueue_dma source(%dma_start3A_535 : memref<128x128xf32, #tpu.memory_space<vmem>>) target(%dma_start3A_532 : memref<128x128xf32, #tpu.memory_space<vmem_shared>>) target_semaphore(%arg14 : memref<!tpu.dma_semaphore, #tpu.memory_space<semaphore_mem>>)
    %dma_wait3A_536 = arith.constant 0 : i32
    %dma_wait3A_537 = arith.constant 0 : i32
    %dma_wait3A_538 = tpu.memref_slice %arg12[%dma_wait3A_536, %dma_wait3A_537] : memref<128x128xf32, #tpu.memory_space<vmem>> -> memref<128x128xf32, #tpu.memory_space<vmem>>
    %dma_wait3A_539 = arith.constant 0 : i32
    %dma_wait3A_540 = tpu.memref_slice %arg13[%add3A_525, %dma_wait3A_539] : memref<10496x128xf32, #tpu.memory_space<vmem_shared>> -> memref<128x128xf32, #tpu.memory_space<vmem_shared>>
    %dma_wait3A_541 = arith.constant 0 : i32
    %dma_wait3A_542 = tpu.memref_slice %arg13[%add3A_525, %dma_wait3A_541] : memref<10496x128xf32, #tpu.memory_space<vmem_shared>> -> memref<128x128xf32, #tpu.memory_space<vmem_shared>>
    %dma_wait3A_543 = arith.constant 0 : i32
    %dma_wait3A_544 = arith.constant 0 : i32
    %dma_wait3A_545 = tpu.memref_slice %arg12[%dma_wait3A_543, %dma_wait3A_544] : memref<128x128xf32, #tpu.memory_space<vmem>> -> memref<128x128xf32, #tpu.memory_space<vmem>>
    tpu.wait_dma2 semaphore(%arg14 : memref<!tpu.dma_semaphore, #tpu.memory_space<semaphore_mem>>) src(%dma_wait3A_545 : memref<128x128xf32, #tpu.memory_space<vmem>>) dst(%dma_wait3A_542 : memref<128x128xf32, #tpu.memory_space<vmem_shared>>)
    %add3A_546 = arith.constant 640 : i32
    %add3A_547 = arith.addi %mul3A_435, %add3A_546 : i32
    %dma_start3A_548 = arith.constant 0 : i32
    %dma_start3A_549 = arith.constant 0 : i32
    %dma_start3A_550 = tpu.memref_slice %arg12[%dma_start3A_548, %dma_start3A_549] : memref<128x128xf32, #tpu.memory_space<vmem>> -> memref<16x128xf32, #tpu.memory_space<vmem>>
    %dma_start3A_551 = arith.constant 0 : i32
    %dma_start3A_552 = tpu.memref_slice %arg13[%add3A_547, %dma_start3A_551] : memref<10496x128xf32, #tpu.memory_space<vmem_shared>> -> memref<16x128xf32, #tpu.memory_space<vmem_shared>>
    %dma_start3A_553 = arith.constant 0 : i32
    %dma_start3A_554 = tpu.memref_slice %arg13[%add3A_547, %dma_start3A_553] : memref<10496x128xf32, #tpu.memory_space<vmem_shared>> -> memref<16x128xf32, #tpu.memory_space<vmem_shared>>
    %dma_start3A_555 = arith.constant 0 : i32
    %dma_start3A_556 = arith.constant 0 : i32
    %dma_start3A_557 = tpu.memref_slice %arg12[%dma_start3A_555, %dma_start3A_556] : memref<128x128xf32, #tpu.memory_space<vmem>> -> memref<16x128xf32, #tpu.memory_space<vmem>>
    tpu.enqueue_dma source(%dma_start3A_557 : memref<16x128xf32, #tpu.memory_space<vmem>>) target(%dma_start3A_554 : memref<16x128xf32, #tpu.memory_space<vmem_shared>>) target_semaphore(%arg14 : memref<!tpu.dma_semaphore, #tpu.memory_space<semaphore_mem>>)
    %dma_wait3A_558 = arith.constant 0 : i32
    %dma_wait3A_559 = arith.constant 0 : i32
    %dma_wait3A_560 = tpu.memref_slice %arg12[%dma_wait3A_558, %dma_wait3A_559] : memref<128x128xf32, #tpu.memory_space<vmem>> -> memref<16x128xf32, #tpu.memory_space<vmem>>
    %dma_wait3A_561 = arith.constant 0 : i32
    %dma_wait3A_562 = tpu.memref_slice %arg13[%add3A_547, %dma_wait3A_561] : memref<10496x128xf32, #tpu.memory_space<vmem_shared>> -> memref<16x128xf32, #tpu.memory_space<vmem_shared>>
    %dma_wait3A_563 = arith.constant 0 : i32
    %dma_wait3A_564 = tpu.memref_slice %arg13[%add3A_547, %dma_wait3A_563] : memref<10496x128xf32, #tpu.memory_space<vmem_shared>> -> memref<16x128xf32, #tpu.memory_space<vmem_shared>>
    %dma_wait3A_565 = arith.constant 0 : i32
    %dma_wait3A_566 = arith.constant 0 : i32
    %dma_wait3A_567 = tpu.memref_slice %arg12[%dma_wait3A_565, %dma_wait3A_566] : memref<128x128xf32, #tpu.memory_space<vmem>> -> memref<16x128xf32, #tpu.memory_space<vmem>>
    tpu.wait_dma2 semaphore(%arg14 : memref<!tpu.dma_semaphore, #tpu.memory_space<semaphore_mem>>) src(%dma_wait3A_567 : memref<16x128xf32, #tpu.memory_space<vmem>>) dst(%dma_wait3A_564 : memref<16x128xf32, #tpu.memory_space<vmem_shared>>)
    %barrier3A_568 = arith.constant 0 : index
    tpu.barrier barrier_id(%barrier3A_568)
    %add3A_569 = arith.constant 4 : i32
    %add3A_570 = arith.addi %add3A_569, %arg0 : i32
    %eq3A_571 = arith.constant 0 : i32
    %eq3A_572 = arith.cmpi eq, %arg0, %eq3A_571 : i32
    %slice3A_573 = vector.extract_strided_slice %get3A_131 {offsets = [4], sizes = [1], strides = [1]} : vector<16xi32> to vector<1xi32>
    %squeeze3A_574 = vector.extract %slice3A_573[0] : i32 from vector<1xi32>
    %slice3A_575 = vector.extract_strided_slice %get3A_131 {offsets = [5], sizes = [1], strides = [1]} : vector<16xi32> to vector<1xi32>
    %squeeze3A_576 = vector.extract %slice3A_575[0] : i32 from vector<1xi32>
    %select_n3A_577 = arith.select %eq3A_572, %squeeze3A_574, %squeeze3A_576 : i32
    %eq3A_578 = arith.constant 0 : i32
    %eq3A_579 = arith.cmpi eq, %arg0, %eq3A_578 : i32
    %slice3A_580 = vector.extract_strided_slice %get3A_131 {offsets = [5], sizes = [1], strides = [1]} : vector<16xi32> to vector<1xi32>
    %squeeze3A_581 = vector.extract %slice3A_580[0] : i32 from vector<1xi32>
    %slice3A_582 = vector.extract_strided_slice %get3A_131 {offsets = [6], sizes = [1], strides = [1]} : vector<16xi32> to vector<1xi32>
    %squeeze3A_583 = vector.extract %slice3A_582[0] : i32 from vector<1xi32>
    %select_n3A_584 = arith.select %eq3A_579, %squeeze3A_581, %squeeze3A_583 : i32
    %add3A_585 = arith.addi %select_n3A_577, %arg1 : i32
    %sub3A_586 = arith.subi %select_n3A_584, %add3A_585 : i32
    %sub3A_587 = arith.constant 16 : i32
    %sub3A_588 = arith.constant 1 : i32
    %sub3A_589 = arith.subi %sub3A_587, %sub3A_588 : i32
    %add3A_590 = arith.addi %sub3A_586, %sub3A_589 : i32
    %div3A_591 = arith.constant 16 : i32
    %div3A_592 = arith.divsi %add3A_590, %div3A_591 : i32
    %while3A_593 = arith.constant 16 : i32
    %while3A_594 = arith.constant 0 : i32
    %while3A_595 = arith.subi %div3A_592, %while3A_594 : i32
    %while3A_596 = arith.addi %while3A_594, %while3A_595 : i32
    %while3A_597 = arith.constant 1 : i32
    %while3A_598 = arith.divsi %while3A_595, %while3A_597 : i32
    %while3A_599 = arith.muli %while3A_598, %while3A_597 : i32
    %while3A_600 = arith.addi %while3A_594, %while3A_599 : i32
    %while3A_601 = arith.constant 1 : i32
    scf.for %while3A_1901 = %while3A_594 to %while3A_600 step %while3A_601  : i32 {
      %mul3A_1902 = arith.muli %while3A_1901, %while3A_593 : i32
      %add3A_1903 = arith.addi %add3A_585, %mul3A_1902 : i32
      %mul3A_1904 = arith.constant 128 : i32
      %mul3A_1905 = arith.muli %add3A_1903, %mul3A_1904 : i32
      %dma_start3A_1906 = tpu.memref_slice %arg3[%mul3A_1905] : memref<642048xi32, #tpu.memory_space<hbm>> -> memref<128xi32, #tpu.memory_space<hbm>>
      %dma_start3A_1907 = tpu.memref_slice %arg3[%mul3A_1905] : memref<642048xi32, #tpu.memory_space<hbm>> -> memref<128xi32, #tpu.memory_space<hbm>>
      tpu.enqueue_dma source(%dma_start3A_1907 : memref<128xi32, #tpu.memory_space<hbm>>) target(%arg9 : memref<128xi32, #tpu.memory_space<vmem>>) target_semaphore(%arg14 : memref<!tpu.dma_semaphore, #tpu.memory_space<semaphore_mem>>)
      %mul3A_1908 = arith.constant 128 : i32
      %mul3A_1909 = arith.muli %add3A_1903, %mul3A_1908 : i32
      %dma_start3A_1910 = tpu.memref_slice %arg4[%mul3A_1909] : memref<642048xi32, #tpu.memory_space<hbm>> -> memref<128xi32, #tpu.memory_space<hbm>>
      %dma_start3A_1911 = tpu.memref_slice %arg4[%mul3A_1909] : memref<642048xi32, #tpu.memory_space<hbm>> -> memref<128xi32, #tpu.memory_space<hbm>>
      tpu.enqueue_dma source(%dma_start3A_1911 : memref<128xi32, #tpu.memory_space<hbm>>) target(%arg10 : memref<128xi32, #tpu.memory_space<vmem>>) target_semaphore(%arg15 : memref<!tpu.dma_semaphore, #tpu.memory_space<semaphore_mem>>)
      %dma_wait3A_1912 = tpu.memref_slice %arg3[%mul3A_1905] : memref<642048xi32, #tpu.memory_space<hbm>> -> memref<128xi32, #tpu.memory_space<hbm>>
      %dma_wait3A_1913 = tpu.memref_slice %arg3[%mul3A_1905] : memref<642048xi32, #tpu.memory_space<hbm>> -> memref<128xi32, #tpu.memory_space<hbm>>
      tpu.wait_dma2 semaphore(%arg14 : memref<!tpu.dma_semaphore, #tpu.memory_space<semaphore_mem>>) src(%dma_wait3A_1913 : memref<128xi32, #tpu.memory_space<hbm>>) dst(%arg9 : memref<128xi32, #tpu.memory_space<vmem>>)
      %dma_wait3A_1914 = tpu.memref_slice %arg4[%mul3A_1909] : memref<642048xi32, #tpu.memory_space<hbm>> -> memref<128xi32, #tpu.memory_space<hbm>>
      %dma_wait3A_1915 = tpu.memref_slice %arg4[%mul3A_1909] : memref<642048xi32, #tpu.memory_space<hbm>> -> memref<128xi32, #tpu.memory_space<hbm>>
      tpu.wait_dma2 semaphore(%arg15 : memref<!tpu.dma_semaphore, #tpu.memory_space<semaphore_mem>>) src(%dma_wait3A_1915 : memref<128xi32, #tpu.memory_space<hbm>>) dst(%arg10 : memref<128xi32, #tpu.memory_space<vmem>>)
      %dma_start3A_1916 = arith.constant 0 : i32
      %dma_start3A_1917 = arith.constant 0 : i32
      %dma_start3A_1918 = tpu.memref_slice %arg2[%dma_start3A_1916, %dma_start3A_1917] : memref<160000x128xf32, #tpu.memory_space<hbm>> -> memref<160000x128xf32, #tpu.memory_space<hbm>>
      tpu.enqueue_indirect_dma source(%dma_start3A_1918 : memref<160000x128xf32, #tpu.memory_space<hbm>>) target(%arg11 : memref<128x128xf32, #tpu.memory_space<vmem>>) offsets(%arg9 : memref<128xi32, #tpu.memory_space<vmem>>) semaphore(%arg14 : memref<!tpu.dma_semaphore, #tpu.memory_space<semaphore_mem>>)
      %dma_wait3A_1919 = arith.constant 0 : i32
      %dma_wait3A_1920 = arith.constant 0 : i32
      %dma_wait3A_1921 = tpu.memref_slice %arg2[%dma_wait3A_1919, %dma_wait3A_1920] : memref<160000x128xf32, #tpu.memory_space<hbm>> -> memref<160000x128xf32, #tpu.memory_space<hbm>>
      tpu.wait_indirect_dma semaphore(%arg14 : memref<!tpu.dma_semaphore, #tpu.memory_space<semaphore_mem>>) src(%dma_wait3A_1921 : memref<160000x128xf32, #tpu.memory_space<hbm>>) dst(%arg11 : memref<128x128xf32, #tpu.memory_space<vmem>>)
      %dma_start3A_1922 = arith.constant 0 : i32
      %dma_start3A_1923 = arith.constant 0 : i32
      %dma_start3A_1924 = tpu.memref_slice %arg13[%dma_start3A_1922, %dma_start3A_1923] : memref<10496x128xf32, #tpu.memory_space<vmem_shared>> -> memref<10496x128xf32, #tpu.memory_space<vmem_shared>>
      tpu.enqueue_indirect_dma source(%arg11 : memref<128x128xf32, #tpu.memory_space<vmem>>) target(%dma_start3A_1924 : memref<10496x128xf32, #tpu.memory_space<vmem_shared>>) offsets(%arg10 : memref<128xi32, #tpu.memory_space<vmem>>) semaphore(%arg15 : memref<!tpu.dma_semaphore, #tpu.memory_space<semaphore_mem>>) {add = true}
      %dma_wait3A_1925 = arith.constant 0 : i32
      %dma_wait3A_1926 = arith.constant 0 : i32
      %dma_wait3A_1927 = tpu.memref_slice %arg13[%dma_wait3A_1925, %dma_wait3A_1926] : memref<10496x128xf32, #tpu.memory_space<vmem_shared>> -> memref<10496x128xf32, #tpu.memory_space<vmem_shared>>
      tpu.wait_indirect_dma semaphore(%arg15 : memref<!tpu.dma_semaphore, #tpu.memory_space<semaphore_mem>>) src(%arg11 : memref<128x128xf32, #tpu.memory_space<vmem>>) dst(%dma_wait3A_1927 : memref<10496x128xf32, #tpu.memory_space<vmem_shared>>)
    }
    %while3A_602 = arith.constant 1 : i32
    scf.for %while3A_1901 = %while3A_600 to %while3A_596 step %while3A_602  : i32 {
      %mul3A_1902 = arith.muli %while3A_1901, %while3A_593 : i32
      %add3A_1903 = arith.addi %add3A_585, %mul3A_1902 : i32
      %mul3A_1904 = arith.constant 128 : i32
      %mul3A_1905 = arith.muli %add3A_1903, %mul3A_1904 : i32
      %dma_start3A_1906 = tpu.memref_slice %arg3[%mul3A_1905] : memref<642048xi32, #tpu.memory_space<hbm>> -> memref<128xi32, #tpu.memory_space<hbm>>
      %dma_start3A_1907 = tpu.memref_slice %arg3[%mul3A_1905] : memref<642048xi32, #tpu.memory_space<hbm>> -> memref<128xi32, #tpu.memory_space<hbm>>
      tpu.enqueue_dma source(%dma_start3A_1907 : memref<128xi32, #tpu.memory_space<hbm>>) target(%arg9 : memref<128xi32, #tpu.memory_space<vmem>>) target_semaphore(%arg14 : memref<!tpu.dma_semaphore, #tpu.memory_space<semaphore_mem>>)
      %mul3A_1908 = arith.constant 128 : i32
      %mul3A_1909 = arith.muli %add3A_1903, %mul3A_1908 : i32
      %dma_start3A_1910 = tpu.memref_slice %arg4[%mul3A_1909] : memref<642048xi32, #tpu.memory_space<hbm>> -> memref<128xi32, #tpu.memory_space<hbm>>
      %dma_start3A_1911 = tpu.memref_slice %arg4[%mul3A_1909] : memref<642048xi32, #tpu.memory_space<hbm>> -> memref<128xi32, #tpu.memory_space<hbm>>
      tpu.enqueue_dma source(%dma_start3A_1911 : memref<128xi32, #tpu.memory_space<hbm>>) target(%arg10 : memref<128xi32, #tpu.memory_space<vmem>>) target_semaphore(%arg15 : memref<!tpu.dma_semaphore, #tpu.memory_space<semaphore_mem>>)
      %dma_wait3A_1912 = tpu.memref_slice %arg3[%mul3A_1905] : memref<642048xi32, #tpu.memory_space<hbm>> -> memref<128xi32, #tpu.memory_space<hbm>>
      %dma_wait3A_1913 = tpu.memref_slice %arg3[%mul3A_1905] : memref<642048xi32, #tpu.memory_space<hbm>> -> memref<128xi32, #tpu.memory_space<hbm>>
      tpu.wait_dma2 semaphore(%arg14 : memref<!tpu.dma_semaphore, #tpu.memory_space<semaphore_mem>>) src(%dma_wait3A_1913 : memref<128xi32, #tpu.memory_space<hbm>>) dst(%arg9 : memref<128xi32, #tpu.memory_space<vmem>>)
      %dma_wait3A_1914 = tpu.memref_slice %arg4[%mul3A_1909] : memref<642048xi32, #tpu.memory_space<hbm>> -> memref<128xi32, #tpu.memory_space<hbm>>
      %dma_wait3A_1915 = tpu.memref_slice %arg4[%mul3A_1909] : memref<642048xi32, #tpu.memory_space<hbm>> -> memref<128xi32, #tpu.memory_space<hbm>>
      tpu.wait_dma2 semaphore(%arg15 : memref<!tpu.dma_semaphore, #tpu.memory_space<semaphore_mem>>) src(%dma_wait3A_1915 : memref<128xi32, #tpu.memory_space<hbm>>) dst(%arg10 : memref<128xi32, #tpu.memory_space<vmem>>)
      %dma_start3A_1916 = arith.constant 0 : i32
      %dma_start3A_1917 = arith.constant 0 : i32
      %dma_start3A_1918 = tpu.memref_slice %arg2[%dma_start3A_1916, %dma_start3A_1917] : memref<160000x128xf32, #tpu.memory_space<hbm>> -> memref<160000x128xf32, #tpu.memory_space<hbm>>
      tpu.enqueue_indirect_dma source(%dma_start3A_1918 : memref<160000x128xf32, #tpu.memory_space<hbm>>) target(%arg11 : memref<128x128xf32, #tpu.memory_space<vmem>>) offsets(%arg9 : memref<128xi32, #tpu.memory_space<vmem>>) semaphore(%arg14 : memref<!tpu.dma_semaphore, #tpu.memory_space<semaphore_mem>>)
      %dma_wait3A_1919 = arith.constant 0 : i32
      %dma_wait3A_1920 = arith.constant 0 : i32
      %dma_wait3A_1921 = tpu.memref_slice %arg2[%dma_wait3A_1919, %dma_wait3A_1920] : memref<160000x128xf32, #tpu.memory_space<hbm>> -> memref<160000x128xf32, #tpu.memory_space<hbm>>
      tpu.wait_indirect_dma semaphore(%arg14 : memref<!tpu.dma_semaphore, #tpu.memory_space<semaphore_mem>>) src(%dma_wait3A_1921 : memref<160000x128xf32, #tpu.memory_space<hbm>>) dst(%arg11 : memref<128x128xf32, #tpu.memory_space<vmem>>)
      %dma_start3A_1922 = arith.constant 0 : i32
      %dma_start3A_1923 = arith.constant 0 : i32
      %dma_start3A_1924 = tpu.memref_slice %arg13[%dma_start3A_1922, %dma_start3A_1923] : memref<10496x128xf32, #tpu.memory_space<vmem_shared>> -> memref<10496x128xf32, #tpu.memory_space<vmem_shared>>
      tpu.enqueue_indirect_dma source(%arg11 : memref<128x128xf32, #tpu.memory_space<vmem>>) target(%dma_start3A_1924 : memref<10496x128xf32, #tpu.memory_space<vmem_shared>>) offsets(%arg10 : memref<128xi32, #tpu.memory_space<vmem>>) semaphore(%arg15 : memref<!tpu.dma_semaphore, #tpu.memory_space<semaphore_mem>>) {add = true}
      %dma_wait3A_1925 = arith.constant 0 : i32
      %dma_wait3A_1926 = arith.constant 0 : i32
      %dma_wait3A_1927 = tpu.memref_slice %arg13[%dma_wait3A_1925, %dma_wait3A_1926] : memref<10496x128xf32, #tpu.memory_space<vmem_shared>> -> memref<10496x128xf32, #tpu.memory_space<vmem_shared>>
      tpu.wait_indirect_dma semaphore(%arg15 : memref<!tpu.dma_semaphore, #tpu.memory_space<semaphore_mem>>) src(%arg11 : memref<128x128xf32, #tpu.memory_space<vmem>>) dst(%dma_wait3A_1927 : memref<10496x128xf32, #tpu.memory_space<vmem_shared>>)
    }
    %barrier3A_603 = arith.constant 0 : index
    tpu.barrier barrier_id(%barrier3A_603)
    %mul3A_604 = arith.constant 10240 : i32
    %mul3A_605 = arith.muli %add3A_570, %mul3A_604 : i32
    %mul3A_606 = arith.constant 640 : i32
    %mul3A_607 = arith.muli %arg1, %mul3A_606 : i32
    %add3A_608 = arith.addi %mul3A_605, %mul3A_607 : i32
    %mul3A_609 = arith.constant 640 : i32
    %mul3A_610 = arith.muli %arg1, %mul3A_609 : i32
    %add3A_611 = arith.constant 0 : i32
    %add3A_612 = arith.addi %add3A_608, %add3A_611 : i32
    %add3A_613 = arith.constant 128 : i32
    %add3A_614 = arith.addi %add3A_612, %add3A_613 : i32
    %le3A_615 = arith.constant 160000 : i32
    %le3A_616 = arith.cmpi sle, %add3A_614, %le3A_615 : i32
    %convert_element_type3A_617 = arith.extui %le3A_616 : i1 to i32
    %cond3A_618 = arith.constant 0 : i32
    %cond3A_619 = arith.cmpi ne, %convert_element_type3A_617, %cond3A_618 : i32
    scf.if %cond3A_619 {
      %add3A_1901 = arith.constant 0 : i32
      %add3A_1902 = arith.addi %mul3A_610, %add3A_1901 : i32
      %dma_start3A_1903 = arith.constant 0 : i32
      %dma_start3A_1904 = tpu.memref_slice %arg13[%add3A_1902, %dma_start3A_1903] : memref<10496x128xf32, #tpu.memory_space<vmem_shared>> -> memref<128x128xf32, #tpu.memory_space<vmem_shared>>
      %dma_start3A_1905 = arith.constant 0 : i32
      %dma_start3A_1906 = tpu.memref_slice %arg13[%add3A_1902, %dma_start3A_1905] : memref<10496x128xf32, #tpu.memory_space<vmem_shared>> -> memref<128x128xf32, #tpu.memory_space<vmem_shared>>
      tpu.enqueue_dma source(%dma_start3A_1906 : memref<128x128xf32, #tpu.memory_space<vmem_shared>>) target(%arg11 : memref<128x128xf32, #tpu.memory_space<vmem>>) target_semaphore(%arg14 : memref<!tpu.dma_semaphore, #tpu.memory_space<semaphore_mem>>)
      %dma_wait3A_1907 = arith.constant 0 : i32
      %dma_wait3A_1908 = tpu.memref_slice %arg13[%add3A_1902, %dma_wait3A_1907] : memref<10496x128xf32, #tpu.memory_space<vmem_shared>> -> memref<128x128xf32, #tpu.memory_space<vmem_shared>>
      %dma_wait3A_1909 = arith.constant 0 : i32
      %dma_wait3A_1910 = tpu.memref_slice %arg13[%add3A_1902, %dma_wait3A_1909] : memref<10496x128xf32, #tpu.memory_space<vmem_shared>> -> memref<128x128xf32, #tpu.memory_space<vmem_shared>>
      tpu.wait_dma2 semaphore(%arg14 : memref<!tpu.dma_semaphore, #tpu.memory_space<semaphore_mem>>) src(%dma_wait3A_1910 : memref<128x128xf32, #tpu.memory_space<vmem_shared>>) dst(%arg11 : memref<128x128xf32, #tpu.memory_space<vmem>>)
      %add3A_1911 = arith.constant 0 : i32
      %add3A_1912 = arith.addi %add3A_608, %add3A_1911 : i32
      %dma_start3A_1913 = arith.constant 0 : i32
      %dma_start3A_1914 = tpu.memref_slice %arg7[%add3A_1912, %dma_start3A_1913] : memref<160000x128xf32, #tpu.memory_space<hbm>> -> memref<128x128xf32, #tpu.memory_space<hbm>>
      %dma_start3A_1915 = arith.constant 0 : i32
      %dma_start3A_1916 = tpu.memref_slice %arg7[%add3A_1912, %dma_start3A_1915] : memref<160000x128xf32, #tpu.memory_space<hbm>> -> memref<128x128xf32, #tpu.memory_space<hbm>>
      tpu.enqueue_dma source(%arg11 : memref<128x128xf32, #tpu.memory_space<vmem>>) target(%dma_start3A_1916 : memref<128x128xf32, #tpu.memory_space<hbm>>) target_semaphore(%arg14 : memref<!tpu.dma_semaphore, #tpu.memory_space<semaphore_mem>>)
      %dma_wait3A_1917 = arith.constant 0 : i32
      %dma_wait3A_1918 = tpu.memref_slice %arg7[%add3A_1912, %dma_wait3A_1917] : memref<160000x128xf32, #tpu.memory_space<hbm>> -> memref<128x128xf32, #tpu.memory_space<hbm>>
      %dma_wait3A_1919 = arith.constant 0 : i32
      %dma_wait3A_1920 = tpu.memref_slice %arg7[%add3A_1912, %dma_wait3A_1919] : memref<160000x128xf32, #tpu.memory_space<hbm>> -> memref<128x128xf32, #tpu.memory_space<hbm>>
      tpu.wait_dma2 semaphore(%arg14 : memref<!tpu.dma_semaphore, #tpu.memory_space<semaphore_mem>>) src(%arg11 : memref<128x128xf32, #tpu.memory_space<vmem>>) dst(%dma_wait3A_1920 : memref<128x128xf32, #tpu.memory_space<hbm>>)
    } else {
    }
    %add3A_620 = arith.constant 128 : i32
    %add3A_621 = arith.addi %add3A_608, %add3A_620 : i32
    %add3A_622 = arith.constant 128 : i32
    %add3A_623 = arith.addi %add3A_621, %add3A_622 : i32
    %le3A_624 = arith.constant 160000 : i32
    %le3A_625 = arith.cmpi sle, %add3A_623, %le3A_624 : i32
    %convert_element_type3A_626 = arith.extui %le3A_625 : i1 to i32
    %cond3A_627 = arith.constant 0 : i32
    %cond3A_628 = arith.cmpi ne, %convert_element_type3A_626, %cond3A_627 : i32
    scf.if %cond3A_628 {
      %add3A_1901 = arith.constant 128 : i32
      %add3A_1902 = arith.addi %mul3A_610, %add3A_1901 : i32
      %dma_start3A_1903 = arith.constant 0 : i32
      %dma_start3A_1904 = tpu.memref_slice %arg13[%add3A_1902, %dma_start3A_1903] : memref<10496x128xf32, #tpu.memory_space<vmem_shared>> -> memref<128x128xf32, #tpu.memory_space<vmem_shared>>
      %dma_start3A_1905 = arith.constant 0 : i32
      %dma_start3A_1906 = tpu.memref_slice %arg13[%add3A_1902, %dma_start3A_1905] : memref<10496x128xf32, #tpu.memory_space<vmem_shared>> -> memref<128x128xf32, #tpu.memory_space<vmem_shared>>
      tpu.enqueue_dma source(%dma_start3A_1906 : memref<128x128xf32, #tpu.memory_space<vmem_shared>>) target(%arg11 : memref<128x128xf32, #tpu.memory_space<vmem>>) target_semaphore(%arg14 : memref<!tpu.dma_semaphore, #tpu.memory_space<semaphore_mem>>)
      %dma_wait3A_1907 = arith.constant 0 : i32
      %dma_wait3A_1908 = tpu.memref_slice %arg13[%add3A_1902, %dma_wait3A_1907] : memref<10496x128xf32, #tpu.memory_space<vmem_shared>> -> memref<128x128xf32, #tpu.memory_space<vmem_shared>>
      %dma_wait3A_1909 = arith.constant 0 : i32
      %dma_wait3A_1910 = tpu.memref_slice %arg13[%add3A_1902, %dma_wait3A_1909] : memref<10496x128xf32, #tpu.memory_space<vmem_shared>> -> memref<128x128xf32, #tpu.memory_space<vmem_shared>>
      tpu.wait_dma2 semaphore(%arg14 : memref<!tpu.dma_semaphore, #tpu.memory_space<semaphore_mem>>) src(%dma_wait3A_1910 : memref<128x128xf32, #tpu.memory_space<vmem_shared>>) dst(%arg11 : memref<128x128xf32, #tpu.memory_space<vmem>>)
      %add3A_1911 = arith.constant 128 : i32
      %add3A_1912 = arith.addi %add3A_608, %add3A_1911 : i32
      %dma_start3A_1913 = arith.constant 0 : i32
      %dma_start3A_1914 = tpu.memref_slice %arg7[%add3A_1912, %dma_start3A_1913] : memref<160000x128xf32, #tpu.memory_space<hbm>> -> memref<128x128xf32, #tpu.memory_space<hbm>>
      %dma_start3A_1915 = arith.constant 0 : i32
      %dma_start3A_1916 = tpu.memref_slice %arg7[%add3A_1912, %dma_start3A_1915] : memref<160000x128xf32, #tpu.memory_space<hbm>> -> memref<128x128xf32, #tpu.memory_space<hbm>>
      tpu.enqueue_dma source(%arg11 : memref<128x128xf32, #tpu.memory_space<vmem>>) target(%dma_start3A_1916 : memref<128x128xf32, #tpu.memory_space<hbm>>) target_semaphore(%arg14 : memref<!tpu.dma_semaphore, #tpu.memory_space<semaphore_mem>>)
      %dma_wait3A_1917 = arith.constant 0 : i32
      %dma_wait3A_1918 = tpu.memref_slice %arg7[%add3A_1912, %dma_wait3A_1917] : memref<160000x128xf32, #tpu.memory_space<hbm>> -> memref<128x128xf32, #tpu.memory_space<hbm>>
      %dma_wait3A_1919 = arith.constant 0 : i32
      %dma_wait3A_1920 = tpu.memref_slice %arg7[%add3A_1912, %dma_wait3A_1919] : memref<160000x128xf32, #tpu.memory_space<hbm>> -> memref<128x128xf32, #tpu.memory_space<hbm>>
      tpu.wait_dma2 semaphore(%arg14 : memref<!tpu.dma_semaphore, #tpu.memory_space<semaphore_mem>>) src(%arg11 : memref<128x128xf32, #tpu.memory_space<vmem>>) dst(%dma_wait3A_1920 : memref<128x128xf32, #tpu.memory_space<hbm>>)
    } else {
    }
    %add3A_629 = arith.constant 256 : i32
    %add3A_630 = arith.addi %add3A_608, %add3A_629 : i32
    %add3A_631 = arith.constant 128 : i32
    %add3A_632 = arith.addi %add3A_630, %add3A_631 : i32
    %le3A_633 = arith.constant 160000 : i32
    %le3A_634 = arith.cmpi sle, %add3A_632, %le3A_633 : i32
    %convert_element_type3A_635 = arith.extui %le3A_634 : i1 to i32
    %cond3A_636 = arith.constant 0 : i32
    %cond3A_637 = arith.cmpi ne, %convert_element_type3A_635, %cond3A_636 : i32
    scf.if %cond3A_637 {
      %add3A_1901 = arith.constant 256 : i32
      %add3A_1902 = arith.addi %mul3A_610, %add3A_1901 : i32
      %dma_start3A_1903 = arith.constant 0 : i32
      %dma_start3A_1904 = tpu.memref_slice %arg13[%add3A_1902, %dma_start3A_1903] : memref<10496x128xf32, #tpu.memory_space<vmem_shared>> -> memref<128x128xf32, #tpu.memory_space<vmem_shared>>
      %dma_start3A_1905 = arith.constant 0 : i32
      %dma_start3A_1906 = tpu.memref_slice %arg13[%add3A_1902, %dma_start3A_1905] : memref<10496x128xf32, #tpu.memory_space<vmem_shared>> -> memref<128x128xf32, #tpu.memory_space<vmem_shared>>
      tpu.enqueue_dma source(%dma_start3A_1906 : memref<128x128xf32, #tpu.memory_space<vmem_shared>>) target(%arg11 : memref<128x128xf32, #tpu.memory_space<vmem>>) target_semaphore(%arg14 : memref<!tpu.dma_semaphore, #tpu.memory_space<semaphore_mem>>)
      %dma_wait3A_1907 = arith.constant 0 : i32
      %dma_wait3A_1908 = tpu.memref_slice %arg13[%add3A_1902, %dma_wait3A_1907] : memref<10496x128xf32, #tpu.memory_space<vmem_shared>> -> memref<128x128xf32, #tpu.memory_space<vmem_shared>>
      %dma_wait3A_1909 = arith.constant 0 : i32
      %dma_wait3A_1910 = tpu.memref_slice %arg13[%add3A_1902, %dma_wait3A_1909] : memref<10496x128xf32, #tpu.memory_space<vmem_shared>> -> memref<128x128xf32, #tpu.memory_space<vmem_shared>>
      tpu.wait_dma2 semaphore(%arg14 : memref<!tpu.dma_semaphore, #tpu.memory_space<semaphore_mem>>) src(%dma_wait3A_1910 : memref<128x128xf32, #tpu.memory_space<vmem_shared>>) dst(%arg11 : memref<128x128xf32, #tpu.memory_space<vmem>>)
      %add3A_1911 = arith.constant 256 : i32
      %add3A_1912 = arith.addi %add3A_608, %add3A_1911 : i32
      %dma_start3A_1913 = arith.constant 0 : i32
      %dma_start3A_1914 = tpu.memref_slice %arg7[%add3A_1912, %dma_start3A_1913] : memref<160000x128xf32, #tpu.memory_space<hbm>> -> memref<128x128xf32, #tpu.memory_space<hbm>>
      %dma_start3A_1915 = arith.constant 0 : i32
      %dma_start3A_1916 = tpu.memref_slice %arg7[%add3A_1912, %dma_start3A_1915] : memref<160000x128xf32, #tpu.memory_space<hbm>> -> memref<128x128xf32, #tpu.memory_space<hbm>>
      tpu.enqueue_dma source(%arg11 : memref<128x128xf32, #tpu.memory_space<vmem>>) target(%dma_start3A_1916 : memref<128x128xf32, #tpu.memory_space<hbm>>) target_semaphore(%arg14 : memref<!tpu.dma_semaphore, #tpu.memory_space<semaphore_mem>>)
      %dma_wait3A_1917 = arith.constant 0 : i32
      %dma_wait3A_1918 = tpu.memref_slice %arg7[%add3A_1912, %dma_wait3A_1917] : memref<160000x128xf32, #tpu.memory_space<hbm>> -> memref<128x128xf32, #tpu.memory_space<hbm>>
      %dma_wait3A_1919 = arith.constant 0 : i32
      %dma_wait3A_1920 = tpu.memref_slice %arg7[%add3A_1912, %dma_wait3A_1919] : memref<160000x128xf32, #tpu.memory_space<hbm>> -> memref<128x128xf32, #tpu.memory_space<hbm>>
      tpu.wait_dma2 semaphore(%arg14 : memref<!tpu.dma_semaphore, #tpu.memory_space<semaphore_mem>>) src(%arg11 : memref<128x128xf32, #tpu.memory_space<vmem>>) dst(%dma_wait3A_1920 : memref<128x128xf32, #tpu.memory_space<hbm>>)
    } else {
    }
    %add3A_638 = arith.constant 384 : i32
    %add3A_639 = arith.addi %add3A_608, %add3A_638 : i32
    %add3A_640 = arith.constant 128 : i32
    %add3A_641 = arith.addi %add3A_639, %add3A_640 : i32
    %le3A_642 = arith.constant 160000 : i32
    %le3A_643 = arith.cmpi sle, %add3A_641, %le3A_642 : i32
    %convert_element_type3A_644 = arith.extui %le3A_643 : i1 to i32
    %cond3A_645 = arith.constant 0 : i32
    %cond3A_646 = arith.cmpi ne, %convert_element_type3A_644, %cond3A_645 : i32
    scf.if %cond3A_646 {
      %add3A_1901 = arith.constant 384 : i32
      %add3A_1902 = arith.addi %mul3A_610, %add3A_1901 : i32
      %dma_start3A_1903 = arith.constant 0 : i32
      %dma_start3A_1904 = tpu.memref_slice %arg13[%add3A_1902, %dma_start3A_1903] : memref<10496x128xf32, #tpu.memory_space<vmem_shared>> -> memref<128x128xf32, #tpu.memory_space<vmem_shared>>
      %dma_start3A_1905 = arith.constant 0 : i32
      %dma_start3A_1906 = tpu.memref_slice %arg13[%add3A_1902, %dma_start3A_1905] : memref<10496x128xf32, #tpu.memory_space<vmem_shared>> -> memref<128x128xf32, #tpu.memory_space<vmem_shared>>
      tpu.enqueue_dma source(%dma_start3A_1906 : memref<128x128xf32, #tpu.memory_space<vmem_shared>>) target(%arg11 : memref<128x128xf32, #tpu.memory_space<vmem>>) target_semaphore(%arg14 : memref<!tpu.dma_semaphore, #tpu.memory_space<semaphore_mem>>)
      %dma_wait3A_1907 = arith.constant 0 : i32
      %dma_wait3A_1908 = tpu.memref_slice %arg13[%add3A_1902, %dma_wait3A_1907] : memref<10496x128xf32, #tpu.memory_space<vmem_shared>> -> memref<128x128xf32, #tpu.memory_space<vmem_shared>>
      %dma_wait3A_1909 = arith.constant 0 : i32
      %dma_wait3A_1910 = tpu.memref_slice %arg13[%add3A_1902, %dma_wait3A_1909] : memref<10496x128xf32, #tpu.memory_space<vmem_shared>> -> memref<128x128xf32, #tpu.memory_space<vmem_shared>>
      tpu.wait_dma2 semaphore(%arg14 : memref<!tpu.dma_semaphore, #tpu.memory_space<semaphore_mem>>) src(%dma_wait3A_1910 : memref<128x128xf32, #tpu.memory_space<vmem_shared>>) dst(%arg11 : memref<128x128xf32, #tpu.memory_space<vmem>>)
      %add3A_1911 = arith.constant 384 : i32
      %add3A_1912 = arith.addi %add3A_608, %add3A_1911 : i32
      %dma_start3A_1913 = arith.constant 0 : i32
      %dma_start3A_1914 = tpu.memref_slice %arg7[%add3A_1912, %dma_start3A_1913] : memref<160000x128xf32, #tpu.memory_space<hbm>> -> memref<128x128xf32, #tpu.memory_space<hbm>>
      %dma_start3A_1915 = arith.constant 0 : i32
      %dma_start3A_1916 = tpu.memref_slice %arg7[%add3A_1912, %dma_start3A_1915] : memref<160000x128xf32, #tpu.memory_space<hbm>> -> memref<128x128xf32, #tpu.memory_space<hbm>>
      tpu.enqueue_dma source(%arg11 : memref<128x128xf32, #tpu.memory_space<vmem>>) target(%dma_start3A_1916 : memref<128x128xf32, #tpu.memory_space<hbm>>) target_semaphore(%arg14 : memref<!tpu.dma_semaphore, #tpu.memory_space<semaphore_mem>>)
      %dma_wait3A_1917 = arith.constant 0 : i32
      %dma_wait3A_1918 = tpu.memref_slice %arg7[%add3A_1912, %dma_wait3A_1917] : memref<160000x128xf32, #tpu.memory_space<hbm>> -> memref<128x128xf32, #tpu.memory_space<hbm>>
      %dma_wait3A_1919 = arith.constant 0 : i32
      %dma_wait3A_1920 = tpu.memref_slice %arg7[%add3A_1912, %dma_wait3A_1919] : memref<160000x128xf32, #tpu.memory_space<hbm>> -> memref<128x128xf32, #tpu.memory_space<hbm>>
      tpu.wait_dma2 semaphore(%arg14 : memref<!tpu.dma_semaphore, #tpu.memory_space<semaphore_mem>>) src(%arg11 : memref<128x128xf32, #tpu.memory_space<vmem>>) dst(%dma_wait3A_1920 : memref<128x128xf32, #tpu.memory_space<hbm>>)
    } else {
    }
    %add3A_647 = arith.constant 512 : i32
    %add3A_648 = arith.addi %add3A_608, %add3A_647 : i32
    %add3A_649 = arith.constant 128 : i32
    %add3A_650 = arith.addi %add3A_648, %add3A_649 : i32
    %le3A_651 = arith.constant 160000 : i32
    %le3A_652 = arith.cmpi sle, %add3A_650, %le3A_651 : i32
    %convert_element_type3A_653 = arith.extui %le3A_652 : i1 to i32
    %cond3A_654 = arith.constant 0 : i32
    %cond3A_655 = arith.cmpi ne, %convert_element_type3A_653, %cond3A_654 : i32
    scf.if %cond3A_655 {
      %add3A_1901 = arith.constant 512 : i32
      %add3A_1902 = arith.addi %mul3A_610, %add3A_1901 : i32
      %dma_start3A_1903 = arith.constant 0 : i32
      %dma_start3A_1904 = tpu.memref_slice %arg13[%add3A_1902, %dma_start3A_1903] : memref<10496x128xf32, #tpu.memory_space<vmem_shared>> -> memref<128x128xf32, #tpu.memory_space<vmem_shared>>
      %dma_start3A_1905 = arith.constant 0 : i32
      %dma_start3A_1906 = tpu.memref_slice %arg13[%add3A_1902, %dma_start3A_1905] : memref<10496x128xf32, #tpu.memory_space<vmem_shared>> -> memref<128x128xf32, #tpu.memory_space<vmem_shared>>
      tpu.enqueue_dma source(%dma_start3A_1906 : memref<128x128xf32, #tpu.memory_space<vmem_shared>>) target(%arg11 : memref<128x128xf32, #tpu.memory_space<vmem>>) target_semaphore(%arg14 : memref<!tpu.dma_semaphore, #tpu.memory_space<semaphore_mem>>)
      %dma_wait3A_1907 = arith.constant 0 : i32
      %dma_wait3A_1908 = tpu.memref_slice %arg13[%add3A_1902, %dma_wait3A_1907] : memref<10496x128xf32, #tpu.memory_space<vmem_shared>> -> memref<128x128xf32, #tpu.memory_space<vmem_shared>>
      %dma_wait3A_1909 = arith.constant 0 : i32
      %dma_wait3A_1910 = tpu.memref_slice %arg13[%add3A_1902, %dma_wait3A_1909] : memref<10496x128xf32, #tpu.memory_space<vmem_shared>> -> memref<128x128xf32, #tpu.memory_space<vmem_shared>>
      tpu.wait_dma2 semaphore(%arg14 : memref<!tpu.dma_semaphore, #tpu.memory_space<semaphore_mem>>) src(%dma_wait3A_1910 : memref<128x128xf32, #tpu.memory_space<vmem_shared>>) dst(%arg11 : memref<128x128xf32, #tpu.memory_space<vmem>>)
      %add3A_1911 = arith.constant 512 : i32
      %add3A_1912 = arith.addi %add3A_608, %add3A_1911 : i32
      %dma_start3A_1913 = arith.constant 0 : i32
      %dma_start3A_1914 = tpu.memref_slice %arg7[%add3A_1912, %dma_start3A_1913] : memref<160000x128xf32, #tpu.memory_space<hbm>> -> memref<128x128xf32, #tpu.memory_space<hbm>>
      %dma_start3A_1915 = arith.constant 0 : i32
      %dma_start3A_1916 = tpu.memref_slice %arg7[%add3A_1912, %dma_start3A_1915] : memref<160000x128xf32, #tpu.memory_space<hbm>> -> memref<128x128xf32, #tpu.memory_space<hbm>>
      tpu.enqueue_dma source(%arg11 : memref<128x128xf32, #tpu.memory_space<vmem>>) target(%dma_start3A_1916 : memref<128x128xf32, #tpu.memory_space<hbm>>) target_semaphore(%arg14 : memref<!tpu.dma_semaphore, #tpu.memory_space<semaphore_mem>>)
      %dma_wait3A_1917 = arith.constant 0 : i32
      %dma_wait3A_1918 = tpu.memref_slice %arg7[%add3A_1912, %dma_wait3A_1917] : memref<160000x128xf32, #tpu.memory_space<hbm>> -> memref<128x128xf32, #tpu.memory_space<hbm>>
      %dma_wait3A_1919 = arith.constant 0 : i32
      %dma_wait3A_1920 = tpu.memref_slice %arg7[%add3A_1912, %dma_wait3A_1919] : memref<160000x128xf32, #tpu.memory_space<hbm>> -> memref<128x128xf32, #tpu.memory_space<hbm>>
      tpu.wait_dma2 semaphore(%arg14 : memref<!tpu.dma_semaphore, #tpu.memory_space<semaphore_mem>>) src(%arg11 : memref<128x128xf32, #tpu.memory_space<vmem>>) dst(%dma_wait3A_1920 : memref<128x128xf32, #tpu.memory_space<hbm>>)
    } else {
    }
    %mul3A_656 = arith.constant 656 : i32
    %mul3A_657 = arith.muli %arg1, %mul3A_656 : i32
    %add3A_658 = arith.constant 0 : i32
    %add3A_659 = arith.addi %mul3A_657, %add3A_658 : i32
    %dma_start3A_660 = arith.constant 0 : i32
    %dma_start3A_661 = arith.constant 0 : i32
    %dma_start3A_662 = tpu.memref_slice %arg12[%dma_start3A_660, %dma_start3A_661] : memref<128x128xf32, #tpu.memory_space<vmem>> -> memref<128x128xf32, #tpu.memory_space<vmem>>
    %dma_start3A_663 = arith.constant 0 : i32
    %dma_start3A_664 = tpu.memref_slice %arg13[%add3A_659, %dma_start3A_663] : memref<10496x128xf32, #tpu.memory_space<vmem_shared>> -> memref<128x128xf32, #tpu.memory_space<vmem_shared>>
    %dma_start3A_665 = arith.constant 0 : i32
    %dma_start3A_666 = tpu.memref_slice %arg13[%add3A_659, %dma_start3A_665] : memref<10496x128xf32, #tpu.memory_space<vmem_shared>> -> memref<128x128xf32, #tpu.memory_space<vmem_shared>>
    %dma_start3A_667 = arith.constant 0 : i32
    %dma_start3A_668 = arith.constant 0 : i32
    %dma_start3A_669 = tpu.memref_slice %arg12[%dma_start3A_667, %dma_start3A_668] : memref<128x128xf32, #tpu.memory_space<vmem>> -> memref<128x128xf32, #tpu.memory_space<vmem>>
    tpu.enqueue_dma source(%dma_start3A_669 : memref<128x128xf32, #tpu.memory_space<vmem>>) target(%dma_start3A_666 : memref<128x128xf32, #tpu.memory_space<vmem_shared>>) target_semaphore(%arg14 : memref<!tpu.dma_semaphore, #tpu.memory_space<semaphore_mem>>)
    %dma_wait3A_670 = arith.constant 0 : i32
    %dma_wait3A_671 = arith.constant 0 : i32
    %dma_wait3A_672 = tpu.memref_slice %arg12[%dma_wait3A_670, %dma_wait3A_671] : memref<128x128xf32, #tpu.memory_space<vmem>> -> memref<128x128xf32, #tpu.memory_space<vmem>>
    %dma_wait3A_673 = arith.constant 0 : i32
    %dma_wait3A_674 = tpu.memref_slice %arg13[%add3A_659, %dma_wait3A_673] : memref<10496x128xf32, #tpu.memory_space<vmem_shared>> -> memref<128x128xf32, #tpu.memory_space<vmem_shared>>
    %dma_wait3A_675 = arith.constant 0 : i32
    %dma_wait3A_676 = tpu.memref_slice %arg13[%add3A_659, %dma_wait3A_675] : memref<10496x128xf32, #tpu.memory_space<vmem_shared>> -> memref<128x128xf32, #tpu.memory_space<vmem_shared>>
    %dma_wait3A_677 = arith.constant 0 : i32
    %dma_wait3A_678 = arith.constant 0 : i32
    %dma_wait3A_679 = tpu.memref_slice %arg12[%dma_wait3A_677, %dma_wait3A_678] : memref<128x128xf32, #tpu.memory_space<vmem>> -> memref<128x128xf32, #tpu.memory_space<vmem>>
    tpu.wait_dma2 semaphore(%arg14 : memref<!tpu.dma_semaphore, #tpu.memory_space<semaphore_mem>>) src(%dma_wait3A_679 : memref<128x128xf32, #tpu.memory_space<vmem>>) dst(%dma_wait3A_676 : memref<128x128xf32, #tpu.memory_space<vmem_shared>>)
    %add3A_680 = arith.constant 128 : i32
    %add3A_681 = arith.addi %mul3A_657, %add3A_680 : i32
    %dma_start3A_682 = arith.constant 0 : i32
    %dma_start3A_683 = arith.constant 0 : i32
    %dma_start3A_684 = tpu.memref_slice %arg12[%dma_start3A_682, %dma_start3A_683] : memref<128x128xf32, #tpu.memory_space<vmem>> -> memref<128x128xf32, #tpu.memory_space<vmem>>
    %dma_start3A_685 = arith.constant 0 : i32
    %dma_start3A_686 = tpu.memref_slice %arg13[%add3A_681, %dma_start3A_685] : memref<10496x128xf32, #tpu.memory_space<vmem_shared>> -> memref<128x128xf32, #tpu.memory_space<vmem_shared>>
    %dma_start3A_687 = arith.constant 0 : i32
    %dma_start3A_688 = tpu.memref_slice %arg13[%add3A_681, %dma_start3A_687] : memref<10496x128xf32, #tpu.memory_space<vmem_shared>> -> memref<128x128xf32, #tpu.memory_space<vmem_shared>>
    %dma_start3A_689 = arith.constant 0 : i32
    %dma_start3A_690 = arith.constant 0 : i32
    %dma_start3A_691 = tpu.memref_slice %arg12[%dma_start3A_689, %dma_start3A_690] : memref<128x128xf32, #tpu.memory_space<vmem>> -> memref<128x128xf32, #tpu.memory_space<vmem>>
    tpu.enqueue_dma source(%dma_start3A_691 : memref<128x128xf32, #tpu.memory_space<vmem>>) target(%dma_start3A_688 : memref<128x128xf32, #tpu.memory_space<vmem_shared>>) target_semaphore(%arg14 : memref<!tpu.dma_semaphore, #tpu.memory_space<semaphore_mem>>)
    %dma_wait3A_692 = arith.constant 0 : i32
    %dma_wait3A_693 = arith.constant 0 : i32
    %dma_wait3A_694 = tpu.memref_slice %arg12[%dma_wait3A_692, %dma_wait3A_693] : memref<128x128xf32, #tpu.memory_space<vmem>> -> memref<128x128xf32, #tpu.memory_space<vmem>>
    %dma_wait3A_695 = arith.constant 0 : i32
    %dma_wait3A_696 = tpu.memref_slice %arg13[%add3A_681, %dma_wait3A_695] : memref<10496x128xf32, #tpu.memory_space<vmem_shared>> -> memref<128x128xf32, #tpu.memory_space<vmem_shared>>
    %dma_wait3A_697 = arith.constant 0 : i32
    %dma_wait3A_698 = tpu.memref_slice %arg13[%add3A_681, %dma_wait3A_697] : memref<10496x128xf32, #tpu.memory_space<vmem_shared>> -> memref<128x128xf32, #tpu.memory_space<vmem_shared>>
    %dma_wait3A_699 = arith.constant 0 : i32
    %dma_wait3A_700 = arith.constant 0 : i32
    %dma_wait3A_701 = tpu.memref_slice %arg12[%dma_wait3A_699, %dma_wait3A_700] : memref<128x128xf32, #tpu.memory_space<vmem>> -> memref<128x128xf32, #tpu.memory_space<vmem>>
    tpu.wait_dma2 semaphore(%arg14 : memref<!tpu.dma_semaphore, #tpu.memory_space<semaphore_mem>>) src(%dma_wait3A_701 : memref<128x128xf32, #tpu.memory_space<vmem>>) dst(%dma_wait3A_698 : memref<128x128xf32, #tpu.memory_space<vmem_shared>>)
    %add3A_702 = arith.constant 256 : i32
    %add3A_703 = arith.addi %mul3A_657, %add3A_702 : i32
    %dma_start3A_704 = arith.constant 0 : i32
    %dma_start3A_705 = arith.constant 0 : i32
    %dma_start3A_706 = tpu.memref_slice %arg12[%dma_start3A_704, %dma_start3A_705] : memref<128x128xf32, #tpu.memory_space<vmem>> -> memref<128x128xf32, #tpu.memory_space<vmem>>
    %dma_start3A_707 = arith.constant 0 : i32
    %dma_start3A_708 = tpu.memref_slice %arg13[%add3A_703, %dma_start3A_707] : memref<10496x128xf32, #tpu.memory_space<vmem_shared>> -> memref<128x128xf32, #tpu.memory_space<vmem_shared>>
    %dma_start3A_709 = arith.constant 0 : i32
    %dma_start3A_710 = tpu.memref_slice %arg13[%add3A_703, %dma_start3A_709] : memref<10496x128xf32, #tpu.memory_space<vmem_shared>> -> memref<128x128xf32, #tpu.memory_space<vmem_shared>>
    %dma_start3A_711 = arith.constant 0 : i32
    %dma_start3A_712 = arith.constant 0 : i32
    %dma_start3A_713 = tpu.memref_slice %arg12[%dma_start3A_711, %dma_start3A_712] : memref<128x128xf32, #tpu.memory_space<vmem>> -> memref<128x128xf32, #tpu.memory_space<vmem>>
    tpu.enqueue_dma source(%dma_start3A_713 : memref<128x128xf32, #tpu.memory_space<vmem>>) target(%dma_start3A_710 : memref<128x128xf32, #tpu.memory_space<vmem_shared>>) target_semaphore(%arg14 : memref<!tpu.dma_semaphore, #tpu.memory_space<semaphore_mem>>)
    %dma_wait3A_714 = arith.constant 0 : i32
    %dma_wait3A_715 = arith.constant 0 : i32
    %dma_wait3A_716 = tpu.memref_slice %arg12[%dma_wait3A_714, %dma_wait3A_715] : memref<128x128xf32, #tpu.memory_space<vmem>> -> memref<128x128xf32, #tpu.memory_space<vmem>>
    %dma_wait3A_717 = arith.constant 0 : i32
    %dma_wait3A_718 = tpu.memref_slice %arg13[%add3A_703, %dma_wait3A_717] : memref<10496x128xf32, #tpu.memory_space<vmem_shared>> -> memref<128x128xf32, #tpu.memory_space<vmem_shared>>
    %dma_wait3A_719 = arith.constant 0 : i32
    %dma_wait3A_720 = tpu.memref_slice %arg13[%add3A_703, %dma_wait3A_719] : memref<10496x128xf32, #tpu.memory_space<vmem_shared>> -> memref<128x128xf32, #tpu.memory_space<vmem_shared>>
    %dma_wait3A_721 = arith.constant 0 : i32
    %dma_wait3A_722 = arith.constant 0 : i32
    %dma_wait3A_723 = tpu.memref_slice %arg12[%dma_wait3A_721, %dma_wait3A_722] : memref<128x128xf32, #tpu.memory_space<vmem>> -> memref<128x128xf32, #tpu.memory_space<vmem>>
    tpu.wait_dma2 semaphore(%arg14 : memref<!tpu.dma_semaphore, #tpu.memory_space<semaphore_mem>>) src(%dma_wait3A_723 : memref<128x128xf32, #tpu.memory_space<vmem>>) dst(%dma_wait3A_720 : memref<128x128xf32, #tpu.memory_space<vmem_shared>>)
    %add3A_724 = arith.constant 384 : i32
    %add3A_725 = arith.addi %mul3A_657, %add3A_724 : i32
    %dma_start3A_726 = arith.constant 0 : i32
    %dma_start3A_727 = arith.constant 0 : i32
    %dma_start3A_728 = tpu.memref_slice %arg12[%dma_start3A_726, %dma_start3A_727] : memref<128x128xf32, #tpu.memory_space<vmem>> -> memref<128x128xf32, #tpu.memory_space<vmem>>
    %dma_start3A_729 = arith.constant 0 : i32
    %dma_start3A_730 = tpu.memref_slice %arg13[%add3A_725, %dma_start3A_729] : memref<10496x128xf32, #tpu.memory_space<vmem_shared>> -> memref<128x128xf32, #tpu.memory_space<vmem_shared>>
    %dma_start3A_731 = arith.constant 0 : i32
    %dma_start3A_732 = tpu.memref_slice %arg13[%add3A_725, %dma_start3A_731] : memref<10496x128xf32, #tpu.memory_space<vmem_shared>> -> memref<128x128xf32, #tpu.memory_space<vmem_shared>>
    %dma_start3A_733 = arith.constant 0 : i32
    %dma_start3A_734 = arith.constant 0 : i32
    %dma_start3A_735 = tpu.memref_slice %arg12[%dma_start3A_733, %dma_start3A_734] : memref<128x128xf32, #tpu.memory_space<vmem>> -> memref<128x128xf32, #tpu.memory_space<vmem>>
    tpu.enqueue_dma source(%dma_start3A_735 : memref<128x128xf32, #tpu.memory_space<vmem>>) target(%dma_start3A_732 : memref<128x128xf32, #tpu.memory_space<vmem_shared>>) target_semaphore(%arg14 : memref<!tpu.dma_semaphore, #tpu.memory_space<semaphore_mem>>)
    %dma_wait3A_736 = arith.constant 0 : i32
    %dma_wait3A_737 = arith.constant 0 : i32
    %dma_wait3A_738 = tpu.memref_slice %arg12[%dma_wait3A_736, %dma_wait3A_737] : memref<128x128xf32, #tpu.memory_space<vmem>> -> memref<128x128xf32, #tpu.memory_space<vmem>>
    %dma_wait3A_739 = arith.constant 0 : i32
    %dma_wait3A_740 = tpu.memref_slice %arg13[%add3A_725, %dma_wait3A_739] : memref<10496x128xf32, #tpu.memory_space<vmem_shared>> -> memref<128x128xf32, #tpu.memory_space<vmem_shared>>
    %dma_wait3A_741 = arith.constant 0 : i32
    %dma_wait3A_742 = tpu.memref_slice %arg13[%add3A_725, %dma_wait3A_741] : memref<10496x128xf32, #tpu.memory_space<vmem_shared>> -> memref<128x128xf32, #tpu.memory_space<vmem_shared>>
    %dma_wait3A_743 = arith.constant 0 : i32
    %dma_wait3A_744 = arith.constant 0 : i32
    %dma_wait3A_745 = tpu.memref_slice %arg12[%dma_wait3A_743, %dma_wait3A_744] : memref<128x128xf32, #tpu.memory_space<vmem>> -> memref<128x128xf32, #tpu.memory_space<vmem>>
    tpu.wait_dma2 semaphore(%arg14 : memref<!tpu.dma_semaphore, #tpu.memory_space<semaphore_mem>>) src(%dma_wait3A_745 : memref<128x128xf32, #tpu.memory_space<vmem>>) dst(%dma_wait3A_742 : memref<128x128xf32, #tpu.memory_space<vmem_shared>>)
    %add3A_746 = arith.constant 512 : i32
    %add3A_747 = arith.addi %mul3A_657, %add3A_746 : i32
    %dma_start3A_748 = arith.constant 0 : i32
    %dma_start3A_749 = arith.constant 0 : i32
    %dma_start3A_750 = tpu.memref_slice %arg12[%dma_start3A_748, %dma_start3A_749] : memref<128x128xf32, #tpu.memory_space<vmem>> -> memref<128x128xf32, #tpu.memory_space<vmem>>
    %dma_start3A_751 = arith.constant 0 : i32
    %dma_start3A_752 = tpu.memref_slice %arg13[%add3A_747, %dma_start3A_751] : memref<10496x128xf32, #tpu.memory_space<vmem_shared>> -> memref<128x128xf32, #tpu.memory_space<vmem_shared>>
    %dma_start3A_753 = arith.constant 0 : i32
    %dma_start3A_754 = tpu.memref_slice %arg13[%add3A_747, %dma_start3A_753] : memref<10496x128xf32, #tpu.memory_space<vmem_shared>> -> memref<128x128xf32, #tpu.memory_space<vmem_shared>>
    %dma_start3A_755 = arith.constant 0 : i32
    %dma_start3A_756 = arith.constant 0 : i32
    %dma_start3A_757 = tpu.memref_slice %arg12[%dma_start3A_755, %dma_start3A_756] : memref<128x128xf32, #tpu.memory_space<vmem>> -> memref<128x128xf32, #tpu.memory_space<vmem>>
    tpu.enqueue_dma source(%dma_start3A_757 : memref<128x128xf32, #tpu.memory_space<vmem>>) target(%dma_start3A_754 : memref<128x128xf32, #tpu.memory_space<vmem_shared>>) target_semaphore(%arg14 : memref<!tpu.dma_semaphore, #tpu.memory_space<semaphore_mem>>)
    %dma_wait3A_758 = arith.constant 0 : i32
    %dma_wait3A_759 = arith.constant 0 : i32
    %dma_wait3A_760 = tpu.memref_slice %arg12[%dma_wait3A_758, %dma_wait3A_759] : memref<128x128xf32, #tpu.memory_space<vmem>> -> memref<128x128xf32, #tpu.memory_space<vmem>>
    %dma_wait3A_761 = arith.constant 0 : i32
    %dma_wait3A_762 = tpu.memref_slice %arg13[%add3A_747, %dma_wait3A_761] : memref<10496x128xf32, #tpu.memory_space<vmem_shared>> -> memref<128x128xf32, #tpu.memory_space<vmem_shared>>
    %dma_wait3A_763 = arith.constant 0 : i32
    %dma_wait3A_764 = tpu.memref_slice %arg13[%add3A_747, %dma_wait3A_763] : memref<10496x128xf32, #tpu.memory_space<vmem_shared>> -> memref<128x128xf32, #tpu.memory_space<vmem_shared>>
    %dma_wait3A_765 = arith.constant 0 : i32
    %dma_wait3A_766 = arith.constant 0 : i32
    %dma_wait3A_767 = tpu.memref_slice %arg12[%dma_wait3A_765, %dma_wait3A_766] : memref<128x128xf32, #tpu.memory_space<vmem>> -> memref<128x128xf32, #tpu.memory_space<vmem>>
    tpu.wait_dma2 semaphore(%arg14 : memref<!tpu.dma_semaphore, #tpu.memory_space<semaphore_mem>>) src(%dma_wait3A_767 : memref<128x128xf32, #tpu.memory_space<vmem>>) dst(%dma_wait3A_764 : memref<128x128xf32, #tpu.memory_space<vmem_shared>>)
    %add3A_768 = arith.constant 640 : i32
    %add3A_769 = arith.addi %mul3A_657, %add3A_768 : i32
    %dma_start3A_770 = arith.constant 0 : i32
    %dma_start3A_771 = arith.constant 0 : i32
    %dma_start3A_772 = tpu.memref_slice %arg12[%dma_start3A_770, %dma_start3A_771] : memref<128x128xf32, #tpu.memory_space<vmem>> -> memref<16x128xf32, #tpu.memory_space<vmem>>
    %dma_start3A_773 = arith.constant 0 : i32
    %dma_start3A_774 = tpu.memref_slice %arg13[%add3A_769, %dma_start3A_773] : memref<10496x128xf32, #tpu.memory_space<vmem_shared>> -> memref<16x128xf32, #tpu.memory_space<vmem_shared>>
    %dma_start3A_775 = arith.constant 0 : i32
    %dma_start3A_776 = tpu.memref_slice %arg13[%add3A_769, %dma_start3A_775] : memref<10496x128xf32, #tpu.memory_space<vmem_shared>> -> memref<16x128xf32, #tpu.memory_space<vmem_shared>>
    %dma_start3A_777 = arith.constant 0 : i32
    %dma_start3A_778 = arith.constant 0 : i32
    %dma_start3A_779 = tpu.memref_slice %arg12[%dma_start3A_777, %dma_start3A_778] : memref<128x128xf32, #tpu.memory_space<vmem>> -> memref<16x128xf32, #tpu.memory_space<vmem>>
    tpu.enqueue_dma source(%dma_start3A_779 : memref<16x128xf32, #tpu.memory_space<vmem>>) target(%dma_start3A_776 : memref<16x128xf32, #tpu.memory_space<vmem_shared>>) target_semaphore(%arg14 : memref<!tpu.dma_semaphore, #tpu.memory_space<semaphore_mem>>)
    %dma_wait3A_780 = arith.constant 0 : i32
    %dma_wait3A_781 = arith.constant 0 : i32
    %dma_wait3A_782 = tpu.memref_slice %arg12[%dma_wait3A_780, %dma_wait3A_781] : memref<128x128xf32, #tpu.memory_space<vmem>> -> memref<16x128xf32, #tpu.memory_space<vmem>>
    %dma_wait3A_783 = arith.constant 0 : i32
    %dma_wait3A_784 = tpu.memref_slice %arg13[%add3A_769, %dma_wait3A_783] : memref<10496x128xf32, #tpu.memory_space<vmem_shared>> -> memref<16x128xf32, #tpu.memory_space<vmem_shared>>
    %dma_wait3A_785 = arith.constant 0 : i32
    %dma_wait3A_786 = tpu.memref_slice %arg13[%add3A_769, %dma_wait3A_785] : memref<10496x128xf32, #tpu.memory_space<vmem_shared>> -> memref<16x128xf32, #tpu.memory_space<vmem_shared>>
    %dma_wait3A_787 = arith.constant 0 : i32
    %dma_wait3A_788 = arith.constant 0 : i32
    %dma_wait3A_789 = tpu.memref_slice %arg12[%dma_wait3A_787, %dma_wait3A_788] : memref<128x128xf32, #tpu.memory_space<vmem>> -> memref<16x128xf32, #tpu.memory_space<vmem>>
    tpu.wait_dma2 semaphore(%arg14 : memref<!tpu.dma_semaphore, #tpu.memory_space<semaphore_mem>>) src(%dma_wait3A_789 : memref<16x128xf32, #tpu.memory_space<vmem>>) dst(%dma_wait3A_786 : memref<16x128xf32, #tpu.memory_space<vmem_shared>>)
    %barrier3A_790 = arith.constant 0 : index
    tpu.barrier barrier_id(%barrier3A_790)
    %add3A_791 = arith.constant 6 : i32
    %add3A_792 = arith.addi %add3A_791, %arg0 : i32
    %eq3A_793 = arith.constant 0 : i32
    %eq3A_794 = arith.cmpi eq, %arg0, %eq3A_793 : i32
    %slice3A_795 = vector.extract_strided_slice %get3A_131 {offsets = [6], sizes = [1], strides = [1]} : vector<16xi32> to vector<1xi32>
    %squeeze3A_796 = vector.extract %slice3A_795[0] : i32 from vector<1xi32>
    %slice3A_797 = vector.extract_strided_slice %get3A_131 {offsets = [7], sizes = [1], strides = [1]} : vector<16xi32> to vector<1xi32>
    %squeeze3A_798 = vector.extract %slice3A_797[0] : i32 from vector<1xi32>
    %select_n3A_799 = arith.select %eq3A_794, %squeeze3A_796, %squeeze3A_798 : i32
    %eq3A_800 = arith.constant 0 : i32
    %eq3A_801 = arith.cmpi eq, %arg0, %eq3A_800 : i32
    %slice3A_802 = vector.extract_strided_slice %get3A_131 {offsets = [7], sizes = [1], strides = [1]} : vector<16xi32> to vector<1xi32>
    %squeeze3A_803 = vector.extract %slice3A_802[0] : i32 from vector<1xi32>
    %slice3A_804 = vector.extract_strided_slice %get3A_131 {offsets = [8], sizes = [1], strides = [1]} : vector<16xi32> to vector<1xi32>
    %squeeze3A_805 = vector.extract %slice3A_804[0] : i32 from vector<1xi32>
    %select_n3A_806 = arith.select %eq3A_801, %squeeze3A_803, %squeeze3A_805 : i32
    %add3A_807 = arith.addi %select_n3A_799, %arg1 : i32
    %sub3A_808 = arith.subi %select_n3A_806, %add3A_807 : i32
    %sub3A_809 = arith.constant 16 : i32
    %sub3A_810 = arith.constant 1 : i32
    %sub3A_811 = arith.subi %sub3A_809, %sub3A_810 : i32
    %add3A_812 = arith.addi %sub3A_808, %sub3A_811 : i32
    %div3A_813 = arith.constant 16 : i32
    %div3A_814 = arith.divsi %add3A_812, %div3A_813 : i32
    %while3A_815 = arith.constant 16 : i32
    %while3A_816 = arith.constant 0 : i32
    %while3A_817 = arith.subi %div3A_814, %while3A_816 : i32
    %while3A_818 = arith.addi %while3A_816, %while3A_817 : i32
    %while3A_819 = arith.constant 1 : i32
    %while3A_820 = arith.divsi %while3A_817, %while3A_819 : i32
    %while3A_821 = arith.muli %while3A_820, %while3A_819 : i32
    %while3A_822 = arith.addi %while3A_816, %while3A_821 : i32
    %while3A_823 = arith.constant 1 : i32
    scf.for %while3A_1901 = %while3A_816 to %while3A_822 step %while3A_823  : i32 {
      %mul3A_1902 = arith.muli %while3A_1901, %while3A_815 : i32
      %add3A_1903 = arith.addi %add3A_807, %mul3A_1902 : i32
      %mul3A_1904 = arith.constant 128 : i32
      %mul3A_1905 = arith.muli %add3A_1903, %mul3A_1904 : i32
      %dma_start3A_1906 = tpu.memref_slice %arg3[%mul3A_1905] : memref<642048xi32, #tpu.memory_space<hbm>> -> memref<128xi32, #tpu.memory_space<hbm>>
      %dma_start3A_1907 = tpu.memref_slice %arg3[%mul3A_1905] : memref<642048xi32, #tpu.memory_space<hbm>> -> memref<128xi32, #tpu.memory_space<hbm>>
      tpu.enqueue_dma source(%dma_start3A_1907 : memref<128xi32, #tpu.memory_space<hbm>>) target(%arg9 : memref<128xi32, #tpu.memory_space<vmem>>) target_semaphore(%arg14 : memref<!tpu.dma_semaphore, #tpu.memory_space<semaphore_mem>>)
      %mul3A_1908 = arith.constant 128 : i32
      %mul3A_1909 = arith.muli %add3A_1903, %mul3A_1908 : i32
      %dma_start3A_1910 = tpu.memref_slice %arg4[%mul3A_1909] : memref<642048xi32, #tpu.memory_space<hbm>> -> memref<128xi32, #tpu.memory_space<hbm>>
      %dma_start3A_1911 = tpu.memref_slice %arg4[%mul3A_1909] : memref<642048xi32, #tpu.memory_space<hbm>> -> memref<128xi32, #tpu.memory_space<hbm>>
      tpu.enqueue_dma source(%dma_start3A_1911 : memref<128xi32, #tpu.memory_space<hbm>>) target(%arg10 : memref<128xi32, #tpu.memory_space<vmem>>) target_semaphore(%arg15 : memref<!tpu.dma_semaphore, #tpu.memory_space<semaphore_mem>>)
      %dma_wait3A_1912 = tpu.memref_slice %arg3[%mul3A_1905] : memref<642048xi32, #tpu.memory_space<hbm>> -> memref<128xi32, #tpu.memory_space<hbm>>
      %dma_wait3A_1913 = tpu.memref_slice %arg3[%mul3A_1905] : memref<642048xi32, #tpu.memory_space<hbm>> -> memref<128xi32, #tpu.memory_space<hbm>>
      tpu.wait_dma2 semaphore(%arg14 : memref<!tpu.dma_semaphore, #tpu.memory_space<semaphore_mem>>) src(%dma_wait3A_1913 : memref<128xi32, #tpu.memory_space<hbm>>) dst(%arg9 : memref<128xi32, #tpu.memory_space<vmem>>)
      %dma_wait3A_1914 = tpu.memref_slice %arg4[%mul3A_1909] : memref<642048xi32, #tpu.memory_space<hbm>> -> memref<128xi32, #tpu.memory_space<hbm>>
      %dma_wait3A_1915 = tpu.memref_slice %arg4[%mul3A_1909] : memref<642048xi32, #tpu.memory_space<hbm>> -> memref<128xi32, #tpu.memory_space<hbm>>
      tpu.wait_dma2 semaphore(%arg15 : memref<!tpu.dma_semaphore, #tpu.memory_space<semaphore_mem>>) src(%dma_wait3A_1915 : memref<128xi32, #tpu.memory_space<hbm>>) dst(%arg10 : memref<128xi32, #tpu.memory_space<vmem>>)
      %dma_start3A_1916 = arith.constant 0 : i32
      %dma_start3A_1917 = arith.constant 0 : i32
      %dma_start3A_1918 = tpu.memref_slice %arg2[%dma_start3A_1916, %dma_start3A_1917] : memref<160000x128xf32, #tpu.memory_space<hbm>> -> memref<160000x128xf32, #tpu.memory_space<hbm>>
      tpu.enqueue_indirect_dma source(%dma_start3A_1918 : memref<160000x128xf32, #tpu.memory_space<hbm>>) target(%arg11 : memref<128x128xf32, #tpu.memory_space<vmem>>) offsets(%arg9 : memref<128xi32, #tpu.memory_space<vmem>>) semaphore(%arg14 : memref<!tpu.dma_semaphore, #tpu.memory_space<semaphore_mem>>)
      %dma_wait3A_1919 = arith.constant 0 : i32
      %dma_wait3A_1920 = arith.constant 0 : i32
      %dma_wait3A_1921 = tpu.memref_slice %arg2[%dma_wait3A_1919, %dma_wait3A_1920] : memref<160000x128xf32, #tpu.memory_space<hbm>> -> memref<160000x128xf32, #tpu.memory_space<hbm>>
      tpu.wait_indirect_dma semaphore(%arg14 : memref<!tpu.dma_semaphore, #tpu.memory_space<semaphore_mem>>) src(%dma_wait3A_1921 : memref<160000x128xf32, #tpu.memory_space<hbm>>) dst(%arg11 : memref<128x128xf32, #tpu.memory_space<vmem>>)
      %dma_start3A_1922 = arith.constant 0 : i32
      %dma_start3A_1923 = arith.constant 0 : i32
      %dma_start3A_1924 = tpu.memref_slice %arg13[%dma_start3A_1922, %dma_start3A_1923] : memref<10496x128xf32, #tpu.memory_space<vmem_shared>> -> memref<10496x128xf32, #tpu.memory_space<vmem_shared>>
      tpu.enqueue_indirect_dma source(%arg11 : memref<128x128xf32, #tpu.memory_space<vmem>>) target(%dma_start3A_1924 : memref<10496x128xf32, #tpu.memory_space<vmem_shared>>) offsets(%arg10 : memref<128xi32, #tpu.memory_space<vmem>>) semaphore(%arg15 : memref<!tpu.dma_semaphore, #tpu.memory_space<semaphore_mem>>) {add = true}
      %dma_wait3A_1925 = arith.constant 0 : i32
      %dma_wait3A_1926 = arith.constant 0 : i32
      %dma_wait3A_1927 = tpu.memref_slice %arg13[%dma_wait3A_1925, %dma_wait3A_1926] : memref<10496x128xf32, #tpu.memory_space<vmem_shared>> -> memref<10496x128xf32, #tpu.memory_space<vmem_shared>>
      tpu.wait_indirect_dma semaphore(%arg15 : memref<!tpu.dma_semaphore, #tpu.memory_space<semaphore_mem>>) src(%arg11 : memref<128x128xf32, #tpu.memory_space<vmem>>) dst(%dma_wait3A_1927 : memref<10496x128xf32, #tpu.memory_space<vmem_shared>>)
    }
    %while3A_824 = arith.constant 1 : i32
    scf.for %while3A_1901 = %while3A_822 to %while3A_818 step %while3A_824  : i32 {
      %mul3A_1902 = arith.muli %while3A_1901, %while3A_815 : i32
      %add3A_1903 = arith.addi %add3A_807, %mul3A_1902 : i32
      %mul3A_1904 = arith.constant 128 : i32
      %mul3A_1905 = arith.muli %add3A_1903, %mul3A_1904 : i32
      %dma_start3A_1906 = tpu.memref_slice %arg3[%mul3A_1905] : memref<642048xi32, #tpu.memory_space<hbm>> -> memref<128xi32, #tpu.memory_space<hbm>>
      %dma_start3A_1907 = tpu.memref_slice %arg3[%mul3A_1905] : memref<642048xi32, #tpu.memory_space<hbm>> -> memref<128xi32, #tpu.memory_space<hbm>>
      tpu.enqueue_dma source(%dma_start3A_1907 : memref<128xi32, #tpu.memory_space<hbm>>) target(%arg9 : memref<128xi32, #tpu.memory_space<vmem>>) target_semaphore(%arg14 : memref<!tpu.dma_semaphore, #tpu.memory_space<semaphore_mem>>)
      %mul3A_1908 = arith.constant 128 : i32
      %mul3A_1909 = arith.muli %add3A_1903, %mul3A_1908 : i32
      %dma_start3A_1910 = tpu.memref_slice %arg4[%mul3A_1909] : memref<642048xi32, #tpu.memory_space<hbm>> -> memref<128xi32, #tpu.memory_space<hbm>>
      %dma_start3A_1911 = tpu.memref_slice %arg4[%mul3A_1909] : memref<642048xi32, #tpu.memory_space<hbm>> -> memref<128xi32, #tpu.memory_space<hbm>>
      tpu.enqueue_dma source(%dma_start3A_1911 : memref<128xi32, #tpu.memory_space<hbm>>) target(%arg10 : memref<128xi32, #tpu.memory_space<vmem>>) target_semaphore(%arg15 : memref<!tpu.dma_semaphore, #tpu.memory_space<semaphore_mem>>)
      %dma_wait3A_1912 = tpu.memref_slice %arg3[%mul3A_1905] : memref<642048xi32, #tpu.memory_space<hbm>> -> memref<128xi32, #tpu.memory_space<hbm>>
      %dma_wait3A_1913 = tpu.memref_slice %arg3[%mul3A_1905] : memref<642048xi32, #tpu.memory_space<hbm>> -> memref<128xi32, #tpu.memory_space<hbm>>
      tpu.wait_dma2 semaphore(%arg14 : memref<!tpu.dma_semaphore, #tpu.memory_space<semaphore_mem>>) src(%dma_wait3A_1913 : memref<128xi32, #tpu.memory_space<hbm>>) dst(%arg9 : memref<128xi32, #tpu.memory_space<vmem>>)
      %dma_wait3A_1914 = tpu.memref_slice %arg4[%mul3A_1909] : memref<642048xi32, #tpu.memory_space<hbm>> -> memref<128xi32, #tpu.memory_space<hbm>>
      %dma_wait3A_1915 = tpu.memref_slice %arg4[%mul3A_1909] : memref<642048xi32, #tpu.memory_space<hbm>> -> memref<128xi32, #tpu.memory_space<hbm>>
      tpu.wait_dma2 semaphore(%arg15 : memref<!tpu.dma_semaphore, #tpu.memory_space<semaphore_mem>>) src(%dma_wait3A_1915 : memref<128xi32, #tpu.memory_space<hbm>>) dst(%arg10 : memref<128xi32, #tpu.memory_space<vmem>>)
      %dma_start3A_1916 = arith.constant 0 : i32
      %dma_start3A_1917 = arith.constant 0 : i32
      %dma_start3A_1918 = tpu.memref_slice %arg2[%dma_start3A_1916, %dma_start3A_1917] : memref<160000x128xf32, #tpu.memory_space<hbm>> -> memref<160000x128xf32, #tpu.memory_space<hbm>>
      tpu.enqueue_indirect_dma source(%dma_start3A_1918 : memref<160000x128xf32, #tpu.memory_space<hbm>>) target(%arg11 : memref<128x128xf32, #tpu.memory_space<vmem>>) offsets(%arg9 : memref<128xi32, #tpu.memory_space<vmem>>) semaphore(%arg14 : memref<!tpu.dma_semaphore, #tpu.memory_space<semaphore_mem>>)
      %dma_wait3A_1919 = arith.constant 0 : i32
      %dma_wait3A_1920 = arith.constant 0 : i32
      %dma_wait3A_1921 = tpu.memref_slice %arg2[%dma_wait3A_1919, %dma_wait3A_1920] : memref<160000x128xf32, #tpu.memory_space<hbm>> -> memref<160000x128xf32, #tpu.memory_space<hbm>>
      tpu.wait_indirect_dma semaphore(%arg14 : memref<!tpu.dma_semaphore, #tpu.memory_space<semaphore_mem>>) src(%dma_wait3A_1921 : memref<160000x128xf32, #tpu.memory_space<hbm>>) dst(%arg11 : memref<128x128xf32, #tpu.memory_space<vmem>>)
      %dma_start3A_1922 = arith.constant 0 : i32
      %dma_start3A_1923 = arith.constant 0 : i32
      %dma_start3A_1924 = tpu.memref_slice %arg13[%dma_start3A_1922, %dma_start3A_1923] : memref<10496x128xf32, #tpu.memory_space<vmem_shared>> -> memref<10496x128xf32, #tpu.memory_space<vmem_shared>>
      tpu.enqueue_indirect_dma source(%arg11 : memref<128x128xf32, #tpu.memory_space<vmem>>) target(%dma_start3A_1924 : memref<10496x128xf32, #tpu.memory_space<vmem_shared>>) offsets(%arg10 : memref<128xi32, #tpu.memory_space<vmem>>) semaphore(%arg15 : memref<!tpu.dma_semaphore, #tpu.memory_space<semaphore_mem>>) {add = true}
      %dma_wait3A_1925 = arith.constant 0 : i32
      %dma_wait3A_1926 = arith.constant 0 : i32
      %dma_wait3A_1927 = tpu.memref_slice %arg13[%dma_wait3A_1925, %dma_wait3A_1926] : memref<10496x128xf32, #tpu.memory_space<vmem_shared>> -> memref<10496x128xf32, #tpu.memory_space<vmem_shared>>
      tpu.wait_indirect_dma semaphore(%arg15 : memref<!tpu.dma_semaphore, #tpu.memory_space<semaphore_mem>>) src(%arg11 : memref<128x128xf32, #tpu.memory_space<vmem>>) dst(%dma_wait3A_1927 : memref<10496x128xf32, #tpu.memory_space<vmem_shared>>)
    }
    %barrier3A_825 = arith.constant 0 : index
    tpu.barrier barrier_id(%barrier3A_825)
    %mul3A_826 = arith.constant 10240 : i32
    %mul3A_827 = arith.muli %add3A_792, %mul3A_826 : i32
    %mul3A_828 = arith.constant 640 : i32
    %mul3A_829 = arith.muli %arg1, %mul3A_828 : i32
    %add3A_830 = arith.addi %mul3A_827, %mul3A_829 : i32
    %mul3A_831 = arith.constant 640 : i32
    %mul3A_832 = arith.muli %arg1, %mul3A_831 : i32
    %add3A_833 = arith.constant 0 : i32
    %add3A_834 = arith.addi %add3A_830, %add3A_833 : i32
    %add3A_835 = arith.constant 128 : i32
    %add3A_836 = arith.addi %add3A_834, %add3A_835 : i32
    %le3A_837 = arith.constant 160000 : i32
    %le3A_838 = arith.cmpi sle, %add3A_836, %le3A_837 : i32
    %convert_element_type3A_839 = arith.extui %le3A_838 : i1 to i32
    %cond3A_840 = arith.constant 0 : i32
    %cond3A_841 = arith.cmpi ne, %convert_element_type3A_839, %cond3A_840 : i32
    scf.if %cond3A_841 {
      %add3A_1901 = arith.constant 0 : i32
      %add3A_1902 = arith.addi %mul3A_832, %add3A_1901 : i32
      %dma_start3A_1903 = arith.constant 0 : i32
      %dma_start3A_1904 = tpu.memref_slice %arg13[%add3A_1902, %dma_start3A_1903] : memref<10496x128xf32, #tpu.memory_space<vmem_shared>> -> memref<128x128xf32, #tpu.memory_space<vmem_shared>>
      %dma_start3A_1905 = arith.constant 0 : i32
      %dma_start3A_1906 = tpu.memref_slice %arg13[%add3A_1902, %dma_start3A_1905] : memref<10496x128xf32, #tpu.memory_space<vmem_shared>> -> memref<128x128xf32, #tpu.memory_space<vmem_shared>>
      tpu.enqueue_dma source(%dma_start3A_1906 : memref<128x128xf32, #tpu.memory_space<vmem_shared>>) target(%arg11 : memref<128x128xf32, #tpu.memory_space<vmem>>) target_semaphore(%arg14 : memref<!tpu.dma_semaphore, #tpu.memory_space<semaphore_mem>>)
      %dma_wait3A_1907 = arith.constant 0 : i32
      %dma_wait3A_1908 = tpu.memref_slice %arg13[%add3A_1902, %dma_wait3A_1907] : memref<10496x128xf32, #tpu.memory_space<vmem_shared>> -> memref<128x128xf32, #tpu.memory_space<vmem_shared>>
      %dma_wait3A_1909 = arith.constant 0 : i32
      %dma_wait3A_1910 = tpu.memref_slice %arg13[%add3A_1902, %dma_wait3A_1909] : memref<10496x128xf32, #tpu.memory_space<vmem_shared>> -> memref<128x128xf32, #tpu.memory_space<vmem_shared>>
      tpu.wait_dma2 semaphore(%arg14 : memref<!tpu.dma_semaphore, #tpu.memory_space<semaphore_mem>>) src(%dma_wait3A_1910 : memref<128x128xf32, #tpu.memory_space<vmem_shared>>) dst(%arg11 : memref<128x128xf32, #tpu.memory_space<vmem>>)
      %add3A_1911 = arith.constant 0 : i32
      %add3A_1912 = arith.addi %add3A_830, %add3A_1911 : i32
      %dma_start3A_1913 = arith.constant 0 : i32
      %dma_start3A_1914 = tpu.memref_slice %arg7[%add3A_1912, %dma_start3A_1913] : memref<160000x128xf32, #tpu.memory_space<hbm>> -> memref<128x128xf32, #tpu.memory_space<hbm>>
      %dma_start3A_1915 = arith.constant 0 : i32
      %dma_start3A_1916 = tpu.memref_slice %arg7[%add3A_1912, %dma_start3A_1915] : memref<160000x128xf32, #tpu.memory_space<hbm>> -> memref<128x128xf32, #tpu.memory_space<hbm>>
      tpu.enqueue_dma source(%arg11 : memref<128x128xf32, #tpu.memory_space<vmem>>) target(%dma_start3A_1916 : memref<128x128xf32, #tpu.memory_space<hbm>>) target_semaphore(%arg14 : memref<!tpu.dma_semaphore, #tpu.memory_space<semaphore_mem>>)
      %dma_wait3A_1917 = arith.constant 0 : i32
      %dma_wait3A_1918 = tpu.memref_slice %arg7[%add3A_1912, %dma_wait3A_1917] : memref<160000x128xf32, #tpu.memory_space<hbm>> -> memref<128x128xf32, #tpu.memory_space<hbm>>
      %dma_wait3A_1919 = arith.constant 0 : i32
      %dma_wait3A_1920 = tpu.memref_slice %arg7[%add3A_1912, %dma_wait3A_1919] : memref<160000x128xf32, #tpu.memory_space<hbm>> -> memref<128x128xf32, #tpu.memory_space<hbm>>
      tpu.wait_dma2 semaphore(%arg14 : memref<!tpu.dma_semaphore, #tpu.memory_space<semaphore_mem>>) src(%arg11 : memref<128x128xf32, #tpu.memory_space<vmem>>) dst(%dma_wait3A_1920 : memref<128x128xf32, #tpu.memory_space<hbm>>)
    } else {
    }
    %add3A_842 = arith.constant 128 : i32
    %add3A_843 = arith.addi %add3A_830, %add3A_842 : i32
    %add3A_844 = arith.constant 128 : i32
    %add3A_845 = arith.addi %add3A_843, %add3A_844 : i32
    %le3A_846 = arith.constant 160000 : i32
    %le3A_847 = arith.cmpi sle, %add3A_845, %le3A_846 : i32
    %convert_element_type3A_848 = arith.extui %le3A_847 : i1 to i32
    %cond3A_849 = arith.constant 0 : i32
    %cond3A_850 = arith.cmpi ne, %convert_element_type3A_848, %cond3A_849 : i32
    scf.if %cond3A_850 {
      %add3A_1901 = arith.constant 128 : i32
      %add3A_1902 = arith.addi %mul3A_832, %add3A_1901 : i32
      %dma_start3A_1903 = arith.constant 0 : i32
      %dma_start3A_1904 = tpu.memref_slice %arg13[%add3A_1902, %dma_start3A_1903] : memref<10496x128xf32, #tpu.memory_space<vmem_shared>> -> memref<128x128xf32, #tpu.memory_space<vmem_shared>>
      %dma_start3A_1905 = arith.constant 0 : i32
      %dma_start3A_1906 = tpu.memref_slice %arg13[%add3A_1902, %dma_start3A_1905] : memref<10496x128xf32, #tpu.memory_space<vmem_shared>> -> memref<128x128xf32, #tpu.memory_space<vmem_shared>>
      tpu.enqueue_dma source(%dma_start3A_1906 : memref<128x128xf32, #tpu.memory_space<vmem_shared>>) target(%arg11 : memref<128x128xf32, #tpu.memory_space<vmem>>) target_semaphore(%arg14 : memref<!tpu.dma_semaphore, #tpu.memory_space<semaphore_mem>>)
      %dma_wait3A_1907 = arith.constant 0 : i32
      %dma_wait3A_1908 = tpu.memref_slice %arg13[%add3A_1902, %dma_wait3A_1907] : memref<10496x128xf32, #tpu.memory_space<vmem_shared>> -> memref<128x128xf32, #tpu.memory_space<vmem_shared>>
      %dma_wait3A_1909 = arith.constant 0 : i32
      %dma_wait3A_1910 = tpu.memref_slice %arg13[%add3A_1902, %dma_wait3A_1909] : memref<10496x128xf32, #tpu.memory_space<vmem_shared>> -> memref<128x128xf32, #tpu.memory_space<vmem_shared>>
      tpu.wait_dma2 semaphore(%arg14 : memref<!tpu.dma_semaphore, #tpu.memory_space<semaphore_mem>>) src(%dma_wait3A_1910 : memref<128x128xf32, #tpu.memory_space<vmem_shared>>) dst(%arg11 : memref<128x128xf32, #tpu.memory_space<vmem>>)
      %add3A_1911 = arith.constant 128 : i32
      %add3A_1912 = arith.addi %add3A_830, %add3A_1911 : i32
      %dma_start3A_1913 = arith.constant 0 : i32
      %dma_start3A_1914 = tpu.memref_slice %arg7[%add3A_1912, %dma_start3A_1913] : memref<160000x128xf32, #tpu.memory_space<hbm>> -> memref<128x128xf32, #tpu.memory_space<hbm>>
      %dma_start3A_1915 = arith.constant 0 : i32
      %dma_start3A_1916 = tpu.memref_slice %arg7[%add3A_1912, %dma_start3A_1915] : memref<160000x128xf32, #tpu.memory_space<hbm>> -> memref<128x128xf32, #tpu.memory_space<hbm>>
      tpu.enqueue_dma source(%arg11 : memref<128x128xf32, #tpu.memory_space<vmem>>) target(%dma_start3A_1916 : memref<128x128xf32, #tpu.memory_space<hbm>>) target_semaphore(%arg14 : memref<!tpu.dma_semaphore, #tpu.memory_space<semaphore_mem>>)
      %dma_wait3A_1917 = arith.constant 0 : i32
      %dma_wait3A_1918 = tpu.memref_slice %arg7[%add3A_1912, %dma_wait3A_1917] : memref<160000x128xf32, #tpu.memory_space<hbm>> -> memref<128x128xf32, #tpu.memory_space<hbm>>
      %dma_wait3A_1919 = arith.constant 0 : i32
      %dma_wait3A_1920 = tpu.memref_slice %arg7[%add3A_1912, %dma_wait3A_1919] : memref<160000x128xf32, #tpu.memory_space<hbm>> -> memref<128x128xf32, #tpu.memory_space<hbm>>
      tpu.wait_dma2 semaphore(%arg14 : memref<!tpu.dma_semaphore, #tpu.memory_space<semaphore_mem>>) src(%arg11 : memref<128x128xf32, #tpu.memory_space<vmem>>) dst(%dma_wait3A_1920 : memref<128x128xf32, #tpu.memory_space<hbm>>)
    } else {
    }
    %add3A_851 = arith.constant 256 : i32
    %add3A_852 = arith.addi %add3A_830, %add3A_851 : i32
    %add3A_853 = arith.constant 128 : i32
    %add3A_854 = arith.addi %add3A_852, %add3A_853 : i32
    %le3A_855 = arith.constant 160000 : i32
    %le3A_856 = arith.cmpi sle, %add3A_854, %le3A_855 : i32
    %convert_element_type3A_857 = arith.extui %le3A_856 : i1 to i32
    %cond3A_858 = arith.constant 0 : i32
    %cond3A_859 = arith.cmpi ne, %convert_element_type3A_857, %cond3A_858 : i32
    scf.if %cond3A_859 {
      %add3A_1901 = arith.constant 256 : i32
      %add3A_1902 = arith.addi %mul3A_832, %add3A_1901 : i32
      %dma_start3A_1903 = arith.constant 0 : i32
      %dma_start3A_1904 = tpu.memref_slice %arg13[%add3A_1902, %dma_start3A_1903] : memref<10496x128xf32, #tpu.memory_space<vmem_shared>> -> memref<128x128xf32, #tpu.memory_space<vmem_shared>>
      %dma_start3A_1905 = arith.constant 0 : i32
      %dma_start3A_1906 = tpu.memref_slice %arg13[%add3A_1902, %dma_start3A_1905] : memref<10496x128xf32, #tpu.memory_space<vmem_shared>> -> memref<128x128xf32, #tpu.memory_space<vmem_shared>>
      tpu.enqueue_dma source(%dma_start3A_1906 : memref<128x128xf32, #tpu.memory_space<vmem_shared>>) target(%arg11 : memref<128x128xf32, #tpu.memory_space<vmem>>) target_semaphore(%arg14 : memref<!tpu.dma_semaphore, #tpu.memory_space<semaphore_mem>>)
      %dma_wait3A_1907 = arith.constant 0 : i32
      %dma_wait3A_1908 = tpu.memref_slice %arg13[%add3A_1902, %dma_wait3A_1907] : memref<10496x128xf32, #tpu.memory_space<vmem_shared>> -> memref<128x128xf32, #tpu.memory_space<vmem_shared>>
      %dma_wait3A_1909 = arith.constant 0 : i32
      %dma_wait3A_1910 = tpu.memref_slice %arg13[%add3A_1902, %dma_wait3A_1909] : memref<10496x128xf32, #tpu.memory_space<vmem_shared>> -> memref<128x128xf32, #tpu.memory_space<vmem_shared>>
      tpu.wait_dma2 semaphore(%arg14 : memref<!tpu.dma_semaphore, #tpu.memory_space<semaphore_mem>>) src(%dma_wait3A_1910 : memref<128x128xf32, #tpu.memory_space<vmem_shared>>) dst(%arg11 : memref<128x128xf32, #tpu.memory_space<vmem>>)
      %add3A_1911 = arith.constant 256 : i32
      %add3A_1912 = arith.addi %add3A_830, %add3A_1911 : i32
      %dma_start3A_1913 = arith.constant 0 : i32
      %dma_start3A_1914 = tpu.memref_slice %arg7[%add3A_1912, %dma_start3A_1913] : memref<160000x128xf32, #tpu.memory_space<hbm>> -> memref<128x128xf32, #tpu.memory_space<hbm>>
      %dma_start3A_1915 = arith.constant 0 : i32
      %dma_start3A_1916 = tpu.memref_slice %arg7[%add3A_1912, %dma_start3A_1915] : memref<160000x128xf32, #tpu.memory_space<hbm>> -> memref<128x128xf32, #tpu.memory_space<hbm>>
      tpu.enqueue_dma source(%arg11 : memref<128x128xf32, #tpu.memory_space<vmem>>) target(%dma_start3A_1916 : memref<128x128xf32, #tpu.memory_space<hbm>>) target_semaphore(%arg14 : memref<!tpu.dma_semaphore, #tpu.memory_space<semaphore_mem>>)
      %dma_wait3A_1917 = arith.constant 0 : i32
      %dma_wait3A_1918 = tpu.memref_slice %arg7[%add3A_1912, %dma_wait3A_1917] : memref<160000x128xf32, #tpu.memory_space<hbm>> -> memref<128x128xf32, #tpu.memory_space<hbm>>
      %dma_wait3A_1919 = arith.constant 0 : i32
      %dma_wait3A_1920 = tpu.memref_slice %arg7[%add3A_1912, %dma_wait3A_1919] : memref<160000x128xf32, #tpu.memory_space<hbm>> -> memref<128x128xf32, #tpu.memory_space<hbm>>
      tpu.wait_dma2 semaphore(%arg14 : memref<!tpu.dma_semaphore, #tpu.memory_space<semaphore_mem>>) src(%arg11 : memref<128x128xf32, #tpu.memory_space<vmem>>) dst(%dma_wait3A_1920 : memref<128x128xf32, #tpu.memory_space<hbm>>)
    } else {
    }
    %add3A_860 = arith.constant 384 : i32
    %add3A_861 = arith.addi %add3A_830, %add3A_860 : i32
    %add3A_862 = arith.constant 128 : i32
    %add3A_863 = arith.addi %add3A_861, %add3A_862 : i32
    %le3A_864 = arith.constant 160000 : i32
    %le3A_865 = arith.cmpi sle, %add3A_863, %le3A_864 : i32
    %convert_element_type3A_866 = arith.extui %le3A_865 : i1 to i32
    %cond3A_867 = arith.constant 0 : i32
    %cond3A_868 = arith.cmpi ne, %convert_element_type3A_866, %cond3A_867 : i32
    scf.if %cond3A_868 {
      %add3A_1901 = arith.constant 384 : i32
      %add3A_1902 = arith.addi %mul3A_832, %add3A_1901 : i32
      %dma_start3A_1903 = arith.constant 0 : i32
      %dma_start3A_1904 = tpu.memref_slice %arg13[%add3A_1902, %dma_start3A_1903] : memref<10496x128xf32, #tpu.memory_space<vmem_shared>> -> memref<128x128xf32, #tpu.memory_space<vmem_shared>>
      %dma_start3A_1905 = arith.constant 0 : i32
      %dma_start3A_1906 = tpu.memref_slice %arg13[%add3A_1902, %dma_start3A_1905] : memref<10496x128xf32, #tpu.memory_space<vmem_shared>> -> memref<128x128xf32, #tpu.memory_space<vmem_shared>>
      tpu.enqueue_dma source(%dma_start3A_1906 : memref<128x128xf32, #tpu.memory_space<vmem_shared>>) target(%arg11 : memref<128x128xf32, #tpu.memory_space<vmem>>) target_semaphore(%arg14 : memref<!tpu.dma_semaphore, #tpu.memory_space<semaphore_mem>>)
      %dma_wait3A_1907 = arith.constant 0 : i32
      %dma_wait3A_1908 = tpu.memref_slice %arg13[%add3A_1902, %dma_wait3A_1907] : memref<10496x128xf32, #tpu.memory_space<vmem_shared>> -> memref<128x128xf32, #tpu.memory_space<vmem_shared>>
      %dma_wait3A_1909 = arith.constant 0 : i32
      %dma_wait3A_1910 = tpu.memref_slice %arg13[%add3A_1902, %dma_wait3A_1909] : memref<10496x128xf32, #tpu.memory_space<vmem_shared>> -> memref<128x128xf32, #tpu.memory_space<vmem_shared>>
      tpu.wait_dma2 semaphore(%arg14 : memref<!tpu.dma_semaphore, #tpu.memory_space<semaphore_mem>>) src(%dma_wait3A_1910 : memref<128x128xf32, #tpu.memory_space<vmem_shared>>) dst(%arg11 : memref<128x128xf32, #tpu.memory_space<vmem>>)
      %add3A_1911 = arith.constant 384 : i32
      %add3A_1912 = arith.addi %add3A_830, %add3A_1911 : i32
      %dma_start3A_1913 = arith.constant 0 : i32
      %dma_start3A_1914 = tpu.memref_slice %arg7[%add3A_1912, %dma_start3A_1913] : memref<160000x128xf32, #tpu.memory_space<hbm>> -> memref<128x128xf32, #tpu.memory_space<hbm>>
      %dma_start3A_1915 = arith.constant 0 : i32
      %dma_start3A_1916 = tpu.memref_slice %arg7[%add3A_1912, %dma_start3A_1915] : memref<160000x128xf32, #tpu.memory_space<hbm>> -> memref<128x128xf32, #tpu.memory_space<hbm>>
      tpu.enqueue_dma source(%arg11 : memref<128x128xf32, #tpu.memory_space<vmem>>) target(%dma_start3A_1916 : memref<128x128xf32, #tpu.memory_space<hbm>>) target_semaphore(%arg14 : memref<!tpu.dma_semaphore, #tpu.memory_space<semaphore_mem>>)
      %dma_wait3A_1917 = arith.constant 0 : i32
      %dma_wait3A_1918 = tpu.memref_slice %arg7[%add3A_1912, %dma_wait3A_1917] : memref<160000x128xf32, #tpu.memory_space<hbm>> -> memref<128x128xf32, #tpu.memory_space<hbm>>
      %dma_wait3A_1919 = arith.constant 0 : i32
      %dma_wait3A_1920 = tpu.memref_slice %arg7[%add3A_1912, %dma_wait3A_1919] : memref<160000x128xf32, #tpu.memory_space<hbm>> -> memref<128x128xf32, #tpu.memory_space<hbm>>
      tpu.wait_dma2 semaphore(%arg14 : memref<!tpu.dma_semaphore, #tpu.memory_space<semaphore_mem>>) src(%arg11 : memref<128x128xf32, #tpu.memory_space<vmem>>) dst(%dma_wait3A_1920 : memref<128x128xf32, #tpu.memory_space<hbm>>)
    } else {
    }
    %add3A_869 = arith.constant 512 : i32
    %add3A_870 = arith.addi %add3A_830, %add3A_869 : i32
    %add3A_871 = arith.constant 128 : i32
    %add3A_872 = arith.addi %add3A_870, %add3A_871 : i32
    %le3A_873 = arith.constant 160000 : i32
    %le3A_874 = arith.cmpi sle, %add3A_872, %le3A_873 : i32
    %convert_element_type3A_875 = arith.extui %le3A_874 : i1 to i32
    %cond3A_876 = arith.constant 0 : i32
    %cond3A_877 = arith.cmpi ne, %convert_element_type3A_875, %cond3A_876 : i32
    scf.if %cond3A_877 {
      %add3A_1901 = arith.constant 512 : i32
      %add3A_1902 = arith.addi %mul3A_832, %add3A_1901 : i32
      %dma_start3A_1903 = arith.constant 0 : i32
      %dma_start3A_1904 = tpu.memref_slice %arg13[%add3A_1902, %dma_start3A_1903] : memref<10496x128xf32, #tpu.memory_space<vmem_shared>> -> memref<128x128xf32, #tpu.memory_space<vmem_shared>>
      %dma_start3A_1905 = arith.constant 0 : i32
      %dma_start3A_1906 = tpu.memref_slice %arg13[%add3A_1902, %dma_start3A_1905] : memref<10496x128xf32, #tpu.memory_space<vmem_shared>> -> memref<128x128xf32, #tpu.memory_space<vmem_shared>>
      tpu.enqueue_dma source(%dma_start3A_1906 : memref<128x128xf32, #tpu.memory_space<vmem_shared>>) target(%arg11 : memref<128x128xf32, #tpu.memory_space<vmem>>) target_semaphore(%arg14 : memref<!tpu.dma_semaphore, #tpu.memory_space<semaphore_mem>>)
      %dma_wait3A_1907 = arith.constant 0 : i32
      %dma_wait3A_1908 = tpu.memref_slice %arg13[%add3A_1902, %dma_wait3A_1907] : memref<10496x128xf32, #tpu.memory_space<vmem_shared>> -> memref<128x128xf32, #tpu.memory_space<vmem_shared>>
      %dma_wait3A_1909 = arith.constant 0 : i32
      %dma_wait3A_1910 = tpu.memref_slice %arg13[%add3A_1902, %dma_wait3A_1909] : memref<10496x128xf32, #tpu.memory_space<vmem_shared>> -> memref<128x128xf32, #tpu.memory_space<vmem_shared>>
      tpu.wait_dma2 semaphore(%arg14 : memref<!tpu.dma_semaphore, #tpu.memory_space<semaphore_mem>>) src(%dma_wait3A_1910 : memref<128x128xf32, #tpu.memory_space<vmem_shared>>) dst(%arg11 : memref<128x128xf32, #tpu.memory_space<vmem>>)
      %add3A_1911 = arith.constant 512 : i32
      %add3A_1912 = arith.addi %add3A_830, %add3A_1911 : i32
      %dma_start3A_1913 = arith.constant 0 : i32
      %dma_start3A_1914 = tpu.memref_slice %arg7[%add3A_1912, %dma_start3A_1913] : memref<160000x128xf32, #tpu.memory_space<hbm>> -> memref<128x128xf32, #tpu.memory_space<hbm>>
      %dma_start3A_1915 = arith.constant 0 : i32
      %dma_start3A_1916 = tpu.memref_slice %arg7[%add3A_1912, %dma_start3A_1915] : memref<160000x128xf32, #tpu.memory_space<hbm>> -> memref<128x128xf32, #tpu.memory_space<hbm>>
      tpu.enqueue_dma source(%arg11 : memref<128x128xf32, #tpu.memory_space<vmem>>) target(%dma_start3A_1916 : memref<128x128xf32, #tpu.memory_space<hbm>>) target_semaphore(%arg14 : memref<!tpu.dma_semaphore, #tpu.memory_space<semaphore_mem>>)
      %dma_wait3A_1917 = arith.constant 0 : i32
      %dma_wait3A_1918 = tpu.memref_slice %arg7[%add3A_1912, %dma_wait3A_1917] : memref<160000x128xf32, #tpu.memory_space<hbm>> -> memref<128x128xf32, #tpu.memory_space<hbm>>
      %dma_wait3A_1919 = arith.constant 0 : i32
      %dma_wait3A_1920 = tpu.memref_slice %arg7[%add3A_1912, %dma_wait3A_1919] : memref<160000x128xf32, #tpu.memory_space<hbm>> -> memref<128x128xf32, #tpu.memory_space<hbm>>
      tpu.wait_dma2 semaphore(%arg14 : memref<!tpu.dma_semaphore, #tpu.memory_space<semaphore_mem>>) src(%arg11 : memref<128x128xf32, #tpu.memory_space<vmem>>) dst(%dma_wait3A_1920 : memref<128x128xf32, #tpu.memory_space<hbm>>)
    } else {
    }
    %mul3A_878 = arith.constant 656 : i32
    %mul3A_879 = arith.muli %arg1, %mul3A_878 : i32
    %add3A_880 = arith.constant 0 : i32
    %add3A_881 = arith.addi %mul3A_879, %add3A_880 : i32
    %dma_start3A_882 = arith.constant 0 : i32
    %dma_start3A_883 = arith.constant 0 : i32
    %dma_start3A_884 = tpu.memref_slice %arg12[%dma_start3A_882, %dma_start3A_883] : memref<128x128xf32, #tpu.memory_space<vmem>> -> memref<128x128xf32, #tpu.memory_space<vmem>>
    %dma_start3A_885 = arith.constant 0 : i32
    %dma_start3A_886 = tpu.memref_slice %arg13[%add3A_881, %dma_start3A_885] : memref<10496x128xf32, #tpu.memory_space<vmem_shared>> -> memref<128x128xf32, #tpu.memory_space<vmem_shared>>
    %dma_start3A_887 = arith.constant 0 : i32
    %dma_start3A_888 = tpu.memref_slice %arg13[%add3A_881, %dma_start3A_887] : memref<10496x128xf32, #tpu.memory_space<vmem_shared>> -> memref<128x128xf32, #tpu.memory_space<vmem_shared>>
    %dma_start3A_889 = arith.constant 0 : i32
    %dma_start3A_890 = arith.constant 0 : i32
    %dma_start3A_891 = tpu.memref_slice %arg12[%dma_start3A_889, %dma_start3A_890] : memref<128x128xf32, #tpu.memory_space<vmem>> -> memref<128x128xf32, #tpu.memory_space<vmem>>
    tpu.enqueue_dma source(%dma_start3A_891 : memref<128x128xf32, #tpu.memory_space<vmem>>) target(%dma_start3A_888 : memref<128x128xf32, #tpu.memory_space<vmem_shared>>) target_semaphore(%arg14 : memref<!tpu.dma_semaphore, #tpu.memory_space<semaphore_mem>>)
    %dma_wait3A_892 = arith.constant 0 : i32
    %dma_wait3A_893 = arith.constant 0 : i32
    %dma_wait3A_894 = tpu.memref_slice %arg12[%dma_wait3A_892, %dma_wait3A_893] : memref<128x128xf32, #tpu.memory_space<vmem>> -> memref<128x128xf32, #tpu.memory_space<vmem>>
    %dma_wait3A_895 = arith.constant 0 : i32
    %dma_wait3A_896 = tpu.memref_slice %arg13[%add3A_881, %dma_wait3A_895] : memref<10496x128xf32, #tpu.memory_space<vmem_shared>> -> memref<128x128xf32, #tpu.memory_space<vmem_shared>>
    %dma_wait3A_897 = arith.constant 0 : i32
    %dma_wait3A_898 = tpu.memref_slice %arg13[%add3A_881, %dma_wait3A_897] : memref<10496x128xf32, #tpu.memory_space<vmem_shared>> -> memref<128x128xf32, #tpu.memory_space<vmem_shared>>
    %dma_wait3A_899 = arith.constant 0 : i32
    %dma_wait3A_900 = arith.constant 0 : i32
    %dma_wait3A_901 = tpu.memref_slice %arg12[%dma_wait3A_899, %dma_wait3A_900] : memref<128x128xf32, #tpu.memory_space<vmem>> -> memref<128x128xf32, #tpu.memory_space<vmem>>
    tpu.wait_dma2 semaphore(%arg14 : memref<!tpu.dma_semaphore, #tpu.memory_space<semaphore_mem>>) src(%dma_wait3A_901 : memref<128x128xf32, #tpu.memory_space<vmem>>) dst(%dma_wait3A_898 : memref<128x128xf32, #tpu.memory_space<vmem_shared>>)
    %add3A_902 = arith.constant 128 : i32
    %add3A_903 = arith.addi %mul3A_879, %add3A_902 : i32
    %dma_start3A_904 = arith.constant 0 : i32
    %dma_start3A_905 = arith.constant 0 : i32
    %dma_start3A_906 = tpu.memref_slice %arg12[%dma_start3A_904, %dma_start3A_905] : memref<128x128xf32, #tpu.memory_space<vmem>> -> memref<128x128xf32, #tpu.memory_space<vmem>>
    %dma_start3A_907 = arith.constant 0 : i32
    %dma_start3A_908 = tpu.memref_slice %arg13[%add3A_903, %dma_start3A_907] : memref<10496x128xf32, #tpu.memory_space<vmem_shared>> -> memref<128x128xf32, #tpu.memory_space<vmem_shared>>
    %dma_start3A_909 = arith.constant 0 : i32
    %dma_start3A_910 = tpu.memref_slice %arg13[%add3A_903, %dma_start3A_909] : memref<10496x128xf32, #tpu.memory_space<vmem_shared>> -> memref<128x128xf32, #tpu.memory_space<vmem_shared>>
    %dma_start3A_911 = arith.constant 0 : i32
    %dma_start3A_912 = arith.constant 0 : i32
    %dma_start3A_913 = tpu.memref_slice %arg12[%dma_start3A_911, %dma_start3A_912] : memref<128x128xf32, #tpu.memory_space<vmem>> -> memref<128x128xf32, #tpu.memory_space<vmem>>
    tpu.enqueue_dma source(%dma_start3A_913 : memref<128x128xf32, #tpu.memory_space<vmem>>) target(%dma_start3A_910 : memref<128x128xf32, #tpu.memory_space<vmem_shared>>) target_semaphore(%arg14 : memref<!tpu.dma_semaphore, #tpu.memory_space<semaphore_mem>>)
    %dma_wait3A_914 = arith.constant 0 : i32
    %dma_wait3A_915 = arith.constant 0 : i32
    %dma_wait3A_916 = tpu.memref_slice %arg12[%dma_wait3A_914, %dma_wait3A_915] : memref<128x128xf32, #tpu.memory_space<vmem>> -> memref<128x128xf32, #tpu.memory_space<vmem>>
    %dma_wait3A_917 = arith.constant 0 : i32
    %dma_wait3A_918 = tpu.memref_slice %arg13[%add3A_903, %dma_wait3A_917] : memref<10496x128xf32, #tpu.memory_space<vmem_shared>> -> memref<128x128xf32, #tpu.memory_space<vmem_shared>>
    %dma_wait3A_919 = arith.constant 0 : i32
    %dma_wait3A_920 = tpu.memref_slice %arg13[%add3A_903, %dma_wait3A_919] : memref<10496x128xf32, #tpu.memory_space<vmem_shared>> -> memref<128x128xf32, #tpu.memory_space<vmem_shared>>
    %dma_wait3A_921 = arith.constant 0 : i32
    %dma_wait3A_922 = arith.constant 0 : i32
    %dma_wait3A_923 = tpu.memref_slice %arg12[%dma_wait3A_921, %dma_wait3A_922] : memref<128x128xf32, #tpu.memory_space<vmem>> -> memref<128x128xf32, #tpu.memory_space<vmem>>
    tpu.wait_dma2 semaphore(%arg14 : memref<!tpu.dma_semaphore, #tpu.memory_space<semaphore_mem>>) src(%dma_wait3A_923 : memref<128x128xf32, #tpu.memory_space<vmem>>) dst(%dma_wait3A_920 : memref<128x128xf32, #tpu.memory_space<vmem_shared>>)
    %add3A_924 = arith.constant 256 : i32
    %add3A_925 = arith.addi %mul3A_879, %add3A_924 : i32
    %dma_start3A_926 = arith.constant 0 : i32
    %dma_start3A_927 = arith.constant 0 : i32
    %dma_start3A_928 = tpu.memref_slice %arg12[%dma_start3A_926, %dma_start3A_927] : memref<128x128xf32, #tpu.memory_space<vmem>> -> memref<128x128xf32, #tpu.memory_space<vmem>>
    %dma_start3A_929 = arith.constant 0 : i32
    %dma_start3A_930 = tpu.memref_slice %arg13[%add3A_925, %dma_start3A_929] : memref<10496x128xf32, #tpu.memory_space<vmem_shared>> -> memref<128x128xf32, #tpu.memory_space<vmem_shared>>
    %dma_start3A_931 = arith.constant 0 : i32
    %dma_start3A_932 = tpu.memref_slice %arg13[%add3A_925, %dma_start3A_931] : memref<10496x128xf32, #tpu.memory_space<vmem_shared>> -> memref<128x128xf32, #tpu.memory_space<vmem_shared>>
    %dma_start3A_933 = arith.constant 0 : i32
    %dma_start3A_934 = arith.constant 0 : i32
    %dma_start3A_935 = tpu.memref_slice %arg12[%dma_start3A_933, %dma_start3A_934] : memref<128x128xf32, #tpu.memory_space<vmem>> -> memref<128x128xf32, #tpu.memory_space<vmem>>
    tpu.enqueue_dma source(%dma_start3A_935 : memref<128x128xf32, #tpu.memory_space<vmem>>) target(%dma_start3A_932 : memref<128x128xf32, #tpu.memory_space<vmem_shared>>) target_semaphore(%arg14 : memref<!tpu.dma_semaphore, #tpu.memory_space<semaphore_mem>>)
    %dma_wait3A_936 = arith.constant 0 : i32
    %dma_wait3A_937 = arith.constant 0 : i32
    %dma_wait3A_938 = tpu.memref_slice %arg12[%dma_wait3A_936, %dma_wait3A_937] : memref<128x128xf32, #tpu.memory_space<vmem>> -> memref<128x128xf32, #tpu.memory_space<vmem>>
    %dma_wait3A_939 = arith.constant 0 : i32
    %dma_wait3A_940 = tpu.memref_slice %arg13[%add3A_925, %dma_wait3A_939] : memref<10496x128xf32, #tpu.memory_space<vmem_shared>> -> memref<128x128xf32, #tpu.memory_space<vmem_shared>>
    %dma_wait3A_941 = arith.constant 0 : i32
    %dma_wait3A_942 = tpu.memref_slice %arg13[%add3A_925, %dma_wait3A_941] : memref<10496x128xf32, #tpu.memory_space<vmem_shared>> -> memref<128x128xf32, #tpu.memory_space<vmem_shared>>
    %dma_wait3A_943 = arith.constant 0 : i32
    %dma_wait3A_944 = arith.constant 0 : i32
    %dma_wait3A_945 = tpu.memref_slice %arg12[%dma_wait3A_943, %dma_wait3A_944] : memref<128x128xf32, #tpu.memory_space<vmem>> -> memref<128x128xf32, #tpu.memory_space<vmem>>
    tpu.wait_dma2 semaphore(%arg14 : memref<!tpu.dma_semaphore, #tpu.memory_space<semaphore_mem>>) src(%dma_wait3A_945 : memref<128x128xf32, #tpu.memory_space<vmem>>) dst(%dma_wait3A_942 : memref<128x128xf32, #tpu.memory_space<vmem_shared>>)
    %add3A_946 = arith.constant 384 : i32
    %add3A_947 = arith.addi %mul3A_879, %add3A_946 : i32
    %dma_start3A_948 = arith.constant 0 : i32
    %dma_start3A_949 = arith.constant 0 : i32
    %dma_start3A_950 = tpu.memref_slice %arg12[%dma_start3A_948, %dma_start3A_949] : memref<128x128xf32, #tpu.memory_space<vmem>> -> memref<128x128xf32, #tpu.memory_space<vmem>>
    %dma_start3A_951 = arith.constant 0 : i32
    %dma_start3A_952 = tpu.memref_slice %arg13[%add3A_947, %dma_start3A_951] : memref<10496x128xf32, #tpu.memory_space<vmem_shared>> -> memref<128x128xf32, #tpu.memory_space<vmem_shared>>
    %dma_start3A_953 = arith.constant 0 : i32
    %dma_start3A_954 = tpu.memref_slice %arg13[%add3A_947, %dma_start3A_953] : memref<10496x128xf32, #tpu.memory_space<vmem_shared>> -> memref<128x128xf32, #tpu.memory_space<vmem_shared>>
    %dma_start3A_955 = arith.constant 0 : i32
    %dma_start3A_956 = arith.constant 0 : i32
    %dma_start3A_957 = tpu.memref_slice %arg12[%dma_start3A_955, %dma_start3A_956] : memref<128x128xf32, #tpu.memory_space<vmem>> -> memref<128x128xf32, #tpu.memory_space<vmem>>
    tpu.enqueue_dma source(%dma_start3A_957 : memref<128x128xf32, #tpu.memory_space<vmem>>) target(%dma_start3A_954 : memref<128x128xf32, #tpu.memory_space<vmem_shared>>) target_semaphore(%arg14 : memref<!tpu.dma_semaphore, #tpu.memory_space<semaphore_mem>>)
    %dma_wait3A_958 = arith.constant 0 : i32
    %dma_wait3A_959 = arith.constant 0 : i32
    %dma_wait3A_960 = tpu.memref_slice %arg12[%dma_wait3A_958, %dma_wait3A_959] : memref<128x128xf32, #tpu.memory_space<vmem>> -> memref<128x128xf32, #tpu.memory_space<vmem>>
    %dma_wait3A_961 = arith.constant 0 : i32
    %dma_wait3A_962 = tpu.memref_slice %arg13[%add3A_947, %dma_wait3A_961] : memref<10496x128xf32, #tpu.memory_space<vmem_shared>> -> memref<128x128xf32, #tpu.memory_space<vmem_shared>>
    %dma_wait3A_963 = arith.constant 0 : i32
    %dma_wait3A_964 = tpu.memref_slice %arg13[%add3A_947, %dma_wait3A_963] : memref<10496x128xf32, #tpu.memory_space<vmem_shared>> -> memref<128x128xf32, #tpu.memory_space<vmem_shared>>
    %dma_wait3A_965 = arith.constant 0 : i32
    %dma_wait3A_966 = arith.constant 0 : i32
    %dma_wait3A_967 = tpu.memref_slice %arg12[%dma_wait3A_965, %dma_wait3A_966] : memref<128x128xf32, #tpu.memory_space<vmem>> -> memref<128x128xf32, #tpu.memory_space<vmem>>
    tpu.wait_dma2 semaphore(%arg14 : memref<!tpu.dma_semaphore, #tpu.memory_space<semaphore_mem>>) src(%dma_wait3A_967 : memref<128x128xf32, #tpu.memory_space<vmem>>) dst(%dma_wait3A_964 : memref<128x128xf32, #tpu.memory_space<vmem_shared>>)
    %add3A_968 = arith.constant 512 : i32
    %add3A_969 = arith.addi %mul3A_879, %add3A_968 : i32
    %dma_start3A_970 = arith.constant 0 : i32
    %dma_start3A_971 = arith.constant 0 : i32
    %dma_start3A_972 = tpu.memref_slice %arg12[%dma_start3A_970, %dma_start3A_971] : memref<128x128xf32, #tpu.memory_space<vmem>> -> memref<128x128xf32, #tpu.memory_space<vmem>>
    %dma_start3A_973 = arith.constant 0 : i32
    %dma_start3A_974 = tpu.memref_slice %arg13[%add3A_969, %dma_start3A_973] : memref<10496x128xf32, #tpu.memory_space<vmem_shared>> -> memref<128x128xf32, #tpu.memory_space<vmem_shared>>
    %dma_start3A_975 = arith.constant 0 : i32
    %dma_start3A_976 = tpu.memref_slice %arg13[%add3A_969, %dma_start3A_975] : memref<10496x128xf32, #tpu.memory_space<vmem_shared>> -> memref<128x128xf32, #tpu.memory_space<vmem_shared>>
    %dma_start3A_977 = arith.constant 0 : i32
    %dma_start3A_978 = arith.constant 0 : i32
    %dma_start3A_979 = tpu.memref_slice %arg12[%dma_start3A_977, %dma_start3A_978] : memref<128x128xf32, #tpu.memory_space<vmem>> -> memref<128x128xf32, #tpu.memory_space<vmem>>
    tpu.enqueue_dma source(%dma_start3A_979 : memref<128x128xf32, #tpu.memory_space<vmem>>) target(%dma_start3A_976 : memref<128x128xf32, #tpu.memory_space<vmem_shared>>) target_semaphore(%arg14 : memref<!tpu.dma_semaphore, #tpu.memory_space<semaphore_mem>>)
    %dma_wait3A_980 = arith.constant 0 : i32
    %dma_wait3A_981 = arith.constant 0 : i32
    %dma_wait3A_982 = tpu.memref_slice %arg12[%dma_wait3A_980, %dma_wait3A_981] : memref<128x128xf32, #tpu.memory_space<vmem>> -> memref<128x128xf32, #tpu.memory_space<vmem>>
    %dma_wait3A_983 = arith.constant 0 : i32
    %dma_wait3A_984 = tpu.memref_slice %arg13[%add3A_969, %dma_wait3A_983] : memref<10496x128xf32, #tpu.memory_space<vmem_shared>> -> memref<128x128xf32, #tpu.memory_space<vmem_shared>>
    %dma_wait3A_985 = arith.constant 0 : i32
    %dma_wait3A_986 = tpu.memref_slice %arg13[%add3A_969, %dma_wait3A_985] : memref<10496x128xf32, #tpu.memory_space<vmem_shared>> -> memref<128x128xf32, #tpu.memory_space<vmem_shared>>
    %dma_wait3A_987 = arith.constant 0 : i32
    %dma_wait3A_988 = arith.constant 0 : i32
    %dma_wait3A_989 = tpu.memref_slice %arg12[%dma_wait3A_987, %dma_wait3A_988] : memref<128x128xf32, #tpu.memory_space<vmem>> -> memref<128x128xf32, #tpu.memory_space<vmem>>
    tpu.wait_dma2 semaphore(%arg14 : memref<!tpu.dma_semaphore, #tpu.memory_space<semaphore_mem>>) src(%dma_wait3A_989 : memref<128x128xf32, #tpu.memory_space<vmem>>) dst(%dma_wait3A_986 : memref<128x128xf32, #tpu.memory_space<vmem_shared>>)
    %add3A_990 = arith.constant 640 : i32
    %add3A_991 = arith.addi %mul3A_879, %add3A_990 : i32
    %dma_start3A_992 = arith.constant 0 : i32
    %dma_start3A_993 = arith.constant 0 : i32
    %dma_start3A_994 = tpu.memref_slice %arg12[%dma_start3A_992, %dma_start3A_993] : memref<128x128xf32, #tpu.memory_space<vmem>> -> memref<16x128xf32, #tpu.memory_space<vmem>>
    %dma_start3A_995 = arith.constant 0 : i32
    %dma_start3A_996 = tpu.memref_slice %arg13[%add3A_991, %dma_start3A_995] : memref<10496x128xf32, #tpu.memory_space<vmem_shared>> -> memref<16x128xf32, #tpu.memory_space<vmem_shared>>
    %dma_start3A_997 = arith.constant 0 : i32
    %dma_start3A_998 = tpu.memref_slice %arg13[%add3A_991, %dma_start3A_997] : memref<10496x128xf32, #tpu.memory_space<vmem_shared>> -> memref<16x128xf32, #tpu.memory_space<vmem_shared>>
    %dma_start3A_999 = arith.constant 0 : i32
    %dma_start3A_1000 = arith.constant 0 : i32
    %dma_start3A_1001 = tpu.memref_slice %arg12[%dma_start3A_999, %dma_start3A_1000] : memref<128x128xf32, #tpu.memory_space<vmem>> -> memref<16x128xf32, #tpu.memory_space<vmem>>
    tpu.enqueue_dma source(%dma_start3A_1001 : memref<16x128xf32, #tpu.memory_space<vmem>>) target(%dma_start3A_998 : memref<16x128xf32, #tpu.memory_space<vmem_shared>>) target_semaphore(%arg14 : memref<!tpu.dma_semaphore, #tpu.memory_space<semaphore_mem>>)
    %dma_wait3A_1002 = arith.constant 0 : i32
    %dma_wait3A_1003 = arith.constant 0 : i32
    %dma_wait3A_1004 = tpu.memref_slice %arg12[%dma_wait3A_1002, %dma_wait3A_1003] : memref<128x128xf32, #tpu.memory_space<vmem>> -> memref<16x128xf32, #tpu.memory_space<vmem>>
    %dma_wait3A_1005 = arith.constant 0 : i32
    %dma_wait3A_1006 = tpu.memref_slice %arg13[%add3A_991, %dma_wait3A_1005] : memref<10496x128xf32, #tpu.memory_space<vmem_shared>> -> memref<16x128xf32, #tpu.memory_space<vmem_shared>>
    %dma_wait3A_1007 = arith.constant 0 : i32
    %dma_wait3A_1008 = tpu.memref_slice %arg13[%add3A_991, %dma_wait3A_1007] : memref<10496x128xf32, #tpu.memory_space<vmem_shared>> -> memref<16x128xf32, #tpu.memory_space<vmem_shared>>
    %dma_wait3A_1009 = arith.constant 0 : i32
    %dma_wait3A_1010 = arith.constant 0 : i32
    %dma_wait3A_1011 = tpu.memref_slice %arg12[%dma_wait3A_1009, %dma_wait3A_1010] : memref<128x128xf32, #tpu.memory_space<vmem>> -> memref<16x128xf32, #tpu.memory_space<vmem>>
    tpu.wait_dma2 semaphore(%arg14 : memref<!tpu.dma_semaphore, #tpu.memory_space<semaphore_mem>>) src(%dma_wait3A_1011 : memref<16x128xf32, #tpu.memory_space<vmem>>) dst(%dma_wait3A_1008 : memref<16x128xf32, #tpu.memory_space<vmem_shared>>)
    %barrier3A_1012 = arith.constant 0 : index
    tpu.barrier barrier_id(%barrier3A_1012)
    %add3A_1013 = arith.constant 8 : i32
    %add3A_1014 = arith.addi %add3A_1013, %arg0 : i32
    %eq3A_1015 = arith.constant 0 : i32
    %eq3A_1016 = arith.cmpi eq, %arg0, %eq3A_1015 : i32
    %slice3A_1017 = vector.extract_strided_slice %get3A_131 {offsets = [8], sizes = [1], strides = [1]} : vector<16xi32> to vector<1xi32>
    %squeeze3A_1018 = vector.extract %slice3A_1017[0] : i32 from vector<1xi32>
    %slice3A_1019 = vector.extract_strided_slice %get3A_131 {offsets = [9], sizes = [1], strides = [1]} : vector<16xi32> to vector<1xi32>
    %squeeze3A_1020 = vector.extract %slice3A_1019[0] : i32 from vector<1xi32>
    %select_n3A_1021 = arith.select %eq3A_1016, %squeeze3A_1018, %squeeze3A_1020 : i32
    %eq3A_1022 = arith.constant 0 : i32
    %eq3A_1023 = arith.cmpi eq, %arg0, %eq3A_1022 : i32
    %slice3A_1024 = vector.extract_strided_slice %get3A_131 {offsets = [9], sizes = [1], strides = [1]} : vector<16xi32> to vector<1xi32>
    %squeeze3A_1025 = vector.extract %slice3A_1024[0] : i32 from vector<1xi32>
    %slice3A_1026 = vector.extract_strided_slice %get3A_131 {offsets = [10], sizes = [1], strides = [1]} : vector<16xi32> to vector<1xi32>
    %squeeze3A_1027 = vector.extract %slice3A_1026[0] : i32 from vector<1xi32>
    %select_n3A_1028 = arith.select %eq3A_1023, %squeeze3A_1025, %squeeze3A_1027 : i32
    %add3A_1029 = arith.addi %select_n3A_1021, %arg1 : i32
    %sub3A_1030 = arith.subi %select_n3A_1028, %add3A_1029 : i32
    %sub3A_1031 = arith.constant 16 : i32
    %sub3A_1032 = arith.constant 1 : i32
    %sub3A_1033 = arith.subi %sub3A_1031, %sub3A_1032 : i32
    %add3A_1034 = arith.addi %sub3A_1030, %sub3A_1033 : i32
    %div3A_1035 = arith.constant 16 : i32
    %div3A_1036 = arith.divsi %add3A_1034, %div3A_1035 : i32
    %while3A_1037 = arith.constant 16 : i32
    %while3A_1038 = arith.constant 0 : i32
    %while3A_1039 = arith.subi %div3A_1036, %while3A_1038 : i32
    %while3A_1040 = arith.addi %while3A_1038, %while3A_1039 : i32
    %while3A_1041 = arith.constant 1 : i32
    %while3A_1042 = arith.divsi %while3A_1039, %while3A_1041 : i32
    %while3A_1043 = arith.muli %while3A_1042, %while3A_1041 : i32
    %while3A_1044 = arith.addi %while3A_1038, %while3A_1043 : i32
    %while3A_1045 = arith.constant 1 : i32
    scf.for %while3A_1901 = %while3A_1038 to %while3A_1044 step %while3A_1045  : i32 {
      %mul3A_1902 = arith.muli %while3A_1901, %while3A_1037 : i32
      %add3A_1903 = arith.addi %add3A_1029, %mul3A_1902 : i32
      %mul3A_1904 = arith.constant 128 : i32
      %mul3A_1905 = arith.muli %add3A_1903, %mul3A_1904 : i32
      %dma_start3A_1906 = tpu.memref_slice %arg3[%mul3A_1905] : memref<642048xi32, #tpu.memory_space<hbm>> -> memref<128xi32, #tpu.memory_space<hbm>>
      %dma_start3A_1907 = tpu.memref_slice %arg3[%mul3A_1905] : memref<642048xi32, #tpu.memory_space<hbm>> -> memref<128xi32, #tpu.memory_space<hbm>>
      tpu.enqueue_dma source(%dma_start3A_1907 : memref<128xi32, #tpu.memory_space<hbm>>) target(%arg9 : memref<128xi32, #tpu.memory_space<vmem>>) target_semaphore(%arg14 : memref<!tpu.dma_semaphore, #tpu.memory_space<semaphore_mem>>)
      %mul3A_1908 = arith.constant 128 : i32
      %mul3A_1909 = arith.muli %add3A_1903, %mul3A_1908 : i32
      %dma_start3A_1910 = tpu.memref_slice %arg4[%mul3A_1909] : memref<642048xi32, #tpu.memory_space<hbm>> -> memref<128xi32, #tpu.memory_space<hbm>>
      %dma_start3A_1911 = tpu.memref_slice %arg4[%mul3A_1909] : memref<642048xi32, #tpu.memory_space<hbm>> -> memref<128xi32, #tpu.memory_space<hbm>>
      tpu.enqueue_dma source(%dma_start3A_1911 : memref<128xi32, #tpu.memory_space<hbm>>) target(%arg10 : memref<128xi32, #tpu.memory_space<vmem>>) target_semaphore(%arg15 : memref<!tpu.dma_semaphore, #tpu.memory_space<semaphore_mem>>)
      %dma_wait3A_1912 = tpu.memref_slice %arg3[%mul3A_1905] : memref<642048xi32, #tpu.memory_space<hbm>> -> memref<128xi32, #tpu.memory_space<hbm>>
      %dma_wait3A_1913 = tpu.memref_slice %arg3[%mul3A_1905] : memref<642048xi32, #tpu.memory_space<hbm>> -> memref<128xi32, #tpu.memory_space<hbm>>
      tpu.wait_dma2 semaphore(%arg14 : memref<!tpu.dma_semaphore, #tpu.memory_space<semaphore_mem>>) src(%dma_wait3A_1913 : memref<128xi32, #tpu.memory_space<hbm>>) dst(%arg9 : memref<128xi32, #tpu.memory_space<vmem>>)
      %dma_wait3A_1914 = tpu.memref_slice %arg4[%mul3A_1909] : memref<642048xi32, #tpu.memory_space<hbm>> -> memref<128xi32, #tpu.memory_space<hbm>>
      %dma_wait3A_1915 = tpu.memref_slice %arg4[%mul3A_1909] : memref<642048xi32, #tpu.memory_space<hbm>> -> memref<128xi32, #tpu.memory_space<hbm>>
      tpu.wait_dma2 semaphore(%arg15 : memref<!tpu.dma_semaphore, #tpu.memory_space<semaphore_mem>>) src(%dma_wait3A_1915 : memref<128xi32, #tpu.memory_space<hbm>>) dst(%arg10 : memref<128xi32, #tpu.memory_space<vmem>>)
      %dma_start3A_1916 = arith.constant 0 : i32
      %dma_start3A_1917 = arith.constant 0 : i32
      %dma_start3A_1918 = tpu.memref_slice %arg2[%dma_start3A_1916, %dma_start3A_1917] : memref<160000x128xf32, #tpu.memory_space<hbm>> -> memref<160000x128xf32, #tpu.memory_space<hbm>>
      tpu.enqueue_indirect_dma source(%dma_start3A_1918 : memref<160000x128xf32, #tpu.memory_space<hbm>>) target(%arg11 : memref<128x128xf32, #tpu.memory_space<vmem>>) offsets(%arg9 : memref<128xi32, #tpu.memory_space<vmem>>) semaphore(%arg14 : memref<!tpu.dma_semaphore, #tpu.memory_space<semaphore_mem>>)
      %dma_wait3A_1919 = arith.constant 0 : i32
      %dma_wait3A_1920 = arith.constant 0 : i32
      %dma_wait3A_1921 = tpu.memref_slice %arg2[%dma_wait3A_1919, %dma_wait3A_1920] : memref<160000x128xf32, #tpu.memory_space<hbm>> -> memref<160000x128xf32, #tpu.memory_space<hbm>>
      tpu.wait_indirect_dma semaphore(%arg14 : memref<!tpu.dma_semaphore, #tpu.memory_space<semaphore_mem>>) src(%dma_wait3A_1921 : memref<160000x128xf32, #tpu.memory_space<hbm>>) dst(%arg11 : memref<128x128xf32, #tpu.memory_space<vmem>>)
      %dma_start3A_1922 = arith.constant 0 : i32
      %dma_start3A_1923 = arith.constant 0 : i32
      %dma_start3A_1924 = tpu.memref_slice %arg13[%dma_start3A_1922, %dma_start3A_1923] : memref<10496x128xf32, #tpu.memory_space<vmem_shared>> -> memref<10496x128xf32, #tpu.memory_space<vmem_shared>>
      tpu.enqueue_indirect_dma source(%arg11 : memref<128x128xf32, #tpu.memory_space<vmem>>) target(%dma_start3A_1924 : memref<10496x128xf32, #tpu.memory_space<vmem_shared>>) offsets(%arg10 : memref<128xi32, #tpu.memory_space<vmem>>) semaphore(%arg15 : memref<!tpu.dma_semaphore, #tpu.memory_space<semaphore_mem>>) {add = true}
      %dma_wait3A_1925 = arith.constant 0 : i32
      %dma_wait3A_1926 = arith.constant 0 : i32
      %dma_wait3A_1927 = tpu.memref_slice %arg13[%dma_wait3A_1925, %dma_wait3A_1926] : memref<10496x128xf32, #tpu.memory_space<vmem_shared>> -> memref<10496x128xf32, #tpu.memory_space<vmem_shared>>
      tpu.wait_indirect_dma semaphore(%arg15 : memref<!tpu.dma_semaphore, #tpu.memory_space<semaphore_mem>>) src(%arg11 : memref<128x128xf32, #tpu.memory_space<vmem>>) dst(%dma_wait3A_1927 : memref<10496x128xf32, #tpu.memory_space<vmem_shared>>)
    }
    %while3A_1046 = arith.constant 1 : i32
    scf.for %while3A_1901 = %while3A_1044 to %while3A_1040 step %while3A_1046  : i32 {
      %mul3A_1902 = arith.muli %while3A_1901, %while3A_1037 : i32
      %add3A_1903 = arith.addi %add3A_1029, %mul3A_1902 : i32
      %mul3A_1904 = arith.constant 128 : i32
      %mul3A_1905 = arith.muli %add3A_1903, %mul3A_1904 : i32
      %dma_start3A_1906 = tpu.memref_slice %arg3[%mul3A_1905] : memref<642048xi32, #tpu.memory_space<hbm>> -> memref<128xi32, #tpu.memory_space<hbm>>
      %dma_start3A_1907 = tpu.memref_slice %arg3[%mul3A_1905] : memref<642048xi32, #tpu.memory_space<hbm>> -> memref<128xi32, #tpu.memory_space<hbm>>
      tpu.enqueue_dma source(%dma_start3A_1907 : memref<128xi32, #tpu.memory_space<hbm>>) target(%arg9 : memref<128xi32, #tpu.memory_space<vmem>>) target_semaphore(%arg14 : memref<!tpu.dma_semaphore, #tpu.memory_space<semaphore_mem>>)
      %mul3A_1908 = arith.constant 128 : i32
      %mul3A_1909 = arith.muli %add3A_1903, %mul3A_1908 : i32
      %dma_start3A_1910 = tpu.memref_slice %arg4[%mul3A_1909] : memref<642048xi32, #tpu.memory_space<hbm>> -> memref<128xi32, #tpu.memory_space<hbm>>
      %dma_start3A_1911 = tpu.memref_slice %arg4[%mul3A_1909] : memref<642048xi32, #tpu.memory_space<hbm>> -> memref<128xi32, #tpu.memory_space<hbm>>
      tpu.enqueue_dma source(%dma_start3A_1911 : memref<128xi32, #tpu.memory_space<hbm>>) target(%arg10 : memref<128xi32, #tpu.memory_space<vmem>>) target_semaphore(%arg15 : memref<!tpu.dma_semaphore, #tpu.memory_space<semaphore_mem>>)
      %dma_wait3A_1912 = tpu.memref_slice %arg3[%mul3A_1905] : memref<642048xi32, #tpu.memory_space<hbm>> -> memref<128xi32, #tpu.memory_space<hbm>>
      %dma_wait3A_1913 = tpu.memref_slice %arg3[%mul3A_1905] : memref<642048xi32, #tpu.memory_space<hbm>> -> memref<128xi32, #tpu.memory_space<hbm>>
      tpu.wait_dma2 semaphore(%arg14 : memref<!tpu.dma_semaphore, #tpu.memory_space<semaphore_mem>>) src(%dma_wait3A_1913 : memref<128xi32, #tpu.memory_space<hbm>>) dst(%arg9 : memref<128xi32, #tpu.memory_space<vmem>>)
      %dma_wait3A_1914 = tpu.memref_slice %arg4[%mul3A_1909] : memref<642048xi32, #tpu.memory_space<hbm>> -> memref<128xi32, #tpu.memory_space<hbm>>
      %dma_wait3A_1915 = tpu.memref_slice %arg4[%mul3A_1909] : memref<642048xi32, #tpu.memory_space<hbm>> -> memref<128xi32, #tpu.memory_space<hbm>>
      tpu.wait_dma2 semaphore(%arg15 : memref<!tpu.dma_semaphore, #tpu.memory_space<semaphore_mem>>) src(%dma_wait3A_1915 : memref<128xi32, #tpu.memory_space<hbm>>) dst(%arg10 : memref<128xi32, #tpu.memory_space<vmem>>)
      %dma_start3A_1916 = arith.constant 0 : i32
      %dma_start3A_1917 = arith.constant 0 : i32
      %dma_start3A_1918 = tpu.memref_slice %arg2[%dma_start3A_1916, %dma_start3A_1917] : memref<160000x128xf32, #tpu.memory_space<hbm>> -> memref<160000x128xf32, #tpu.memory_space<hbm>>
      tpu.enqueue_indirect_dma source(%dma_start3A_1918 : memref<160000x128xf32, #tpu.memory_space<hbm>>) target(%arg11 : memref<128x128xf32, #tpu.memory_space<vmem>>) offsets(%arg9 : memref<128xi32, #tpu.memory_space<vmem>>) semaphore(%arg14 : memref<!tpu.dma_semaphore, #tpu.memory_space<semaphore_mem>>)
      %dma_wait3A_1919 = arith.constant 0 : i32
      %dma_wait3A_1920 = arith.constant 0 : i32
      %dma_wait3A_1921 = tpu.memref_slice %arg2[%dma_wait3A_1919, %dma_wait3A_1920] : memref<160000x128xf32, #tpu.memory_space<hbm>> -> memref<160000x128xf32, #tpu.memory_space<hbm>>
      tpu.wait_indirect_dma semaphore(%arg14 : memref<!tpu.dma_semaphore, #tpu.memory_space<semaphore_mem>>) src(%dma_wait3A_1921 : memref<160000x128xf32, #tpu.memory_space<hbm>>) dst(%arg11 : memref<128x128xf32, #tpu.memory_space<vmem>>)
      %dma_start3A_1922 = arith.constant 0 : i32
      %dma_start3A_1923 = arith.constant 0 : i32
      %dma_start3A_1924 = tpu.memref_slice %arg13[%dma_start3A_1922, %dma_start3A_1923] : memref<10496x128xf32, #tpu.memory_space<vmem_shared>> -> memref<10496x128xf32, #tpu.memory_space<vmem_shared>>
      tpu.enqueue_indirect_dma source(%arg11 : memref<128x128xf32, #tpu.memory_space<vmem>>) target(%dma_start3A_1924 : memref<10496x128xf32, #tpu.memory_space<vmem_shared>>) offsets(%arg10 : memref<128xi32, #tpu.memory_space<vmem>>) semaphore(%arg15 : memref<!tpu.dma_semaphore, #tpu.memory_space<semaphore_mem>>) {add = true}
      %dma_wait3A_1925 = arith.constant 0 : i32
      %dma_wait3A_1926 = arith.constant 0 : i32
      %dma_wait3A_1927 = tpu.memref_slice %arg13[%dma_wait3A_1925, %dma_wait3A_1926] : memref<10496x128xf32, #tpu.memory_space<vmem_shared>> -> memref<10496x128xf32, #tpu.memory_space<vmem_shared>>
      tpu.wait_indirect_dma semaphore(%arg15 : memref<!tpu.dma_semaphore, #tpu.memory_space<semaphore_mem>>) src(%arg11 : memref<128x128xf32, #tpu.memory_space<vmem>>) dst(%dma_wait3A_1927 : memref<10496x128xf32, #tpu.memory_space<vmem_shared>>)
    }
    %barrier3A_1047 = arith.constant 0 : index
    tpu.barrier barrier_id(%barrier3A_1047)
    %mul3A_1048 = arith.constant 10240 : i32
    %mul3A_1049 = arith.muli %add3A_1014, %mul3A_1048 : i32
    %mul3A_1050 = arith.constant 640 : i32
    %mul3A_1051 = arith.muli %arg1, %mul3A_1050 : i32
    %add3A_1052 = arith.addi %mul3A_1049, %mul3A_1051 : i32
    %mul3A_1053 = arith.constant 640 : i32
    %mul3A_1054 = arith.muli %arg1, %mul3A_1053 : i32
    %add3A_1055 = arith.constant 0 : i32
    %add3A_1056 = arith.addi %add3A_1052, %add3A_1055 : i32
    %add3A_1057 = arith.constant 128 : i32
    %add3A_1058 = arith.addi %add3A_1056, %add3A_1057 : i32
    %le3A_1059 = arith.constant 160000 : i32
    %le3A_1060 = arith.cmpi sle, %add3A_1058, %le3A_1059 : i32
    %convert_element_type3A_1061 = arith.extui %le3A_1060 : i1 to i32
    %cond3A_1062 = arith.constant 0 : i32
    %cond3A_1063 = arith.cmpi ne, %convert_element_type3A_1061, %cond3A_1062 : i32
    scf.if %cond3A_1063 {
      %add3A_1901 = arith.constant 0 : i32
      %add3A_1902 = arith.addi %mul3A_1054, %add3A_1901 : i32
      %dma_start3A_1903 = arith.constant 0 : i32
      %dma_start3A_1904 = tpu.memref_slice %arg13[%add3A_1902, %dma_start3A_1903] : memref<10496x128xf32, #tpu.memory_space<vmem_shared>> -> memref<128x128xf32, #tpu.memory_space<vmem_shared>>
      %dma_start3A_1905 = arith.constant 0 : i32
      %dma_start3A_1906 = tpu.memref_slice %arg13[%add3A_1902, %dma_start3A_1905] : memref<10496x128xf32, #tpu.memory_space<vmem_shared>> -> memref<128x128xf32, #tpu.memory_space<vmem_shared>>
      tpu.enqueue_dma source(%dma_start3A_1906 : memref<128x128xf32, #tpu.memory_space<vmem_shared>>) target(%arg11 : memref<128x128xf32, #tpu.memory_space<vmem>>) target_semaphore(%arg14 : memref<!tpu.dma_semaphore, #tpu.memory_space<semaphore_mem>>)
      %dma_wait3A_1907 = arith.constant 0 : i32
      %dma_wait3A_1908 = tpu.memref_slice %arg13[%add3A_1902, %dma_wait3A_1907] : memref<10496x128xf32, #tpu.memory_space<vmem_shared>> -> memref<128x128xf32, #tpu.memory_space<vmem_shared>>
      %dma_wait3A_1909 = arith.constant 0 : i32
      %dma_wait3A_1910 = tpu.memref_slice %arg13[%add3A_1902, %dma_wait3A_1909] : memref<10496x128xf32, #tpu.memory_space<vmem_shared>> -> memref<128x128xf32, #tpu.memory_space<vmem_shared>>
      tpu.wait_dma2 semaphore(%arg14 : memref<!tpu.dma_semaphore, #tpu.memory_space<semaphore_mem>>) src(%dma_wait3A_1910 : memref<128x128xf32, #tpu.memory_space<vmem_shared>>) dst(%arg11 : memref<128x128xf32, #tpu.memory_space<vmem>>)
      %add3A_1911 = arith.constant 0 : i32
      %add3A_1912 = arith.addi %add3A_1052, %add3A_1911 : i32
      %dma_start3A_1913 = arith.constant 0 : i32
      %dma_start3A_1914 = tpu.memref_slice %arg7[%add3A_1912, %dma_start3A_1913] : memref<160000x128xf32, #tpu.memory_space<hbm>> -> memref<128x128xf32, #tpu.memory_space<hbm>>
      %dma_start3A_1915 = arith.constant 0 : i32
      %dma_start3A_1916 = tpu.memref_slice %arg7[%add3A_1912, %dma_start3A_1915] : memref<160000x128xf32, #tpu.memory_space<hbm>> -> memref<128x128xf32, #tpu.memory_space<hbm>>
      tpu.enqueue_dma source(%arg11 : memref<128x128xf32, #tpu.memory_space<vmem>>) target(%dma_start3A_1916 : memref<128x128xf32, #tpu.memory_space<hbm>>) target_semaphore(%arg14 : memref<!tpu.dma_semaphore, #tpu.memory_space<semaphore_mem>>)
      %dma_wait3A_1917 = arith.constant 0 : i32
      %dma_wait3A_1918 = tpu.memref_slice %arg7[%add3A_1912, %dma_wait3A_1917] : memref<160000x128xf32, #tpu.memory_space<hbm>> -> memref<128x128xf32, #tpu.memory_space<hbm>>
      %dma_wait3A_1919 = arith.constant 0 : i32
      %dma_wait3A_1920 = tpu.memref_slice %arg7[%add3A_1912, %dma_wait3A_1919] : memref<160000x128xf32, #tpu.memory_space<hbm>> -> memref<128x128xf32, #tpu.memory_space<hbm>>
      tpu.wait_dma2 semaphore(%arg14 : memref<!tpu.dma_semaphore, #tpu.memory_space<semaphore_mem>>) src(%arg11 : memref<128x128xf32, #tpu.memory_space<vmem>>) dst(%dma_wait3A_1920 : memref<128x128xf32, #tpu.memory_space<hbm>>)
    } else {
    }
    %add3A_1064 = arith.constant 128 : i32
    %add3A_1065 = arith.addi %add3A_1052, %add3A_1064 : i32
    %add3A_1066 = arith.constant 128 : i32
    %add3A_1067 = arith.addi %add3A_1065, %add3A_1066 : i32
    %le3A_1068 = arith.constant 160000 : i32
    %le3A_1069 = arith.cmpi sle, %add3A_1067, %le3A_1068 : i32
    %convert_element_type3A_1070 = arith.extui %le3A_1069 : i1 to i32
    %cond3A_1071 = arith.constant 0 : i32
    %cond3A_1072 = arith.cmpi ne, %convert_element_type3A_1070, %cond3A_1071 : i32
    scf.if %cond3A_1072 {
      %add3A_1901 = arith.constant 128 : i32
      %add3A_1902 = arith.addi %mul3A_1054, %add3A_1901 : i32
      %dma_start3A_1903 = arith.constant 0 : i32
      %dma_start3A_1904 = tpu.memref_slice %arg13[%add3A_1902, %dma_start3A_1903] : memref<10496x128xf32, #tpu.memory_space<vmem_shared>> -> memref<128x128xf32, #tpu.memory_space<vmem_shared>>
      %dma_start3A_1905 = arith.constant 0 : i32
      %dma_start3A_1906 = tpu.memref_slice %arg13[%add3A_1902, %dma_start3A_1905] : memref<10496x128xf32, #tpu.memory_space<vmem_shared>> -> memref<128x128xf32, #tpu.memory_space<vmem_shared>>
      tpu.enqueue_dma source(%dma_start3A_1906 : memref<128x128xf32, #tpu.memory_space<vmem_shared>>) target(%arg11 : memref<128x128xf32, #tpu.memory_space<vmem>>) target_semaphore(%arg14 : memref<!tpu.dma_semaphore, #tpu.memory_space<semaphore_mem>>)
      %dma_wait3A_1907 = arith.constant 0 : i32
      %dma_wait3A_1908 = tpu.memref_slice %arg13[%add3A_1902, %dma_wait3A_1907] : memref<10496x128xf32, #tpu.memory_space<vmem_shared>> -> memref<128x128xf32, #tpu.memory_space<vmem_shared>>
      %dma_wait3A_1909 = arith.constant 0 : i32
      %dma_wait3A_1910 = tpu.memref_slice %arg13[%add3A_1902, %dma_wait3A_1909] : memref<10496x128xf32, #tpu.memory_space<vmem_shared>> -> memref<128x128xf32, #tpu.memory_space<vmem_shared>>
      tpu.wait_dma2 semaphore(%arg14 : memref<!tpu.dma_semaphore, #tpu.memory_space<semaphore_mem>>) src(%dma_wait3A_1910 : memref<128x128xf32, #tpu.memory_space<vmem_shared>>) dst(%arg11 : memref<128x128xf32, #tpu.memory_space<vmem>>)
      %add3A_1911 = arith.constant 128 : i32
      %add3A_1912 = arith.addi %add3A_1052, %add3A_1911 : i32
      %dma_start3A_1913 = arith.constant 0 : i32
      %dma_start3A_1914 = tpu.memref_slice %arg7[%add3A_1912, %dma_start3A_1913] : memref<160000x128xf32, #tpu.memory_space<hbm>> -> memref<128x128xf32, #tpu.memory_space<hbm>>
      %dma_start3A_1915 = arith.constant 0 : i32
      %dma_start3A_1916 = tpu.memref_slice %arg7[%add3A_1912, %dma_start3A_1915] : memref<160000x128xf32, #tpu.memory_space<hbm>> -> memref<128x128xf32, #tpu.memory_space<hbm>>
      tpu.enqueue_dma source(%arg11 : memref<128x128xf32, #tpu.memory_space<vmem>>) target(%dma_start3A_1916 : memref<128x128xf32, #tpu.memory_space<hbm>>) target_semaphore(%arg14 : memref<!tpu.dma_semaphore, #tpu.memory_space<semaphore_mem>>)
      %dma_wait3A_1917 = arith.constant 0 : i32
      %dma_wait3A_1918 = tpu.memref_slice %arg7[%add3A_1912, %dma_wait3A_1917] : memref<160000x128xf32, #tpu.memory_space<hbm>> -> memref<128x128xf32, #tpu.memory_space<hbm>>
      %dma_wait3A_1919 = arith.constant 0 : i32
      %dma_wait3A_1920 = tpu.memref_slice %arg7[%add3A_1912, %dma_wait3A_1919] : memref<160000x128xf32, #tpu.memory_space<hbm>> -> memref<128x128xf32, #tpu.memory_space<hbm>>
      tpu.wait_dma2 semaphore(%arg14 : memref<!tpu.dma_semaphore, #tpu.memory_space<semaphore_mem>>) src(%arg11 : memref<128x128xf32, #tpu.memory_space<vmem>>) dst(%dma_wait3A_1920 : memref<128x128xf32, #tpu.memory_space<hbm>>)
    } else {
    }
    %add3A_1073 = arith.constant 256 : i32
    %add3A_1074 = arith.addi %add3A_1052, %add3A_1073 : i32
    %add3A_1075 = arith.constant 128 : i32
    %add3A_1076 = arith.addi %add3A_1074, %add3A_1075 : i32
    %le3A_1077 = arith.constant 160000 : i32
    %le3A_1078 = arith.cmpi sle, %add3A_1076, %le3A_1077 : i32
    %convert_element_type3A_1079 = arith.extui %le3A_1078 : i1 to i32
    %cond3A_1080 = arith.constant 0 : i32
    %cond3A_1081 = arith.cmpi ne, %convert_element_type3A_1079, %cond3A_1080 : i32
    scf.if %cond3A_1081 {
      %add3A_1901 = arith.constant 256 : i32
      %add3A_1902 = arith.addi %mul3A_1054, %add3A_1901 : i32
      %dma_start3A_1903 = arith.constant 0 : i32
      %dma_start3A_1904 = tpu.memref_slice %arg13[%add3A_1902, %dma_start3A_1903] : memref<10496x128xf32, #tpu.memory_space<vmem_shared>> -> memref<128x128xf32, #tpu.memory_space<vmem_shared>>
      %dma_start3A_1905 = arith.constant 0 : i32
      %dma_start3A_1906 = tpu.memref_slice %arg13[%add3A_1902, %dma_start3A_1905] : memref<10496x128xf32, #tpu.memory_space<vmem_shared>> -> memref<128x128xf32, #tpu.memory_space<vmem_shared>>
      tpu.enqueue_dma source(%dma_start3A_1906 : memref<128x128xf32, #tpu.memory_space<vmem_shared>>) target(%arg11 : memref<128x128xf32, #tpu.memory_space<vmem>>) target_semaphore(%arg14 : memref<!tpu.dma_semaphore, #tpu.memory_space<semaphore_mem>>)
      %dma_wait3A_1907 = arith.constant 0 : i32
      %dma_wait3A_1908 = tpu.memref_slice %arg13[%add3A_1902, %dma_wait3A_1907] : memref<10496x128xf32, #tpu.memory_space<vmem_shared>> -> memref<128x128xf32, #tpu.memory_space<vmem_shared>>
      %dma_wait3A_1909 = arith.constant 0 : i32
      %dma_wait3A_1910 = tpu.memref_slice %arg13[%add3A_1902, %dma_wait3A_1909] : memref<10496x128xf32, #tpu.memory_space<vmem_shared>> -> memref<128x128xf32, #tpu.memory_space<vmem_shared>>
      tpu.wait_dma2 semaphore(%arg14 : memref<!tpu.dma_semaphore, #tpu.memory_space<semaphore_mem>>) src(%dma_wait3A_1910 : memref<128x128xf32, #tpu.memory_space<vmem_shared>>) dst(%arg11 : memref<128x128xf32, #tpu.memory_space<vmem>>)
      %add3A_1911 = arith.constant 256 : i32
      %add3A_1912 = arith.addi %add3A_1052, %add3A_1911 : i32
      %dma_start3A_1913 = arith.constant 0 : i32
      %dma_start3A_1914 = tpu.memref_slice %arg7[%add3A_1912, %dma_start3A_1913] : memref<160000x128xf32, #tpu.memory_space<hbm>> -> memref<128x128xf32, #tpu.memory_space<hbm>>
      %dma_start3A_1915 = arith.constant 0 : i32
      %dma_start3A_1916 = tpu.memref_slice %arg7[%add3A_1912, %dma_start3A_1915] : memref<160000x128xf32, #tpu.memory_space<hbm>> -> memref<128x128xf32, #tpu.memory_space<hbm>>
      tpu.enqueue_dma source(%arg11 : memref<128x128xf32, #tpu.memory_space<vmem>>) target(%dma_start3A_1916 : memref<128x128xf32, #tpu.memory_space<hbm>>) target_semaphore(%arg14 : memref<!tpu.dma_semaphore, #tpu.memory_space<semaphore_mem>>)
      %dma_wait3A_1917 = arith.constant 0 : i32
      %dma_wait3A_1918 = tpu.memref_slice %arg7[%add3A_1912, %dma_wait3A_1917] : memref<160000x128xf32, #tpu.memory_space<hbm>> -> memref<128x128xf32, #tpu.memory_space<hbm>>
      %dma_wait3A_1919 = arith.constant 0 : i32
      %dma_wait3A_1920 = tpu.memref_slice %arg7[%add3A_1912, %dma_wait3A_1919] : memref<160000x128xf32, #tpu.memory_space<hbm>> -> memref<128x128xf32, #tpu.memory_space<hbm>>
      tpu.wait_dma2 semaphore(%arg14 : memref<!tpu.dma_semaphore, #tpu.memory_space<semaphore_mem>>) src(%arg11 : memref<128x128xf32, #tpu.memory_space<vmem>>) dst(%dma_wait3A_1920 : memref<128x128xf32, #tpu.memory_space<hbm>>)
    } else {
    }
    %add3A_1082 = arith.constant 384 : i32
    %add3A_1083 = arith.addi %add3A_1052, %add3A_1082 : i32
    %add3A_1084 = arith.constant 128 : i32
    %add3A_1085 = arith.addi %add3A_1083, %add3A_1084 : i32
    %le3A_1086 = arith.constant 160000 : i32
    %le3A_1087 = arith.cmpi sle, %add3A_1085, %le3A_1086 : i32
    %convert_element_type3A_1088 = arith.extui %le3A_1087 : i1 to i32
    %cond3A_1089 = arith.constant 0 : i32
    %cond3A_1090 = arith.cmpi ne, %convert_element_type3A_1088, %cond3A_1089 : i32
    scf.if %cond3A_1090 {
      %add3A_1901 = arith.constant 384 : i32
      %add3A_1902 = arith.addi %mul3A_1054, %add3A_1901 : i32
      %dma_start3A_1903 = arith.constant 0 : i32
      %dma_start3A_1904 = tpu.memref_slice %arg13[%add3A_1902, %dma_start3A_1903] : memref<10496x128xf32, #tpu.memory_space<vmem_shared>> -> memref<128x128xf32, #tpu.memory_space<vmem_shared>>
      %dma_start3A_1905 = arith.constant 0 : i32
      %dma_start3A_1906 = tpu.memref_slice %arg13[%add3A_1902, %dma_start3A_1905] : memref<10496x128xf32, #tpu.memory_space<vmem_shared>> -> memref<128x128xf32, #tpu.memory_space<vmem_shared>>
      tpu.enqueue_dma source(%dma_start3A_1906 : memref<128x128xf32, #tpu.memory_space<vmem_shared>>) target(%arg11 : memref<128x128xf32, #tpu.memory_space<vmem>>) target_semaphore(%arg14 : memref<!tpu.dma_semaphore, #tpu.memory_space<semaphore_mem>>)
      %dma_wait3A_1907 = arith.constant 0 : i32
      %dma_wait3A_1908 = tpu.memref_slice %arg13[%add3A_1902, %dma_wait3A_1907] : memref<10496x128xf32, #tpu.memory_space<vmem_shared>> -> memref<128x128xf32, #tpu.memory_space<vmem_shared>>
      %dma_wait3A_1909 = arith.constant 0 : i32
      %dma_wait3A_1910 = tpu.memref_slice %arg13[%add3A_1902, %dma_wait3A_1909] : memref<10496x128xf32, #tpu.memory_space<vmem_shared>> -> memref<128x128xf32, #tpu.memory_space<vmem_shared>>
      tpu.wait_dma2 semaphore(%arg14 : memref<!tpu.dma_semaphore, #tpu.memory_space<semaphore_mem>>) src(%dma_wait3A_1910 : memref<128x128xf32, #tpu.memory_space<vmem_shared>>) dst(%arg11 : memref<128x128xf32, #tpu.memory_space<vmem>>)
      %add3A_1911 = arith.constant 384 : i32
      %add3A_1912 = arith.addi %add3A_1052, %add3A_1911 : i32
      %dma_start3A_1913 = arith.constant 0 : i32
      %dma_start3A_1914 = tpu.memref_slice %arg7[%add3A_1912, %dma_start3A_1913] : memref<160000x128xf32, #tpu.memory_space<hbm>> -> memref<128x128xf32, #tpu.memory_space<hbm>>
      %dma_start3A_1915 = arith.constant 0 : i32
      %dma_start3A_1916 = tpu.memref_slice %arg7[%add3A_1912, %dma_start3A_1915] : memref<160000x128xf32, #tpu.memory_space<hbm>> -> memref<128x128xf32, #tpu.memory_space<hbm>>
      tpu.enqueue_dma source(%arg11 : memref<128x128xf32, #tpu.memory_space<vmem>>) target(%dma_start3A_1916 : memref<128x128xf32, #tpu.memory_space<hbm>>) target_semaphore(%arg14 : memref<!tpu.dma_semaphore, #tpu.memory_space<semaphore_mem>>)
      %dma_wait3A_1917 = arith.constant 0 : i32
      %dma_wait3A_1918 = tpu.memref_slice %arg7[%add3A_1912, %dma_wait3A_1917] : memref<160000x128xf32, #tpu.memory_space<hbm>> -> memref<128x128xf32, #tpu.memory_space<hbm>>
      %dma_wait3A_1919 = arith.constant 0 : i32
      %dma_wait3A_1920 = tpu.memref_slice %arg7[%add3A_1912, %dma_wait3A_1919] : memref<160000x128xf32, #tpu.memory_space<hbm>> -> memref<128x128xf32, #tpu.memory_space<hbm>>
      tpu.wait_dma2 semaphore(%arg14 : memref<!tpu.dma_semaphore, #tpu.memory_space<semaphore_mem>>) src(%arg11 : memref<128x128xf32, #tpu.memory_space<vmem>>) dst(%dma_wait3A_1920 : memref<128x128xf32, #tpu.memory_space<hbm>>)
    } else {
    }
    %add3A_1091 = arith.constant 512 : i32
    %add3A_1092 = arith.addi %add3A_1052, %add3A_1091 : i32
    %add3A_1093 = arith.constant 128 : i32
    %add3A_1094 = arith.addi %add3A_1092, %add3A_1093 : i32
    %le3A_1095 = arith.constant 160000 : i32
    %le3A_1096 = arith.cmpi sle, %add3A_1094, %le3A_1095 : i32
    %convert_element_type3A_1097 = arith.extui %le3A_1096 : i1 to i32
    %cond3A_1098 = arith.constant 0 : i32
    %cond3A_1099 = arith.cmpi ne, %convert_element_type3A_1097, %cond3A_1098 : i32
    scf.if %cond3A_1099 {
      %add3A_1901 = arith.constant 512 : i32
      %add3A_1902 = arith.addi %mul3A_1054, %add3A_1901 : i32
      %dma_start3A_1903 = arith.constant 0 : i32
      %dma_start3A_1904 = tpu.memref_slice %arg13[%add3A_1902, %dma_start3A_1903] : memref<10496x128xf32, #tpu.memory_space<vmem_shared>> -> memref<128x128xf32, #tpu.memory_space<vmem_shared>>
      %dma_start3A_1905 = arith.constant 0 : i32
      %dma_start3A_1906 = tpu.memref_slice %arg13[%add3A_1902, %dma_start3A_1905] : memref<10496x128xf32, #tpu.memory_space<vmem_shared>> -> memref<128x128xf32, #tpu.memory_space<vmem_shared>>
      tpu.enqueue_dma source(%dma_start3A_1906 : memref<128x128xf32, #tpu.memory_space<vmem_shared>>) target(%arg11 : memref<128x128xf32, #tpu.memory_space<vmem>>) target_semaphore(%arg14 : memref<!tpu.dma_semaphore, #tpu.memory_space<semaphore_mem>>)
      %dma_wait3A_1907 = arith.constant 0 : i32
      %dma_wait3A_1908 = tpu.memref_slice %arg13[%add3A_1902, %dma_wait3A_1907] : memref<10496x128xf32, #tpu.memory_space<vmem_shared>> -> memref<128x128xf32, #tpu.memory_space<vmem_shared>>
      %dma_wait3A_1909 = arith.constant 0 : i32
      %dma_wait3A_1910 = tpu.memref_slice %arg13[%add3A_1902, %dma_wait3A_1909] : memref<10496x128xf32, #tpu.memory_space<vmem_shared>> -> memref<128x128xf32, #tpu.memory_space<vmem_shared>>
      tpu.wait_dma2 semaphore(%arg14 : memref<!tpu.dma_semaphore, #tpu.memory_space<semaphore_mem>>) src(%dma_wait3A_1910 : memref<128x128xf32, #tpu.memory_space<vmem_shared>>) dst(%arg11 : memref<128x128xf32, #tpu.memory_space<vmem>>)
      %add3A_1911 = arith.constant 512 : i32
      %add3A_1912 = arith.addi %add3A_1052, %add3A_1911 : i32
      %dma_start3A_1913 = arith.constant 0 : i32
      %dma_start3A_1914 = tpu.memref_slice %arg7[%add3A_1912, %dma_start3A_1913] : memref<160000x128xf32, #tpu.memory_space<hbm>> -> memref<128x128xf32, #tpu.memory_space<hbm>>
      %dma_start3A_1915 = arith.constant 0 : i32
      %dma_start3A_1916 = tpu.memref_slice %arg7[%add3A_1912, %dma_start3A_1915] : memref<160000x128xf32, #tpu.memory_space<hbm>> -> memref<128x128xf32, #tpu.memory_space<hbm>>
      tpu.enqueue_dma source(%arg11 : memref<128x128xf32, #tpu.memory_space<vmem>>) target(%dma_start3A_1916 : memref<128x128xf32, #tpu.memory_space<hbm>>) target_semaphore(%arg14 : memref<!tpu.dma_semaphore, #tpu.memory_space<semaphore_mem>>)
      %dma_wait3A_1917 = arith.constant 0 : i32
      %dma_wait3A_1918 = tpu.memref_slice %arg7[%add3A_1912, %dma_wait3A_1917] : memref<160000x128xf32, #tpu.memory_space<hbm>> -> memref<128x128xf32, #tpu.memory_space<hbm>>
      %dma_wait3A_1919 = arith.constant 0 : i32
      %dma_wait3A_1920 = tpu.memref_slice %arg7[%add3A_1912, %dma_wait3A_1919] : memref<160000x128xf32, #tpu.memory_space<hbm>> -> memref<128x128xf32, #tpu.memory_space<hbm>>
      tpu.wait_dma2 semaphore(%arg14 : memref<!tpu.dma_semaphore, #tpu.memory_space<semaphore_mem>>) src(%arg11 : memref<128x128xf32, #tpu.memory_space<vmem>>) dst(%dma_wait3A_1920 : memref<128x128xf32, #tpu.memory_space<hbm>>)
    } else {
    }
    %mul3A_1100 = arith.constant 656 : i32
    %mul3A_1101 = arith.muli %arg1, %mul3A_1100 : i32
    %add3A_1102 = arith.constant 0 : i32
    %add3A_1103 = arith.addi %mul3A_1101, %add3A_1102 : i32
    %dma_start3A_1104 = arith.constant 0 : i32
    %dma_start3A_1105 = arith.constant 0 : i32
    %dma_start3A_1106 = tpu.memref_slice %arg12[%dma_start3A_1104, %dma_start3A_1105] : memref<128x128xf32, #tpu.memory_space<vmem>> -> memref<128x128xf32, #tpu.memory_space<vmem>>
    %dma_start3A_1107 = arith.constant 0 : i32
    %dma_start3A_1108 = tpu.memref_slice %arg13[%add3A_1103, %dma_start3A_1107] : memref<10496x128xf32, #tpu.memory_space<vmem_shared>> -> memref<128x128xf32, #tpu.memory_space<vmem_shared>>
    %dma_start3A_1109 = arith.constant 0 : i32
    %dma_start3A_1110 = tpu.memref_slice %arg13[%add3A_1103, %dma_start3A_1109] : memref<10496x128xf32, #tpu.memory_space<vmem_shared>> -> memref<128x128xf32, #tpu.memory_space<vmem_shared>>
    %dma_start3A_1111 = arith.constant 0 : i32
    %dma_start3A_1112 = arith.constant 0 : i32
    %dma_start3A_1113 = tpu.memref_slice %arg12[%dma_start3A_1111, %dma_start3A_1112] : memref<128x128xf32, #tpu.memory_space<vmem>> -> memref<128x128xf32, #tpu.memory_space<vmem>>
    tpu.enqueue_dma source(%dma_start3A_1113 : memref<128x128xf32, #tpu.memory_space<vmem>>) target(%dma_start3A_1110 : memref<128x128xf32, #tpu.memory_space<vmem_shared>>) target_semaphore(%arg14 : memref<!tpu.dma_semaphore, #tpu.memory_space<semaphore_mem>>)
    %dma_wait3A_1114 = arith.constant 0 : i32
    %dma_wait3A_1115 = arith.constant 0 : i32
    %dma_wait3A_1116 = tpu.memref_slice %arg12[%dma_wait3A_1114, %dma_wait3A_1115] : memref<128x128xf32, #tpu.memory_space<vmem>> -> memref<128x128xf32, #tpu.memory_space<vmem>>
    %dma_wait3A_1117 = arith.constant 0 : i32
    %dma_wait3A_1118 = tpu.memref_slice %arg13[%add3A_1103, %dma_wait3A_1117] : memref<10496x128xf32, #tpu.memory_space<vmem_shared>> -> memref<128x128xf32, #tpu.memory_space<vmem_shared>>
    %dma_wait3A_1119 = arith.constant 0 : i32
    %dma_wait3A_1120 = tpu.memref_slice %arg13[%add3A_1103, %dma_wait3A_1119] : memref<10496x128xf32, #tpu.memory_space<vmem_shared>> -> memref<128x128xf32, #tpu.memory_space<vmem_shared>>
    %dma_wait3A_1121 = arith.constant 0 : i32
    %dma_wait3A_1122 = arith.constant 0 : i32
    %dma_wait3A_1123 = tpu.memref_slice %arg12[%dma_wait3A_1121, %dma_wait3A_1122] : memref<128x128xf32, #tpu.memory_space<vmem>> -> memref<128x128xf32, #tpu.memory_space<vmem>>
    tpu.wait_dma2 semaphore(%arg14 : memref<!tpu.dma_semaphore, #tpu.memory_space<semaphore_mem>>) src(%dma_wait3A_1123 : memref<128x128xf32, #tpu.memory_space<vmem>>) dst(%dma_wait3A_1120 : memref<128x128xf32, #tpu.memory_space<vmem_shared>>)
    %add3A_1124 = arith.constant 128 : i32
    %add3A_1125 = arith.addi %mul3A_1101, %add3A_1124 : i32
    %dma_start3A_1126 = arith.constant 0 : i32
    %dma_start3A_1127 = arith.constant 0 : i32
    %dma_start3A_1128 = tpu.memref_slice %arg12[%dma_start3A_1126, %dma_start3A_1127] : memref<128x128xf32, #tpu.memory_space<vmem>> -> memref<128x128xf32, #tpu.memory_space<vmem>>
    %dma_start3A_1129 = arith.constant 0 : i32
    %dma_start3A_1130 = tpu.memref_slice %arg13[%add3A_1125, %dma_start3A_1129] : memref<10496x128xf32, #tpu.memory_space<vmem_shared>> -> memref<128x128xf32, #tpu.memory_space<vmem_shared>>
    %dma_start3A_1131 = arith.constant 0 : i32
    %dma_start3A_1132 = tpu.memref_slice %arg13[%add3A_1125, %dma_start3A_1131] : memref<10496x128xf32, #tpu.memory_space<vmem_shared>> -> memref<128x128xf32, #tpu.memory_space<vmem_shared>>
    %dma_start3A_1133 = arith.constant 0 : i32
    %dma_start3A_1134 = arith.constant 0 : i32
    %dma_start3A_1135 = tpu.memref_slice %arg12[%dma_start3A_1133, %dma_start3A_1134] : memref<128x128xf32, #tpu.memory_space<vmem>> -> memref<128x128xf32, #tpu.memory_space<vmem>>
    tpu.enqueue_dma source(%dma_start3A_1135 : memref<128x128xf32, #tpu.memory_space<vmem>>) target(%dma_start3A_1132 : memref<128x128xf32, #tpu.memory_space<vmem_shared>>) target_semaphore(%arg14 : memref<!tpu.dma_semaphore, #tpu.memory_space<semaphore_mem>>)
    %dma_wait3A_1136 = arith.constant 0 : i32
    %dma_wait3A_1137 = arith.constant 0 : i32
    %dma_wait3A_1138 = tpu.memref_slice %arg12[%dma_wait3A_1136, %dma_wait3A_1137] : memref<128x128xf32, #tpu.memory_space<vmem>> -> memref<128x128xf32, #tpu.memory_space<vmem>>
    %dma_wait3A_1139 = arith.constant 0 : i32
    %dma_wait3A_1140 = tpu.memref_slice %arg13[%add3A_1125, %dma_wait3A_1139] : memref<10496x128xf32, #tpu.memory_space<vmem_shared>> -> memref<128x128xf32, #tpu.memory_space<vmem_shared>>
    %dma_wait3A_1141 = arith.constant 0 : i32
    %dma_wait3A_1142 = tpu.memref_slice %arg13[%add3A_1125, %dma_wait3A_1141] : memref<10496x128xf32, #tpu.memory_space<vmem_shared>> -> memref<128x128xf32, #tpu.memory_space<vmem_shared>>
    %dma_wait3A_1143 = arith.constant 0 : i32
    %dma_wait3A_1144 = arith.constant 0 : i32
    %dma_wait3A_1145 = tpu.memref_slice %arg12[%dma_wait3A_1143, %dma_wait3A_1144] : memref<128x128xf32, #tpu.memory_space<vmem>> -> memref<128x128xf32, #tpu.memory_space<vmem>>
    tpu.wait_dma2 semaphore(%arg14 : memref<!tpu.dma_semaphore, #tpu.memory_space<semaphore_mem>>) src(%dma_wait3A_1145 : memref<128x128xf32, #tpu.memory_space<vmem>>) dst(%dma_wait3A_1142 : memref<128x128xf32, #tpu.memory_space<vmem_shared>>)
    %add3A_1146 = arith.constant 256 : i32
    %add3A_1147 = arith.addi %mul3A_1101, %add3A_1146 : i32
    %dma_start3A_1148 = arith.constant 0 : i32
    %dma_start3A_1149 = arith.constant 0 : i32
    %dma_start3A_1150 = tpu.memref_slice %arg12[%dma_start3A_1148, %dma_start3A_1149] : memref<128x128xf32, #tpu.memory_space<vmem>> -> memref<128x128xf32, #tpu.memory_space<vmem>>
    %dma_start3A_1151 = arith.constant 0 : i32
    %dma_start3A_1152 = tpu.memref_slice %arg13[%add3A_1147, %dma_start3A_1151] : memref<10496x128xf32, #tpu.memory_space<vmem_shared>> -> memref<128x128xf32, #tpu.memory_space<vmem_shared>>
    %dma_start3A_1153 = arith.constant 0 : i32
    %dma_start3A_1154 = tpu.memref_slice %arg13[%add3A_1147, %dma_start3A_1153] : memref<10496x128xf32, #tpu.memory_space<vmem_shared>> -> memref<128x128xf32, #tpu.memory_space<vmem_shared>>
    %dma_start3A_1155 = arith.constant 0 : i32
    %dma_start3A_1156 = arith.constant 0 : i32
    %dma_start3A_1157 = tpu.memref_slice %arg12[%dma_start3A_1155, %dma_start3A_1156] : memref<128x128xf32, #tpu.memory_space<vmem>> -> memref<128x128xf32, #tpu.memory_space<vmem>>
    tpu.enqueue_dma source(%dma_start3A_1157 : memref<128x128xf32, #tpu.memory_space<vmem>>) target(%dma_start3A_1154 : memref<128x128xf32, #tpu.memory_space<vmem_shared>>) target_semaphore(%arg14 : memref<!tpu.dma_semaphore, #tpu.memory_space<semaphore_mem>>)
    %dma_wait3A_1158 = arith.constant 0 : i32
    %dma_wait3A_1159 = arith.constant 0 : i32
    %dma_wait3A_1160 = tpu.memref_slice %arg12[%dma_wait3A_1158, %dma_wait3A_1159] : memref<128x128xf32, #tpu.memory_space<vmem>> -> memref<128x128xf32, #tpu.memory_space<vmem>>
    %dma_wait3A_1161 = arith.constant 0 : i32
    %dma_wait3A_1162 = tpu.memref_slice %arg13[%add3A_1147, %dma_wait3A_1161] : memref<10496x128xf32, #tpu.memory_space<vmem_shared>> -> memref<128x128xf32, #tpu.memory_space<vmem_shared>>
    %dma_wait3A_1163 = arith.constant 0 : i32
    %dma_wait3A_1164 = tpu.memref_slice %arg13[%add3A_1147, %dma_wait3A_1163] : memref<10496x128xf32, #tpu.memory_space<vmem_shared>> -> memref<128x128xf32, #tpu.memory_space<vmem_shared>>
    %dma_wait3A_1165 = arith.constant 0 : i32
    %dma_wait3A_1166 = arith.constant 0 : i32
    %dma_wait3A_1167 = tpu.memref_slice %arg12[%dma_wait3A_1165, %dma_wait3A_1166] : memref<128x128xf32, #tpu.memory_space<vmem>> -> memref<128x128xf32, #tpu.memory_space<vmem>>
    tpu.wait_dma2 semaphore(%arg14 : memref<!tpu.dma_semaphore, #tpu.memory_space<semaphore_mem>>) src(%dma_wait3A_1167 : memref<128x128xf32, #tpu.memory_space<vmem>>) dst(%dma_wait3A_1164 : memref<128x128xf32, #tpu.memory_space<vmem_shared>>)
    %add3A_1168 = arith.constant 384 : i32
    %add3A_1169 = arith.addi %mul3A_1101, %add3A_1168 : i32
    %dma_start3A_1170 = arith.constant 0 : i32
    %dma_start3A_1171 = arith.constant 0 : i32
    %dma_start3A_1172 = tpu.memref_slice %arg12[%dma_start3A_1170, %dma_start3A_1171] : memref<128x128xf32, #tpu.memory_space<vmem>> -> memref<128x128xf32, #tpu.memory_space<vmem>>
    %dma_start3A_1173 = arith.constant 0 : i32
    %dma_start3A_1174 = tpu.memref_slice %arg13[%add3A_1169, %dma_start3A_1173] : memref<10496x128xf32, #tpu.memory_space<vmem_shared>> -> memref<128x128xf32, #tpu.memory_space<vmem_shared>>
    %dma_start3A_1175 = arith.constant 0 : i32
    %dma_start3A_1176 = tpu.memref_slice %arg13[%add3A_1169, %dma_start3A_1175] : memref<10496x128xf32, #tpu.memory_space<vmem_shared>> -> memref<128x128xf32, #tpu.memory_space<vmem_shared>>
    %dma_start3A_1177 = arith.constant 0 : i32
    %dma_start3A_1178 = arith.constant 0 : i32
    %dma_start3A_1179 = tpu.memref_slice %arg12[%dma_start3A_1177, %dma_start3A_1178] : memref<128x128xf32, #tpu.memory_space<vmem>> -> memref<128x128xf32, #tpu.memory_space<vmem>>
    tpu.enqueue_dma source(%dma_start3A_1179 : memref<128x128xf32, #tpu.memory_space<vmem>>) target(%dma_start3A_1176 : memref<128x128xf32, #tpu.memory_space<vmem_shared>>) target_semaphore(%arg14 : memref<!tpu.dma_semaphore, #tpu.memory_space<semaphore_mem>>)
    %dma_wait3A_1180 = arith.constant 0 : i32
    %dma_wait3A_1181 = arith.constant 0 : i32
    %dma_wait3A_1182 = tpu.memref_slice %arg12[%dma_wait3A_1180, %dma_wait3A_1181] : memref<128x128xf32, #tpu.memory_space<vmem>> -> memref<128x128xf32, #tpu.memory_space<vmem>>
    %dma_wait3A_1183 = arith.constant 0 : i32
    %dma_wait3A_1184 = tpu.memref_slice %arg13[%add3A_1169, %dma_wait3A_1183] : memref<10496x128xf32, #tpu.memory_space<vmem_shared>> -> memref<128x128xf32, #tpu.memory_space<vmem_shared>>
    %dma_wait3A_1185 = arith.constant 0 : i32
    %dma_wait3A_1186 = tpu.memref_slice %arg13[%add3A_1169, %dma_wait3A_1185] : memref<10496x128xf32, #tpu.memory_space<vmem_shared>> -> memref<128x128xf32, #tpu.memory_space<vmem_shared>>
    %dma_wait3A_1187 = arith.constant 0 : i32
    %dma_wait3A_1188 = arith.constant 0 : i32
    %dma_wait3A_1189 = tpu.memref_slice %arg12[%dma_wait3A_1187, %dma_wait3A_1188] : memref<128x128xf32, #tpu.memory_space<vmem>> -> memref<128x128xf32, #tpu.memory_space<vmem>>
    tpu.wait_dma2 semaphore(%arg14 : memref<!tpu.dma_semaphore, #tpu.memory_space<semaphore_mem>>) src(%dma_wait3A_1189 : memref<128x128xf32, #tpu.memory_space<vmem>>) dst(%dma_wait3A_1186 : memref<128x128xf32, #tpu.memory_space<vmem_shared>>)
    %add3A_1190 = arith.constant 512 : i32
    %add3A_1191 = arith.addi %mul3A_1101, %add3A_1190 : i32
    %dma_start3A_1192 = arith.constant 0 : i32
    %dma_start3A_1193 = arith.constant 0 : i32
    %dma_start3A_1194 = tpu.memref_slice %arg12[%dma_start3A_1192, %dma_start3A_1193] : memref<128x128xf32, #tpu.memory_space<vmem>> -> memref<128x128xf32, #tpu.memory_space<vmem>>
    %dma_start3A_1195 = arith.constant 0 : i32
    %dma_start3A_1196 = tpu.memref_slice %arg13[%add3A_1191, %dma_start3A_1195] : memref<10496x128xf32, #tpu.memory_space<vmem_shared>> -> memref<128x128xf32, #tpu.memory_space<vmem_shared>>
    %dma_start3A_1197 = arith.constant 0 : i32
    %dma_start3A_1198 = tpu.memref_slice %arg13[%add3A_1191, %dma_start3A_1197] : memref<10496x128xf32, #tpu.memory_space<vmem_shared>> -> memref<128x128xf32, #tpu.memory_space<vmem_shared>>
    %dma_start3A_1199 = arith.constant 0 : i32
    %dma_start3A_1200 = arith.constant 0 : i32
    %dma_start3A_1201 = tpu.memref_slice %arg12[%dma_start3A_1199, %dma_start3A_1200] : memref<128x128xf32, #tpu.memory_space<vmem>> -> memref<128x128xf32, #tpu.memory_space<vmem>>
    tpu.enqueue_dma source(%dma_start3A_1201 : memref<128x128xf32, #tpu.memory_space<vmem>>) target(%dma_start3A_1198 : memref<128x128xf32, #tpu.memory_space<vmem_shared>>) target_semaphore(%arg14 : memref<!tpu.dma_semaphore, #tpu.memory_space<semaphore_mem>>)
    %dma_wait3A_1202 = arith.constant 0 : i32
    %dma_wait3A_1203 = arith.constant 0 : i32
    %dma_wait3A_1204 = tpu.memref_slice %arg12[%dma_wait3A_1202, %dma_wait3A_1203] : memref<128x128xf32, #tpu.memory_space<vmem>> -> memref<128x128xf32, #tpu.memory_space<vmem>>
    %dma_wait3A_1205 = arith.constant 0 : i32
    %dma_wait3A_1206 = tpu.memref_slice %arg13[%add3A_1191, %dma_wait3A_1205] : memref<10496x128xf32, #tpu.memory_space<vmem_shared>> -> memref<128x128xf32, #tpu.memory_space<vmem_shared>>
    %dma_wait3A_1207 = arith.constant 0 : i32
    %dma_wait3A_1208 = tpu.memref_slice %arg13[%add3A_1191, %dma_wait3A_1207] : memref<10496x128xf32, #tpu.memory_space<vmem_shared>> -> memref<128x128xf32, #tpu.memory_space<vmem_shared>>
    %dma_wait3A_1209 = arith.constant 0 : i32
    %dma_wait3A_1210 = arith.constant 0 : i32
    %dma_wait3A_1211 = tpu.memref_slice %arg12[%dma_wait3A_1209, %dma_wait3A_1210] : memref<128x128xf32, #tpu.memory_space<vmem>> -> memref<128x128xf32, #tpu.memory_space<vmem>>
    tpu.wait_dma2 semaphore(%arg14 : memref<!tpu.dma_semaphore, #tpu.memory_space<semaphore_mem>>) src(%dma_wait3A_1211 : memref<128x128xf32, #tpu.memory_space<vmem>>) dst(%dma_wait3A_1208 : memref<128x128xf32, #tpu.memory_space<vmem_shared>>)
    %add3A_1212 = arith.constant 640 : i32
    %add3A_1213 = arith.addi %mul3A_1101, %add3A_1212 : i32
    %dma_start3A_1214 = arith.constant 0 : i32
    %dma_start3A_1215 = arith.constant 0 : i32
    %dma_start3A_1216 = tpu.memref_slice %arg12[%dma_start3A_1214, %dma_start3A_1215] : memref<128x128xf32, #tpu.memory_space<vmem>> -> memref<16x128xf32, #tpu.memory_space<vmem>>
    %dma_start3A_1217 = arith.constant 0 : i32
    %dma_start3A_1218 = tpu.memref_slice %arg13[%add3A_1213, %dma_start3A_1217] : memref<10496x128xf32, #tpu.memory_space<vmem_shared>> -> memref<16x128xf32, #tpu.memory_space<vmem_shared>>
    %dma_start3A_1219 = arith.constant 0 : i32
    %dma_start3A_1220 = tpu.memref_slice %arg13[%add3A_1213, %dma_start3A_1219] : memref<10496x128xf32, #tpu.memory_space<vmem_shared>> -> memref<16x128xf32, #tpu.memory_space<vmem_shared>>
    %dma_start3A_1221 = arith.constant 0 : i32
    %dma_start3A_1222 = arith.constant 0 : i32
    %dma_start3A_1223 = tpu.memref_slice %arg12[%dma_start3A_1221, %dma_start3A_1222] : memref<128x128xf32, #tpu.memory_space<vmem>> -> memref<16x128xf32, #tpu.memory_space<vmem>>
    tpu.enqueue_dma source(%dma_start3A_1223 : memref<16x128xf32, #tpu.memory_space<vmem>>) target(%dma_start3A_1220 : memref<16x128xf32, #tpu.memory_space<vmem_shared>>) target_semaphore(%arg14 : memref<!tpu.dma_semaphore, #tpu.memory_space<semaphore_mem>>)
    %dma_wait3A_1224 = arith.constant 0 : i32
    %dma_wait3A_1225 = arith.constant 0 : i32
    %dma_wait3A_1226 = tpu.memref_slice %arg12[%dma_wait3A_1224, %dma_wait3A_1225] : memref<128x128xf32, #tpu.memory_space<vmem>> -> memref<16x128xf32, #tpu.memory_space<vmem>>
    %dma_wait3A_1227 = arith.constant 0 : i32
    %dma_wait3A_1228 = tpu.memref_slice %arg13[%add3A_1213, %dma_wait3A_1227] : memref<10496x128xf32, #tpu.memory_space<vmem_shared>> -> memref<16x128xf32, #tpu.memory_space<vmem_shared>>
    %dma_wait3A_1229 = arith.constant 0 : i32
    %dma_wait3A_1230 = tpu.memref_slice %arg13[%add3A_1213, %dma_wait3A_1229] : memref<10496x128xf32, #tpu.memory_space<vmem_shared>> -> memref<16x128xf32, #tpu.memory_space<vmem_shared>>
    %dma_wait3A_1231 = arith.constant 0 : i32
    %dma_wait3A_1232 = arith.constant 0 : i32
    %dma_wait3A_1233 = tpu.memref_slice %arg12[%dma_wait3A_1231, %dma_wait3A_1232] : memref<128x128xf32, #tpu.memory_space<vmem>> -> memref<16x128xf32, #tpu.memory_space<vmem>>
    tpu.wait_dma2 semaphore(%arg14 : memref<!tpu.dma_semaphore, #tpu.memory_space<semaphore_mem>>) src(%dma_wait3A_1233 : memref<16x128xf32, #tpu.memory_space<vmem>>) dst(%dma_wait3A_1230 : memref<16x128xf32, #tpu.memory_space<vmem_shared>>)
    %barrier3A_1234 = arith.constant 0 : index
    tpu.barrier barrier_id(%barrier3A_1234)
    %add3A_1235 = arith.constant 10 : i32
    %add3A_1236 = arith.addi %add3A_1235, %arg0 : i32
    %eq3A_1237 = arith.constant 0 : i32
    %eq3A_1238 = arith.cmpi eq, %arg0, %eq3A_1237 : i32
    %slice3A_1239 = vector.extract_strided_slice %get3A_131 {offsets = [10], sizes = [1], strides = [1]} : vector<16xi32> to vector<1xi32>
    %squeeze3A_1240 = vector.extract %slice3A_1239[0] : i32 from vector<1xi32>
    %slice3A_1241 = vector.extract_strided_slice %get3A_131 {offsets = [11], sizes = [1], strides = [1]} : vector<16xi32> to vector<1xi32>
    %squeeze3A_1242 = vector.extract %slice3A_1241[0] : i32 from vector<1xi32>
    %select_n3A_1243 = arith.select %eq3A_1238, %squeeze3A_1240, %squeeze3A_1242 : i32
    %eq3A_1244 = arith.constant 0 : i32
    %eq3A_1245 = arith.cmpi eq, %arg0, %eq3A_1244 : i32
    %slice3A_1246 = vector.extract_strided_slice %get3A_131 {offsets = [11], sizes = [1], strides = [1]} : vector<16xi32> to vector<1xi32>
    %squeeze3A_1247 = vector.extract %slice3A_1246[0] : i32 from vector<1xi32>
    %slice3A_1248 = vector.extract_strided_slice %get3A_131 {offsets = [12], sizes = [1], strides = [1]} : vector<16xi32> to vector<1xi32>
    %squeeze3A_1249 = vector.extract %slice3A_1248[0] : i32 from vector<1xi32>
    %select_n3A_1250 = arith.select %eq3A_1245, %squeeze3A_1247, %squeeze3A_1249 : i32
    %add3A_1251 = arith.addi %select_n3A_1243, %arg1 : i32
    %sub3A_1252 = arith.subi %select_n3A_1250, %add3A_1251 : i32
    %sub3A_1253 = arith.constant 16 : i32
    %sub3A_1254 = arith.constant 1 : i32
    %sub3A_1255 = arith.subi %sub3A_1253, %sub3A_1254 : i32
    %add3A_1256 = arith.addi %sub3A_1252, %sub3A_1255 : i32
    %div3A_1257 = arith.constant 16 : i32
    %div3A_1258 = arith.divsi %add3A_1256, %div3A_1257 : i32
    %while3A_1259 = arith.constant 16 : i32
    %while3A_1260 = arith.constant 0 : i32
    %while3A_1261 = arith.subi %div3A_1258, %while3A_1260 : i32
    %while3A_1262 = arith.addi %while3A_1260, %while3A_1261 : i32
    %while3A_1263 = arith.constant 1 : i32
    %while3A_1264 = arith.divsi %while3A_1261, %while3A_1263 : i32
    %while3A_1265 = arith.muli %while3A_1264, %while3A_1263 : i32
    %while3A_1266 = arith.addi %while3A_1260, %while3A_1265 : i32
    %while3A_1267 = arith.constant 1 : i32
    scf.for %while3A_1901 = %while3A_1260 to %while3A_1266 step %while3A_1267  : i32 {
      %mul3A_1902 = arith.muli %while3A_1901, %while3A_1259 : i32
      %add3A_1903 = arith.addi %add3A_1251, %mul3A_1902 : i32
      %mul3A_1904 = arith.constant 128 : i32
      %mul3A_1905 = arith.muli %add3A_1903, %mul3A_1904 : i32
      %dma_start3A_1906 = tpu.memref_slice %arg3[%mul3A_1905] : memref<642048xi32, #tpu.memory_space<hbm>> -> memref<128xi32, #tpu.memory_space<hbm>>
      %dma_start3A_1907 = tpu.memref_slice %arg3[%mul3A_1905] : memref<642048xi32, #tpu.memory_space<hbm>> -> memref<128xi32, #tpu.memory_space<hbm>>
      tpu.enqueue_dma source(%dma_start3A_1907 : memref<128xi32, #tpu.memory_space<hbm>>) target(%arg9 : memref<128xi32, #tpu.memory_space<vmem>>) target_semaphore(%arg14 : memref<!tpu.dma_semaphore, #tpu.memory_space<semaphore_mem>>)
      %mul3A_1908 = arith.constant 128 : i32
      %mul3A_1909 = arith.muli %add3A_1903, %mul3A_1908 : i32
      %dma_start3A_1910 = tpu.memref_slice %arg4[%mul3A_1909] : memref<642048xi32, #tpu.memory_space<hbm>> -> memref<128xi32, #tpu.memory_space<hbm>>
      %dma_start3A_1911 = tpu.memref_slice %arg4[%mul3A_1909] : memref<642048xi32, #tpu.memory_space<hbm>> -> memref<128xi32, #tpu.memory_space<hbm>>
      tpu.enqueue_dma source(%dma_start3A_1911 : memref<128xi32, #tpu.memory_space<hbm>>) target(%arg10 : memref<128xi32, #tpu.memory_space<vmem>>) target_semaphore(%arg15 : memref<!tpu.dma_semaphore, #tpu.memory_space<semaphore_mem>>)
      %dma_wait3A_1912 = tpu.memref_slice %arg3[%mul3A_1905] : memref<642048xi32, #tpu.memory_space<hbm>> -> memref<128xi32, #tpu.memory_space<hbm>>
      %dma_wait3A_1913 = tpu.memref_slice %arg3[%mul3A_1905] : memref<642048xi32, #tpu.memory_space<hbm>> -> memref<128xi32, #tpu.memory_space<hbm>>
      tpu.wait_dma2 semaphore(%arg14 : memref<!tpu.dma_semaphore, #tpu.memory_space<semaphore_mem>>) src(%dma_wait3A_1913 : memref<128xi32, #tpu.memory_space<hbm>>) dst(%arg9 : memref<128xi32, #tpu.memory_space<vmem>>)
      %dma_wait3A_1914 = tpu.memref_slice %arg4[%mul3A_1909] : memref<642048xi32, #tpu.memory_space<hbm>> -> memref<128xi32, #tpu.memory_space<hbm>>
      %dma_wait3A_1915 = tpu.memref_slice %arg4[%mul3A_1909] : memref<642048xi32, #tpu.memory_space<hbm>> -> memref<128xi32, #tpu.memory_space<hbm>>
      tpu.wait_dma2 semaphore(%arg15 : memref<!tpu.dma_semaphore, #tpu.memory_space<semaphore_mem>>) src(%dma_wait3A_1915 : memref<128xi32, #tpu.memory_space<hbm>>) dst(%arg10 : memref<128xi32, #tpu.memory_space<vmem>>)
      %dma_start3A_1916 = arith.constant 0 : i32
      %dma_start3A_1917 = arith.constant 0 : i32
      %dma_start3A_1918 = tpu.memref_slice %arg2[%dma_start3A_1916, %dma_start3A_1917] : memref<160000x128xf32, #tpu.memory_space<hbm>> -> memref<160000x128xf32, #tpu.memory_space<hbm>>
      tpu.enqueue_indirect_dma source(%dma_start3A_1918 : memref<160000x128xf32, #tpu.memory_space<hbm>>) target(%arg11 : memref<128x128xf32, #tpu.memory_space<vmem>>) offsets(%arg9 : memref<128xi32, #tpu.memory_space<vmem>>) semaphore(%arg14 : memref<!tpu.dma_semaphore, #tpu.memory_space<semaphore_mem>>)
      %dma_wait3A_1919 = arith.constant 0 : i32
      %dma_wait3A_1920 = arith.constant 0 : i32
      %dma_wait3A_1921 = tpu.memref_slice %arg2[%dma_wait3A_1919, %dma_wait3A_1920] : memref<160000x128xf32, #tpu.memory_space<hbm>> -> memref<160000x128xf32, #tpu.memory_space<hbm>>
      tpu.wait_indirect_dma semaphore(%arg14 : memref<!tpu.dma_semaphore, #tpu.memory_space<semaphore_mem>>) src(%dma_wait3A_1921 : memref<160000x128xf32, #tpu.memory_space<hbm>>) dst(%arg11 : memref<128x128xf32, #tpu.memory_space<vmem>>)
      %dma_start3A_1922 = arith.constant 0 : i32
      %dma_start3A_1923 = arith.constant 0 : i32
      %dma_start3A_1924 = tpu.memref_slice %arg13[%dma_start3A_1922, %dma_start3A_1923] : memref<10496x128xf32, #tpu.memory_space<vmem_shared>> -> memref<10496x128xf32, #tpu.memory_space<vmem_shared>>
      tpu.enqueue_indirect_dma source(%arg11 : memref<128x128xf32, #tpu.memory_space<vmem>>) target(%dma_start3A_1924 : memref<10496x128xf32, #tpu.memory_space<vmem_shared>>) offsets(%arg10 : memref<128xi32, #tpu.memory_space<vmem>>) semaphore(%arg15 : memref<!tpu.dma_semaphore, #tpu.memory_space<semaphore_mem>>) {add = true}
      %dma_wait3A_1925 = arith.constant 0 : i32
      %dma_wait3A_1926 = arith.constant 0 : i32
      %dma_wait3A_1927 = tpu.memref_slice %arg13[%dma_wait3A_1925, %dma_wait3A_1926] : memref<10496x128xf32, #tpu.memory_space<vmem_shared>> -> memref<10496x128xf32, #tpu.memory_space<vmem_shared>>
      tpu.wait_indirect_dma semaphore(%arg15 : memref<!tpu.dma_semaphore, #tpu.memory_space<semaphore_mem>>) src(%arg11 : memref<128x128xf32, #tpu.memory_space<vmem>>) dst(%dma_wait3A_1927 : memref<10496x128xf32, #tpu.memory_space<vmem_shared>>)
    }
    %while3A_1268 = arith.constant 1 : i32
    scf.for %while3A_1901 = %while3A_1266 to %while3A_1262 step %while3A_1268  : i32 {
      %mul3A_1902 = arith.muli %while3A_1901, %while3A_1259 : i32
      %add3A_1903 = arith.addi %add3A_1251, %mul3A_1902 : i32
      %mul3A_1904 = arith.constant 128 : i32
      %mul3A_1905 = arith.muli %add3A_1903, %mul3A_1904 : i32
      %dma_start3A_1906 = tpu.memref_slice %arg3[%mul3A_1905] : memref<642048xi32, #tpu.memory_space<hbm>> -> memref<128xi32, #tpu.memory_space<hbm>>
      %dma_start3A_1907 = tpu.memref_slice %arg3[%mul3A_1905] : memref<642048xi32, #tpu.memory_space<hbm>> -> memref<128xi32, #tpu.memory_space<hbm>>
      tpu.enqueue_dma source(%dma_start3A_1907 : memref<128xi32, #tpu.memory_space<hbm>>) target(%arg9 : memref<128xi32, #tpu.memory_space<vmem>>) target_semaphore(%arg14 : memref<!tpu.dma_semaphore, #tpu.memory_space<semaphore_mem>>)
      %mul3A_1908 = arith.constant 128 : i32
      %mul3A_1909 = arith.muli %add3A_1903, %mul3A_1908 : i32
      %dma_start3A_1910 = tpu.memref_slice %arg4[%mul3A_1909] : memref<642048xi32, #tpu.memory_space<hbm>> -> memref<128xi32, #tpu.memory_space<hbm>>
      %dma_start3A_1911 = tpu.memref_slice %arg4[%mul3A_1909] : memref<642048xi32, #tpu.memory_space<hbm>> -> memref<128xi32, #tpu.memory_space<hbm>>
      tpu.enqueue_dma source(%dma_start3A_1911 : memref<128xi32, #tpu.memory_space<hbm>>) target(%arg10 : memref<128xi32, #tpu.memory_space<vmem>>) target_semaphore(%arg15 : memref<!tpu.dma_semaphore, #tpu.memory_space<semaphore_mem>>)
      %dma_wait3A_1912 = tpu.memref_slice %arg3[%mul3A_1905] : memref<642048xi32, #tpu.memory_space<hbm>> -> memref<128xi32, #tpu.memory_space<hbm>>
      %dma_wait3A_1913 = tpu.memref_slice %arg3[%mul3A_1905] : memref<642048xi32, #tpu.memory_space<hbm>> -> memref<128xi32, #tpu.memory_space<hbm>>
      tpu.wait_dma2 semaphore(%arg14 : memref<!tpu.dma_semaphore, #tpu.memory_space<semaphore_mem>>) src(%dma_wait3A_1913 : memref<128xi32, #tpu.memory_space<hbm>>) dst(%arg9 : memref<128xi32, #tpu.memory_space<vmem>>)
      %dma_wait3A_1914 = tpu.memref_slice %arg4[%mul3A_1909] : memref<642048xi32, #tpu.memory_space<hbm>> -> memref<128xi32, #tpu.memory_space<hbm>>
      %dma_wait3A_1915 = tpu.memref_slice %arg4[%mul3A_1909] : memref<642048xi32, #tpu.memory_space<hbm>> -> memref<128xi32, #tpu.memory_space<hbm>>
      tpu.wait_dma2 semaphore(%arg15 : memref<!tpu.dma_semaphore, #tpu.memory_space<semaphore_mem>>) src(%dma_wait3A_1915 : memref<128xi32, #tpu.memory_space<hbm>>) dst(%arg10 : memref<128xi32, #tpu.memory_space<vmem>>)
      %dma_start3A_1916 = arith.constant 0 : i32
      %dma_start3A_1917 = arith.constant 0 : i32
      %dma_start3A_1918 = tpu.memref_slice %arg2[%dma_start3A_1916, %dma_start3A_1917] : memref<160000x128xf32, #tpu.memory_space<hbm>> -> memref<160000x128xf32, #tpu.memory_space<hbm>>
      tpu.enqueue_indirect_dma source(%dma_start3A_1918 : memref<160000x128xf32, #tpu.memory_space<hbm>>) target(%arg11 : memref<128x128xf32, #tpu.memory_space<vmem>>) offsets(%arg9 : memref<128xi32, #tpu.memory_space<vmem>>) semaphore(%arg14 : memref<!tpu.dma_semaphore, #tpu.memory_space<semaphore_mem>>)
      %dma_wait3A_1919 = arith.constant 0 : i32
      %dma_wait3A_1920 = arith.constant 0 : i32
      %dma_wait3A_1921 = tpu.memref_slice %arg2[%dma_wait3A_1919, %dma_wait3A_1920] : memref<160000x128xf32, #tpu.memory_space<hbm>> -> memref<160000x128xf32, #tpu.memory_space<hbm>>
      tpu.wait_indirect_dma semaphore(%arg14 : memref<!tpu.dma_semaphore, #tpu.memory_space<semaphore_mem>>) src(%dma_wait3A_1921 : memref<160000x128xf32, #tpu.memory_space<hbm>>) dst(%arg11 : memref<128x128xf32, #tpu.memory_space<vmem>>)
      %dma_start3A_1922 = arith.constant 0 : i32
      %dma_start3A_1923 = arith.constant 0 : i32
      %dma_start3A_1924 = tpu.memref_slice %arg13[%dma_start3A_1922, %dma_start3A_1923] : memref<10496x128xf32, #tpu.memory_space<vmem_shared>> -> memref<10496x128xf32, #tpu.memory_space<vmem_shared>>
      tpu.enqueue_indirect_dma source(%arg11 : memref<128x128xf32, #tpu.memory_space<vmem>>) target(%dma_start3A_1924 : memref<10496x128xf32, #tpu.memory_space<vmem_shared>>) offsets(%arg10 : memref<128xi32, #tpu.memory_space<vmem>>) semaphore(%arg15 : memref<!tpu.dma_semaphore, #tpu.memory_space<semaphore_mem>>) {add = true}
      %dma_wait3A_1925 = arith.constant 0 : i32
      %dma_wait3A_1926 = arith.constant 0 : i32
      %dma_wait3A_1927 = tpu.memref_slice %arg13[%dma_wait3A_1925, %dma_wait3A_1926] : memref<10496x128xf32, #tpu.memory_space<vmem_shared>> -> memref<10496x128xf32, #tpu.memory_space<vmem_shared>>
      tpu.wait_indirect_dma semaphore(%arg15 : memref<!tpu.dma_semaphore, #tpu.memory_space<semaphore_mem>>) src(%arg11 : memref<128x128xf32, #tpu.memory_space<vmem>>) dst(%dma_wait3A_1927 : memref<10496x128xf32, #tpu.memory_space<vmem_shared>>)
    }
    %barrier3A_1269 = arith.constant 0 : index
    tpu.barrier barrier_id(%barrier3A_1269)
    %mul3A_1270 = arith.constant 10240 : i32
    %mul3A_1271 = arith.muli %add3A_1236, %mul3A_1270 : i32
    %mul3A_1272 = arith.constant 640 : i32
    %mul3A_1273 = arith.muli %arg1, %mul3A_1272 : i32
    %add3A_1274 = arith.addi %mul3A_1271, %mul3A_1273 : i32
    %mul3A_1275 = arith.constant 640 : i32
    %mul3A_1276 = arith.muli %arg1, %mul3A_1275 : i32
    %add3A_1277 = arith.constant 0 : i32
    %add3A_1278 = arith.addi %add3A_1274, %add3A_1277 : i32
    %add3A_1279 = arith.constant 128 : i32
    %add3A_1280 = arith.addi %add3A_1278, %add3A_1279 : i32
    %le3A_1281 = arith.constant 160000 : i32
    %le3A_1282 = arith.cmpi sle, %add3A_1280, %le3A_1281 : i32
    %convert_element_type3A_1283 = arith.extui %le3A_1282 : i1 to i32
    %cond3A_1284 = arith.constant 0 : i32
    %cond3A_1285 = arith.cmpi ne, %convert_element_type3A_1283, %cond3A_1284 : i32
    scf.if %cond3A_1285 {
      %add3A_1901 = arith.constant 0 : i32
      %add3A_1902 = arith.addi %mul3A_1276, %add3A_1901 : i32
      %dma_start3A_1903 = arith.constant 0 : i32
      %dma_start3A_1904 = tpu.memref_slice %arg13[%add3A_1902, %dma_start3A_1903] : memref<10496x128xf32, #tpu.memory_space<vmem_shared>> -> memref<128x128xf32, #tpu.memory_space<vmem_shared>>
      %dma_start3A_1905 = arith.constant 0 : i32
      %dma_start3A_1906 = tpu.memref_slice %arg13[%add3A_1902, %dma_start3A_1905] : memref<10496x128xf32, #tpu.memory_space<vmem_shared>> -> memref<128x128xf32, #tpu.memory_space<vmem_shared>>
      tpu.enqueue_dma source(%dma_start3A_1906 : memref<128x128xf32, #tpu.memory_space<vmem_shared>>) target(%arg11 : memref<128x128xf32, #tpu.memory_space<vmem>>) target_semaphore(%arg14 : memref<!tpu.dma_semaphore, #tpu.memory_space<semaphore_mem>>)
      %dma_wait3A_1907 = arith.constant 0 : i32
      %dma_wait3A_1908 = tpu.memref_slice %arg13[%add3A_1902, %dma_wait3A_1907] : memref<10496x128xf32, #tpu.memory_space<vmem_shared>> -> memref<128x128xf32, #tpu.memory_space<vmem_shared>>
      %dma_wait3A_1909 = arith.constant 0 : i32
      %dma_wait3A_1910 = tpu.memref_slice %arg13[%add3A_1902, %dma_wait3A_1909] : memref<10496x128xf32, #tpu.memory_space<vmem_shared>> -> memref<128x128xf32, #tpu.memory_space<vmem_shared>>
      tpu.wait_dma2 semaphore(%arg14 : memref<!tpu.dma_semaphore, #tpu.memory_space<semaphore_mem>>) src(%dma_wait3A_1910 : memref<128x128xf32, #tpu.memory_space<vmem_shared>>) dst(%arg11 : memref<128x128xf32, #tpu.memory_space<vmem>>)
      %add3A_1911 = arith.constant 0 : i32
      %add3A_1912 = arith.addi %add3A_1274, %add3A_1911 : i32
      %dma_start3A_1913 = arith.constant 0 : i32
      %dma_start3A_1914 = tpu.memref_slice %arg7[%add3A_1912, %dma_start3A_1913] : memref<160000x128xf32, #tpu.memory_space<hbm>> -> memref<128x128xf32, #tpu.memory_space<hbm>>
      %dma_start3A_1915 = arith.constant 0 : i32
      %dma_start3A_1916 = tpu.memref_slice %arg7[%add3A_1912, %dma_start3A_1915] : memref<160000x128xf32, #tpu.memory_space<hbm>> -> memref<128x128xf32, #tpu.memory_space<hbm>>
      tpu.enqueue_dma source(%arg11 : memref<128x128xf32, #tpu.memory_space<vmem>>) target(%dma_start3A_1916 : memref<128x128xf32, #tpu.memory_space<hbm>>) target_semaphore(%arg14 : memref<!tpu.dma_semaphore, #tpu.memory_space<semaphore_mem>>)
      %dma_wait3A_1917 = arith.constant 0 : i32
      %dma_wait3A_1918 = tpu.memref_slice %arg7[%add3A_1912, %dma_wait3A_1917] : memref<160000x128xf32, #tpu.memory_space<hbm>> -> memref<128x128xf32, #tpu.memory_space<hbm>>
      %dma_wait3A_1919 = arith.constant 0 : i32
      %dma_wait3A_1920 = tpu.memref_slice %arg7[%add3A_1912, %dma_wait3A_1919] : memref<160000x128xf32, #tpu.memory_space<hbm>> -> memref<128x128xf32, #tpu.memory_space<hbm>>
      tpu.wait_dma2 semaphore(%arg14 : memref<!tpu.dma_semaphore, #tpu.memory_space<semaphore_mem>>) src(%arg11 : memref<128x128xf32, #tpu.memory_space<vmem>>) dst(%dma_wait3A_1920 : memref<128x128xf32, #tpu.memory_space<hbm>>)
    } else {
    }
    %add3A_1286 = arith.constant 128 : i32
    %add3A_1287 = arith.addi %add3A_1274, %add3A_1286 : i32
    %add3A_1288 = arith.constant 128 : i32
    %add3A_1289 = arith.addi %add3A_1287, %add3A_1288 : i32
    %le3A_1290 = arith.constant 160000 : i32
    %le3A_1291 = arith.cmpi sle, %add3A_1289, %le3A_1290 : i32
    %convert_element_type3A_1292 = arith.extui %le3A_1291 : i1 to i32
    %cond3A_1293 = arith.constant 0 : i32
    %cond3A_1294 = arith.cmpi ne, %convert_element_type3A_1292, %cond3A_1293 : i32
    scf.if %cond3A_1294 {
      %add3A_1901 = arith.constant 128 : i32
      %add3A_1902 = arith.addi %mul3A_1276, %add3A_1901 : i32
      %dma_start3A_1903 = arith.constant 0 : i32
      %dma_start3A_1904 = tpu.memref_slice %arg13[%add3A_1902, %dma_start3A_1903] : memref<10496x128xf32, #tpu.memory_space<vmem_shared>> -> memref<128x128xf32, #tpu.memory_space<vmem_shared>>
      %dma_start3A_1905 = arith.constant 0 : i32
      %dma_start3A_1906 = tpu.memref_slice %arg13[%add3A_1902, %dma_start3A_1905] : memref<10496x128xf32, #tpu.memory_space<vmem_shared>> -> memref<128x128xf32, #tpu.memory_space<vmem_shared>>
      tpu.enqueue_dma source(%dma_start3A_1906 : memref<128x128xf32, #tpu.memory_space<vmem_shared>>) target(%arg11 : memref<128x128xf32, #tpu.memory_space<vmem>>) target_semaphore(%arg14 : memref<!tpu.dma_semaphore, #tpu.memory_space<semaphore_mem>>)
      %dma_wait3A_1907 = arith.constant 0 : i32
      %dma_wait3A_1908 = tpu.memref_slice %arg13[%add3A_1902, %dma_wait3A_1907] : memref<10496x128xf32, #tpu.memory_space<vmem_shared>> -> memref<128x128xf32, #tpu.memory_space<vmem_shared>>
      %dma_wait3A_1909 = arith.constant 0 : i32
      %dma_wait3A_1910 = tpu.memref_slice %arg13[%add3A_1902, %dma_wait3A_1909] : memref<10496x128xf32, #tpu.memory_space<vmem_shared>> -> memref<128x128xf32, #tpu.memory_space<vmem_shared>>
      tpu.wait_dma2 semaphore(%arg14 : memref<!tpu.dma_semaphore, #tpu.memory_space<semaphore_mem>>) src(%dma_wait3A_1910 : memref<128x128xf32, #tpu.memory_space<vmem_shared>>) dst(%arg11 : memref<128x128xf32, #tpu.memory_space<vmem>>)
      %add3A_1911 = arith.constant 128 : i32
      %add3A_1912 = arith.addi %add3A_1274, %add3A_1911 : i32
      %dma_start3A_1913 = arith.constant 0 : i32
      %dma_start3A_1914 = tpu.memref_slice %arg7[%add3A_1912, %dma_start3A_1913] : memref<160000x128xf32, #tpu.memory_space<hbm>> -> memref<128x128xf32, #tpu.memory_space<hbm>>
      %dma_start3A_1915 = arith.constant 0 : i32
      %dma_start3A_1916 = tpu.memref_slice %arg7[%add3A_1912, %dma_start3A_1915] : memref<160000x128xf32, #tpu.memory_space<hbm>> -> memref<128x128xf32, #tpu.memory_space<hbm>>
      tpu.enqueue_dma source(%arg11 : memref<128x128xf32, #tpu.memory_space<vmem>>) target(%dma_start3A_1916 : memref<128x128xf32, #tpu.memory_space<hbm>>) target_semaphore(%arg14 : memref<!tpu.dma_semaphore, #tpu.memory_space<semaphore_mem>>)
      %dma_wait3A_1917 = arith.constant 0 : i32
      %dma_wait3A_1918 = tpu.memref_slice %arg7[%add3A_1912, %dma_wait3A_1917] : memref<160000x128xf32, #tpu.memory_space<hbm>> -> memref<128x128xf32, #tpu.memory_space<hbm>>
      %dma_wait3A_1919 = arith.constant 0 : i32
      %dma_wait3A_1920 = tpu.memref_slice %arg7[%add3A_1912, %dma_wait3A_1919] : memref<160000x128xf32, #tpu.memory_space<hbm>> -> memref<128x128xf32, #tpu.memory_space<hbm>>
      tpu.wait_dma2 semaphore(%arg14 : memref<!tpu.dma_semaphore, #tpu.memory_space<semaphore_mem>>) src(%arg11 : memref<128x128xf32, #tpu.memory_space<vmem>>) dst(%dma_wait3A_1920 : memref<128x128xf32, #tpu.memory_space<hbm>>)
    } else {
    }
    %add3A_1295 = arith.constant 256 : i32
    %add3A_1296 = arith.addi %add3A_1274, %add3A_1295 : i32
    %add3A_1297 = arith.constant 128 : i32
    %add3A_1298 = arith.addi %add3A_1296, %add3A_1297 : i32
    %le3A_1299 = arith.constant 160000 : i32
    %le3A_1300 = arith.cmpi sle, %add3A_1298, %le3A_1299 : i32
    %convert_element_type3A_1301 = arith.extui %le3A_1300 : i1 to i32
    %cond3A_1302 = arith.constant 0 : i32
    %cond3A_1303 = arith.cmpi ne, %convert_element_type3A_1301, %cond3A_1302 : i32
    scf.if %cond3A_1303 {
      %add3A_1901 = arith.constant 256 : i32
      %add3A_1902 = arith.addi %mul3A_1276, %add3A_1901 : i32
      %dma_start3A_1903 = arith.constant 0 : i32
      %dma_start3A_1904 = tpu.memref_slice %arg13[%add3A_1902, %dma_start3A_1903] : memref<10496x128xf32, #tpu.memory_space<vmem_shared>> -> memref<128x128xf32, #tpu.memory_space<vmem_shared>>
      %dma_start3A_1905 = arith.constant 0 : i32
      %dma_start3A_1906 = tpu.memref_slice %arg13[%add3A_1902, %dma_start3A_1905] : memref<10496x128xf32, #tpu.memory_space<vmem_shared>> -> memref<128x128xf32, #tpu.memory_space<vmem_shared>>
      tpu.enqueue_dma source(%dma_start3A_1906 : memref<128x128xf32, #tpu.memory_space<vmem_shared>>) target(%arg11 : memref<128x128xf32, #tpu.memory_space<vmem>>) target_semaphore(%arg14 : memref<!tpu.dma_semaphore, #tpu.memory_space<semaphore_mem>>)
      %dma_wait3A_1907 = arith.constant 0 : i32
      %dma_wait3A_1908 = tpu.memref_slice %arg13[%add3A_1902, %dma_wait3A_1907] : memref<10496x128xf32, #tpu.memory_space<vmem_shared>> -> memref<128x128xf32, #tpu.memory_space<vmem_shared>>
      %dma_wait3A_1909 = arith.constant 0 : i32
      %dma_wait3A_1910 = tpu.memref_slice %arg13[%add3A_1902, %dma_wait3A_1909] : memref<10496x128xf32, #tpu.memory_space<vmem_shared>> -> memref<128x128xf32, #tpu.memory_space<vmem_shared>>
      tpu.wait_dma2 semaphore(%arg14 : memref<!tpu.dma_semaphore, #tpu.memory_space<semaphore_mem>>) src(%dma_wait3A_1910 : memref<128x128xf32, #tpu.memory_space<vmem_shared>>) dst(%arg11 : memref<128x128xf32, #tpu.memory_space<vmem>>)
      %add3A_1911 = arith.constant 256 : i32
      %add3A_1912 = arith.addi %add3A_1274, %add3A_1911 : i32
      %dma_start3A_1913 = arith.constant 0 : i32
      %dma_start3A_1914 = tpu.memref_slice %arg7[%add3A_1912, %dma_start3A_1913] : memref<160000x128xf32, #tpu.memory_space<hbm>> -> memref<128x128xf32, #tpu.memory_space<hbm>>
      %dma_start3A_1915 = arith.constant 0 : i32
      %dma_start3A_1916 = tpu.memref_slice %arg7[%add3A_1912, %dma_start3A_1915] : memref<160000x128xf32, #tpu.memory_space<hbm>> -> memref<128x128xf32, #tpu.memory_space<hbm>>
      tpu.enqueue_dma source(%arg11 : memref<128x128xf32, #tpu.memory_space<vmem>>) target(%dma_start3A_1916 : memref<128x128xf32, #tpu.memory_space<hbm>>) target_semaphore(%arg14 : memref<!tpu.dma_semaphore, #tpu.memory_space<semaphore_mem>>)
      %dma_wait3A_1917 = arith.constant 0 : i32
      %dma_wait3A_1918 = tpu.memref_slice %arg7[%add3A_1912, %dma_wait3A_1917] : memref<160000x128xf32, #tpu.memory_space<hbm>> -> memref<128x128xf32, #tpu.memory_space<hbm>>
      %dma_wait3A_1919 = arith.constant 0 : i32
      %dma_wait3A_1920 = tpu.memref_slice %arg7[%add3A_1912, %dma_wait3A_1919] : memref<160000x128xf32, #tpu.memory_space<hbm>> -> memref<128x128xf32, #tpu.memory_space<hbm>>
      tpu.wait_dma2 semaphore(%arg14 : memref<!tpu.dma_semaphore, #tpu.memory_space<semaphore_mem>>) src(%arg11 : memref<128x128xf32, #tpu.memory_space<vmem>>) dst(%dma_wait3A_1920 : memref<128x128xf32, #tpu.memory_space<hbm>>)
    } else {
    }
    %add3A_1304 = arith.constant 384 : i32
    %add3A_1305 = arith.addi %add3A_1274, %add3A_1304 : i32
    %add3A_1306 = arith.constant 128 : i32
    %add3A_1307 = arith.addi %add3A_1305, %add3A_1306 : i32
    %le3A_1308 = arith.constant 160000 : i32
    %le3A_1309 = arith.cmpi sle, %add3A_1307, %le3A_1308 : i32
    %convert_element_type3A_1310 = arith.extui %le3A_1309 : i1 to i32
    %cond3A_1311 = arith.constant 0 : i32
    %cond3A_1312 = arith.cmpi ne, %convert_element_type3A_1310, %cond3A_1311 : i32
    scf.if %cond3A_1312 {
      %add3A_1901 = arith.constant 384 : i32
      %add3A_1902 = arith.addi %mul3A_1276, %add3A_1901 : i32
      %dma_start3A_1903 = arith.constant 0 : i32
      %dma_start3A_1904 = tpu.memref_slice %arg13[%add3A_1902, %dma_start3A_1903] : memref<10496x128xf32, #tpu.memory_space<vmem_shared>> -> memref<128x128xf32, #tpu.memory_space<vmem_shared>>
      %dma_start3A_1905 = arith.constant 0 : i32
      %dma_start3A_1906 = tpu.memref_slice %arg13[%add3A_1902, %dma_start3A_1905] : memref<10496x128xf32, #tpu.memory_space<vmem_shared>> -> memref<128x128xf32, #tpu.memory_space<vmem_shared>>
      tpu.enqueue_dma source(%dma_start3A_1906 : memref<128x128xf32, #tpu.memory_space<vmem_shared>>) target(%arg11 : memref<128x128xf32, #tpu.memory_space<vmem>>) target_semaphore(%arg14 : memref<!tpu.dma_semaphore, #tpu.memory_space<semaphore_mem>>)
      %dma_wait3A_1907 = arith.constant 0 : i32
      %dma_wait3A_1908 = tpu.memref_slice %arg13[%add3A_1902, %dma_wait3A_1907] : memref<10496x128xf32, #tpu.memory_space<vmem_shared>> -> memref<128x128xf32, #tpu.memory_space<vmem_shared>>
      %dma_wait3A_1909 = arith.constant 0 : i32
      %dma_wait3A_1910 = tpu.memref_slice %arg13[%add3A_1902, %dma_wait3A_1909] : memref<10496x128xf32, #tpu.memory_space<vmem_shared>> -> memref<128x128xf32, #tpu.memory_space<vmem_shared>>
      tpu.wait_dma2 semaphore(%arg14 : memref<!tpu.dma_semaphore, #tpu.memory_space<semaphore_mem>>) src(%dma_wait3A_1910 : memref<128x128xf32, #tpu.memory_space<vmem_shared>>) dst(%arg11 : memref<128x128xf32, #tpu.memory_space<vmem>>)
      %add3A_1911 = arith.constant 384 : i32
      %add3A_1912 = arith.addi %add3A_1274, %add3A_1911 : i32
      %dma_start3A_1913 = arith.constant 0 : i32
      %dma_start3A_1914 = tpu.memref_slice %arg7[%add3A_1912, %dma_start3A_1913] : memref<160000x128xf32, #tpu.memory_space<hbm>> -> memref<128x128xf32, #tpu.memory_space<hbm>>
      %dma_start3A_1915 = arith.constant 0 : i32
      %dma_start3A_1916 = tpu.memref_slice %arg7[%add3A_1912, %dma_start3A_1915] : memref<160000x128xf32, #tpu.memory_space<hbm>> -> memref<128x128xf32, #tpu.memory_space<hbm>>
      tpu.enqueue_dma source(%arg11 : memref<128x128xf32, #tpu.memory_space<vmem>>) target(%dma_start3A_1916 : memref<128x128xf32, #tpu.memory_space<hbm>>) target_semaphore(%arg14 : memref<!tpu.dma_semaphore, #tpu.memory_space<semaphore_mem>>)
      %dma_wait3A_1917 = arith.constant 0 : i32
      %dma_wait3A_1918 = tpu.memref_slice %arg7[%add3A_1912, %dma_wait3A_1917] : memref<160000x128xf32, #tpu.memory_space<hbm>> -> memref<128x128xf32, #tpu.memory_space<hbm>>
      %dma_wait3A_1919 = arith.constant 0 : i32
      %dma_wait3A_1920 = tpu.memref_slice %arg7[%add3A_1912, %dma_wait3A_1919] : memref<160000x128xf32, #tpu.memory_space<hbm>> -> memref<128x128xf32, #tpu.memory_space<hbm>>
      tpu.wait_dma2 semaphore(%arg14 : memref<!tpu.dma_semaphore, #tpu.memory_space<semaphore_mem>>) src(%arg11 : memref<128x128xf32, #tpu.memory_space<vmem>>) dst(%dma_wait3A_1920 : memref<128x128xf32, #tpu.memory_space<hbm>>)
    } else {
    }
    %add3A_1313 = arith.constant 512 : i32
    %add3A_1314 = arith.addi %add3A_1274, %add3A_1313 : i32
    %add3A_1315 = arith.constant 128 : i32
    %add3A_1316 = arith.addi %add3A_1314, %add3A_1315 : i32
    %le3A_1317 = arith.constant 160000 : i32
    %le3A_1318 = arith.cmpi sle, %add3A_1316, %le3A_1317 : i32
    %convert_element_type3A_1319 = arith.extui %le3A_1318 : i1 to i32
    %cond3A_1320 = arith.constant 0 : i32
    %cond3A_1321 = arith.cmpi ne, %convert_element_type3A_1319, %cond3A_1320 : i32
    scf.if %cond3A_1321 {
      %add3A_1901 = arith.constant 512 : i32
      %add3A_1902 = arith.addi %mul3A_1276, %add3A_1901 : i32
      %dma_start3A_1903 = arith.constant 0 : i32
      %dma_start3A_1904 = tpu.memref_slice %arg13[%add3A_1902, %dma_start3A_1903] : memref<10496x128xf32, #tpu.memory_space<vmem_shared>> -> memref<128x128xf32, #tpu.memory_space<vmem_shared>>
      %dma_start3A_1905 = arith.constant 0 : i32
      %dma_start3A_1906 = tpu.memref_slice %arg13[%add3A_1902, %dma_start3A_1905] : memref<10496x128xf32, #tpu.memory_space<vmem_shared>> -> memref<128x128xf32, #tpu.memory_space<vmem_shared>>
      tpu.enqueue_dma source(%dma_start3A_1906 : memref<128x128xf32, #tpu.memory_space<vmem_shared>>) target(%arg11 : memref<128x128xf32, #tpu.memory_space<vmem>>) target_semaphore(%arg14 : memref<!tpu.dma_semaphore, #tpu.memory_space<semaphore_mem>>)
      %dma_wait3A_1907 = arith.constant 0 : i32
      %dma_wait3A_1908 = tpu.memref_slice %arg13[%add3A_1902, %dma_wait3A_1907] : memref<10496x128xf32, #tpu.memory_space<vmem_shared>> -> memref<128x128xf32, #tpu.memory_space<vmem_shared>>
      %dma_wait3A_1909 = arith.constant 0 : i32
      %dma_wait3A_1910 = tpu.memref_slice %arg13[%add3A_1902, %dma_wait3A_1909] : memref<10496x128xf32, #tpu.memory_space<vmem_shared>> -> memref<128x128xf32, #tpu.memory_space<vmem_shared>>
      tpu.wait_dma2 semaphore(%arg14 : memref<!tpu.dma_semaphore, #tpu.memory_space<semaphore_mem>>) src(%dma_wait3A_1910 : memref<128x128xf32, #tpu.memory_space<vmem_shared>>) dst(%arg11 : memref<128x128xf32, #tpu.memory_space<vmem>>)
      %add3A_1911 = arith.constant 512 : i32
      %add3A_1912 = arith.addi %add3A_1274, %add3A_1911 : i32
      %dma_start3A_1913 = arith.constant 0 : i32
      %dma_start3A_1914 = tpu.memref_slice %arg7[%add3A_1912, %dma_start3A_1913] : memref<160000x128xf32, #tpu.memory_space<hbm>> -> memref<128x128xf32, #tpu.memory_space<hbm>>
      %dma_start3A_1915 = arith.constant 0 : i32
      %dma_start3A_1916 = tpu.memref_slice %arg7[%add3A_1912, %dma_start3A_1915] : memref<160000x128xf32, #tpu.memory_space<hbm>> -> memref<128x128xf32, #tpu.memory_space<hbm>>
      tpu.enqueue_dma source(%arg11 : memref<128x128xf32, #tpu.memory_space<vmem>>) target(%dma_start3A_1916 : memref<128x128xf32, #tpu.memory_space<hbm>>) target_semaphore(%arg14 : memref<!tpu.dma_semaphore, #tpu.memory_space<semaphore_mem>>)
      %dma_wait3A_1917 = arith.constant 0 : i32
      %dma_wait3A_1918 = tpu.memref_slice %arg7[%add3A_1912, %dma_wait3A_1917] : memref<160000x128xf32, #tpu.memory_space<hbm>> -> memref<128x128xf32, #tpu.memory_space<hbm>>
      %dma_wait3A_1919 = arith.constant 0 : i32
      %dma_wait3A_1920 = tpu.memref_slice %arg7[%add3A_1912, %dma_wait3A_1919] : memref<160000x128xf32, #tpu.memory_space<hbm>> -> memref<128x128xf32, #tpu.memory_space<hbm>>
      tpu.wait_dma2 semaphore(%arg14 : memref<!tpu.dma_semaphore, #tpu.memory_space<semaphore_mem>>) src(%arg11 : memref<128x128xf32, #tpu.memory_space<vmem>>) dst(%dma_wait3A_1920 : memref<128x128xf32, #tpu.memory_space<hbm>>)
    } else {
    }
    %mul3A_1322 = arith.constant 656 : i32
    %mul3A_1323 = arith.muli %arg1, %mul3A_1322 : i32
    %add3A_1324 = arith.constant 0 : i32
    %add3A_1325 = arith.addi %mul3A_1323, %add3A_1324 : i32
    %dma_start3A_1326 = arith.constant 0 : i32
    %dma_start3A_1327 = arith.constant 0 : i32
    %dma_start3A_1328 = tpu.memref_slice %arg12[%dma_start3A_1326, %dma_start3A_1327] : memref<128x128xf32, #tpu.memory_space<vmem>> -> memref<128x128xf32, #tpu.memory_space<vmem>>
    %dma_start3A_1329 = arith.constant 0 : i32
    %dma_start3A_1330 = tpu.memref_slice %arg13[%add3A_1325, %dma_start3A_1329] : memref<10496x128xf32, #tpu.memory_space<vmem_shared>> -> memref<128x128xf32, #tpu.memory_space<vmem_shared>>
    %dma_start3A_1331 = arith.constant 0 : i32
    %dma_start3A_1332 = tpu.memref_slice %arg13[%add3A_1325, %dma_start3A_1331] : memref<10496x128xf32, #tpu.memory_space<vmem_shared>> -> memref<128x128xf32, #tpu.memory_space<vmem_shared>>
    %dma_start3A_1333 = arith.constant 0 : i32
    %dma_start3A_1334 = arith.constant 0 : i32
    %dma_start3A_1335 = tpu.memref_slice %arg12[%dma_start3A_1333, %dma_start3A_1334] : memref<128x128xf32, #tpu.memory_space<vmem>> -> memref<128x128xf32, #tpu.memory_space<vmem>>
    tpu.enqueue_dma source(%dma_start3A_1335 : memref<128x128xf32, #tpu.memory_space<vmem>>) target(%dma_start3A_1332 : memref<128x128xf32, #tpu.memory_space<vmem_shared>>) target_semaphore(%arg14 : memref<!tpu.dma_semaphore, #tpu.memory_space<semaphore_mem>>)
    %dma_wait3A_1336 = arith.constant 0 : i32
    %dma_wait3A_1337 = arith.constant 0 : i32
    %dma_wait3A_1338 = tpu.memref_slice %arg12[%dma_wait3A_1336, %dma_wait3A_1337] : memref<128x128xf32, #tpu.memory_space<vmem>> -> memref<128x128xf32, #tpu.memory_space<vmem>>
    %dma_wait3A_1339 = arith.constant 0 : i32
    %dma_wait3A_1340 = tpu.memref_slice %arg13[%add3A_1325, %dma_wait3A_1339] : memref<10496x128xf32, #tpu.memory_space<vmem_shared>> -> memref<128x128xf32, #tpu.memory_space<vmem_shared>>
    %dma_wait3A_1341 = arith.constant 0 : i32
    %dma_wait3A_1342 = tpu.memref_slice %arg13[%add3A_1325, %dma_wait3A_1341] : memref<10496x128xf32, #tpu.memory_space<vmem_shared>> -> memref<128x128xf32, #tpu.memory_space<vmem_shared>>
    %dma_wait3A_1343 = arith.constant 0 : i32
    %dma_wait3A_1344 = arith.constant 0 : i32
    %dma_wait3A_1345 = tpu.memref_slice %arg12[%dma_wait3A_1343, %dma_wait3A_1344] : memref<128x128xf32, #tpu.memory_space<vmem>> -> memref<128x128xf32, #tpu.memory_space<vmem>>
    tpu.wait_dma2 semaphore(%arg14 : memref<!tpu.dma_semaphore, #tpu.memory_space<semaphore_mem>>) src(%dma_wait3A_1345 : memref<128x128xf32, #tpu.memory_space<vmem>>) dst(%dma_wait3A_1342 : memref<128x128xf32, #tpu.memory_space<vmem_shared>>)
    %add3A_1346 = arith.constant 128 : i32
    %add3A_1347 = arith.addi %mul3A_1323, %add3A_1346 : i32
    %dma_start3A_1348 = arith.constant 0 : i32
    %dma_start3A_1349 = arith.constant 0 : i32
    %dma_start3A_1350 = tpu.memref_slice %arg12[%dma_start3A_1348, %dma_start3A_1349] : memref<128x128xf32, #tpu.memory_space<vmem>> -> memref<128x128xf32, #tpu.memory_space<vmem>>
    %dma_start3A_1351 = arith.constant 0 : i32
    %dma_start3A_1352 = tpu.memref_slice %arg13[%add3A_1347, %dma_start3A_1351] : memref<10496x128xf32, #tpu.memory_space<vmem_shared>> -> memref<128x128xf32, #tpu.memory_space<vmem_shared>>
    %dma_start3A_1353 = arith.constant 0 : i32
    %dma_start3A_1354 = tpu.memref_slice %arg13[%add3A_1347, %dma_start3A_1353] : memref<10496x128xf32, #tpu.memory_space<vmem_shared>> -> memref<128x128xf32, #tpu.memory_space<vmem_shared>>
    %dma_start3A_1355 = arith.constant 0 : i32
    %dma_start3A_1356 = arith.constant 0 : i32
    %dma_start3A_1357 = tpu.memref_slice %arg12[%dma_start3A_1355, %dma_start3A_1356] : memref<128x128xf32, #tpu.memory_space<vmem>> -> memref<128x128xf32, #tpu.memory_space<vmem>>
    tpu.enqueue_dma source(%dma_start3A_1357 : memref<128x128xf32, #tpu.memory_space<vmem>>) target(%dma_start3A_1354 : memref<128x128xf32, #tpu.memory_space<vmem_shared>>) target_semaphore(%arg14 : memref<!tpu.dma_semaphore, #tpu.memory_space<semaphore_mem>>)
    %dma_wait3A_1358 = arith.constant 0 : i32
    %dma_wait3A_1359 = arith.constant 0 : i32
    %dma_wait3A_1360 = tpu.memref_slice %arg12[%dma_wait3A_1358, %dma_wait3A_1359] : memref<128x128xf32, #tpu.memory_space<vmem>> -> memref<128x128xf32, #tpu.memory_space<vmem>>
    %dma_wait3A_1361 = arith.constant 0 : i32
    %dma_wait3A_1362 = tpu.memref_slice %arg13[%add3A_1347, %dma_wait3A_1361] : memref<10496x128xf32, #tpu.memory_space<vmem_shared>> -> memref<128x128xf32, #tpu.memory_space<vmem_shared>>
    %dma_wait3A_1363 = arith.constant 0 : i32
    %dma_wait3A_1364 = tpu.memref_slice %arg13[%add3A_1347, %dma_wait3A_1363] : memref<10496x128xf32, #tpu.memory_space<vmem_shared>> -> memref<128x128xf32, #tpu.memory_space<vmem_shared>>
    %dma_wait3A_1365 = arith.constant 0 : i32
    %dma_wait3A_1366 = arith.constant 0 : i32
    %dma_wait3A_1367 = tpu.memref_slice %arg12[%dma_wait3A_1365, %dma_wait3A_1366] : memref<128x128xf32, #tpu.memory_space<vmem>> -> memref<128x128xf32, #tpu.memory_space<vmem>>
    tpu.wait_dma2 semaphore(%arg14 : memref<!tpu.dma_semaphore, #tpu.memory_space<semaphore_mem>>) src(%dma_wait3A_1367 : memref<128x128xf32, #tpu.memory_space<vmem>>) dst(%dma_wait3A_1364 : memref<128x128xf32, #tpu.memory_space<vmem_shared>>)
    %add3A_1368 = arith.constant 256 : i32
    %add3A_1369 = arith.addi %mul3A_1323, %add3A_1368 : i32
    %dma_start3A_1370 = arith.constant 0 : i32
    %dma_start3A_1371 = arith.constant 0 : i32
    %dma_start3A_1372 = tpu.memref_slice %arg12[%dma_start3A_1370, %dma_start3A_1371] : memref<128x128xf32, #tpu.memory_space<vmem>> -> memref<128x128xf32, #tpu.memory_space<vmem>>
    %dma_start3A_1373 = arith.constant 0 : i32
    %dma_start3A_1374 = tpu.memref_slice %arg13[%add3A_1369, %dma_start3A_1373] : memref<10496x128xf32, #tpu.memory_space<vmem_shared>> -> memref<128x128xf32, #tpu.memory_space<vmem_shared>>
    %dma_start3A_1375 = arith.constant 0 : i32
    %dma_start3A_1376 = tpu.memref_slice %arg13[%add3A_1369, %dma_start3A_1375] : memref<10496x128xf32, #tpu.memory_space<vmem_shared>> -> memref<128x128xf32, #tpu.memory_space<vmem_shared>>
    %dma_start3A_1377 = arith.constant 0 : i32
    %dma_start3A_1378 = arith.constant 0 : i32
    %dma_start3A_1379 = tpu.memref_slice %arg12[%dma_start3A_1377, %dma_start3A_1378] : memref<128x128xf32, #tpu.memory_space<vmem>> -> memref<128x128xf32, #tpu.memory_space<vmem>>
    tpu.enqueue_dma source(%dma_start3A_1379 : memref<128x128xf32, #tpu.memory_space<vmem>>) target(%dma_start3A_1376 : memref<128x128xf32, #tpu.memory_space<vmem_shared>>) target_semaphore(%arg14 : memref<!tpu.dma_semaphore, #tpu.memory_space<semaphore_mem>>)
    %dma_wait3A_1380 = arith.constant 0 : i32
    %dma_wait3A_1381 = arith.constant 0 : i32
    %dma_wait3A_1382 = tpu.memref_slice %arg12[%dma_wait3A_1380, %dma_wait3A_1381] : memref<128x128xf32, #tpu.memory_space<vmem>> -> memref<128x128xf32, #tpu.memory_space<vmem>>
    %dma_wait3A_1383 = arith.constant 0 : i32
    %dma_wait3A_1384 = tpu.memref_slice %arg13[%add3A_1369, %dma_wait3A_1383] : memref<10496x128xf32, #tpu.memory_space<vmem_shared>> -> memref<128x128xf32, #tpu.memory_space<vmem_shared>>
    %dma_wait3A_1385 = arith.constant 0 : i32
    %dma_wait3A_1386 = tpu.memref_slice %arg13[%add3A_1369, %dma_wait3A_1385] : memref<10496x128xf32, #tpu.memory_space<vmem_shared>> -> memref<128x128xf32, #tpu.memory_space<vmem_shared>>
    %dma_wait3A_1387 = arith.constant 0 : i32
    %dma_wait3A_1388 = arith.constant 0 : i32
    %dma_wait3A_1389 = tpu.memref_slice %arg12[%dma_wait3A_1387, %dma_wait3A_1388] : memref<128x128xf32, #tpu.memory_space<vmem>> -> memref<128x128xf32, #tpu.memory_space<vmem>>
    tpu.wait_dma2 semaphore(%arg14 : memref<!tpu.dma_semaphore, #tpu.memory_space<semaphore_mem>>) src(%dma_wait3A_1389 : memref<128x128xf32, #tpu.memory_space<vmem>>) dst(%dma_wait3A_1386 : memref<128x128xf32, #tpu.memory_space<vmem_shared>>)
    %add3A_1390 = arith.constant 384 : i32
    %add3A_1391 = arith.addi %mul3A_1323, %add3A_1390 : i32
    %dma_start3A_1392 = arith.constant 0 : i32
    %dma_start3A_1393 = arith.constant 0 : i32
    %dma_start3A_1394 = tpu.memref_slice %arg12[%dma_start3A_1392, %dma_start3A_1393] : memref<128x128xf32, #tpu.memory_space<vmem>> -> memref<128x128xf32, #tpu.memory_space<vmem>>
    %dma_start3A_1395 = arith.constant 0 : i32
    %dma_start3A_1396 = tpu.memref_slice %arg13[%add3A_1391, %dma_start3A_1395] : memref<10496x128xf32, #tpu.memory_space<vmem_shared>> -> memref<128x128xf32, #tpu.memory_space<vmem_shared>>
    %dma_start3A_1397 = arith.constant 0 : i32
    %dma_start3A_1398 = tpu.memref_slice %arg13[%add3A_1391, %dma_start3A_1397] : memref<10496x128xf32, #tpu.memory_space<vmem_shared>> -> memref<128x128xf32, #tpu.memory_space<vmem_shared>>
    %dma_start3A_1399 = arith.constant 0 : i32
    %dma_start3A_1400 = arith.constant 0 : i32
    %dma_start3A_1401 = tpu.memref_slice %arg12[%dma_start3A_1399, %dma_start3A_1400] : memref<128x128xf32, #tpu.memory_space<vmem>> -> memref<128x128xf32, #tpu.memory_space<vmem>>
    tpu.enqueue_dma source(%dma_start3A_1401 : memref<128x128xf32, #tpu.memory_space<vmem>>) target(%dma_start3A_1398 : memref<128x128xf32, #tpu.memory_space<vmem_shared>>) target_semaphore(%arg14 : memref<!tpu.dma_semaphore, #tpu.memory_space<semaphore_mem>>)
    %dma_wait3A_1402 = arith.constant 0 : i32
    %dma_wait3A_1403 = arith.constant 0 : i32
    %dma_wait3A_1404 = tpu.memref_slice %arg12[%dma_wait3A_1402, %dma_wait3A_1403] : memref<128x128xf32, #tpu.memory_space<vmem>> -> memref<128x128xf32, #tpu.memory_space<vmem>>
    %dma_wait3A_1405 = arith.constant 0 : i32
    %dma_wait3A_1406 = tpu.memref_slice %arg13[%add3A_1391, %dma_wait3A_1405] : memref<10496x128xf32, #tpu.memory_space<vmem_shared>> -> memref<128x128xf32, #tpu.memory_space<vmem_shared>>
    %dma_wait3A_1407 = arith.constant 0 : i32
    %dma_wait3A_1408 = tpu.memref_slice %arg13[%add3A_1391, %dma_wait3A_1407] : memref<10496x128xf32, #tpu.memory_space<vmem_shared>> -> memref<128x128xf32, #tpu.memory_space<vmem_shared>>
    %dma_wait3A_1409 = arith.constant 0 : i32
    %dma_wait3A_1410 = arith.constant 0 : i32
    %dma_wait3A_1411 = tpu.memref_slice %arg12[%dma_wait3A_1409, %dma_wait3A_1410] : memref<128x128xf32, #tpu.memory_space<vmem>> -> memref<128x128xf32, #tpu.memory_space<vmem>>
    tpu.wait_dma2 semaphore(%arg14 : memref<!tpu.dma_semaphore, #tpu.memory_space<semaphore_mem>>) src(%dma_wait3A_1411 : memref<128x128xf32, #tpu.memory_space<vmem>>) dst(%dma_wait3A_1408 : memref<128x128xf32, #tpu.memory_space<vmem_shared>>)
    %add3A_1412 = arith.constant 512 : i32
    %add3A_1413 = arith.addi %mul3A_1323, %add3A_1412 : i32
    %dma_start3A_1414 = arith.constant 0 : i32
    %dma_start3A_1415 = arith.constant 0 : i32
    %dma_start3A_1416 = tpu.memref_slice %arg12[%dma_start3A_1414, %dma_start3A_1415] : memref<128x128xf32, #tpu.memory_space<vmem>> -> memref<128x128xf32, #tpu.memory_space<vmem>>
    %dma_start3A_1417 = arith.constant 0 : i32
    %dma_start3A_1418 = tpu.memref_slice %arg13[%add3A_1413, %dma_start3A_1417] : memref<10496x128xf32, #tpu.memory_space<vmem_shared>> -> memref<128x128xf32, #tpu.memory_space<vmem_shared>>
    %dma_start3A_1419 = arith.constant 0 : i32
    %dma_start3A_1420 = tpu.memref_slice %arg13[%add3A_1413, %dma_start3A_1419] : memref<10496x128xf32, #tpu.memory_space<vmem_shared>> -> memref<128x128xf32, #tpu.memory_space<vmem_shared>>
    %dma_start3A_1421 = arith.constant 0 : i32
    %dma_start3A_1422 = arith.constant 0 : i32
    %dma_start3A_1423 = tpu.memref_slice %arg12[%dma_start3A_1421, %dma_start3A_1422] : memref<128x128xf32, #tpu.memory_space<vmem>> -> memref<128x128xf32, #tpu.memory_space<vmem>>
    tpu.enqueue_dma source(%dma_start3A_1423 : memref<128x128xf32, #tpu.memory_space<vmem>>) target(%dma_start3A_1420 : memref<128x128xf32, #tpu.memory_space<vmem_shared>>) target_semaphore(%arg14 : memref<!tpu.dma_semaphore, #tpu.memory_space<semaphore_mem>>)
    %dma_wait3A_1424 = arith.constant 0 : i32
    %dma_wait3A_1425 = arith.constant 0 : i32
    %dma_wait3A_1426 = tpu.memref_slice %arg12[%dma_wait3A_1424, %dma_wait3A_1425] : memref<128x128xf32, #tpu.memory_space<vmem>> -> memref<128x128xf32, #tpu.memory_space<vmem>>
    %dma_wait3A_1427 = arith.constant 0 : i32
    %dma_wait3A_1428 = tpu.memref_slice %arg13[%add3A_1413, %dma_wait3A_1427] : memref<10496x128xf32, #tpu.memory_space<vmem_shared>> -> memref<128x128xf32, #tpu.memory_space<vmem_shared>>
    %dma_wait3A_1429 = arith.constant 0 : i32
    %dma_wait3A_1430 = tpu.memref_slice %arg13[%add3A_1413, %dma_wait3A_1429] : memref<10496x128xf32, #tpu.memory_space<vmem_shared>> -> memref<128x128xf32, #tpu.memory_space<vmem_shared>>
    %dma_wait3A_1431 = arith.constant 0 : i32
    %dma_wait3A_1432 = arith.constant 0 : i32
    %dma_wait3A_1433 = tpu.memref_slice %arg12[%dma_wait3A_1431, %dma_wait3A_1432] : memref<128x128xf32, #tpu.memory_space<vmem>> -> memref<128x128xf32, #tpu.memory_space<vmem>>
    tpu.wait_dma2 semaphore(%arg14 : memref<!tpu.dma_semaphore, #tpu.memory_space<semaphore_mem>>) src(%dma_wait3A_1433 : memref<128x128xf32, #tpu.memory_space<vmem>>) dst(%dma_wait3A_1430 : memref<128x128xf32, #tpu.memory_space<vmem_shared>>)
    %add3A_1434 = arith.constant 640 : i32
    %add3A_1435 = arith.addi %mul3A_1323, %add3A_1434 : i32
    %dma_start3A_1436 = arith.constant 0 : i32
    %dma_start3A_1437 = arith.constant 0 : i32
    %dma_start3A_1438 = tpu.memref_slice %arg12[%dma_start3A_1436, %dma_start3A_1437] : memref<128x128xf32, #tpu.memory_space<vmem>> -> memref<16x128xf32, #tpu.memory_space<vmem>>
    %dma_start3A_1439 = arith.constant 0 : i32
    %dma_start3A_1440 = tpu.memref_slice %arg13[%add3A_1435, %dma_start3A_1439] : memref<10496x128xf32, #tpu.memory_space<vmem_shared>> -> memref<16x128xf32, #tpu.memory_space<vmem_shared>>
    %dma_start3A_1441 = arith.constant 0 : i32
    %dma_start3A_1442 = tpu.memref_slice %arg13[%add3A_1435, %dma_start3A_1441] : memref<10496x128xf32, #tpu.memory_space<vmem_shared>> -> memref<16x128xf32, #tpu.memory_space<vmem_shared>>
    %dma_start3A_1443 = arith.constant 0 : i32
    %dma_start3A_1444 = arith.constant 0 : i32
    %dma_start3A_1445 = tpu.memref_slice %arg12[%dma_start3A_1443, %dma_start3A_1444] : memref<128x128xf32, #tpu.memory_space<vmem>> -> memref<16x128xf32, #tpu.memory_space<vmem>>
    tpu.enqueue_dma source(%dma_start3A_1445 : memref<16x128xf32, #tpu.memory_space<vmem>>) target(%dma_start3A_1442 : memref<16x128xf32, #tpu.memory_space<vmem_shared>>) target_semaphore(%arg14 : memref<!tpu.dma_semaphore, #tpu.memory_space<semaphore_mem>>)
    %dma_wait3A_1446 = arith.constant 0 : i32
    %dma_wait3A_1447 = arith.constant 0 : i32
    %dma_wait3A_1448 = tpu.memref_slice %arg12[%dma_wait3A_1446, %dma_wait3A_1447] : memref<128x128xf32, #tpu.memory_space<vmem>> -> memref<16x128xf32, #tpu.memory_space<vmem>>
    %dma_wait3A_1449 = arith.constant 0 : i32
    %dma_wait3A_1450 = tpu.memref_slice %arg13[%add3A_1435, %dma_wait3A_1449] : memref<10496x128xf32, #tpu.memory_space<vmem_shared>> -> memref<16x128xf32, #tpu.memory_space<vmem_shared>>
    %dma_wait3A_1451 = arith.constant 0 : i32
    %dma_wait3A_1452 = tpu.memref_slice %arg13[%add3A_1435, %dma_wait3A_1451] : memref<10496x128xf32, #tpu.memory_space<vmem_shared>> -> memref<16x128xf32, #tpu.memory_space<vmem_shared>>
    %dma_wait3A_1453 = arith.constant 0 : i32
    %dma_wait3A_1454 = arith.constant 0 : i32
    %dma_wait3A_1455 = tpu.memref_slice %arg12[%dma_wait3A_1453, %dma_wait3A_1454] : memref<128x128xf32, #tpu.memory_space<vmem>> -> memref<16x128xf32, #tpu.memory_space<vmem>>
    tpu.wait_dma2 semaphore(%arg14 : memref<!tpu.dma_semaphore, #tpu.memory_space<semaphore_mem>>) src(%dma_wait3A_1455 : memref<16x128xf32, #tpu.memory_space<vmem>>) dst(%dma_wait3A_1452 : memref<16x128xf32, #tpu.memory_space<vmem_shared>>)
    %barrier3A_1456 = arith.constant 0 : index
    tpu.barrier barrier_id(%barrier3A_1456)
    %add3A_1457 = arith.constant 12 : i32
    %add3A_1458 = arith.addi %add3A_1457, %arg0 : i32
    %eq3A_1459 = arith.constant 0 : i32
    %eq3A_1460 = arith.cmpi eq, %arg0, %eq3A_1459 : i32
    %slice3A_1461 = vector.extract_strided_slice %get3A_131 {offsets = [12], sizes = [1], strides = [1]} : vector<16xi32> to vector<1xi32>
    %squeeze3A_1462 = vector.extract %slice3A_1461[0] : i32 from vector<1xi32>
    %slice3A_1463 = vector.extract_strided_slice %get3A_131 {offsets = [13], sizes = [1], strides = [1]} : vector<16xi32> to vector<1xi32>
    %squeeze3A_1464 = vector.extract %slice3A_1463[0] : i32 from vector<1xi32>
    %select_n3A_1465 = arith.select %eq3A_1460, %squeeze3A_1462, %squeeze3A_1464 : i32
    %eq3A_1466 = arith.constant 0 : i32
    %eq3A_1467 = arith.cmpi eq, %arg0, %eq3A_1466 : i32
    %slice3A_1468 = vector.extract_strided_slice %get3A_131 {offsets = [13], sizes = [1], strides = [1]} : vector<16xi32> to vector<1xi32>
    %squeeze3A_1469 = vector.extract %slice3A_1468[0] : i32 from vector<1xi32>
    %slice3A_1470 = vector.extract_strided_slice %get3A_131 {offsets = [14], sizes = [1], strides = [1]} : vector<16xi32> to vector<1xi32>
    %squeeze3A_1471 = vector.extract %slice3A_1470[0] : i32 from vector<1xi32>
    %select_n3A_1472 = arith.select %eq3A_1467, %squeeze3A_1469, %squeeze3A_1471 : i32
    %add3A_1473 = arith.addi %select_n3A_1465, %arg1 : i32
    %sub3A_1474 = arith.subi %select_n3A_1472, %add3A_1473 : i32
    %sub3A_1475 = arith.constant 16 : i32
    %sub3A_1476 = arith.constant 1 : i32
    %sub3A_1477 = arith.subi %sub3A_1475, %sub3A_1476 : i32
    %add3A_1478 = arith.addi %sub3A_1474, %sub3A_1477 : i32
    %div3A_1479 = arith.constant 16 : i32
    %div3A_1480 = arith.divsi %add3A_1478, %div3A_1479 : i32
    %while3A_1481 = arith.constant 16 : i32
    %while3A_1482 = arith.constant 0 : i32
    %while3A_1483 = arith.subi %div3A_1480, %while3A_1482 : i32
    %while3A_1484 = arith.addi %while3A_1482, %while3A_1483 : i32
    %while3A_1485 = arith.constant 1 : i32
    %while3A_1486 = arith.divsi %while3A_1483, %while3A_1485 : i32
    %while3A_1487 = arith.muli %while3A_1486, %while3A_1485 : i32
    %while3A_1488 = arith.addi %while3A_1482, %while3A_1487 : i32
    %while3A_1489 = arith.constant 1 : i32
    scf.for %while3A_1901 = %while3A_1482 to %while3A_1488 step %while3A_1489  : i32 {
      %mul3A_1902 = arith.muli %while3A_1901, %while3A_1481 : i32
      %add3A_1903 = arith.addi %add3A_1473, %mul3A_1902 : i32
      %mul3A_1904 = arith.constant 128 : i32
      %mul3A_1905 = arith.muli %add3A_1903, %mul3A_1904 : i32
      %dma_start3A_1906 = tpu.memref_slice %arg3[%mul3A_1905] : memref<642048xi32, #tpu.memory_space<hbm>> -> memref<128xi32, #tpu.memory_space<hbm>>
      %dma_start3A_1907 = tpu.memref_slice %arg3[%mul3A_1905] : memref<642048xi32, #tpu.memory_space<hbm>> -> memref<128xi32, #tpu.memory_space<hbm>>
      tpu.enqueue_dma source(%dma_start3A_1907 : memref<128xi32, #tpu.memory_space<hbm>>) target(%arg9 : memref<128xi32, #tpu.memory_space<vmem>>) target_semaphore(%arg14 : memref<!tpu.dma_semaphore, #tpu.memory_space<semaphore_mem>>)
      %mul3A_1908 = arith.constant 128 : i32
      %mul3A_1909 = arith.muli %add3A_1903, %mul3A_1908 : i32
      %dma_start3A_1910 = tpu.memref_slice %arg4[%mul3A_1909] : memref<642048xi32, #tpu.memory_space<hbm>> -> memref<128xi32, #tpu.memory_space<hbm>>
      %dma_start3A_1911 = tpu.memref_slice %arg4[%mul3A_1909] : memref<642048xi32, #tpu.memory_space<hbm>> -> memref<128xi32, #tpu.memory_space<hbm>>
      tpu.enqueue_dma source(%dma_start3A_1911 : memref<128xi32, #tpu.memory_space<hbm>>) target(%arg10 : memref<128xi32, #tpu.memory_space<vmem>>) target_semaphore(%arg15 : memref<!tpu.dma_semaphore, #tpu.memory_space<semaphore_mem>>)
      %dma_wait3A_1912 = tpu.memref_slice %arg3[%mul3A_1905] : memref<642048xi32, #tpu.memory_space<hbm>> -> memref<128xi32, #tpu.memory_space<hbm>>
      %dma_wait3A_1913 = tpu.memref_slice %arg3[%mul3A_1905] : memref<642048xi32, #tpu.memory_space<hbm>> -> memref<128xi32, #tpu.memory_space<hbm>>
      tpu.wait_dma2 semaphore(%arg14 : memref<!tpu.dma_semaphore, #tpu.memory_space<semaphore_mem>>) src(%dma_wait3A_1913 : memref<128xi32, #tpu.memory_space<hbm>>) dst(%arg9 : memref<128xi32, #tpu.memory_space<vmem>>)
      %dma_wait3A_1914 = tpu.memref_slice %arg4[%mul3A_1909] : memref<642048xi32, #tpu.memory_space<hbm>> -> memref<128xi32, #tpu.memory_space<hbm>>
      %dma_wait3A_1915 = tpu.memref_slice %arg4[%mul3A_1909] : memref<642048xi32, #tpu.memory_space<hbm>> -> memref<128xi32, #tpu.memory_space<hbm>>
      tpu.wait_dma2 semaphore(%arg15 : memref<!tpu.dma_semaphore, #tpu.memory_space<semaphore_mem>>) src(%dma_wait3A_1915 : memref<128xi32, #tpu.memory_space<hbm>>) dst(%arg10 : memref<128xi32, #tpu.memory_space<vmem>>)
      %dma_start3A_1916 = arith.constant 0 : i32
      %dma_start3A_1917 = arith.constant 0 : i32
      %dma_start3A_1918 = tpu.memref_slice %arg2[%dma_start3A_1916, %dma_start3A_1917] : memref<160000x128xf32, #tpu.memory_space<hbm>> -> memref<160000x128xf32, #tpu.memory_space<hbm>>
      tpu.enqueue_indirect_dma source(%dma_start3A_1918 : memref<160000x128xf32, #tpu.memory_space<hbm>>) target(%arg11 : memref<128x128xf32, #tpu.memory_space<vmem>>) offsets(%arg9 : memref<128xi32, #tpu.memory_space<vmem>>) semaphore(%arg14 : memref<!tpu.dma_semaphore, #tpu.memory_space<semaphore_mem>>)
      %dma_wait3A_1919 = arith.constant 0 : i32
      %dma_wait3A_1920 = arith.constant 0 : i32
      %dma_wait3A_1921 = tpu.memref_slice %arg2[%dma_wait3A_1919, %dma_wait3A_1920] : memref<160000x128xf32, #tpu.memory_space<hbm>> -> memref<160000x128xf32, #tpu.memory_space<hbm>>
      tpu.wait_indirect_dma semaphore(%arg14 : memref<!tpu.dma_semaphore, #tpu.memory_space<semaphore_mem>>) src(%dma_wait3A_1921 : memref<160000x128xf32, #tpu.memory_space<hbm>>) dst(%arg11 : memref<128x128xf32, #tpu.memory_space<vmem>>)
      %dma_start3A_1922 = arith.constant 0 : i32
      %dma_start3A_1923 = arith.constant 0 : i32
      %dma_start3A_1924 = tpu.memref_slice %arg13[%dma_start3A_1922, %dma_start3A_1923] : memref<10496x128xf32, #tpu.memory_space<vmem_shared>> -> memref<10496x128xf32, #tpu.memory_space<vmem_shared>>
      tpu.enqueue_indirect_dma source(%arg11 : memref<128x128xf32, #tpu.memory_space<vmem>>) target(%dma_start3A_1924 : memref<10496x128xf32, #tpu.memory_space<vmem_shared>>) offsets(%arg10 : memref<128xi32, #tpu.memory_space<vmem>>) semaphore(%arg15 : memref<!tpu.dma_semaphore, #tpu.memory_space<semaphore_mem>>) {add = true}
      %dma_wait3A_1925 = arith.constant 0 : i32
      %dma_wait3A_1926 = arith.constant 0 : i32
      %dma_wait3A_1927 = tpu.memref_slice %arg13[%dma_wait3A_1925, %dma_wait3A_1926] : memref<10496x128xf32, #tpu.memory_space<vmem_shared>> -> memref<10496x128xf32, #tpu.memory_space<vmem_shared>>
      tpu.wait_indirect_dma semaphore(%arg15 : memref<!tpu.dma_semaphore, #tpu.memory_space<semaphore_mem>>) src(%arg11 : memref<128x128xf32, #tpu.memory_space<vmem>>) dst(%dma_wait3A_1927 : memref<10496x128xf32, #tpu.memory_space<vmem_shared>>)
    }
    %while3A_1490 = arith.constant 1 : i32
    scf.for %while3A_1901 = %while3A_1488 to %while3A_1484 step %while3A_1490  : i32 {
      %mul3A_1902 = arith.muli %while3A_1901, %while3A_1481 : i32
      %add3A_1903 = arith.addi %add3A_1473, %mul3A_1902 : i32
      %mul3A_1904 = arith.constant 128 : i32
      %mul3A_1905 = arith.muli %add3A_1903, %mul3A_1904 : i32
      %dma_start3A_1906 = tpu.memref_slice %arg3[%mul3A_1905] : memref<642048xi32, #tpu.memory_space<hbm>> -> memref<128xi32, #tpu.memory_space<hbm>>
      %dma_start3A_1907 = tpu.memref_slice %arg3[%mul3A_1905] : memref<642048xi32, #tpu.memory_space<hbm>> -> memref<128xi32, #tpu.memory_space<hbm>>
      tpu.enqueue_dma source(%dma_start3A_1907 : memref<128xi32, #tpu.memory_space<hbm>>) target(%arg9 : memref<128xi32, #tpu.memory_space<vmem>>) target_semaphore(%arg14 : memref<!tpu.dma_semaphore, #tpu.memory_space<semaphore_mem>>)
      %mul3A_1908 = arith.constant 128 : i32
      %mul3A_1909 = arith.muli %add3A_1903, %mul3A_1908 : i32
      %dma_start3A_1910 = tpu.memref_slice %arg4[%mul3A_1909] : memref<642048xi32, #tpu.memory_space<hbm>> -> memref<128xi32, #tpu.memory_space<hbm>>
      %dma_start3A_1911 = tpu.memref_slice %arg4[%mul3A_1909] : memref<642048xi32, #tpu.memory_space<hbm>> -> memref<128xi32, #tpu.memory_space<hbm>>
      tpu.enqueue_dma source(%dma_start3A_1911 : memref<128xi32, #tpu.memory_space<hbm>>) target(%arg10 : memref<128xi32, #tpu.memory_space<vmem>>) target_semaphore(%arg15 : memref<!tpu.dma_semaphore, #tpu.memory_space<semaphore_mem>>)
      %dma_wait3A_1912 = tpu.memref_slice %arg3[%mul3A_1905] : memref<642048xi32, #tpu.memory_space<hbm>> -> memref<128xi32, #tpu.memory_space<hbm>>
      %dma_wait3A_1913 = tpu.memref_slice %arg3[%mul3A_1905] : memref<642048xi32, #tpu.memory_space<hbm>> -> memref<128xi32, #tpu.memory_space<hbm>>
      tpu.wait_dma2 semaphore(%arg14 : memref<!tpu.dma_semaphore, #tpu.memory_space<semaphore_mem>>) src(%dma_wait3A_1913 : memref<128xi32, #tpu.memory_space<hbm>>) dst(%arg9 : memref<128xi32, #tpu.memory_space<vmem>>)
      %dma_wait3A_1914 = tpu.memref_slice %arg4[%mul3A_1909] : memref<642048xi32, #tpu.memory_space<hbm>> -> memref<128xi32, #tpu.memory_space<hbm>>
      %dma_wait3A_1915 = tpu.memref_slice %arg4[%mul3A_1909] : memref<642048xi32, #tpu.memory_space<hbm>> -> memref<128xi32, #tpu.memory_space<hbm>>
      tpu.wait_dma2 semaphore(%arg15 : memref<!tpu.dma_semaphore, #tpu.memory_space<semaphore_mem>>) src(%dma_wait3A_1915 : memref<128xi32, #tpu.memory_space<hbm>>) dst(%arg10 : memref<128xi32, #tpu.memory_space<vmem>>)
      %dma_start3A_1916 = arith.constant 0 : i32
      %dma_start3A_1917 = arith.constant 0 : i32
      %dma_start3A_1918 = tpu.memref_slice %arg2[%dma_start3A_1916, %dma_start3A_1917] : memref<160000x128xf32, #tpu.memory_space<hbm>> -> memref<160000x128xf32, #tpu.memory_space<hbm>>
      tpu.enqueue_indirect_dma source(%dma_start3A_1918 : memref<160000x128xf32, #tpu.memory_space<hbm>>) target(%arg11 : memref<128x128xf32, #tpu.memory_space<vmem>>) offsets(%arg9 : memref<128xi32, #tpu.memory_space<vmem>>) semaphore(%arg14 : memref<!tpu.dma_semaphore, #tpu.memory_space<semaphore_mem>>)
      %dma_wait3A_1919 = arith.constant 0 : i32
      %dma_wait3A_1920 = arith.constant 0 : i32
      %dma_wait3A_1921 = tpu.memref_slice %arg2[%dma_wait3A_1919, %dma_wait3A_1920] : memref<160000x128xf32, #tpu.memory_space<hbm>> -> memref<160000x128xf32, #tpu.memory_space<hbm>>
      tpu.wait_indirect_dma semaphore(%arg14 : memref<!tpu.dma_semaphore, #tpu.memory_space<semaphore_mem>>) src(%dma_wait3A_1921 : memref<160000x128xf32, #tpu.memory_space<hbm>>) dst(%arg11 : memref<128x128xf32, #tpu.memory_space<vmem>>)
      %dma_start3A_1922 = arith.constant 0 : i32
      %dma_start3A_1923 = arith.constant 0 : i32
      %dma_start3A_1924 = tpu.memref_slice %arg13[%dma_start3A_1922, %dma_start3A_1923] : memref<10496x128xf32, #tpu.memory_space<vmem_shared>> -> memref<10496x128xf32, #tpu.memory_space<vmem_shared>>
      tpu.enqueue_indirect_dma source(%arg11 : memref<128x128xf32, #tpu.memory_space<vmem>>) target(%dma_start3A_1924 : memref<10496x128xf32, #tpu.memory_space<vmem_shared>>) offsets(%arg10 : memref<128xi32, #tpu.memory_space<vmem>>) semaphore(%arg15 : memref<!tpu.dma_semaphore, #tpu.memory_space<semaphore_mem>>) {add = true}
      %dma_wait3A_1925 = arith.constant 0 : i32
      %dma_wait3A_1926 = arith.constant 0 : i32
      %dma_wait3A_1927 = tpu.memref_slice %arg13[%dma_wait3A_1925, %dma_wait3A_1926] : memref<10496x128xf32, #tpu.memory_space<vmem_shared>> -> memref<10496x128xf32, #tpu.memory_space<vmem_shared>>
      tpu.wait_indirect_dma semaphore(%arg15 : memref<!tpu.dma_semaphore, #tpu.memory_space<semaphore_mem>>) src(%arg11 : memref<128x128xf32, #tpu.memory_space<vmem>>) dst(%dma_wait3A_1927 : memref<10496x128xf32, #tpu.memory_space<vmem_shared>>)
    }
    %barrier3A_1491 = arith.constant 0 : index
    tpu.barrier barrier_id(%barrier3A_1491)
    %mul3A_1492 = arith.constant 10240 : i32
    %mul3A_1493 = arith.muli %add3A_1458, %mul3A_1492 : i32
    %mul3A_1494 = arith.constant 640 : i32
    %mul3A_1495 = arith.muli %arg1, %mul3A_1494 : i32
    %add3A_1496 = arith.addi %mul3A_1493, %mul3A_1495 : i32
    %mul3A_1497 = arith.constant 640 : i32
    %mul3A_1498 = arith.muli %arg1, %mul3A_1497 : i32
    %add3A_1499 = arith.constant 0 : i32
    %add3A_1500 = arith.addi %add3A_1496, %add3A_1499 : i32
    %add3A_1501 = arith.constant 128 : i32
    %add3A_1502 = arith.addi %add3A_1500, %add3A_1501 : i32
    %le3A_1503 = arith.constant 160000 : i32
    %le3A_1504 = arith.cmpi sle, %add3A_1502, %le3A_1503 : i32
    %convert_element_type3A_1505 = arith.extui %le3A_1504 : i1 to i32
    %cond3A_1506 = arith.constant 0 : i32
    %cond3A_1507 = arith.cmpi ne, %convert_element_type3A_1505, %cond3A_1506 : i32
    scf.if %cond3A_1507 {
      %add3A_1901 = arith.constant 0 : i32
      %add3A_1902 = arith.addi %mul3A_1498, %add3A_1901 : i32
      %dma_start3A_1903 = arith.constant 0 : i32
      %dma_start3A_1904 = tpu.memref_slice %arg13[%add3A_1902, %dma_start3A_1903] : memref<10496x128xf32, #tpu.memory_space<vmem_shared>> -> memref<128x128xf32, #tpu.memory_space<vmem_shared>>
      %dma_start3A_1905 = arith.constant 0 : i32
      %dma_start3A_1906 = tpu.memref_slice %arg13[%add3A_1902, %dma_start3A_1905] : memref<10496x128xf32, #tpu.memory_space<vmem_shared>> -> memref<128x128xf32, #tpu.memory_space<vmem_shared>>
      tpu.enqueue_dma source(%dma_start3A_1906 : memref<128x128xf32, #tpu.memory_space<vmem_shared>>) target(%arg11 : memref<128x128xf32, #tpu.memory_space<vmem>>) target_semaphore(%arg14 : memref<!tpu.dma_semaphore, #tpu.memory_space<semaphore_mem>>)
      %dma_wait3A_1907 = arith.constant 0 : i32
      %dma_wait3A_1908 = tpu.memref_slice %arg13[%add3A_1902, %dma_wait3A_1907] : memref<10496x128xf32, #tpu.memory_space<vmem_shared>> -> memref<128x128xf32, #tpu.memory_space<vmem_shared>>
      %dma_wait3A_1909 = arith.constant 0 : i32
      %dma_wait3A_1910 = tpu.memref_slice %arg13[%add3A_1902, %dma_wait3A_1909] : memref<10496x128xf32, #tpu.memory_space<vmem_shared>> -> memref<128x128xf32, #tpu.memory_space<vmem_shared>>
      tpu.wait_dma2 semaphore(%arg14 : memref<!tpu.dma_semaphore, #tpu.memory_space<semaphore_mem>>) src(%dma_wait3A_1910 : memref<128x128xf32, #tpu.memory_space<vmem_shared>>) dst(%arg11 : memref<128x128xf32, #tpu.memory_space<vmem>>)
      %add3A_1911 = arith.constant 0 : i32
      %add3A_1912 = arith.addi %add3A_1496, %add3A_1911 : i32
      %dma_start3A_1913 = arith.constant 0 : i32
      %dma_start3A_1914 = tpu.memref_slice %arg7[%add3A_1912, %dma_start3A_1913] : memref<160000x128xf32, #tpu.memory_space<hbm>> -> memref<128x128xf32, #tpu.memory_space<hbm>>
      %dma_start3A_1915 = arith.constant 0 : i32
      %dma_start3A_1916 = tpu.memref_slice %arg7[%add3A_1912, %dma_start3A_1915] : memref<160000x128xf32, #tpu.memory_space<hbm>> -> memref<128x128xf32, #tpu.memory_space<hbm>>
      tpu.enqueue_dma source(%arg11 : memref<128x128xf32, #tpu.memory_space<vmem>>) target(%dma_start3A_1916 : memref<128x128xf32, #tpu.memory_space<hbm>>) target_semaphore(%arg14 : memref<!tpu.dma_semaphore, #tpu.memory_space<semaphore_mem>>)
      %dma_wait3A_1917 = arith.constant 0 : i32
      %dma_wait3A_1918 = tpu.memref_slice %arg7[%add3A_1912, %dma_wait3A_1917] : memref<160000x128xf32, #tpu.memory_space<hbm>> -> memref<128x128xf32, #tpu.memory_space<hbm>>
      %dma_wait3A_1919 = arith.constant 0 : i32
      %dma_wait3A_1920 = tpu.memref_slice %arg7[%add3A_1912, %dma_wait3A_1919] : memref<160000x128xf32, #tpu.memory_space<hbm>> -> memref<128x128xf32, #tpu.memory_space<hbm>>
      tpu.wait_dma2 semaphore(%arg14 : memref<!tpu.dma_semaphore, #tpu.memory_space<semaphore_mem>>) src(%arg11 : memref<128x128xf32, #tpu.memory_space<vmem>>) dst(%dma_wait3A_1920 : memref<128x128xf32, #tpu.memory_space<hbm>>)
    } else {
    }
    %add3A_1508 = arith.constant 128 : i32
    %add3A_1509 = arith.addi %add3A_1496, %add3A_1508 : i32
    %add3A_1510 = arith.constant 128 : i32
    %add3A_1511 = arith.addi %add3A_1509, %add3A_1510 : i32
    %le3A_1512 = arith.constant 160000 : i32
    %le3A_1513 = arith.cmpi sle, %add3A_1511, %le3A_1512 : i32
    %convert_element_type3A_1514 = arith.extui %le3A_1513 : i1 to i32
    %cond3A_1515 = arith.constant 0 : i32
    %cond3A_1516 = arith.cmpi ne, %convert_element_type3A_1514, %cond3A_1515 : i32
    scf.if %cond3A_1516 {
      %add3A_1901 = arith.constant 128 : i32
      %add3A_1902 = arith.addi %mul3A_1498, %add3A_1901 : i32
      %dma_start3A_1903 = arith.constant 0 : i32
      %dma_start3A_1904 = tpu.memref_slice %arg13[%add3A_1902, %dma_start3A_1903] : memref<10496x128xf32, #tpu.memory_space<vmem_shared>> -> memref<128x128xf32, #tpu.memory_space<vmem_shared>>
      %dma_start3A_1905 = arith.constant 0 : i32
      %dma_start3A_1906 = tpu.memref_slice %arg13[%add3A_1902, %dma_start3A_1905] : memref<10496x128xf32, #tpu.memory_space<vmem_shared>> -> memref<128x128xf32, #tpu.memory_space<vmem_shared>>
      tpu.enqueue_dma source(%dma_start3A_1906 : memref<128x128xf32, #tpu.memory_space<vmem_shared>>) target(%arg11 : memref<128x128xf32, #tpu.memory_space<vmem>>) target_semaphore(%arg14 : memref<!tpu.dma_semaphore, #tpu.memory_space<semaphore_mem>>)
      %dma_wait3A_1907 = arith.constant 0 : i32
      %dma_wait3A_1908 = tpu.memref_slice %arg13[%add3A_1902, %dma_wait3A_1907] : memref<10496x128xf32, #tpu.memory_space<vmem_shared>> -> memref<128x128xf32, #tpu.memory_space<vmem_shared>>
      %dma_wait3A_1909 = arith.constant 0 : i32
      %dma_wait3A_1910 = tpu.memref_slice %arg13[%add3A_1902, %dma_wait3A_1909] : memref<10496x128xf32, #tpu.memory_space<vmem_shared>> -> memref<128x128xf32, #tpu.memory_space<vmem_shared>>
      tpu.wait_dma2 semaphore(%arg14 : memref<!tpu.dma_semaphore, #tpu.memory_space<semaphore_mem>>) src(%dma_wait3A_1910 : memref<128x128xf32, #tpu.memory_space<vmem_shared>>) dst(%arg11 : memref<128x128xf32, #tpu.memory_space<vmem>>)
      %add3A_1911 = arith.constant 128 : i32
      %add3A_1912 = arith.addi %add3A_1496, %add3A_1911 : i32
      %dma_start3A_1913 = arith.constant 0 : i32
      %dma_start3A_1914 = tpu.memref_slice %arg7[%add3A_1912, %dma_start3A_1913] : memref<160000x128xf32, #tpu.memory_space<hbm>> -> memref<128x128xf32, #tpu.memory_space<hbm>>
      %dma_start3A_1915 = arith.constant 0 : i32
      %dma_start3A_1916 = tpu.memref_slice %arg7[%add3A_1912, %dma_start3A_1915] : memref<160000x128xf32, #tpu.memory_space<hbm>> -> memref<128x128xf32, #tpu.memory_space<hbm>>
      tpu.enqueue_dma source(%arg11 : memref<128x128xf32, #tpu.memory_space<vmem>>) target(%dma_start3A_1916 : memref<128x128xf32, #tpu.memory_space<hbm>>) target_semaphore(%arg14 : memref<!tpu.dma_semaphore, #tpu.memory_space<semaphore_mem>>)
      %dma_wait3A_1917 = arith.constant 0 : i32
      %dma_wait3A_1918 = tpu.memref_slice %arg7[%add3A_1912, %dma_wait3A_1917] : memref<160000x128xf32, #tpu.memory_space<hbm>> -> memref<128x128xf32, #tpu.memory_space<hbm>>
      %dma_wait3A_1919 = arith.constant 0 : i32
      %dma_wait3A_1920 = tpu.memref_slice %arg7[%add3A_1912, %dma_wait3A_1919] : memref<160000x128xf32, #tpu.memory_space<hbm>> -> memref<128x128xf32, #tpu.memory_space<hbm>>
      tpu.wait_dma2 semaphore(%arg14 : memref<!tpu.dma_semaphore, #tpu.memory_space<semaphore_mem>>) src(%arg11 : memref<128x128xf32, #tpu.memory_space<vmem>>) dst(%dma_wait3A_1920 : memref<128x128xf32, #tpu.memory_space<hbm>>)
    } else {
    }
    %add3A_1517 = arith.constant 256 : i32
    %add3A_1518 = arith.addi %add3A_1496, %add3A_1517 : i32
    %add3A_1519 = arith.constant 128 : i32
    %add3A_1520 = arith.addi %add3A_1518, %add3A_1519 : i32
    %le3A_1521 = arith.constant 160000 : i32
    %le3A_1522 = arith.cmpi sle, %add3A_1520, %le3A_1521 : i32
    %convert_element_type3A_1523 = arith.extui %le3A_1522 : i1 to i32
    %cond3A_1524 = arith.constant 0 : i32
    %cond3A_1525 = arith.cmpi ne, %convert_element_type3A_1523, %cond3A_1524 : i32
    scf.if %cond3A_1525 {
      %add3A_1901 = arith.constant 256 : i32
      %add3A_1902 = arith.addi %mul3A_1498, %add3A_1901 : i32
      %dma_start3A_1903 = arith.constant 0 : i32
      %dma_start3A_1904 = tpu.memref_slice %arg13[%add3A_1902, %dma_start3A_1903] : memref<10496x128xf32, #tpu.memory_space<vmem_shared>> -> memref<128x128xf32, #tpu.memory_space<vmem_shared>>
      %dma_start3A_1905 = arith.constant 0 : i32
      %dma_start3A_1906 = tpu.memref_slice %arg13[%add3A_1902, %dma_start3A_1905] : memref<10496x128xf32, #tpu.memory_space<vmem_shared>> -> memref<128x128xf32, #tpu.memory_space<vmem_shared>>
      tpu.enqueue_dma source(%dma_start3A_1906 : memref<128x128xf32, #tpu.memory_space<vmem_shared>>) target(%arg11 : memref<128x128xf32, #tpu.memory_space<vmem>>) target_semaphore(%arg14 : memref<!tpu.dma_semaphore, #tpu.memory_space<semaphore_mem>>)
      %dma_wait3A_1907 = arith.constant 0 : i32
      %dma_wait3A_1908 = tpu.memref_slice %arg13[%add3A_1902, %dma_wait3A_1907] : memref<10496x128xf32, #tpu.memory_space<vmem_shared>> -> memref<128x128xf32, #tpu.memory_space<vmem_shared>>
      %dma_wait3A_1909 = arith.constant 0 : i32
      %dma_wait3A_1910 = tpu.memref_slice %arg13[%add3A_1902, %dma_wait3A_1909] : memref<10496x128xf32, #tpu.memory_space<vmem_shared>> -> memref<128x128xf32, #tpu.memory_space<vmem_shared>>
      tpu.wait_dma2 semaphore(%arg14 : memref<!tpu.dma_semaphore, #tpu.memory_space<semaphore_mem>>) src(%dma_wait3A_1910 : memref<128x128xf32, #tpu.memory_space<vmem_shared>>) dst(%arg11 : memref<128x128xf32, #tpu.memory_space<vmem>>)
      %add3A_1911 = arith.constant 256 : i32
      %add3A_1912 = arith.addi %add3A_1496, %add3A_1911 : i32
      %dma_start3A_1913 = arith.constant 0 : i32
      %dma_start3A_1914 = tpu.memref_slice %arg7[%add3A_1912, %dma_start3A_1913] : memref<160000x128xf32, #tpu.memory_space<hbm>> -> memref<128x128xf32, #tpu.memory_space<hbm>>
      %dma_start3A_1915 = arith.constant 0 : i32
      %dma_start3A_1916 = tpu.memref_slice %arg7[%add3A_1912, %dma_start3A_1915] : memref<160000x128xf32, #tpu.memory_space<hbm>> -> memref<128x128xf32, #tpu.memory_space<hbm>>
      tpu.enqueue_dma source(%arg11 : memref<128x128xf32, #tpu.memory_space<vmem>>) target(%dma_start3A_1916 : memref<128x128xf32, #tpu.memory_space<hbm>>) target_semaphore(%arg14 : memref<!tpu.dma_semaphore, #tpu.memory_space<semaphore_mem>>)
      %dma_wait3A_1917 = arith.constant 0 : i32
      %dma_wait3A_1918 = tpu.memref_slice %arg7[%add3A_1912, %dma_wait3A_1917] : memref<160000x128xf32, #tpu.memory_space<hbm>> -> memref<128x128xf32, #tpu.memory_space<hbm>>
      %dma_wait3A_1919 = arith.constant 0 : i32
      %dma_wait3A_1920 = tpu.memref_slice %arg7[%add3A_1912, %dma_wait3A_1919] : memref<160000x128xf32, #tpu.memory_space<hbm>> -> memref<128x128xf32, #tpu.memory_space<hbm>>
      tpu.wait_dma2 semaphore(%arg14 : memref<!tpu.dma_semaphore, #tpu.memory_space<semaphore_mem>>) src(%arg11 : memref<128x128xf32, #tpu.memory_space<vmem>>) dst(%dma_wait3A_1920 : memref<128x128xf32, #tpu.memory_space<hbm>>)
    } else {
    }
    %add3A_1526 = arith.constant 384 : i32
    %add3A_1527 = arith.addi %add3A_1496, %add3A_1526 : i32
    %add3A_1528 = arith.constant 128 : i32
    %add3A_1529 = arith.addi %add3A_1527, %add3A_1528 : i32
    %le3A_1530 = arith.constant 160000 : i32
    %le3A_1531 = arith.cmpi sle, %add3A_1529, %le3A_1530 : i32
    %convert_element_type3A_1532 = arith.extui %le3A_1531 : i1 to i32
    %cond3A_1533 = arith.constant 0 : i32
    %cond3A_1534 = arith.cmpi ne, %convert_element_type3A_1532, %cond3A_1533 : i32
    scf.if %cond3A_1534 {
      %add3A_1901 = arith.constant 384 : i32
      %add3A_1902 = arith.addi %mul3A_1498, %add3A_1901 : i32
      %dma_start3A_1903 = arith.constant 0 : i32
      %dma_start3A_1904 = tpu.memref_slice %arg13[%add3A_1902, %dma_start3A_1903] : memref<10496x128xf32, #tpu.memory_space<vmem_shared>> -> memref<128x128xf32, #tpu.memory_space<vmem_shared>>
      %dma_start3A_1905 = arith.constant 0 : i32
      %dma_start3A_1906 = tpu.memref_slice %arg13[%add3A_1902, %dma_start3A_1905] : memref<10496x128xf32, #tpu.memory_space<vmem_shared>> -> memref<128x128xf32, #tpu.memory_space<vmem_shared>>
      tpu.enqueue_dma source(%dma_start3A_1906 : memref<128x128xf32, #tpu.memory_space<vmem_shared>>) target(%arg11 : memref<128x128xf32, #tpu.memory_space<vmem>>) target_semaphore(%arg14 : memref<!tpu.dma_semaphore, #tpu.memory_space<semaphore_mem>>)
      %dma_wait3A_1907 = arith.constant 0 : i32
      %dma_wait3A_1908 = tpu.memref_slice %arg13[%add3A_1902, %dma_wait3A_1907] : memref<10496x128xf32, #tpu.memory_space<vmem_shared>> -> memref<128x128xf32, #tpu.memory_space<vmem_shared>>
      %dma_wait3A_1909 = arith.constant 0 : i32
      %dma_wait3A_1910 = tpu.memref_slice %arg13[%add3A_1902, %dma_wait3A_1909] : memref<10496x128xf32, #tpu.memory_space<vmem_shared>> -> memref<128x128xf32, #tpu.memory_space<vmem_shared>>
      tpu.wait_dma2 semaphore(%arg14 : memref<!tpu.dma_semaphore, #tpu.memory_space<semaphore_mem>>) src(%dma_wait3A_1910 : memref<128x128xf32, #tpu.memory_space<vmem_shared>>) dst(%arg11 : memref<128x128xf32, #tpu.memory_space<vmem>>)
      %add3A_1911 = arith.constant 384 : i32
      %add3A_1912 = arith.addi %add3A_1496, %add3A_1911 : i32
      %dma_start3A_1913 = arith.constant 0 : i32
      %dma_start3A_1914 = tpu.memref_slice %arg7[%add3A_1912, %dma_start3A_1913] : memref<160000x128xf32, #tpu.memory_space<hbm>> -> memref<128x128xf32, #tpu.memory_space<hbm>>
      %dma_start3A_1915 = arith.constant 0 : i32
      %dma_start3A_1916 = tpu.memref_slice %arg7[%add3A_1912, %dma_start3A_1915] : memref<160000x128xf32, #tpu.memory_space<hbm>> -> memref<128x128xf32, #tpu.memory_space<hbm>>
      tpu.enqueue_dma source(%arg11 : memref<128x128xf32, #tpu.memory_space<vmem>>) target(%dma_start3A_1916 : memref<128x128xf32, #tpu.memory_space<hbm>>) target_semaphore(%arg14 : memref<!tpu.dma_semaphore, #tpu.memory_space<semaphore_mem>>)
      %dma_wait3A_1917 = arith.constant 0 : i32
      %dma_wait3A_1918 = tpu.memref_slice %arg7[%add3A_1912, %dma_wait3A_1917] : memref<160000x128xf32, #tpu.memory_space<hbm>> -> memref<128x128xf32, #tpu.memory_space<hbm>>
      %dma_wait3A_1919 = arith.constant 0 : i32
      %dma_wait3A_1920 = tpu.memref_slice %arg7[%add3A_1912, %dma_wait3A_1919] : memref<160000x128xf32, #tpu.memory_space<hbm>> -> memref<128x128xf32, #tpu.memory_space<hbm>>
      tpu.wait_dma2 semaphore(%arg14 : memref<!tpu.dma_semaphore, #tpu.memory_space<semaphore_mem>>) src(%arg11 : memref<128x128xf32, #tpu.memory_space<vmem>>) dst(%dma_wait3A_1920 : memref<128x128xf32, #tpu.memory_space<hbm>>)
    } else {
    }
    %add3A_1535 = arith.constant 512 : i32
    %add3A_1536 = arith.addi %add3A_1496, %add3A_1535 : i32
    %add3A_1537 = arith.constant 128 : i32
    %add3A_1538 = arith.addi %add3A_1536, %add3A_1537 : i32
    %le3A_1539 = arith.constant 160000 : i32
    %le3A_1540 = arith.cmpi sle, %add3A_1538, %le3A_1539 : i32
    %convert_element_type3A_1541 = arith.extui %le3A_1540 : i1 to i32
    %cond3A_1542 = arith.constant 0 : i32
    %cond3A_1543 = arith.cmpi ne, %convert_element_type3A_1541, %cond3A_1542 : i32
    scf.if %cond3A_1543 {
      %add3A_1901 = arith.constant 512 : i32
      %add3A_1902 = arith.addi %mul3A_1498, %add3A_1901 : i32
      %dma_start3A_1903 = arith.constant 0 : i32
      %dma_start3A_1904 = tpu.memref_slice %arg13[%add3A_1902, %dma_start3A_1903] : memref<10496x128xf32, #tpu.memory_space<vmem_shared>> -> memref<128x128xf32, #tpu.memory_space<vmem_shared>>
      %dma_start3A_1905 = arith.constant 0 : i32
      %dma_start3A_1906 = tpu.memref_slice %arg13[%add3A_1902, %dma_start3A_1905] : memref<10496x128xf32, #tpu.memory_space<vmem_shared>> -> memref<128x128xf32, #tpu.memory_space<vmem_shared>>
      tpu.enqueue_dma source(%dma_start3A_1906 : memref<128x128xf32, #tpu.memory_space<vmem_shared>>) target(%arg11 : memref<128x128xf32, #tpu.memory_space<vmem>>) target_semaphore(%arg14 : memref<!tpu.dma_semaphore, #tpu.memory_space<semaphore_mem>>)
      %dma_wait3A_1907 = arith.constant 0 : i32
      %dma_wait3A_1908 = tpu.memref_slice %arg13[%add3A_1902, %dma_wait3A_1907] : memref<10496x128xf32, #tpu.memory_space<vmem_shared>> -> memref<128x128xf32, #tpu.memory_space<vmem_shared>>
      %dma_wait3A_1909 = arith.constant 0 : i32
      %dma_wait3A_1910 = tpu.memref_slice %arg13[%add3A_1902, %dma_wait3A_1909] : memref<10496x128xf32, #tpu.memory_space<vmem_shared>> -> memref<128x128xf32, #tpu.memory_space<vmem_shared>>
      tpu.wait_dma2 semaphore(%arg14 : memref<!tpu.dma_semaphore, #tpu.memory_space<semaphore_mem>>) src(%dma_wait3A_1910 : memref<128x128xf32, #tpu.memory_space<vmem_shared>>) dst(%arg11 : memref<128x128xf32, #tpu.memory_space<vmem>>)
      %add3A_1911 = arith.constant 512 : i32
      %add3A_1912 = arith.addi %add3A_1496, %add3A_1911 : i32
      %dma_start3A_1913 = arith.constant 0 : i32
      %dma_start3A_1914 = tpu.memref_slice %arg7[%add3A_1912, %dma_start3A_1913] : memref<160000x128xf32, #tpu.memory_space<hbm>> -> memref<128x128xf32, #tpu.memory_space<hbm>>
      %dma_start3A_1915 = arith.constant 0 : i32
      %dma_start3A_1916 = tpu.memref_slice %arg7[%add3A_1912, %dma_start3A_1915] : memref<160000x128xf32, #tpu.memory_space<hbm>> -> memref<128x128xf32, #tpu.memory_space<hbm>>
      tpu.enqueue_dma source(%arg11 : memref<128x128xf32, #tpu.memory_space<vmem>>) target(%dma_start3A_1916 : memref<128x128xf32, #tpu.memory_space<hbm>>) target_semaphore(%arg14 : memref<!tpu.dma_semaphore, #tpu.memory_space<semaphore_mem>>)
      %dma_wait3A_1917 = arith.constant 0 : i32
      %dma_wait3A_1918 = tpu.memref_slice %arg7[%add3A_1912, %dma_wait3A_1917] : memref<160000x128xf32, #tpu.memory_space<hbm>> -> memref<128x128xf32, #tpu.memory_space<hbm>>
      %dma_wait3A_1919 = arith.constant 0 : i32
      %dma_wait3A_1920 = tpu.memref_slice %arg7[%add3A_1912, %dma_wait3A_1919] : memref<160000x128xf32, #tpu.memory_space<hbm>> -> memref<128x128xf32, #tpu.memory_space<hbm>>
      tpu.wait_dma2 semaphore(%arg14 : memref<!tpu.dma_semaphore, #tpu.memory_space<semaphore_mem>>) src(%arg11 : memref<128x128xf32, #tpu.memory_space<vmem>>) dst(%dma_wait3A_1920 : memref<128x128xf32, #tpu.memory_space<hbm>>)
    } else {
    }
    %mul3A_1544 = arith.constant 656 : i32
    %mul3A_1545 = arith.muli %arg1, %mul3A_1544 : i32
    %add3A_1546 = arith.constant 0 : i32
    %add3A_1547 = arith.addi %mul3A_1545, %add3A_1546 : i32
    %dma_start3A_1548 = arith.constant 0 : i32
    %dma_start3A_1549 = arith.constant 0 : i32
    %dma_start3A_1550 = tpu.memref_slice %arg12[%dma_start3A_1548, %dma_start3A_1549] : memref<128x128xf32, #tpu.memory_space<vmem>> -> memref<128x128xf32, #tpu.memory_space<vmem>>
    %dma_start3A_1551 = arith.constant 0 : i32
    %dma_start3A_1552 = tpu.memref_slice %arg13[%add3A_1547, %dma_start3A_1551] : memref<10496x128xf32, #tpu.memory_space<vmem_shared>> -> memref<128x128xf32, #tpu.memory_space<vmem_shared>>
    %dma_start3A_1553 = arith.constant 0 : i32
    %dma_start3A_1554 = tpu.memref_slice %arg13[%add3A_1547, %dma_start3A_1553] : memref<10496x128xf32, #tpu.memory_space<vmem_shared>> -> memref<128x128xf32, #tpu.memory_space<vmem_shared>>
    %dma_start3A_1555 = arith.constant 0 : i32
    %dma_start3A_1556 = arith.constant 0 : i32
    %dma_start3A_1557 = tpu.memref_slice %arg12[%dma_start3A_1555, %dma_start3A_1556] : memref<128x128xf32, #tpu.memory_space<vmem>> -> memref<128x128xf32, #tpu.memory_space<vmem>>
    tpu.enqueue_dma source(%dma_start3A_1557 : memref<128x128xf32, #tpu.memory_space<vmem>>) target(%dma_start3A_1554 : memref<128x128xf32, #tpu.memory_space<vmem_shared>>) target_semaphore(%arg14 : memref<!tpu.dma_semaphore, #tpu.memory_space<semaphore_mem>>)
    %dma_wait3A_1558 = arith.constant 0 : i32
    %dma_wait3A_1559 = arith.constant 0 : i32
    %dma_wait3A_1560 = tpu.memref_slice %arg12[%dma_wait3A_1558, %dma_wait3A_1559] : memref<128x128xf32, #tpu.memory_space<vmem>> -> memref<128x128xf32, #tpu.memory_space<vmem>>
    %dma_wait3A_1561 = arith.constant 0 : i32
    %dma_wait3A_1562 = tpu.memref_slice %arg13[%add3A_1547, %dma_wait3A_1561] : memref<10496x128xf32, #tpu.memory_space<vmem_shared>> -> memref<128x128xf32, #tpu.memory_space<vmem_shared>>
    %dma_wait3A_1563 = arith.constant 0 : i32
    %dma_wait3A_1564 = tpu.memref_slice %arg13[%add3A_1547, %dma_wait3A_1563] : memref<10496x128xf32, #tpu.memory_space<vmem_shared>> -> memref<128x128xf32, #tpu.memory_space<vmem_shared>>
    %dma_wait3A_1565 = arith.constant 0 : i32
    %dma_wait3A_1566 = arith.constant 0 : i32
    %dma_wait3A_1567 = tpu.memref_slice %arg12[%dma_wait3A_1565, %dma_wait3A_1566] : memref<128x128xf32, #tpu.memory_space<vmem>> -> memref<128x128xf32, #tpu.memory_space<vmem>>
    tpu.wait_dma2 semaphore(%arg14 : memref<!tpu.dma_semaphore, #tpu.memory_space<semaphore_mem>>) src(%dma_wait3A_1567 : memref<128x128xf32, #tpu.memory_space<vmem>>) dst(%dma_wait3A_1564 : memref<128x128xf32, #tpu.memory_space<vmem_shared>>)
    %add3A_1568 = arith.constant 128 : i32
    %add3A_1569 = arith.addi %mul3A_1545, %add3A_1568 : i32
    %dma_start3A_1570 = arith.constant 0 : i32
    %dma_start3A_1571 = arith.constant 0 : i32
    %dma_start3A_1572 = tpu.memref_slice %arg12[%dma_start3A_1570, %dma_start3A_1571] : memref<128x128xf32, #tpu.memory_space<vmem>> -> memref<128x128xf32, #tpu.memory_space<vmem>>
    %dma_start3A_1573 = arith.constant 0 : i32
    %dma_start3A_1574 = tpu.memref_slice %arg13[%add3A_1569, %dma_start3A_1573] : memref<10496x128xf32, #tpu.memory_space<vmem_shared>> -> memref<128x128xf32, #tpu.memory_space<vmem_shared>>
    %dma_start3A_1575 = arith.constant 0 : i32
    %dma_start3A_1576 = tpu.memref_slice %arg13[%add3A_1569, %dma_start3A_1575] : memref<10496x128xf32, #tpu.memory_space<vmem_shared>> -> memref<128x128xf32, #tpu.memory_space<vmem_shared>>
    %dma_start3A_1577 = arith.constant 0 : i32
    %dma_start3A_1578 = arith.constant 0 : i32
    %dma_start3A_1579 = tpu.memref_slice %arg12[%dma_start3A_1577, %dma_start3A_1578] : memref<128x128xf32, #tpu.memory_space<vmem>> -> memref<128x128xf32, #tpu.memory_space<vmem>>
    tpu.enqueue_dma source(%dma_start3A_1579 : memref<128x128xf32, #tpu.memory_space<vmem>>) target(%dma_start3A_1576 : memref<128x128xf32, #tpu.memory_space<vmem_shared>>) target_semaphore(%arg14 : memref<!tpu.dma_semaphore, #tpu.memory_space<semaphore_mem>>)
    %dma_wait3A_1580 = arith.constant 0 : i32
    %dma_wait3A_1581 = arith.constant 0 : i32
    %dma_wait3A_1582 = tpu.memref_slice %arg12[%dma_wait3A_1580, %dma_wait3A_1581] : memref<128x128xf32, #tpu.memory_space<vmem>> -> memref<128x128xf32, #tpu.memory_space<vmem>>
    %dma_wait3A_1583 = arith.constant 0 : i32
    %dma_wait3A_1584 = tpu.memref_slice %arg13[%add3A_1569, %dma_wait3A_1583] : memref<10496x128xf32, #tpu.memory_space<vmem_shared>> -> memref<128x128xf32, #tpu.memory_space<vmem_shared>>
    %dma_wait3A_1585 = arith.constant 0 : i32
    %dma_wait3A_1586 = tpu.memref_slice %arg13[%add3A_1569, %dma_wait3A_1585] : memref<10496x128xf32, #tpu.memory_space<vmem_shared>> -> memref<128x128xf32, #tpu.memory_space<vmem_shared>>
    %dma_wait3A_1587 = arith.constant 0 : i32
    %dma_wait3A_1588 = arith.constant 0 : i32
    %dma_wait3A_1589 = tpu.memref_slice %arg12[%dma_wait3A_1587, %dma_wait3A_1588] : memref<128x128xf32, #tpu.memory_space<vmem>> -> memref<128x128xf32, #tpu.memory_space<vmem>>
    tpu.wait_dma2 semaphore(%arg14 : memref<!tpu.dma_semaphore, #tpu.memory_space<semaphore_mem>>) src(%dma_wait3A_1589 : memref<128x128xf32, #tpu.memory_space<vmem>>) dst(%dma_wait3A_1586 : memref<128x128xf32, #tpu.memory_space<vmem_shared>>)
    %add3A_1590 = arith.constant 256 : i32
    %add3A_1591 = arith.addi %mul3A_1545, %add3A_1590 : i32
    %dma_start3A_1592 = arith.constant 0 : i32
    %dma_start3A_1593 = arith.constant 0 : i32
    %dma_start3A_1594 = tpu.memref_slice %arg12[%dma_start3A_1592, %dma_start3A_1593] : memref<128x128xf32, #tpu.memory_space<vmem>> -> memref<128x128xf32, #tpu.memory_space<vmem>>
    %dma_start3A_1595 = arith.constant 0 : i32
    %dma_start3A_1596 = tpu.memref_slice %arg13[%add3A_1591, %dma_start3A_1595] : memref<10496x128xf32, #tpu.memory_space<vmem_shared>> -> memref<128x128xf32, #tpu.memory_space<vmem_shared>>
    %dma_start3A_1597 = arith.constant 0 : i32
    %dma_start3A_1598 = tpu.memref_slice %arg13[%add3A_1591, %dma_start3A_1597] : memref<10496x128xf32, #tpu.memory_space<vmem_shared>> -> memref<128x128xf32, #tpu.memory_space<vmem_shared>>
    %dma_start3A_1599 = arith.constant 0 : i32
    %dma_start3A_1600 = arith.constant 0 : i32
    %dma_start3A_1601 = tpu.memref_slice %arg12[%dma_start3A_1599, %dma_start3A_1600] : memref<128x128xf32, #tpu.memory_space<vmem>> -> memref<128x128xf32, #tpu.memory_space<vmem>>
    tpu.enqueue_dma source(%dma_start3A_1601 : memref<128x128xf32, #tpu.memory_space<vmem>>) target(%dma_start3A_1598 : memref<128x128xf32, #tpu.memory_space<vmem_shared>>) target_semaphore(%arg14 : memref<!tpu.dma_semaphore, #tpu.memory_space<semaphore_mem>>)
    %dma_wait3A_1602 = arith.constant 0 : i32
    %dma_wait3A_1603 = arith.constant 0 : i32
    %dma_wait3A_1604 = tpu.memref_slice %arg12[%dma_wait3A_1602, %dma_wait3A_1603] : memref<128x128xf32, #tpu.memory_space<vmem>> -> memref<128x128xf32, #tpu.memory_space<vmem>>
    %dma_wait3A_1605 = arith.constant 0 : i32
    %dma_wait3A_1606 = tpu.memref_slice %arg13[%add3A_1591, %dma_wait3A_1605] : memref<10496x128xf32, #tpu.memory_space<vmem_shared>> -> memref<128x128xf32, #tpu.memory_space<vmem_shared>>
    %dma_wait3A_1607 = arith.constant 0 : i32
    %dma_wait3A_1608 = tpu.memref_slice %arg13[%add3A_1591, %dma_wait3A_1607] : memref<10496x128xf32, #tpu.memory_space<vmem_shared>> -> memref<128x128xf32, #tpu.memory_space<vmem_shared>>
    %dma_wait3A_1609 = arith.constant 0 : i32
    %dma_wait3A_1610 = arith.constant 0 : i32
    %dma_wait3A_1611 = tpu.memref_slice %arg12[%dma_wait3A_1609, %dma_wait3A_1610] : memref<128x128xf32, #tpu.memory_space<vmem>> -> memref<128x128xf32, #tpu.memory_space<vmem>>
    tpu.wait_dma2 semaphore(%arg14 : memref<!tpu.dma_semaphore, #tpu.memory_space<semaphore_mem>>) src(%dma_wait3A_1611 : memref<128x128xf32, #tpu.memory_space<vmem>>) dst(%dma_wait3A_1608 : memref<128x128xf32, #tpu.memory_space<vmem_shared>>)
    %add3A_1612 = arith.constant 384 : i32
    %add3A_1613 = arith.addi %mul3A_1545, %add3A_1612 : i32
    %dma_start3A_1614 = arith.constant 0 : i32
    %dma_start3A_1615 = arith.constant 0 : i32
    %dma_start3A_1616 = tpu.memref_slice %arg12[%dma_start3A_1614, %dma_start3A_1615] : memref<128x128xf32, #tpu.memory_space<vmem>> -> memref<128x128xf32, #tpu.memory_space<vmem>>
    %dma_start3A_1617 = arith.constant 0 : i32
    %dma_start3A_1618 = tpu.memref_slice %arg13[%add3A_1613, %dma_start3A_1617] : memref<10496x128xf32, #tpu.memory_space<vmem_shared>> -> memref<128x128xf32, #tpu.memory_space<vmem_shared>>
    %dma_start3A_1619 = arith.constant 0 : i32
    %dma_start3A_1620 = tpu.memref_slice %arg13[%add3A_1613, %dma_start3A_1619] : memref<10496x128xf32, #tpu.memory_space<vmem_shared>> -> memref<128x128xf32, #tpu.memory_space<vmem_shared>>
    %dma_start3A_1621 = arith.constant 0 : i32
    %dma_start3A_1622 = arith.constant 0 : i32
    %dma_start3A_1623 = tpu.memref_slice %arg12[%dma_start3A_1621, %dma_start3A_1622] : memref<128x128xf32, #tpu.memory_space<vmem>> -> memref<128x128xf32, #tpu.memory_space<vmem>>
    tpu.enqueue_dma source(%dma_start3A_1623 : memref<128x128xf32, #tpu.memory_space<vmem>>) target(%dma_start3A_1620 : memref<128x128xf32, #tpu.memory_space<vmem_shared>>) target_semaphore(%arg14 : memref<!tpu.dma_semaphore, #tpu.memory_space<semaphore_mem>>)
    %dma_wait3A_1624 = arith.constant 0 : i32
    %dma_wait3A_1625 = arith.constant 0 : i32
    %dma_wait3A_1626 = tpu.memref_slice %arg12[%dma_wait3A_1624, %dma_wait3A_1625] : memref<128x128xf32, #tpu.memory_space<vmem>> -> memref<128x128xf32, #tpu.memory_space<vmem>>
    %dma_wait3A_1627 = arith.constant 0 : i32
    %dma_wait3A_1628 = tpu.memref_slice %arg13[%add3A_1613, %dma_wait3A_1627] : memref<10496x128xf32, #tpu.memory_space<vmem_shared>> -> memref<128x128xf32, #tpu.memory_space<vmem_shared>>
    %dma_wait3A_1629 = arith.constant 0 : i32
    %dma_wait3A_1630 = tpu.memref_slice %arg13[%add3A_1613, %dma_wait3A_1629] : memref<10496x128xf32, #tpu.memory_space<vmem_shared>> -> memref<128x128xf32, #tpu.memory_space<vmem_shared>>
    %dma_wait3A_1631 = arith.constant 0 : i32
    %dma_wait3A_1632 = arith.constant 0 : i32
    %dma_wait3A_1633 = tpu.memref_slice %arg12[%dma_wait3A_1631, %dma_wait3A_1632] : memref<128x128xf32, #tpu.memory_space<vmem>> -> memref<128x128xf32, #tpu.memory_space<vmem>>
    tpu.wait_dma2 semaphore(%arg14 : memref<!tpu.dma_semaphore, #tpu.memory_space<semaphore_mem>>) src(%dma_wait3A_1633 : memref<128x128xf32, #tpu.memory_space<vmem>>) dst(%dma_wait3A_1630 : memref<128x128xf32, #tpu.memory_space<vmem_shared>>)
    %add3A_1634 = arith.constant 512 : i32
    %add3A_1635 = arith.addi %mul3A_1545, %add3A_1634 : i32
    %dma_start3A_1636 = arith.constant 0 : i32
    %dma_start3A_1637 = arith.constant 0 : i32
    %dma_start3A_1638 = tpu.memref_slice %arg12[%dma_start3A_1636, %dma_start3A_1637] : memref<128x128xf32, #tpu.memory_space<vmem>> -> memref<128x128xf32, #tpu.memory_space<vmem>>
    %dma_start3A_1639 = arith.constant 0 : i32
    %dma_start3A_1640 = tpu.memref_slice %arg13[%add3A_1635, %dma_start3A_1639] : memref<10496x128xf32, #tpu.memory_space<vmem_shared>> -> memref<128x128xf32, #tpu.memory_space<vmem_shared>>
    %dma_start3A_1641 = arith.constant 0 : i32
    %dma_start3A_1642 = tpu.memref_slice %arg13[%add3A_1635, %dma_start3A_1641] : memref<10496x128xf32, #tpu.memory_space<vmem_shared>> -> memref<128x128xf32, #tpu.memory_space<vmem_shared>>
    %dma_start3A_1643 = arith.constant 0 : i32
    %dma_start3A_1644 = arith.constant 0 : i32
    %dma_start3A_1645 = tpu.memref_slice %arg12[%dma_start3A_1643, %dma_start3A_1644] : memref<128x128xf32, #tpu.memory_space<vmem>> -> memref<128x128xf32, #tpu.memory_space<vmem>>
    tpu.enqueue_dma source(%dma_start3A_1645 : memref<128x128xf32, #tpu.memory_space<vmem>>) target(%dma_start3A_1642 : memref<128x128xf32, #tpu.memory_space<vmem_shared>>) target_semaphore(%arg14 : memref<!tpu.dma_semaphore, #tpu.memory_space<semaphore_mem>>)
    %dma_wait3A_1646 = arith.constant 0 : i32
    %dma_wait3A_1647 = arith.constant 0 : i32
    %dma_wait3A_1648 = tpu.memref_slice %arg12[%dma_wait3A_1646, %dma_wait3A_1647] : memref<128x128xf32, #tpu.memory_space<vmem>> -> memref<128x128xf32, #tpu.memory_space<vmem>>
    %dma_wait3A_1649 = arith.constant 0 : i32
    %dma_wait3A_1650 = tpu.memref_slice %arg13[%add3A_1635, %dma_wait3A_1649] : memref<10496x128xf32, #tpu.memory_space<vmem_shared>> -> memref<128x128xf32, #tpu.memory_space<vmem_shared>>
    %dma_wait3A_1651 = arith.constant 0 : i32
    %dma_wait3A_1652 = tpu.memref_slice %arg13[%add3A_1635, %dma_wait3A_1651] : memref<10496x128xf32, #tpu.memory_space<vmem_shared>> -> memref<128x128xf32, #tpu.memory_space<vmem_shared>>
    %dma_wait3A_1653 = arith.constant 0 : i32
    %dma_wait3A_1654 = arith.constant 0 : i32
    %dma_wait3A_1655 = tpu.memref_slice %arg12[%dma_wait3A_1653, %dma_wait3A_1654] : memref<128x128xf32, #tpu.memory_space<vmem>> -> memref<128x128xf32, #tpu.memory_space<vmem>>
    tpu.wait_dma2 semaphore(%arg14 : memref<!tpu.dma_semaphore, #tpu.memory_space<semaphore_mem>>) src(%dma_wait3A_1655 : memref<128x128xf32, #tpu.memory_space<vmem>>) dst(%dma_wait3A_1652 : memref<128x128xf32, #tpu.memory_space<vmem_shared>>)
    %add3A_1656 = arith.constant 640 : i32
    %add3A_1657 = arith.addi %mul3A_1545, %add3A_1656 : i32
    %dma_start3A_1658 = arith.constant 0 : i32
    %dma_start3A_1659 = arith.constant 0 : i32
    %dma_start3A_1660 = tpu.memref_slice %arg12[%dma_start3A_1658, %dma_start3A_1659] : memref<128x128xf32, #tpu.memory_space<vmem>> -> memref<16x128xf32, #tpu.memory_space<vmem>>
    %dma_start3A_1661 = arith.constant 0 : i32
    %dma_start3A_1662 = tpu.memref_slice %arg13[%add3A_1657, %dma_start3A_1661] : memref<10496x128xf32, #tpu.memory_space<vmem_shared>> -> memref<16x128xf32, #tpu.memory_space<vmem_shared>>
    %dma_start3A_1663 = arith.constant 0 : i32
    %dma_start3A_1664 = tpu.memref_slice %arg13[%add3A_1657, %dma_start3A_1663] : memref<10496x128xf32, #tpu.memory_space<vmem_shared>> -> memref<16x128xf32, #tpu.memory_space<vmem_shared>>
    %dma_start3A_1665 = arith.constant 0 : i32
    %dma_start3A_1666 = arith.constant 0 : i32
    %dma_start3A_1667 = tpu.memref_slice %arg12[%dma_start3A_1665, %dma_start3A_1666] : memref<128x128xf32, #tpu.memory_space<vmem>> -> memref<16x128xf32, #tpu.memory_space<vmem>>
    tpu.enqueue_dma source(%dma_start3A_1667 : memref<16x128xf32, #tpu.memory_space<vmem>>) target(%dma_start3A_1664 : memref<16x128xf32, #tpu.memory_space<vmem_shared>>) target_semaphore(%arg14 : memref<!tpu.dma_semaphore, #tpu.memory_space<semaphore_mem>>)
    %dma_wait3A_1668 = arith.constant 0 : i32
    %dma_wait3A_1669 = arith.constant 0 : i32
    %dma_wait3A_1670 = tpu.memref_slice %arg12[%dma_wait3A_1668, %dma_wait3A_1669] : memref<128x128xf32, #tpu.memory_space<vmem>> -> memref<16x128xf32, #tpu.memory_space<vmem>>
    %dma_wait3A_1671 = arith.constant 0 : i32
    %dma_wait3A_1672 = tpu.memref_slice %arg13[%add3A_1657, %dma_wait3A_1671] : memref<10496x128xf32, #tpu.memory_space<vmem_shared>> -> memref<16x128xf32, #tpu.memory_space<vmem_shared>>
    %dma_wait3A_1673 = arith.constant 0 : i32
    %dma_wait3A_1674 = tpu.memref_slice %arg13[%add3A_1657, %dma_wait3A_1673] : memref<10496x128xf32, #tpu.memory_space<vmem_shared>> -> memref<16x128xf32, #tpu.memory_space<vmem_shared>>
    %dma_wait3A_1675 = arith.constant 0 : i32
    %dma_wait3A_1676 = arith.constant 0 : i32
    %dma_wait3A_1677 = tpu.memref_slice %arg12[%dma_wait3A_1675, %dma_wait3A_1676] : memref<128x128xf32, #tpu.memory_space<vmem>> -> memref<16x128xf32, #tpu.memory_space<vmem>>
    tpu.wait_dma2 semaphore(%arg14 : memref<!tpu.dma_semaphore, #tpu.memory_space<semaphore_mem>>) src(%dma_wait3A_1677 : memref<16x128xf32, #tpu.memory_space<vmem>>) dst(%dma_wait3A_1674 : memref<16x128xf32, #tpu.memory_space<vmem_shared>>)
    %barrier3A_1678 = arith.constant 0 : index
    tpu.barrier barrier_id(%barrier3A_1678)
    %add3A_1679 = arith.constant 14 : i32
    %add3A_1680 = arith.addi %add3A_1679, %arg0 : i32
    %eq3A_1681 = arith.constant 0 : i32
    %eq3A_1682 = arith.cmpi eq, %arg0, %eq3A_1681 : i32
    %slice3A_1683 = vector.extract_strided_slice %get3A_131 {offsets = [14], sizes = [1], strides = [1]} : vector<16xi32> to vector<1xi32>
    %squeeze3A_1684 = vector.extract %slice3A_1683[0] : i32 from vector<1xi32>
    %slice3A_1685 = vector.extract_strided_slice %get3A_131 {offsets = [15], sizes = [1], strides = [1]} : vector<16xi32> to vector<1xi32>
    %squeeze3A_1686 = vector.extract %slice3A_1685[0] : i32 from vector<1xi32>
    %select_n3A_1687 = arith.select %eq3A_1682, %squeeze3A_1684, %squeeze3A_1686 : i32
    %eq3A_1688 = arith.constant 0 : i32
    %eq3A_1689 = arith.cmpi eq, %arg0, %eq3A_1688 : i32
    %slice3A_1690 = vector.extract_strided_slice %get3A_131 {offsets = [15], sizes = [1], strides = [1]} : vector<16xi32> to vector<1xi32>
    %squeeze3A_1691 = vector.extract %slice3A_1690[0] : i32 from vector<1xi32>
    %slice3A_1692 = vector.extract_strided_slice %get3A_134 {offsets = [0], sizes = [1], strides = [1]} : vector<16xi32> to vector<1xi32>
    %squeeze3A_1693 = vector.extract %slice3A_1692[0] : i32 from vector<1xi32>
    %select_n3A_1694 = arith.select %eq3A_1689, %squeeze3A_1691, %squeeze3A_1693 : i32
    %add3A_1695 = arith.addi %select_n3A_1687, %arg1 : i32
    %sub3A_1696 = arith.subi %select_n3A_1694, %add3A_1695 : i32
    %sub3A_1697 = arith.constant 16 : i32
    %sub3A_1698 = arith.constant 1 : i32
    %sub3A_1699 = arith.subi %sub3A_1697, %sub3A_1698 : i32
    %add3A_1700 = arith.addi %sub3A_1696, %sub3A_1699 : i32
    %div3A_1701 = arith.constant 16 : i32
    %div3A_1702 = arith.divsi %add3A_1700, %div3A_1701 : i32
    %while3A_1703 = arith.constant 16 : i32
    %while3A_1704 = arith.constant 0 : i32
    %while3A_1705 = arith.subi %div3A_1702, %while3A_1704 : i32
    %while3A_1706 = arith.addi %while3A_1704, %while3A_1705 : i32
    %while3A_1707 = arith.constant 1 : i32
    %while3A_1708 = arith.divsi %while3A_1705, %while3A_1707 : i32
    %while3A_1709 = arith.muli %while3A_1708, %while3A_1707 : i32
    %while3A_1710 = arith.addi %while3A_1704, %while3A_1709 : i32
    %while3A_1711 = arith.constant 1 : i32
    scf.for %while3A_1901 = %while3A_1704 to %while3A_1710 step %while3A_1711  : i32 {
      %mul3A_1902 = arith.muli %while3A_1901, %while3A_1703 : i32
      %add3A_1903 = arith.addi %add3A_1695, %mul3A_1902 : i32
      %mul3A_1904 = arith.constant 128 : i32
      %mul3A_1905 = arith.muli %add3A_1903, %mul3A_1904 : i32
      %dma_start3A_1906 = tpu.memref_slice %arg3[%mul3A_1905] : memref<642048xi32, #tpu.memory_space<hbm>> -> memref<128xi32, #tpu.memory_space<hbm>>
      %dma_start3A_1907 = tpu.memref_slice %arg3[%mul3A_1905] : memref<642048xi32, #tpu.memory_space<hbm>> -> memref<128xi32, #tpu.memory_space<hbm>>
      tpu.enqueue_dma source(%dma_start3A_1907 : memref<128xi32, #tpu.memory_space<hbm>>) target(%arg9 : memref<128xi32, #tpu.memory_space<vmem>>) target_semaphore(%arg14 : memref<!tpu.dma_semaphore, #tpu.memory_space<semaphore_mem>>)
      %mul3A_1908 = arith.constant 128 : i32
      %mul3A_1909 = arith.muli %add3A_1903, %mul3A_1908 : i32
      %dma_start3A_1910 = tpu.memref_slice %arg4[%mul3A_1909] : memref<642048xi32, #tpu.memory_space<hbm>> -> memref<128xi32, #tpu.memory_space<hbm>>
      %dma_start3A_1911 = tpu.memref_slice %arg4[%mul3A_1909] : memref<642048xi32, #tpu.memory_space<hbm>> -> memref<128xi32, #tpu.memory_space<hbm>>
      tpu.enqueue_dma source(%dma_start3A_1911 : memref<128xi32, #tpu.memory_space<hbm>>) target(%arg10 : memref<128xi32, #tpu.memory_space<vmem>>) target_semaphore(%arg15 : memref<!tpu.dma_semaphore, #tpu.memory_space<semaphore_mem>>)
      %dma_wait3A_1912 = tpu.memref_slice %arg3[%mul3A_1905] : memref<642048xi32, #tpu.memory_space<hbm>> -> memref<128xi32, #tpu.memory_space<hbm>>
      %dma_wait3A_1913 = tpu.memref_slice %arg3[%mul3A_1905] : memref<642048xi32, #tpu.memory_space<hbm>> -> memref<128xi32, #tpu.memory_space<hbm>>
      tpu.wait_dma2 semaphore(%arg14 : memref<!tpu.dma_semaphore, #tpu.memory_space<semaphore_mem>>) src(%dma_wait3A_1913 : memref<128xi32, #tpu.memory_space<hbm>>) dst(%arg9 : memref<128xi32, #tpu.memory_space<vmem>>)
      %dma_wait3A_1914 = tpu.memref_slice %arg4[%mul3A_1909] : memref<642048xi32, #tpu.memory_space<hbm>> -> memref<128xi32, #tpu.memory_space<hbm>>
      %dma_wait3A_1915 = tpu.memref_slice %arg4[%mul3A_1909] : memref<642048xi32, #tpu.memory_space<hbm>> -> memref<128xi32, #tpu.memory_space<hbm>>
      tpu.wait_dma2 semaphore(%arg15 : memref<!tpu.dma_semaphore, #tpu.memory_space<semaphore_mem>>) src(%dma_wait3A_1915 : memref<128xi32, #tpu.memory_space<hbm>>) dst(%arg10 : memref<128xi32, #tpu.memory_space<vmem>>)
      %dma_start3A_1916 = arith.constant 0 : i32
      %dma_start3A_1917 = arith.constant 0 : i32
      %dma_start3A_1918 = tpu.memref_slice %arg2[%dma_start3A_1916, %dma_start3A_1917] : memref<160000x128xf32, #tpu.memory_space<hbm>> -> memref<160000x128xf32, #tpu.memory_space<hbm>>
      tpu.enqueue_indirect_dma source(%dma_start3A_1918 : memref<160000x128xf32, #tpu.memory_space<hbm>>) target(%arg11 : memref<128x128xf32, #tpu.memory_space<vmem>>) offsets(%arg9 : memref<128xi32, #tpu.memory_space<vmem>>) semaphore(%arg14 : memref<!tpu.dma_semaphore, #tpu.memory_space<semaphore_mem>>)
      %dma_wait3A_1919 = arith.constant 0 : i32
      %dma_wait3A_1920 = arith.constant 0 : i32
      %dma_wait3A_1921 = tpu.memref_slice %arg2[%dma_wait3A_1919, %dma_wait3A_1920] : memref<160000x128xf32, #tpu.memory_space<hbm>> -> memref<160000x128xf32, #tpu.memory_space<hbm>>
      tpu.wait_indirect_dma semaphore(%arg14 : memref<!tpu.dma_semaphore, #tpu.memory_space<semaphore_mem>>) src(%dma_wait3A_1921 : memref<160000x128xf32, #tpu.memory_space<hbm>>) dst(%arg11 : memref<128x128xf32, #tpu.memory_space<vmem>>)
      %dma_start3A_1922 = arith.constant 0 : i32
      %dma_start3A_1923 = arith.constant 0 : i32
      %dma_start3A_1924 = tpu.memref_slice %arg13[%dma_start3A_1922, %dma_start3A_1923] : memref<10496x128xf32, #tpu.memory_space<vmem_shared>> -> memref<10496x128xf32, #tpu.memory_space<vmem_shared>>
      tpu.enqueue_indirect_dma source(%arg11 : memref<128x128xf32, #tpu.memory_space<vmem>>) target(%dma_start3A_1924 : memref<10496x128xf32, #tpu.memory_space<vmem_shared>>) offsets(%arg10 : memref<128xi32, #tpu.memory_space<vmem>>) semaphore(%arg15 : memref<!tpu.dma_semaphore, #tpu.memory_space<semaphore_mem>>) {add = true}
      %dma_wait3A_1925 = arith.constant 0 : i32
      %dma_wait3A_1926 = arith.constant 0 : i32
      %dma_wait3A_1927 = tpu.memref_slice %arg13[%dma_wait3A_1925, %dma_wait3A_1926] : memref<10496x128xf32, #tpu.memory_space<vmem_shared>> -> memref<10496x128xf32, #tpu.memory_space<vmem_shared>>
      tpu.wait_indirect_dma semaphore(%arg15 : memref<!tpu.dma_semaphore, #tpu.memory_space<semaphore_mem>>) src(%arg11 : memref<128x128xf32, #tpu.memory_space<vmem>>) dst(%dma_wait3A_1927 : memref<10496x128xf32, #tpu.memory_space<vmem_shared>>)
    }
    %while3A_1712 = arith.constant 1 : i32
    scf.for %while3A_1901 = %while3A_1710 to %while3A_1706 step %while3A_1712  : i32 {
      %mul3A_1902 = arith.muli %while3A_1901, %while3A_1703 : i32
      %add3A_1903 = arith.addi %add3A_1695, %mul3A_1902 : i32
      %mul3A_1904 = arith.constant 128 : i32
      %mul3A_1905 = arith.muli %add3A_1903, %mul3A_1904 : i32
      %dma_start3A_1906 = tpu.memref_slice %arg3[%mul3A_1905] : memref<642048xi32, #tpu.memory_space<hbm>> -> memref<128xi32, #tpu.memory_space<hbm>>
      %dma_start3A_1907 = tpu.memref_slice %arg3[%mul3A_1905] : memref<642048xi32, #tpu.memory_space<hbm>> -> memref<128xi32, #tpu.memory_space<hbm>>
      tpu.enqueue_dma source(%dma_start3A_1907 : memref<128xi32, #tpu.memory_space<hbm>>) target(%arg9 : memref<128xi32, #tpu.memory_space<vmem>>) target_semaphore(%arg14 : memref<!tpu.dma_semaphore, #tpu.memory_space<semaphore_mem>>)
      %mul3A_1908 = arith.constant 128 : i32
      %mul3A_1909 = arith.muli %add3A_1903, %mul3A_1908 : i32
      %dma_start3A_1910 = tpu.memref_slice %arg4[%mul3A_1909] : memref<642048xi32, #tpu.memory_space<hbm>> -> memref<128xi32, #tpu.memory_space<hbm>>
      %dma_start3A_1911 = tpu.memref_slice %arg4[%mul3A_1909] : memref<642048xi32, #tpu.memory_space<hbm>> -> memref<128xi32, #tpu.memory_space<hbm>>
      tpu.enqueue_dma source(%dma_start3A_1911 : memref<128xi32, #tpu.memory_space<hbm>>) target(%arg10 : memref<128xi32, #tpu.memory_space<vmem>>) target_semaphore(%arg15 : memref<!tpu.dma_semaphore, #tpu.memory_space<semaphore_mem>>)
      %dma_wait3A_1912 = tpu.memref_slice %arg3[%mul3A_1905] : memref<642048xi32, #tpu.memory_space<hbm>> -> memref<128xi32, #tpu.memory_space<hbm>>
      %dma_wait3A_1913 = tpu.memref_slice %arg3[%mul3A_1905] : memref<642048xi32, #tpu.memory_space<hbm>> -> memref<128xi32, #tpu.memory_space<hbm>>
      tpu.wait_dma2 semaphore(%arg14 : memref<!tpu.dma_semaphore, #tpu.memory_space<semaphore_mem>>) src(%dma_wait3A_1913 : memref<128xi32, #tpu.memory_space<hbm>>) dst(%arg9 : memref<128xi32, #tpu.memory_space<vmem>>)
      %dma_wait3A_1914 = tpu.memref_slice %arg4[%mul3A_1909] : memref<642048xi32, #tpu.memory_space<hbm>> -> memref<128xi32, #tpu.memory_space<hbm>>
      %dma_wait3A_1915 = tpu.memref_slice %arg4[%mul3A_1909] : memref<642048xi32, #tpu.memory_space<hbm>> -> memref<128xi32, #tpu.memory_space<hbm>>
      tpu.wait_dma2 semaphore(%arg15 : memref<!tpu.dma_semaphore, #tpu.memory_space<semaphore_mem>>) src(%dma_wait3A_1915 : memref<128xi32, #tpu.memory_space<hbm>>) dst(%arg10 : memref<128xi32, #tpu.memory_space<vmem>>)
      %dma_start3A_1916 = arith.constant 0 : i32
      %dma_start3A_1917 = arith.constant 0 : i32
      %dma_start3A_1918 = tpu.memref_slice %arg2[%dma_start3A_1916, %dma_start3A_1917] : memref<160000x128xf32, #tpu.memory_space<hbm>> -> memref<160000x128xf32, #tpu.memory_space<hbm>>
      tpu.enqueue_indirect_dma source(%dma_start3A_1918 : memref<160000x128xf32, #tpu.memory_space<hbm>>) target(%arg11 : memref<128x128xf32, #tpu.memory_space<vmem>>) offsets(%arg9 : memref<128xi32, #tpu.memory_space<vmem>>) semaphore(%arg14 : memref<!tpu.dma_semaphore, #tpu.memory_space<semaphore_mem>>)
      %dma_wait3A_1919 = arith.constant 0 : i32
      %dma_wait3A_1920 = arith.constant 0 : i32
      %dma_wait3A_1921 = tpu.memref_slice %arg2[%dma_wait3A_1919, %dma_wait3A_1920] : memref<160000x128xf32, #tpu.memory_space<hbm>> -> memref<160000x128xf32, #tpu.memory_space<hbm>>
      tpu.wait_indirect_dma semaphore(%arg14 : memref<!tpu.dma_semaphore, #tpu.memory_space<semaphore_mem>>) src(%dma_wait3A_1921 : memref<160000x128xf32, #tpu.memory_space<hbm>>) dst(%arg11 : memref<128x128xf32, #tpu.memory_space<vmem>>)
      %dma_start3A_1922 = arith.constant 0 : i32
      %dma_start3A_1923 = arith.constant 0 : i32
      %dma_start3A_1924 = tpu.memref_slice %arg13[%dma_start3A_1922, %dma_start3A_1923] : memref<10496x128xf32, #tpu.memory_space<vmem_shared>> -> memref<10496x128xf32, #tpu.memory_space<vmem_shared>>
      tpu.enqueue_indirect_dma source(%arg11 : memref<128x128xf32, #tpu.memory_space<vmem>>) target(%dma_start3A_1924 : memref<10496x128xf32, #tpu.memory_space<vmem_shared>>) offsets(%arg10 : memref<128xi32, #tpu.memory_space<vmem>>) semaphore(%arg15 : memref<!tpu.dma_semaphore, #tpu.memory_space<semaphore_mem>>) {add = true}
      %dma_wait3A_1925 = arith.constant 0 : i32
      %dma_wait3A_1926 = arith.constant 0 : i32
      %dma_wait3A_1927 = tpu.memref_slice %arg13[%dma_wait3A_1925, %dma_wait3A_1926] : memref<10496x128xf32, #tpu.memory_space<vmem_shared>> -> memref<10496x128xf32, #tpu.memory_space<vmem_shared>>
      tpu.wait_indirect_dma semaphore(%arg15 : memref<!tpu.dma_semaphore, #tpu.memory_space<semaphore_mem>>) src(%arg11 : memref<128x128xf32, #tpu.memory_space<vmem>>) dst(%dma_wait3A_1927 : memref<10496x128xf32, #tpu.memory_space<vmem_shared>>)
    }
    %barrier3A_1713 = arith.constant 0 : index
    tpu.barrier barrier_id(%barrier3A_1713)
    %mul3A_1714 = arith.constant 10240 : i32
    %mul3A_1715 = arith.muli %add3A_1680, %mul3A_1714 : i32
    %mul3A_1716 = arith.constant 640 : i32
    %mul3A_1717 = arith.muli %arg1, %mul3A_1716 : i32
    %add3A_1718 = arith.addi %mul3A_1715, %mul3A_1717 : i32
    %mul3A_1719 = arith.constant 640 : i32
    %mul3A_1720 = arith.muli %arg1, %mul3A_1719 : i32
    %add3A_1721 = arith.constant 0 : i32
    %add3A_1722 = arith.addi %add3A_1718, %add3A_1721 : i32
    %add3A_1723 = arith.constant 128 : i32
    %add3A_1724 = arith.addi %add3A_1722, %add3A_1723 : i32
    %le3A_1725 = arith.constant 160000 : i32
    %le3A_1726 = arith.cmpi sle, %add3A_1724, %le3A_1725 : i32
    %convert_element_type3A_1727 = arith.extui %le3A_1726 : i1 to i32
    %cond3A_1728 = arith.constant 0 : i32
    %cond3A_1729 = arith.cmpi ne, %convert_element_type3A_1727, %cond3A_1728 : i32
    scf.if %cond3A_1729 {
      %add3A_1901 = arith.constant 0 : i32
      %add3A_1902 = arith.addi %mul3A_1720, %add3A_1901 : i32
      %dma_start3A_1903 = arith.constant 0 : i32
      %dma_start3A_1904 = tpu.memref_slice %arg13[%add3A_1902, %dma_start3A_1903] : memref<10496x128xf32, #tpu.memory_space<vmem_shared>> -> memref<128x128xf32, #tpu.memory_space<vmem_shared>>
      %dma_start3A_1905 = arith.constant 0 : i32
      %dma_start3A_1906 = tpu.memref_slice %arg13[%add3A_1902, %dma_start3A_1905] : memref<10496x128xf32, #tpu.memory_space<vmem_shared>> -> memref<128x128xf32, #tpu.memory_space<vmem_shared>>
      tpu.enqueue_dma source(%dma_start3A_1906 : memref<128x128xf32, #tpu.memory_space<vmem_shared>>) target(%arg11 : memref<128x128xf32, #tpu.memory_space<vmem>>) target_semaphore(%arg14 : memref<!tpu.dma_semaphore, #tpu.memory_space<semaphore_mem>>)
      %dma_wait3A_1907 = arith.constant 0 : i32
      %dma_wait3A_1908 = tpu.memref_slice %arg13[%add3A_1902, %dma_wait3A_1907] : memref<10496x128xf32, #tpu.memory_space<vmem_shared>> -> memref<128x128xf32, #tpu.memory_space<vmem_shared>>
      %dma_wait3A_1909 = arith.constant 0 : i32
      %dma_wait3A_1910 = tpu.memref_slice %arg13[%add3A_1902, %dma_wait3A_1909] : memref<10496x128xf32, #tpu.memory_space<vmem_shared>> -> memref<128x128xf32, #tpu.memory_space<vmem_shared>>
      tpu.wait_dma2 semaphore(%arg14 : memref<!tpu.dma_semaphore, #tpu.memory_space<semaphore_mem>>) src(%dma_wait3A_1910 : memref<128x128xf32, #tpu.memory_space<vmem_shared>>) dst(%arg11 : memref<128x128xf32, #tpu.memory_space<vmem>>)
      %add3A_1911 = arith.constant 0 : i32
      %add3A_1912 = arith.addi %add3A_1718, %add3A_1911 : i32
      %dma_start3A_1913 = arith.constant 0 : i32
      %dma_start3A_1914 = tpu.memref_slice %arg7[%add3A_1912, %dma_start3A_1913] : memref<160000x128xf32, #tpu.memory_space<hbm>> -> memref<128x128xf32, #tpu.memory_space<hbm>>
      %dma_start3A_1915 = arith.constant 0 : i32
      %dma_start3A_1916 = tpu.memref_slice %arg7[%add3A_1912, %dma_start3A_1915] : memref<160000x128xf32, #tpu.memory_space<hbm>> -> memref<128x128xf32, #tpu.memory_space<hbm>>
      tpu.enqueue_dma source(%arg11 : memref<128x128xf32, #tpu.memory_space<vmem>>) target(%dma_start3A_1916 : memref<128x128xf32, #tpu.memory_space<hbm>>) target_semaphore(%arg14 : memref<!tpu.dma_semaphore, #tpu.memory_space<semaphore_mem>>)
      %dma_wait3A_1917 = arith.constant 0 : i32
      %dma_wait3A_1918 = tpu.memref_slice %arg7[%add3A_1912, %dma_wait3A_1917] : memref<160000x128xf32, #tpu.memory_space<hbm>> -> memref<128x128xf32, #tpu.memory_space<hbm>>
      %dma_wait3A_1919 = arith.constant 0 : i32
      %dma_wait3A_1920 = tpu.memref_slice %arg7[%add3A_1912, %dma_wait3A_1919] : memref<160000x128xf32, #tpu.memory_space<hbm>> -> memref<128x128xf32, #tpu.memory_space<hbm>>
      tpu.wait_dma2 semaphore(%arg14 : memref<!tpu.dma_semaphore, #tpu.memory_space<semaphore_mem>>) src(%arg11 : memref<128x128xf32, #tpu.memory_space<vmem>>) dst(%dma_wait3A_1920 : memref<128x128xf32, #tpu.memory_space<hbm>>)
    } else {
    }
    %add3A_1730 = arith.constant 128 : i32
    %add3A_1731 = arith.addi %add3A_1718, %add3A_1730 : i32
    %add3A_1732 = arith.constant 128 : i32
    %add3A_1733 = arith.addi %add3A_1731, %add3A_1732 : i32
    %le3A_1734 = arith.constant 160000 : i32
    %le3A_1735 = arith.cmpi sle, %add3A_1733, %le3A_1734 : i32
    %convert_element_type3A_1736 = arith.extui %le3A_1735 : i1 to i32
    %cond3A_1737 = arith.constant 0 : i32
    %cond3A_1738 = arith.cmpi ne, %convert_element_type3A_1736, %cond3A_1737 : i32
    scf.if %cond3A_1738 {
      %add3A_1901 = arith.constant 128 : i32
      %add3A_1902 = arith.addi %mul3A_1720, %add3A_1901 : i32
      %dma_start3A_1903 = arith.constant 0 : i32
      %dma_start3A_1904 = tpu.memref_slice %arg13[%add3A_1902, %dma_start3A_1903] : memref<10496x128xf32, #tpu.memory_space<vmem_shared>> -> memref<128x128xf32, #tpu.memory_space<vmem_shared>>
      %dma_start3A_1905 = arith.constant 0 : i32
      %dma_start3A_1906 = tpu.memref_slice %arg13[%add3A_1902, %dma_start3A_1905] : memref<10496x128xf32, #tpu.memory_space<vmem_shared>> -> memref<128x128xf32, #tpu.memory_space<vmem_shared>>
      tpu.enqueue_dma source(%dma_start3A_1906 : memref<128x128xf32, #tpu.memory_space<vmem_shared>>) target(%arg11 : memref<128x128xf32, #tpu.memory_space<vmem>>) target_semaphore(%arg14 : memref<!tpu.dma_semaphore, #tpu.memory_space<semaphore_mem>>)
      %dma_wait3A_1907 = arith.constant 0 : i32
      %dma_wait3A_1908 = tpu.memref_slice %arg13[%add3A_1902, %dma_wait3A_1907] : memref<10496x128xf32, #tpu.memory_space<vmem_shared>> -> memref<128x128xf32, #tpu.memory_space<vmem_shared>>
      %dma_wait3A_1909 = arith.constant 0 : i32
      %dma_wait3A_1910 = tpu.memref_slice %arg13[%add3A_1902, %dma_wait3A_1909] : memref<10496x128xf32, #tpu.memory_space<vmem_shared>> -> memref<128x128xf32, #tpu.memory_space<vmem_shared>>
      tpu.wait_dma2 semaphore(%arg14 : memref<!tpu.dma_semaphore, #tpu.memory_space<semaphore_mem>>) src(%dma_wait3A_1910 : memref<128x128xf32, #tpu.memory_space<vmem_shared>>) dst(%arg11 : memref<128x128xf32, #tpu.memory_space<vmem>>)
      %add3A_1911 = arith.constant 128 : i32
      %add3A_1912 = arith.addi %add3A_1718, %add3A_1911 : i32
      %dma_start3A_1913 = arith.constant 0 : i32
      %dma_start3A_1914 = tpu.memref_slice %arg7[%add3A_1912, %dma_start3A_1913] : memref<160000x128xf32, #tpu.memory_space<hbm>> -> memref<128x128xf32, #tpu.memory_space<hbm>>
      %dma_start3A_1915 = arith.constant 0 : i32
      %dma_start3A_1916 = tpu.memref_slice %arg7[%add3A_1912, %dma_start3A_1915] : memref<160000x128xf32, #tpu.memory_space<hbm>> -> memref<128x128xf32, #tpu.memory_space<hbm>>
      tpu.enqueue_dma source(%arg11 : memref<128x128xf32, #tpu.memory_space<vmem>>) target(%dma_start3A_1916 : memref<128x128xf32, #tpu.memory_space<hbm>>) target_semaphore(%arg14 : memref<!tpu.dma_semaphore, #tpu.memory_space<semaphore_mem>>)
      %dma_wait3A_1917 = arith.constant 0 : i32
      %dma_wait3A_1918 = tpu.memref_slice %arg7[%add3A_1912, %dma_wait3A_1917] : memref<160000x128xf32, #tpu.memory_space<hbm>> -> memref<128x128xf32, #tpu.memory_space<hbm>>
      %dma_wait3A_1919 = arith.constant 0 : i32
      %dma_wait3A_1920 = tpu.memref_slice %arg7[%add3A_1912, %dma_wait3A_1919] : memref<160000x128xf32, #tpu.memory_space<hbm>> -> memref<128x128xf32, #tpu.memory_space<hbm>>
      tpu.wait_dma2 semaphore(%arg14 : memref<!tpu.dma_semaphore, #tpu.memory_space<semaphore_mem>>) src(%arg11 : memref<128x128xf32, #tpu.memory_space<vmem>>) dst(%dma_wait3A_1920 : memref<128x128xf32, #tpu.memory_space<hbm>>)
    } else {
    }
    %add3A_1739 = arith.constant 256 : i32
    %add3A_1740 = arith.addi %add3A_1718, %add3A_1739 : i32
    %add3A_1741 = arith.constant 128 : i32
    %add3A_1742 = arith.addi %add3A_1740, %add3A_1741 : i32
    %le3A_1743 = arith.constant 160000 : i32
    %le3A_1744 = arith.cmpi sle, %add3A_1742, %le3A_1743 : i32
    %convert_element_type3A_1745 = arith.extui %le3A_1744 : i1 to i32
    %cond3A_1746 = arith.constant 0 : i32
    %cond3A_1747 = arith.cmpi ne, %convert_element_type3A_1745, %cond3A_1746 : i32
    scf.if %cond3A_1747 {
      %add3A_1901 = arith.constant 256 : i32
      %add3A_1902 = arith.addi %mul3A_1720, %add3A_1901 : i32
      %dma_start3A_1903 = arith.constant 0 : i32
      %dma_start3A_1904 = tpu.memref_slice %arg13[%add3A_1902, %dma_start3A_1903] : memref<10496x128xf32, #tpu.memory_space<vmem_shared>> -> memref<128x128xf32, #tpu.memory_space<vmem_shared>>
      %dma_start3A_1905 = arith.constant 0 : i32
      %dma_start3A_1906 = tpu.memref_slice %arg13[%add3A_1902, %dma_start3A_1905] : memref<10496x128xf32, #tpu.memory_space<vmem_shared>> -> memref<128x128xf32, #tpu.memory_space<vmem_shared>>
      tpu.enqueue_dma source(%dma_start3A_1906 : memref<128x128xf32, #tpu.memory_space<vmem_shared>>) target(%arg11 : memref<128x128xf32, #tpu.memory_space<vmem>>) target_semaphore(%arg14 : memref<!tpu.dma_semaphore, #tpu.memory_space<semaphore_mem>>)
      %dma_wait3A_1907 = arith.constant 0 : i32
      %dma_wait3A_1908 = tpu.memref_slice %arg13[%add3A_1902, %dma_wait3A_1907] : memref<10496x128xf32, #tpu.memory_space<vmem_shared>> -> memref<128x128xf32, #tpu.memory_space<vmem_shared>>
      %dma_wait3A_1909 = arith.constant 0 : i32
      %dma_wait3A_1910 = tpu.memref_slice %arg13[%add3A_1902, %dma_wait3A_1909] : memref<10496x128xf32, #tpu.memory_space<vmem_shared>> -> memref<128x128xf32, #tpu.memory_space<vmem_shared>>
      tpu.wait_dma2 semaphore(%arg14 : memref<!tpu.dma_semaphore, #tpu.memory_space<semaphore_mem>>) src(%dma_wait3A_1910 : memref<128x128xf32, #tpu.memory_space<vmem_shared>>) dst(%arg11 : memref<128x128xf32, #tpu.memory_space<vmem>>)
      %add3A_1911 = arith.constant 256 : i32
      %add3A_1912 = arith.addi %add3A_1718, %add3A_1911 : i32
      %dma_start3A_1913 = arith.constant 0 : i32
      %dma_start3A_1914 = tpu.memref_slice %arg7[%add3A_1912, %dma_start3A_1913] : memref<160000x128xf32, #tpu.memory_space<hbm>> -> memref<128x128xf32, #tpu.memory_space<hbm>>
      %dma_start3A_1915 = arith.constant 0 : i32
      %dma_start3A_1916 = tpu.memref_slice %arg7[%add3A_1912, %dma_start3A_1915] : memref<160000x128xf32, #tpu.memory_space<hbm>> -> memref<128x128xf32, #tpu.memory_space<hbm>>
      tpu.enqueue_dma source(%arg11 : memref<128x128xf32, #tpu.memory_space<vmem>>) target(%dma_start3A_1916 : memref<128x128xf32, #tpu.memory_space<hbm>>) target_semaphore(%arg14 : memref<!tpu.dma_semaphore, #tpu.memory_space<semaphore_mem>>)
      %dma_wait3A_1917 = arith.constant 0 : i32
      %dma_wait3A_1918 = tpu.memref_slice %arg7[%add3A_1912, %dma_wait3A_1917] : memref<160000x128xf32, #tpu.memory_space<hbm>> -> memref<128x128xf32, #tpu.memory_space<hbm>>
      %dma_wait3A_1919 = arith.constant 0 : i32
      %dma_wait3A_1920 = tpu.memref_slice %arg7[%add3A_1912, %dma_wait3A_1919] : memref<160000x128xf32, #tpu.memory_space<hbm>> -> memref<128x128xf32, #tpu.memory_space<hbm>>
      tpu.wait_dma2 semaphore(%arg14 : memref<!tpu.dma_semaphore, #tpu.memory_space<semaphore_mem>>) src(%arg11 : memref<128x128xf32, #tpu.memory_space<vmem>>) dst(%dma_wait3A_1920 : memref<128x128xf32, #tpu.memory_space<hbm>>)
    } else {
    }
    %add3A_1748 = arith.constant 384 : i32
    %add3A_1749 = arith.addi %add3A_1718, %add3A_1748 : i32
    %add3A_1750 = arith.constant 128 : i32
    %add3A_1751 = arith.addi %add3A_1749, %add3A_1750 : i32
    %le3A_1752 = arith.constant 160000 : i32
    %le3A_1753 = arith.cmpi sle, %add3A_1751, %le3A_1752 : i32
    %convert_element_type3A_1754 = arith.extui %le3A_1753 : i1 to i32
    %cond3A_1755 = arith.constant 0 : i32
    %cond3A_1756 = arith.cmpi ne, %convert_element_type3A_1754, %cond3A_1755 : i32
    scf.if %cond3A_1756 {
      %add3A_1901 = arith.constant 384 : i32
      %add3A_1902 = arith.addi %mul3A_1720, %add3A_1901 : i32
      %dma_start3A_1903 = arith.constant 0 : i32
      %dma_start3A_1904 = tpu.memref_slice %arg13[%add3A_1902, %dma_start3A_1903] : memref<10496x128xf32, #tpu.memory_space<vmem_shared>> -> memref<128x128xf32, #tpu.memory_space<vmem_shared>>
      %dma_start3A_1905 = arith.constant 0 : i32
      %dma_start3A_1906 = tpu.memref_slice %arg13[%add3A_1902, %dma_start3A_1905] : memref<10496x128xf32, #tpu.memory_space<vmem_shared>> -> memref<128x128xf32, #tpu.memory_space<vmem_shared>>
      tpu.enqueue_dma source(%dma_start3A_1906 : memref<128x128xf32, #tpu.memory_space<vmem_shared>>) target(%arg11 : memref<128x128xf32, #tpu.memory_space<vmem>>) target_semaphore(%arg14 : memref<!tpu.dma_semaphore, #tpu.memory_space<semaphore_mem>>)
      %dma_wait3A_1907 = arith.constant 0 : i32
      %dma_wait3A_1908 = tpu.memref_slice %arg13[%add3A_1902, %dma_wait3A_1907] : memref<10496x128xf32, #tpu.memory_space<vmem_shared>> -> memref<128x128xf32, #tpu.memory_space<vmem_shared>>
      %dma_wait3A_1909 = arith.constant 0 : i32
      %dma_wait3A_1910 = tpu.memref_slice %arg13[%add3A_1902, %dma_wait3A_1909] : memref<10496x128xf32, #tpu.memory_space<vmem_shared>> -> memref<128x128xf32, #tpu.memory_space<vmem_shared>>
      tpu.wait_dma2 semaphore(%arg14 : memref<!tpu.dma_semaphore, #tpu.memory_space<semaphore_mem>>) src(%dma_wait3A_1910 : memref<128x128xf32, #tpu.memory_space<vmem_shared>>) dst(%arg11 : memref<128x128xf32, #tpu.memory_space<vmem>>)
      %add3A_1911 = arith.constant 384 : i32
      %add3A_1912 = arith.addi %add3A_1718, %add3A_1911 : i32
      %dma_start3A_1913 = arith.constant 0 : i32
      %dma_start3A_1914 = tpu.memref_slice %arg7[%add3A_1912, %dma_start3A_1913] : memref<160000x128xf32, #tpu.memory_space<hbm>> -> memref<128x128xf32, #tpu.memory_space<hbm>>
      %dma_start3A_1915 = arith.constant 0 : i32
      %dma_start3A_1916 = tpu.memref_slice %arg7[%add3A_1912, %dma_start3A_1915] : memref<160000x128xf32, #tpu.memory_space<hbm>> -> memref<128x128xf32, #tpu.memory_space<hbm>>
      tpu.enqueue_dma source(%arg11 : memref<128x128xf32, #tpu.memory_space<vmem>>) target(%dma_start3A_1916 : memref<128x128xf32, #tpu.memory_space<hbm>>) target_semaphore(%arg14 : memref<!tpu.dma_semaphore, #tpu.memory_space<semaphore_mem>>)
      %dma_wait3A_1917 = arith.constant 0 : i32
      %dma_wait3A_1918 = tpu.memref_slice %arg7[%add3A_1912, %dma_wait3A_1917] : memref<160000x128xf32, #tpu.memory_space<hbm>> -> memref<128x128xf32, #tpu.memory_space<hbm>>
      %dma_wait3A_1919 = arith.constant 0 : i32
      %dma_wait3A_1920 = tpu.memref_slice %arg7[%add3A_1912, %dma_wait3A_1919] : memref<160000x128xf32, #tpu.memory_space<hbm>> -> memref<128x128xf32, #tpu.memory_space<hbm>>
      tpu.wait_dma2 semaphore(%arg14 : memref<!tpu.dma_semaphore, #tpu.memory_space<semaphore_mem>>) src(%arg11 : memref<128x128xf32, #tpu.memory_space<vmem>>) dst(%dma_wait3A_1920 : memref<128x128xf32, #tpu.memory_space<hbm>>)
    } else {
    }
    %add3A_1757 = arith.constant 512 : i32
    %add3A_1758 = arith.addi %add3A_1718, %add3A_1757 : i32
    %add3A_1759 = arith.constant 128 : i32
    %add3A_1760 = arith.addi %add3A_1758, %add3A_1759 : i32
    %le3A_1761 = arith.constant 160000 : i32
    %le3A_1762 = arith.cmpi sle, %add3A_1760, %le3A_1761 : i32
    %convert_element_type3A_1763 = arith.extui %le3A_1762 : i1 to i32
    %cond3A_1764 = arith.constant 0 : i32
    %cond3A_1765 = arith.cmpi ne, %convert_element_type3A_1763, %cond3A_1764 : i32
    scf.if %cond3A_1765 {
      %add3A_1901 = arith.constant 512 : i32
      %add3A_1902 = arith.addi %mul3A_1720, %add3A_1901 : i32
      %dma_start3A_1903 = arith.constant 0 : i32
      %dma_start3A_1904 = tpu.memref_slice %arg13[%add3A_1902, %dma_start3A_1903] : memref<10496x128xf32, #tpu.memory_space<vmem_shared>> -> memref<128x128xf32, #tpu.memory_space<vmem_shared>>
      %dma_start3A_1905 = arith.constant 0 : i32
      %dma_start3A_1906 = tpu.memref_slice %arg13[%add3A_1902, %dma_start3A_1905] : memref<10496x128xf32, #tpu.memory_space<vmem_shared>> -> memref<128x128xf32, #tpu.memory_space<vmem_shared>>
      tpu.enqueue_dma source(%dma_start3A_1906 : memref<128x128xf32, #tpu.memory_space<vmem_shared>>) target(%arg11 : memref<128x128xf32, #tpu.memory_space<vmem>>) target_semaphore(%arg14 : memref<!tpu.dma_semaphore, #tpu.memory_space<semaphore_mem>>)
      %dma_wait3A_1907 = arith.constant 0 : i32
      %dma_wait3A_1908 = tpu.memref_slice %arg13[%add3A_1902, %dma_wait3A_1907] : memref<10496x128xf32, #tpu.memory_space<vmem_shared>> -> memref<128x128xf32, #tpu.memory_space<vmem_shared>>
      %dma_wait3A_1909 = arith.constant 0 : i32
      %dma_wait3A_1910 = tpu.memref_slice %arg13[%add3A_1902, %dma_wait3A_1909] : memref<10496x128xf32, #tpu.memory_space<vmem_shared>> -> memref<128x128xf32, #tpu.memory_space<vmem_shared>>
      tpu.wait_dma2 semaphore(%arg14 : memref<!tpu.dma_semaphore, #tpu.memory_space<semaphore_mem>>) src(%dma_wait3A_1910 : memref<128x128xf32, #tpu.memory_space<vmem_shared>>) dst(%arg11 : memref<128x128xf32, #tpu.memory_space<vmem>>)
      %add3A_1911 = arith.constant 512 : i32
      %add3A_1912 = arith.addi %add3A_1718, %add3A_1911 : i32
      %dma_start3A_1913 = arith.constant 0 : i32
      %dma_start3A_1914 = tpu.memref_slice %arg7[%add3A_1912, %dma_start3A_1913] : memref<160000x128xf32, #tpu.memory_space<hbm>> -> memref<128x128xf32, #tpu.memory_space<hbm>>
      %dma_start3A_1915 = arith.constant 0 : i32
      %dma_start3A_1916 = tpu.memref_slice %arg7[%add3A_1912, %dma_start3A_1915] : memref<160000x128xf32, #tpu.memory_space<hbm>> -> memref<128x128xf32, #tpu.memory_space<hbm>>
      tpu.enqueue_dma source(%arg11 : memref<128x128xf32, #tpu.memory_space<vmem>>) target(%dma_start3A_1916 : memref<128x128xf32, #tpu.memory_space<hbm>>) target_semaphore(%arg14 : memref<!tpu.dma_semaphore, #tpu.memory_space<semaphore_mem>>)
      %dma_wait3A_1917 = arith.constant 0 : i32
      %dma_wait3A_1918 = tpu.memref_slice %arg7[%add3A_1912, %dma_wait3A_1917] : memref<160000x128xf32, #tpu.memory_space<hbm>> -> memref<128x128xf32, #tpu.memory_space<hbm>>
      %dma_wait3A_1919 = arith.constant 0 : i32
      %dma_wait3A_1920 = tpu.memref_slice %arg7[%add3A_1912, %dma_wait3A_1919] : memref<160000x128xf32, #tpu.memory_space<hbm>> -> memref<128x128xf32, #tpu.memory_space<hbm>>
      tpu.wait_dma2 semaphore(%arg14 : memref<!tpu.dma_semaphore, #tpu.memory_space<semaphore_mem>>) src(%arg11 : memref<128x128xf32, #tpu.memory_space<vmem>>) dst(%dma_wait3A_1920 : memref<128x128xf32, #tpu.memory_space<hbm>>)
    } else {
    }
    %mul3A_1766 = arith.constant 656 : i32
    %mul3A_1767 = arith.muli %arg1, %mul3A_1766 : i32
    %add3A_1768 = arith.constant 0 : i32
    %add3A_1769 = arith.addi %mul3A_1767, %add3A_1768 : i32
    %dma_start3A_1770 = arith.constant 0 : i32
    %dma_start3A_1771 = arith.constant 0 : i32
    %dma_start3A_1772 = tpu.memref_slice %arg12[%dma_start3A_1770, %dma_start3A_1771] : memref<128x128xf32, #tpu.memory_space<vmem>> -> memref<128x128xf32, #tpu.memory_space<vmem>>
    %dma_start3A_1773 = arith.constant 0 : i32
    %dma_start3A_1774 = tpu.memref_slice %arg13[%add3A_1769, %dma_start3A_1773] : memref<10496x128xf32, #tpu.memory_space<vmem_shared>> -> memref<128x128xf32, #tpu.memory_space<vmem_shared>>
    %dma_start3A_1775 = arith.constant 0 : i32
    %dma_start3A_1776 = tpu.memref_slice %arg13[%add3A_1769, %dma_start3A_1775] : memref<10496x128xf32, #tpu.memory_space<vmem_shared>> -> memref<128x128xf32, #tpu.memory_space<vmem_shared>>
    %dma_start3A_1777 = arith.constant 0 : i32
    %dma_start3A_1778 = arith.constant 0 : i32
    %dma_start3A_1779 = tpu.memref_slice %arg12[%dma_start3A_1777, %dma_start3A_1778] : memref<128x128xf32, #tpu.memory_space<vmem>> -> memref<128x128xf32, #tpu.memory_space<vmem>>
    tpu.enqueue_dma source(%dma_start3A_1779 : memref<128x128xf32, #tpu.memory_space<vmem>>) target(%dma_start3A_1776 : memref<128x128xf32, #tpu.memory_space<vmem_shared>>) target_semaphore(%arg14 : memref<!tpu.dma_semaphore, #tpu.memory_space<semaphore_mem>>)
    %dma_wait3A_1780 = arith.constant 0 : i32
    %dma_wait3A_1781 = arith.constant 0 : i32
    %dma_wait3A_1782 = tpu.memref_slice %arg12[%dma_wait3A_1780, %dma_wait3A_1781] : memref<128x128xf32, #tpu.memory_space<vmem>> -> memref<128x128xf32, #tpu.memory_space<vmem>>
    %dma_wait3A_1783 = arith.constant 0 : i32
    %dma_wait3A_1784 = tpu.memref_slice %arg13[%add3A_1769, %dma_wait3A_1783] : memref<10496x128xf32, #tpu.memory_space<vmem_shared>> -> memref<128x128xf32, #tpu.memory_space<vmem_shared>>
    %dma_wait3A_1785 = arith.constant 0 : i32
    %dma_wait3A_1786 = tpu.memref_slice %arg13[%add3A_1769, %dma_wait3A_1785] : memref<10496x128xf32, #tpu.memory_space<vmem_shared>> -> memref<128x128xf32, #tpu.memory_space<vmem_shared>>
    %dma_wait3A_1787 = arith.constant 0 : i32
    %dma_wait3A_1788 = arith.constant 0 : i32
    %dma_wait3A_1789 = tpu.memref_slice %arg12[%dma_wait3A_1787, %dma_wait3A_1788] : memref<128x128xf32, #tpu.memory_space<vmem>> -> memref<128x128xf32, #tpu.memory_space<vmem>>
    tpu.wait_dma2 semaphore(%arg14 : memref<!tpu.dma_semaphore, #tpu.memory_space<semaphore_mem>>) src(%dma_wait3A_1789 : memref<128x128xf32, #tpu.memory_space<vmem>>) dst(%dma_wait3A_1786 : memref<128x128xf32, #tpu.memory_space<vmem_shared>>)
    %add3A_1790 = arith.constant 128 : i32
    %add3A_1791 = arith.addi %mul3A_1767, %add3A_1790 : i32
    %dma_start3A_1792 = arith.constant 0 : i32
    %dma_start3A_1793 = arith.constant 0 : i32
    %dma_start3A_1794 = tpu.memref_slice %arg12[%dma_start3A_1792, %dma_start3A_1793] : memref<128x128xf32, #tpu.memory_space<vmem>> -> memref<128x128xf32, #tpu.memory_space<vmem>>
    %dma_start3A_1795 = arith.constant 0 : i32
    %dma_start3A_1796 = tpu.memref_slice %arg13[%add3A_1791, %dma_start3A_1795] : memref<10496x128xf32, #tpu.memory_space<vmem_shared>> -> memref<128x128xf32, #tpu.memory_space<vmem_shared>>
    %dma_start3A_1797 = arith.constant 0 : i32
    %dma_start3A_1798 = tpu.memref_slice %arg13[%add3A_1791, %dma_start3A_1797] : memref<10496x128xf32, #tpu.memory_space<vmem_shared>> -> memref<128x128xf32, #tpu.memory_space<vmem_shared>>
    %dma_start3A_1799 = arith.constant 0 : i32
    %dma_start3A_1800 = arith.constant 0 : i32
    %dma_start3A_1801 = tpu.memref_slice %arg12[%dma_start3A_1799, %dma_start3A_1800] : memref<128x128xf32, #tpu.memory_space<vmem>> -> memref<128x128xf32, #tpu.memory_space<vmem>>
    tpu.enqueue_dma source(%dma_start3A_1801 : memref<128x128xf32, #tpu.memory_space<vmem>>) target(%dma_start3A_1798 : memref<128x128xf32, #tpu.memory_space<vmem_shared>>) target_semaphore(%arg14 : memref<!tpu.dma_semaphore, #tpu.memory_space<semaphore_mem>>)
    %dma_wait3A_1802 = arith.constant 0 : i32
    %dma_wait3A_1803 = arith.constant 0 : i32
    %dma_wait3A_1804 = tpu.memref_slice %arg12[%dma_wait3A_1802, %dma_wait3A_1803] : memref<128x128xf32, #tpu.memory_space<vmem>> -> memref<128x128xf32, #tpu.memory_space<vmem>>
    %dma_wait3A_1805 = arith.constant 0 : i32
    %dma_wait3A_1806 = tpu.memref_slice %arg13[%add3A_1791, %dma_wait3A_1805] : memref<10496x128xf32, #tpu.memory_space<vmem_shared>> -> memref<128x128xf32, #tpu.memory_space<vmem_shared>>
    %dma_wait3A_1807 = arith.constant 0 : i32
    %dma_wait3A_1808 = tpu.memref_slice %arg13[%add3A_1791, %dma_wait3A_1807] : memref<10496x128xf32, #tpu.memory_space<vmem_shared>> -> memref<128x128xf32, #tpu.memory_space<vmem_shared>>
    %dma_wait3A_1809 = arith.constant 0 : i32
    %dma_wait3A_1810 = arith.constant 0 : i32
    %dma_wait3A_1811 = tpu.memref_slice %arg12[%dma_wait3A_1809, %dma_wait3A_1810] : memref<128x128xf32, #tpu.memory_space<vmem>> -> memref<128x128xf32, #tpu.memory_space<vmem>>
    tpu.wait_dma2 semaphore(%arg14 : memref<!tpu.dma_semaphore, #tpu.memory_space<semaphore_mem>>) src(%dma_wait3A_1811 : memref<128x128xf32, #tpu.memory_space<vmem>>) dst(%dma_wait3A_1808 : memref<128x128xf32, #tpu.memory_space<vmem_shared>>)
    %add3A_1812 = arith.constant 256 : i32
    %add3A_1813 = arith.addi %mul3A_1767, %add3A_1812 : i32
    %dma_start3A_1814 = arith.constant 0 : i32
    %dma_start3A_1815 = arith.constant 0 : i32
    %dma_start3A_1816 = tpu.memref_slice %arg12[%dma_start3A_1814, %dma_start3A_1815] : memref<128x128xf32, #tpu.memory_space<vmem>> -> memref<128x128xf32, #tpu.memory_space<vmem>>
    %dma_start3A_1817 = arith.constant 0 : i32
    %dma_start3A_1818 = tpu.memref_slice %arg13[%add3A_1813, %dma_start3A_1817] : memref<10496x128xf32, #tpu.memory_space<vmem_shared>> -> memref<128x128xf32, #tpu.memory_space<vmem_shared>>
    %dma_start3A_1819 = arith.constant 0 : i32
    %dma_start3A_1820 = tpu.memref_slice %arg13[%add3A_1813, %dma_start3A_1819] : memref<10496x128xf32, #tpu.memory_space<vmem_shared>> -> memref<128x128xf32, #tpu.memory_space<vmem_shared>>
    %dma_start3A_1821 = arith.constant 0 : i32
    %dma_start3A_1822 = arith.constant 0 : i32
    %dma_start3A_1823 = tpu.memref_slice %arg12[%dma_start3A_1821, %dma_start3A_1822] : memref<128x128xf32, #tpu.memory_space<vmem>> -> memref<128x128xf32, #tpu.memory_space<vmem>>
    tpu.enqueue_dma source(%dma_start3A_1823 : memref<128x128xf32, #tpu.memory_space<vmem>>) target(%dma_start3A_1820 : memref<128x128xf32, #tpu.memory_space<vmem_shared>>) target_semaphore(%arg14 : memref<!tpu.dma_semaphore, #tpu.memory_space<semaphore_mem>>)
    %dma_wait3A_1824 = arith.constant 0 : i32
    %dma_wait3A_1825 = arith.constant 0 : i32
    %dma_wait3A_1826 = tpu.memref_slice %arg12[%dma_wait3A_1824, %dma_wait3A_1825] : memref<128x128xf32, #tpu.memory_space<vmem>> -> memref<128x128xf32, #tpu.memory_space<vmem>>
    %dma_wait3A_1827 = arith.constant 0 : i32
    %dma_wait3A_1828 = tpu.memref_slice %arg13[%add3A_1813, %dma_wait3A_1827] : memref<10496x128xf32, #tpu.memory_space<vmem_shared>> -> memref<128x128xf32, #tpu.memory_space<vmem_shared>>
    %dma_wait3A_1829 = arith.constant 0 : i32
    %dma_wait3A_1830 = tpu.memref_slice %arg13[%add3A_1813, %dma_wait3A_1829] : memref<10496x128xf32, #tpu.memory_space<vmem_shared>> -> memref<128x128xf32, #tpu.memory_space<vmem_shared>>
    %dma_wait3A_1831 = arith.constant 0 : i32
    %dma_wait3A_1832 = arith.constant 0 : i32
    %dma_wait3A_1833 = tpu.memref_slice %arg12[%dma_wait3A_1831, %dma_wait3A_1832] : memref<128x128xf32, #tpu.memory_space<vmem>> -> memref<128x128xf32, #tpu.memory_space<vmem>>
    tpu.wait_dma2 semaphore(%arg14 : memref<!tpu.dma_semaphore, #tpu.memory_space<semaphore_mem>>) src(%dma_wait3A_1833 : memref<128x128xf32, #tpu.memory_space<vmem>>) dst(%dma_wait3A_1830 : memref<128x128xf32, #tpu.memory_space<vmem_shared>>)
    %add3A_1834 = arith.constant 384 : i32
    %add3A_1835 = arith.addi %mul3A_1767, %add3A_1834 : i32
    %dma_start3A_1836 = arith.constant 0 : i32
    %dma_start3A_1837 = arith.constant 0 : i32
    %dma_start3A_1838 = tpu.memref_slice %arg12[%dma_start3A_1836, %dma_start3A_1837] : memref<128x128xf32, #tpu.memory_space<vmem>> -> memref<128x128xf32, #tpu.memory_space<vmem>>
    %dma_start3A_1839 = arith.constant 0 : i32
    %dma_start3A_1840 = tpu.memref_slice %arg13[%add3A_1835, %dma_start3A_1839] : memref<10496x128xf32, #tpu.memory_space<vmem_shared>> -> memref<128x128xf32, #tpu.memory_space<vmem_shared>>
    %dma_start3A_1841 = arith.constant 0 : i32
    %dma_start3A_1842 = tpu.memref_slice %arg13[%add3A_1835, %dma_start3A_1841] : memref<10496x128xf32, #tpu.memory_space<vmem_shared>> -> memref<128x128xf32, #tpu.memory_space<vmem_shared>>
    %dma_start3A_1843 = arith.constant 0 : i32
    %dma_start3A_1844 = arith.constant 0 : i32
    %dma_start3A_1845 = tpu.memref_slice %arg12[%dma_start3A_1843, %dma_start3A_1844] : memref<128x128xf32, #tpu.memory_space<vmem>> -> memref<128x128xf32, #tpu.memory_space<vmem>>
    tpu.enqueue_dma source(%dma_start3A_1845 : memref<128x128xf32, #tpu.memory_space<vmem>>) target(%dma_start3A_1842 : memref<128x128xf32, #tpu.memory_space<vmem_shared>>) target_semaphore(%arg14 : memref<!tpu.dma_semaphore, #tpu.memory_space<semaphore_mem>>)
    %dma_wait3A_1846 = arith.constant 0 : i32
    %dma_wait3A_1847 = arith.constant 0 : i32
    %dma_wait3A_1848 = tpu.memref_slice %arg12[%dma_wait3A_1846, %dma_wait3A_1847] : memref<128x128xf32, #tpu.memory_space<vmem>> -> memref<128x128xf32, #tpu.memory_space<vmem>>
    %dma_wait3A_1849 = arith.constant 0 : i32
    %dma_wait3A_1850 = tpu.memref_slice %arg13[%add3A_1835, %dma_wait3A_1849] : memref<10496x128xf32, #tpu.memory_space<vmem_shared>> -> memref<128x128xf32, #tpu.memory_space<vmem_shared>>
    %dma_wait3A_1851 = arith.constant 0 : i32
    %dma_wait3A_1852 = tpu.memref_slice %arg13[%add3A_1835, %dma_wait3A_1851] : memref<10496x128xf32, #tpu.memory_space<vmem_shared>> -> memref<128x128xf32, #tpu.memory_space<vmem_shared>>
    %dma_wait3A_1853 = arith.constant 0 : i32
    %dma_wait3A_1854 = arith.constant 0 : i32
    %dma_wait3A_1855 = tpu.memref_slice %arg12[%dma_wait3A_1853, %dma_wait3A_1854] : memref<128x128xf32, #tpu.memory_space<vmem>> -> memref<128x128xf32, #tpu.memory_space<vmem>>
    tpu.wait_dma2 semaphore(%arg14 : memref<!tpu.dma_semaphore, #tpu.memory_space<semaphore_mem>>) src(%dma_wait3A_1855 : memref<128x128xf32, #tpu.memory_space<vmem>>) dst(%dma_wait3A_1852 : memref<128x128xf32, #tpu.memory_space<vmem_shared>>)
    %add3A_1856 = arith.constant 512 : i32
    %add3A_1857 = arith.addi %mul3A_1767, %add3A_1856 : i32
    %dma_start3A_1858 = arith.constant 0 : i32
    %dma_start3A_1859 = arith.constant 0 : i32
    %dma_start3A_1860 = tpu.memref_slice %arg12[%dma_start3A_1858, %dma_start3A_1859] : memref<128x128xf32, #tpu.memory_space<vmem>> -> memref<128x128xf32, #tpu.memory_space<vmem>>
    %dma_start3A_1861 = arith.constant 0 : i32
    %dma_start3A_1862 = tpu.memref_slice %arg13[%add3A_1857, %dma_start3A_1861] : memref<10496x128xf32, #tpu.memory_space<vmem_shared>> -> memref<128x128xf32, #tpu.memory_space<vmem_shared>>
    %dma_start3A_1863 = arith.constant 0 : i32
    %dma_start3A_1864 = tpu.memref_slice %arg13[%add3A_1857, %dma_start3A_1863] : memref<10496x128xf32, #tpu.memory_space<vmem_shared>> -> memref<128x128xf32, #tpu.memory_space<vmem_shared>>
    %dma_start3A_1865 = arith.constant 0 : i32
    %dma_start3A_1866 = arith.constant 0 : i32
    %dma_start3A_1867 = tpu.memref_slice %arg12[%dma_start3A_1865, %dma_start3A_1866] : memref<128x128xf32, #tpu.memory_space<vmem>> -> memref<128x128xf32, #tpu.memory_space<vmem>>
    tpu.enqueue_dma source(%dma_start3A_1867 : memref<128x128xf32, #tpu.memory_space<vmem>>) target(%dma_start3A_1864 : memref<128x128xf32, #tpu.memory_space<vmem_shared>>) target_semaphore(%arg14 : memref<!tpu.dma_semaphore, #tpu.memory_space<semaphore_mem>>)
    %dma_wait3A_1868 = arith.constant 0 : i32
    %dma_wait3A_1869 = arith.constant 0 : i32
    %dma_wait3A_1870 = tpu.memref_slice %arg12[%dma_wait3A_1868, %dma_wait3A_1869] : memref<128x128xf32, #tpu.memory_space<vmem>> -> memref<128x128xf32, #tpu.memory_space<vmem>>
    %dma_wait3A_1871 = arith.constant 0 : i32
    %dma_wait3A_1872 = tpu.memref_slice %arg13[%add3A_1857, %dma_wait3A_1871] : memref<10496x128xf32, #tpu.memory_space<vmem_shared>> -> memref<128x128xf32, #tpu.memory_space<vmem_shared>>
    %dma_wait3A_1873 = arith.constant 0 : i32
    %dma_wait3A_1874 = tpu.memref_slice %arg13[%add3A_1857, %dma_wait3A_1873] : memref<10496x128xf32, #tpu.memory_space<vmem_shared>> -> memref<128x128xf32, #tpu.memory_space<vmem_shared>>
    %dma_wait3A_1875 = arith.constant 0 : i32
    %dma_wait3A_1876 = arith.constant 0 : i32
    %dma_wait3A_1877 = tpu.memref_slice %arg12[%dma_wait3A_1875, %dma_wait3A_1876] : memref<128x128xf32, #tpu.memory_space<vmem>> -> memref<128x128xf32, #tpu.memory_space<vmem>>
    tpu.wait_dma2 semaphore(%arg14 : memref<!tpu.dma_semaphore, #tpu.memory_space<semaphore_mem>>) src(%dma_wait3A_1877 : memref<128x128xf32, #tpu.memory_space<vmem>>) dst(%dma_wait3A_1874 : memref<128x128xf32, #tpu.memory_space<vmem_shared>>)
    %add3A_1878 = arith.constant 640 : i32
    %add3A_1879 = arith.addi %mul3A_1767, %add3A_1878 : i32
    %dma_start3A_1880 = arith.constant 0 : i32
    %dma_start3A_1881 = arith.constant 0 : i32
    %dma_start3A_1882 = tpu.memref_slice %arg12[%dma_start3A_1880, %dma_start3A_1881] : memref<128x128xf32, #tpu.memory_space<vmem>> -> memref<16x128xf32, #tpu.memory_space<vmem>>
    %dma_start3A_1883 = arith.constant 0 : i32
    %dma_start3A_1884 = tpu.memref_slice %arg13[%add3A_1879, %dma_start3A_1883] : memref<10496x128xf32, #tpu.memory_space<vmem_shared>> -> memref<16x128xf32, #tpu.memory_space<vmem_shared>>
    %dma_start3A_1885 = arith.constant 0 : i32
    %dma_start3A_1886 = tpu.memref_slice %arg13[%add3A_1879, %dma_start3A_1885] : memref<10496x128xf32, #tpu.memory_space<vmem_shared>> -> memref<16x128xf32, #tpu.memory_space<vmem_shared>>
    %dma_start3A_1887 = arith.constant 0 : i32
    %dma_start3A_1888 = arith.constant 0 : i32
    %dma_start3A_1889 = tpu.memref_slice %arg12[%dma_start3A_1887, %dma_start3A_1888] : memref<128x128xf32, #tpu.memory_space<vmem>> -> memref<16x128xf32, #tpu.memory_space<vmem>>
    tpu.enqueue_dma source(%dma_start3A_1889 : memref<16x128xf32, #tpu.memory_space<vmem>>) target(%dma_start3A_1886 : memref<16x128xf32, #tpu.memory_space<vmem_shared>>) target_semaphore(%arg14 : memref<!tpu.dma_semaphore, #tpu.memory_space<semaphore_mem>>)
    %dma_wait3A_1890 = arith.constant 0 : i32
    %dma_wait3A_1891 = arith.constant 0 : i32
    %dma_wait3A_1892 = tpu.memref_slice %arg12[%dma_wait3A_1890, %dma_wait3A_1891] : memref<128x128xf32, #tpu.memory_space<vmem>> -> memref<16x128xf32, #tpu.memory_space<vmem>>
    %dma_wait3A_1893 = arith.constant 0 : i32
    %dma_wait3A_1894 = tpu.memref_slice %arg13[%add3A_1879, %dma_wait3A_1893] : memref<10496x128xf32, #tpu.memory_space<vmem_shared>> -> memref<16x128xf32, #tpu.memory_space<vmem_shared>>
    %dma_wait3A_1895 = arith.constant 0 : i32
    %dma_wait3A_1896 = tpu.memref_slice %arg13[%add3A_1879, %dma_wait3A_1895] : memref<10496x128xf32, #tpu.memory_space<vmem_shared>> -> memref<16x128xf32, #tpu.memory_space<vmem_shared>>
    %dma_wait3A_1897 = arith.constant 0 : i32
    %dma_wait3A_1898 = arith.constant 0 : i32
    %dma_wait3A_1899 = tpu.memref_slice %arg12[%dma_wait3A_1897, %dma_wait3A_1898] : memref<128x128xf32, #tpu.memory_space<vmem>> -> memref<16x128xf32, #tpu.memory_space<vmem>>
    tpu.wait_dma2 semaphore(%arg14 : memref<!tpu.dma_semaphore, #tpu.memory_space<semaphore_mem>>) src(%dma_wait3A_1899 : memref<16x128xf32, #tpu.memory_space<vmem>>) dst(%dma_wait3A_1896 : memref<16x128xf32, #tpu.memory_space<vmem_shared>>)
    %barrier3A_1900 = arith.constant 0 : index
    tpu.barrier barrier_id(%barrier3A_1900)
    return
  }
}

</mosaic_0001>

<sc_bundles>
// kernel: _segsum_sc.3.cloned.1.call-start
scs
__scs_entry_jumppad:
0x0: {  	(pc) =	sbr.rel $0x88, $3  }
0x1: {  	(tag) =	ssettag $0x0;
	lr =	simm.s32 $0x1  }
0x2: {  	[smem:$0x3F9C] =	sst lr;
	_ =	strace $0xD0000000  }
0x3: {  	_ = 	snop  }
0x4: {  	_ = 	snop  }
0x5: {  	_ = 	snop  }
0x6: {  	_ = 	snop  }
0x7: {  	_ = 	snop  }
__scs_overlays_trampoline_lowered:
0x8: {  	[smem:$0x3FAB] =	sst s0  }
0x9: {  	[smem:$0x3FAC] =	sst s1  }
0xa: {  	[smem:$0x3FAD] =	sst s2  }
0xb: {  	[smem:$0x3FAE] =	sst s3  }
0xc: {  	[smem:$0x3FAF] =	sst s4  }
0xd: {  	[smem:$0x3FB0] =	sst s5  }
0xe: {  	[smem:$0x3FB1] =	sst s6  }
0xf: {  	[smem:$0x3FB2] =	sst s7  }
0x10: {  	[smem:$0x3FB3] =	sst s8  }
0x11: {  	[smem:$0x3FB4] =	sst s9;
	s0 =	simm.s32 @!p0 $0x0  }
0x12: {  	s1 =	sld [smem:$0x3F9A];
	s0 =	simm.s32 @p0 $0x1  }
0x13: {  	[smem:$0x3FB5] =	sst s0;
	s0 =	simm.s32 @!p1 $0x0  }
0x14: {  	s2 =	sld [smem:$0x3F99];
	s0 =	simm.s32 @p1 $0x1  }
0x15: {  	[smem:$0x3FB6] =	sst s0;
	s0 =	simm.s32 @!p2 $0x0  }
0x16: {  	s3 =	sld [smem:$0x3FDB];
	s0 =	simm.s32 @p2 $0x1  }
0x17: {  	s4 =	simm.s32 $0x1BF5;
	[smem:$0x3FB8] =	sst s0  }
0x18: {  	s0 =	sld [smem:$0x3F9B];
	_ =	swait.ge [sflag:s4], $0x0  }
0x19: {  	s7 =	sld [smem:$0x3F9C]  }
0x1a: {  	s8 =	sadd.s32 $0xFFFFE003, lr  }
0x1b: {  	s9 =	sadd.s32 $0xFFFFFEF7, lr;
	s5 =	simm.s32 $0xFFFFFFFF;
	p2 =	slt.u32 s8, $0xFFFFF086  }
0x1c: {  	p1 =	slt.u32 s9, $0xF7A;
	s5 =	simm.s32 @!p2 $0x0  }
0x1d: {  	s5 =	simm.s32 @p1 $0x1;
	p0 =	seq.s32 s7, s2  }
0x1e: {  	s7 =	smul.u32 @!p0 $0xF7A, s2;
	p2 =	seq.s32 @!p0 s5, $0x0  }
0x1f: {  	s9 =	smul.u32 $0xF7A, s1;
	s8 =	simm.s32 @!p0 $0x1BF5;
	p2 =	por !p2, p0  }
0x20: {  	[sflag:s8] =	ssyncset.s32 @!p0 $0xFFFFF086;
	s6 =	sadd.s32 @!p0 s3, s7;
	s7 =	simm.s32 @!p0 $0x108  }
0x21: {  	s3 =	sadd.s32 s3, s9;
	s6 =	sadd.s32 @!p0 $0x88, s6;
	s7 =	simm.s32 @p2 $0x1082  }
0x22: {  	[simem:s7], [sflag:s8] =	dma.local @!p0 [hbm:s6], $0xF7A  }
0x23: {  	s9 =	sor.u32 $0xD0000000, s2;
	s6 =	simm.s32 $0x108;
	_ =	swait.ge @!p0 [sflag:s8], $0x0  }
0x24: {  	s3 =	sadd.s32 $0x88, s3;
	s6 =	simm.s32 @!p1 $0x1082;
	[sflag:s4] =	ssyncset.s32 $0xFFFFF086  }
0x25: {  	[simem:s6], [sflag:s4] =	dma.local [hbm:s3], $0xF7A  }
0x26: {  	[smem:$0x3F9C] =	sst s1;
	(tag) =	ssettag s2;
	_ =	strace s9  }
0x27: {  	s1 =	sld [smem:$0x3FAC]  }
0x28: {  	s2 =	sld [smem:$0x3FAD]  }
0x29: {  	s4 =	sld [smem:$0x3FAF]  }
0x2a: {  	p0 =	seq.s32 s5, $0x0;
	s5 =	sld [smem:$0x3FB0]  }
0x2b: {  	s6 =	sld [smem:$0x3FB1]  }
0x2c: {  	s7 =	sld [smem:$0x3FB2]  }
0x2d: {  	s3 =	simm.s32 $0x108;
	s8 =	sld [smem:$0x3FB3]  }
0x2e: {  	s3 =	simm.s32 @!p0 $0x1082;
	s9 =	sld [smem:$0x3FB4]  }
0x2f: {  	lr =	sadd.s32 s0, s3;
	s0 =	sld [smem:$0x3FAB]  }
0x30: {  	s3 =	sld [smem:$0x3FAE]  }
0x31: {  	[smem:$0x3FB7] =	sst s10  }
0x32: {  	s10 =	sld [smem:$0x3FB5];
	_ =	sdelay $0x3  }
0x33: {  	p0 =	seq.s32 s10, $0x1;
	s10 =	sld [smem:$0x3FB7];
	_ =	sdelay $0x3  }
0x34: {  	[smem:$0x3FB7] =	sst s10  }
0x35: {  	s10 =	sld [smem:$0x3FB6];
	_ =	sdelay $0x3  }
0x36: {  	p1 =	seq.s32 s10, $0x1;
	s10 =	sld [smem:$0x3FB7];
	_ =	sdelay $0x3  }
0x37: {  	[smem:$0x3FB7] =	sst s10  }
0x38: {  	s10 =	sld [smem:$0x3FB8]  }
0x39: {  	_ = 	snop;
	(pc) =	sbr.ind lr, $3  }
0x3a: {  	_ = 	snop  }
0x3b: {  	_ = 	snop  }
0x3c: {  	p2 =	seq.s32 s10, $0x1;
	s10 =	sld [smem:$0x3FB7]  }
0x3d: {  	_ =	shalt  }
0x3e: {  	_ =	shalt  }
0x3f: {  	_ =	shalt  }
0x40: {  	_ =	shalt  }
0x41: {  	_ =	shalt  }
0x42: {  	_ =	shalt  }
0x43: {  	_ =	shalt  }
0x44: {  	_ =	shalt  }
0x45: {  	_ =	shalt  }
0x46: {  	_ =	shalt  }
0x47: {  	_ =	shalt  }
0x48: {  	_ =	shalt  }
0x49: {  	_ =	shalt  }
0x4a: {  	_ =	shalt  }
0x4b: {  	_ =	shalt  }
0x4c: {  	_ =	shalt  }
0x4d: {  	_ =	shalt  }
0x4e: {  	_ =	shalt  }
0x4f: {  	_ =	shalt  }
0x50: {  	_ =	shalt  }
0x51: {  	_ =	shalt  }
0x52: {  	_ =	shalt  }
0x53: {  	_ =	shalt  }
0x54: {  	_ =	shalt  }
0x55: {  	_ =	shalt  }
0x56: {  	_ =	shalt  }
0x57: {  	_ =	shalt  }
0x58: {  	_ =	shalt  }
0x59: {  	_ =	shalt  }
0x5a: {  	_ =	shalt  }
0x5b: {  	_ =	shalt  }
0x5c: {  	_ =	shalt  }
0x5d: {  	_ =	shalt  }
0x5e: {  	_ =	shalt  }
0x5f: {  	_ =	shalt  }
0x60: {  	_ =	shalt  }
0x61: {  	_ =	shalt  }
0x62: {  	_ =	shalt  }
0x63: {  	_ =	shalt  }
0x64: {  	_ =	shalt  }
0x65: {  	_ =	shalt  }
0x66: {  	_ =	shalt  }
0x67: {  	_ =	shalt  }
0x68: {  	_ =	shalt  }
0x69: {  	_ =	shalt  }
0x6a: {  	_ =	shalt  }
0x6b: {  	_ =	shalt  }
0x6c: {  	_ =	shalt  }
0x6d: {  	_ =	shalt  }
0x6e: {  	_ =	shalt  }
0x6f: {  	_ =	shalt  }
0x70: {  	_ =	shalt  }
0x71: {  	_ =	shalt  }
0x72: {  	_ =	shalt  }
0x73: {  	_ =	shalt  }
0x74: {  	_ =	shalt  }
0x75: {  	_ =	shalt  }
0x76: {  	_ =	shalt  }
0x77: {  	_ =	shalt  }
0x78: {  	_ =	shalt  }
0x79: {  	_ =	shalt  }
0x7a: {  	_ =	shalt  }
0x7b: {  	_ =	shalt  }
0x7c: {  	_ =	shalt  }
0x7d: {  	_ =	shalt  }
0x7e: {  	_ =	shalt  }
0x7f: {  	_ =	shalt  }
0x80: {  	_ =	shalt  }
0x81: {  	_ =	shalt  }
0x82: {  	_ =	shalt  }
0x83: {  	_ =	shalt  }
0x84: {  	_ =	shalt  }
0x85: {  	_ =	shalt  }
0x86: {  	_ =	shalt  }
0x87: {  	_ =	shalt  }
.Lfunc_end0:
.L_simem_size_0:
called_computation_lowered:
.L_overlay_start_0:
0x88: {  	s2 =	sld [smem:$0x3FD9]  }
0x89: {  	s3 =	sld [smem:$0x3FFE];
	_ =	sdelay $0x1  }
0x8a: {  	s1 =	srdreg.scid  }
0x8b: {  	s0 =	sand.u32 $0x1, s1  }
0x8c: {  	s18 =	sshll.u32 s0, $0xA;
	s2 =	sadd.s32 s3, s2  }
0x8d: {  	s2 =	sadd.s32 s2, s18  }
0x8e: {  	[smem:$0x3FC3] =	sst s2  }
0x8f: {  	_ = 	snop  }
0x90: {  	s2 =	sld [smem:$0x3FC9]  }
0x91: {  	s19 =	sld [smem:$0x3FC8]  }
0x92: {  	s4 =	sld [smem:$0x3FC7]  }
0x93: {  	s5 =	sld [smem:$0x3FC6]  }
0x94: {  	s6 =	sld [smem:$0x3FC5]  }
0x95: {  	s7 =	sld [smem:$0x3FD0];
	(tm) =	ssettm $0x1  }
0x96: {  	s8 =	sld [smem:$0x3FFB];
	_ =	sdelay $0x3  }
0x97: {  	_ =	strace s8  }
0x98: {  	s8 =	sld [smem:$0x3FFC];
	_ =	sdelay $0x3  }
0x99: {  	_ =	strace s8  }
0x9a: {  	s8 =	sld [smem:$0x3FFD];
	_ =	sdelay $0x3  }
0x9b: {  	_ =	strace s8  }
0x9c: {  	_ =	strace $0x8FFFFFFF  }
0x9d: {  	s20 =	sld [smem:$0x3FDB];
	_ =	sdelay $0x1  }
0x9e: {  	s9 =	simm.s32 $_scs_section_size  }
0x9f: {  	s10 =	simm.s32 $_size__tile_overlayer_lowered;
	s11 =	simm.s32 $_tile_overlayer_lowered  }
0xa0: {  	s23 =	simm.s32 $0x1BFF;
	s22 =	sshll.u32 s11, $0x1;
	s8 =	sadd.s32 s9, s20  }
0xa1: {  	s12 =	simm.s32 $0x0;
	s21 =	sshll.u32 s10, $0x1;
	s10 =	sadd.s32 s22, s8  }
0xa2: {  	[timem:s12], [sflag:s23] =	dma.local [hbm:s10], s21  }
0xa3: {  	_ =	swait.ge [sflag:s23], s21  }
0xa4: {  	s9 =	ssub.s32 $0x0, s21;
	[sflag:s23] =	ssyncset.done $0x0  }
0xa5: {  	[sflag:s23] =	ssyncadd.s32 s9;
	_ =	sdelay $0x1  }
0xa6: {  	s24 =	simm.s32 $0x1B8B  }
0xa7: {  	_ =	swait.ge [sflag:s24], $0x1  }
0xa8: {  	[sflag:s24] =	ssyncset.done $0x0  }
0xa9: {  	s25 =	simm.s32 $0x1B8E;
	[sflag:s24] =	ssyncadd.s32 $0xFFFFFFFF  }
0xaa: {  	s26 =	simm.s32 $execute0_lowered;
	[smem:$0x3FD2] =	sst s25  }
0xab: {  	s9 =	sshll.u32 s26, $0x1;
	_ =	strace $0x80000046;
	[dreg:$0x1] =	wrdreg $0xFFFFFFFF  }
0xac: {  	s28 =	simm.s32 $_size_execute0_lowered;
	s8 =	sadd.s32 s8, s9;
	[dreg:$0x0] =	wrdreg $0x0  }
0xad: {  	s9 =	sshll.u32 s28, $0x1;
	[dreg:$0x2] =	wrdreg s8  }
0xae: {  	[dreg:$0x3] =	wrdreg s9  }
0xaf: {  	[dreg:$0x4] =	wrdreg $0xC0  }
0xb0: {  	_ =	task [dreg:s12], $0x5FFFF  }
0xb1: {  	[dreg:$0x1] =	wrdreg $0xFFFFFFFF  }
0xb2: {  	[dreg:$0x0] =	wrdreg $0x60  }
0xb3: {  	[dreg:$0x2] =	wrdreg s2  }
0xb4: {  	[dreg:$0x3] =	wrdreg s19  }
0xb5: {  	[dreg:$0x4] =	wrdreg s4  }
0xb6: {  	[dreg:$0x5] =	wrdreg s5  }
0xb7: {  	[dreg:$0x6] =	wrdreg s6  }
0xb8: {  	[dreg:$0x7] =	wrdreg s7  }
0xb9: {  	[dreg:$0x8] =	wrdreg $0x81800  }
0xba: {  	[dreg:$0x9] =	wrdreg $0x9  }
0xbb: {  	_ =	task.clear_ibuf [dreg:s12], $0xAFFFF;
	_ =	strace $0x90000046  }
0xbc: {  	s29 =	simm.s32 $0x9;
	_ =	strace $0x80000048  }
0xbd: {  	_ =	swait.ge [sflag:s29], $0x1  }
0xbe: {  	[sflag:s29] =	ssyncadd.s32 $0xFFFFFFFF  }
0xbf: {  	_ =	strace $0x90000048  }
0xc0: {  	_ =	sfence  }
0xc1: {  	s30 =	sld [smem:$0x0];
	_ =	sdelay $0x2  }
0xc2: {  	s31 =	sshll.u32 s1, $0xD;
	s1 =	sshrl.u32 s1, $0x2  }
0xc3: {  	s3 =	sand.u32 $0x4000, s31;
	s1 =	sadd.s32 s1, s30  }
0xc4: {  	s0 =	sor.u32 s3, s0;
	s1 =	sshll.u32 s1, $0x11  }
0xc5: {  	s0 =	sor.u32 s1, s0  }
0xc6: {  	s0 =	sadd.s32 $0x8F2B, s0  }
0xc7: {  	[sflag:s0] =	ssyncadd.remote.s32 $0x1  }
0xc8: {  	_ =	sfence.sel $0xFFFF  }
0xc9: {  	[dreg:$0x0] =	wrdreg $0xFFFFFFFF;
	(pc) =	sbr.abs _section_cstart, $3  }
0xca: {  	[dreg:$0x1] =	wrdreg $0xFFFFFFFF  }
0xcb: {  	_ =	task.clear_ibuf [dreg:s12], $0x2FFFF;
	_ =	strace $0x9FFFFFFF  }
0xcc: {  	(tm) =	ssettm $0x7FFFFFFF  }
0xcd: {  	_ =	shalt  }
tec
execute0_lowered:
.L_overlay_start_1:
0x0: {  	(tag) =	ssettag $0x1  }
0x1: {  	s0 =	srdreg.scid  }
0x2: {  	s4 =	sand.u32 $0x1, s0  }
0x3: {  	s0 =	stileid.u32;
	s3 =	smul.u32 $0x2800, s4  }
0x4: {  	s5 =	smul.u32 $0x280, s0;
	_ =	sdelay $0x1  }
0x5: {  	s6 =	rddreg [dreg:$0x5];
	s1 =	simm.s32 $0x0;
	s3 =	sadd.s32 s5, s3  }
0x6: {  	[smem:$0x7FF] =	sst s1;
	s5 =	sshll.u32 s3, $0x4  }
0x7: {  	s9 =	sadd.s32 $0x800, s6;
	s10 =	sadd.s32 $0x1000, s6;
	s15 =	sadd.s32 $0x50000, s5  }
0x8: {  	s11 =	sadd.s32 $0x1800, s6;
	s12 =	sadd.s32 $0x2000, s6;
	s8 =	sadd.s32 s6, s15  }
0x9: {  	s2 =	ssub.s32 $0x2, s4;
	s16 =	sadd.s32 s15, s9;
	[dreg:$0x8] =	wrdreg s8  }
0xa: {  	s7 =	sshrl.u32 s2, $0x1;
	s17 =	sadd.s32 s15, s10;
	[dreg:$0x9] =	wrdreg s16  }
0xb: {  	s2 =	ssub.s32 s2, s7;
	s18 =	sadd.s32 s15, s11;
	[dreg:$0xa] =	wrdreg s17  }
0xc: {  	s19 =	sadd.s32 $0xA0000, s5;
	s7 =	sadd.s32 s15, s12;
	[dreg:$0xb] =	wrdreg s18  }
0xd: {  	s20 =	sadd.s32 s6, s19;
	[dreg:$0xc] =	wrdreg s7  }
0xe: {  	s21 =	sadd.s32 s19, s9;
	[dreg:$0xd] =	wrdreg s20  }
0xf: {  	s22 =	sadd.s32 s19, s10;
	[dreg:$0xe] =	wrdreg s21  }
0x10: {  	s24 =	sadd.s32 $0xF0000, s5;
	s23 =	sadd.s32 s19, s11;
	[dreg:$0xf] =	wrdreg s22  }
0x11: {  	s25 =	sadd.s32 s6, s24;
	[dreg:$0x10] =	wrdreg s23  }
0x12: {  	s26 =	sadd.s32 s24, s9;
	[dreg:$0x12] =	wrdreg s25  }
0x13: {  	s13 =	sadd.s32 s24, s10;
	[dreg:$0x13] =	wrdreg s26  }
0x14: {  	s14 =	sadd.s32 s24, s11;
	[dreg:$0x14] =	wrdreg s13  }
0x15: {  	s15 =	sadd.s32 $0x140000, s5;
	s7 =	sadd.s32 s19, s12;
	[dreg:$0x15] =	wrdreg s14  }
0x16: {  	s16 =	sadd.s32 s6, s15;
	[dreg:$0x11] =	wrdreg s7  }
0x17: {  	s17 =	sadd.s32 s15, s9;
	[dreg:$0x17] =	wrdreg s16  }
0x18: {  	s18 =	sadd.s32 s15, s10;
	[dreg:$0x18] =	wrdreg s17  }
0x19: {  	s19 =	sadd.s32 s15, s11;
	[dreg:$0x19] =	wrdreg s18  }
0x1a: {  	s25 =	sadd.s32 s6, s5;
	[dreg:$0x1a] =	wrdreg s19  }
0x1b: {  	s26 =	sadd.s32 s5, s9;
	[smem:$0x7EF] =	sst s25  }
0x1c: {  	s8 =	sadd.s32 s5, s10;
	[smem:$0x7F0] =	sst s26  }
0x1d: {  	s13 =	sadd.s32 s5, s11;
	[smem:$0x7F1] =	sst s8  }
0x1e: {  	s14 =	sadd.s32 s5, s12;
	[smem:$0x7F2] =	sst s13  }
0x1f: {  	s20 =	sadd.s32 $0x190000, s5;
	s7 =	sadd.s32 s24, s12;
	[smem:$0x7F3] =	sst s14  }
0x20: {  	s21 =	sadd.s32 s6, s20;
	[dreg:$0x16] =	wrdreg s7  }
0x21: {  	s22 =	sadd.s32 s20, s9;
	[dreg:$0x1c] =	wrdreg s21  }
0x22: {  	s28 =	simm.s32 $0x80;
	s23 =	sadd.s32 s20, s10;
	[dreg:$0x1d] =	wrdreg s22  }
0x23: {  	s29 =	simm.s32 $0x100;
	s24 =	sadd.s32 s20, s11;
	[dreg:$0x1e] =	wrdreg s23  }
0x24: {  	s7 =	sadd.s32 s15, s12;
	[dreg:$0x1f] =	wrdreg s24;
	s15 =	sadd.s32 $0x1E0000, s5  }
0x25: {  	s5 =	sadd.s32 $0x230000, s5;
	[dreg:$0x1b] =	wrdreg s7;
	s7 =	sadd.s32 s20, s12  }
0x26: {  	s17 =	sadd.s32 s15, s9;
	s20 =	sadd.s32 s5, s9;
	s9 =	rddreg [dreg:$0x0]  }
0x27: {  	s18 =	sadd.s32 s15, s10;
	s21 =	sadd.s32 s5, s10;
	s10 =	rddreg [dreg:$0x1]  }
0x28: {  	s19 =	sadd.s32 s15, s11;
	s22 =	sadd.s32 s5, s11;
	s11 =	rddreg [dreg:$0x2]  }
0x29: {  	s30 =	simm.s32 $0x2;
	s16 =	sadd.s32 s6, s15;
	[smem:$0x7EE] =	sst s7  }
0x2a: {  	s31 =	simm.s32 $0x180;
	p0 =	seq.s32 s4, $0x0;
	[smem:$0x7F4] =	sst s16  }
0x2b: {  	p1 =	sgt.u32 s3, $0x4080;
	p2 =	sgt.u32 s3, $0x3F80;
	[smem:$0x7F5] =	sst s17  }
0x2c: {  	p4 =	sgt.u32 @!p1 s3, $0x4000;
	p5 =	sgt.u32 @!p2 s3, $0x3F00;
	[smem:$0x7F6] =	sst s18  }
0x2d: {  	p3 =	por p5, p2;
	p4 =	por p1, p4;
	[smem:$0x7F7] =	sst s19  }
0x2e: {  	p6 =	sgt.u32 @!p3 s3, $0x3E80;
	s23 =	smul.u32 $0x52000, s0;
	[smem:$0x7F9] =	sst s20  }
0x2f: {  	p5 =	por @!p2 p6, p5;
	s24 =	smul.u32 $0x50000, s0;
	[smem:$0x7FA] =	sst s21  }
0x30: {  	s8 =	sadd.s32 s6, s5;
	s5 =	sadd.s32 s5, s12;
	[smem:$0x7FB] =	sst s22  }
0x31: {  	p5 =	por p5, p2;
	s7 =	sadd.s32 s15, s12;
	[smem:$0x7FC] =	sst s5  }
0x32: {  	s12 =	rddreg [dreg:$0x6];
	s25 =	sshrl.u32 s23, $0x2;
	s26 =	sshrl.u32 s24, $0x2  }
0x33: {  	s15 =	smax.u32 s2, $0x1;
	s2 =	simm.s32 @!p4 $0x0;
	[smem:$0x7F8] =	sst s7  }
0x34: {  	s13 =	sadd.s32 s25, s12;
	s14 =	sadd.s32 s26, s12;
	s2 =	simm.s32 @p4 $0x1  }
.Ltmp0:
0x35: {  	s25 =	simm.s32 $0x1;
	s26 =	simm.s32 $0x4180;
	(pc) =	sbr.rel .LBB2_1-.Ltmp0, $4  }
0x36: {  	_ =	strace $0x80000047;
	[smem:$0x7FD] =	sst s2;
	s16 =	sadd.s32 $0x4000, s13  }
0x37: {  	s17 =	sadd.s32 $0x8000, s13;
	s18 =	sadd.s32 $0xC000, s13;
	s19 =	sadd.s32 $0x10000, s13  }
0x38: {  	s20 =	sadd.s32 $0x14000, s13;
	s21 =	sadd.s32 $0x4000, s14;
	s22 =	sadd.s32 $0x8000, s14  }
0x39: {  	s23 =	sadd.s32 $0xC000, s14;
	s24 =	sadd.s32 $0x10000, s14;
	s2 =	simm.s32 $0x0  }
.LBB2_43:
0x3a: {  	[spmem:s13] =	stream.linear.scatter [tilespmem:s26], [sflag:$0x1], $0x4000, $0x38;
	[tilespmem:$0x1C980] =	vst v63  }
0x3b: {  	_ =	swait.ge [sflag:s25], $0x4000  }
0x3c: {  	[sflag:s25] =	ssyncset.done $0x0  }
0x3d: {  	[sflag:s25] =	ssyncadd.s32 $0xFFFFC000  }
0x3e: {  	[spmem:s16] =	stream.linear.scatter [tilespmem:s26], [sflag:$0x1], $0x4000, $0x38;
	[tilespmem:$0x1C980] =	vst v63  }
0x3f: {  	_ =	swait.ge [sflag:s25], $0x4000  }
0x40: {  	[sflag:s25] =	ssyncset.done $0x0  }
0x41: {  	[sflag:s25] =	ssyncadd.s32 $0xFFFFC000  }
0x42: {  	[spmem:s17] =	stream.linear.scatter [tilespmem:s26], [sflag:$0x1], $0x4000, $0x38;
	[tilespmem:$0x1C980] =	vst v63  }
0x43: {  	_ =	swait.ge [sflag:s25], $0x4000  }
0x44: {  	[sflag:s25] =	ssyncset.done $0x0  }
0x45: {  	[sflag:s25] =	ssyncadd.s32 $0xFFFFC000  }
0x46: {  	[spmem:s18] =	stream.linear.scatter [tilespmem:s26], [sflag:$0x1], $0x4000, $0x38;
	[tilespmem:$0x1C980] =	vst v63  }
0x47: {  	_ =	swait.ge [sflag:s25], $0x4000  }
0x48: {  	[sflag:s25] =	ssyncset.done $0x0  }
0x49: {  	[sflag:s25] =	ssyncadd.s32 $0xFFFFC000  }
0x4a: {  	[spmem:s19] =	stream.linear.scatter [tilespmem:s26], [sflag:$0x1], $0x4000, $0x38;
	[tilespmem:$0x1C980] =	vst v63  }
0x4b: {  	_ =	swait.ge [sflag:s25], $0x4000  }
0x4c: {  	s2 =	sadd.s32 $0x1, s2;
	[sflag:s25] =	ssyncset.done $0x0  }
0x4d: {  	p4 =	sne.s32 s2, s15;
	[sflag:s25] =	ssyncadd.s32 $0xFFFFC000  }
0x4e: {  	[spmem:s20] =	stream.linear.scatter [tilespmem:s26], [sflag:$0x1], $0x800, $0x38;
	[tilespmem:$0x1C980] =	vst v63  }
.Ltmp1:
0x4f: {  	_ =	swait.ge [sflag:s25], $0x800;
	(pc) =	sbr.rel @!p4 .LBB2_44-.Ltmp1, $3  }
0x50: {  	[sflag:s25] =	ssyncset.done $0x0  }
0x51: {  	[sflag:s25] =	ssyncadd.s32 $0xFFFFF800  }
0x52: {  	[bflag:$0x0] =	sbarrier.arrive $0xFFFF;
	_ =	sdelay $0x1  }
.LBB2_1:
0x53: {  	s3 =	rddreg [dreg:$0x3]  }
0x54: {  	[tilespmem:s1], [sflag:$0x1] =	stream.linear.gather [hbm4b:s3+s1], $0x80, $0x38;
	[tilespmem:$0x1C980] =	vst v63  }
0x55: {  	_ =	swait.ge [sflag:s25], $0x80  }
0x56: {  	[sflag:s25] =	ssyncset.done $0x0  }
0x57: {  	[sflag:s25] =	ssyncadd.s32 $0xFFFFFF80  }
0x58: {  	s7 =	rddreg [dreg:$0x4]  }
0x59: {  	[tilespmem:s26], [sflag:$0x1] =	stream.linear.gather [hbm4b:s7+s1], $0x4000, $0x38;
	[tilespmem:$0x1C980] =	vst v63  }
0x5a: {  	_ =	swait.ge [sflag:s25], $0x4000  }
0x5b: {  	[sflag:s25] =	ssyncset.done $0x0  }
0x5c: {  	[sflag:s25] =	ssyncadd.s32 $0xFFFFC000  }
0x5d: {  	[spmem:s13] =	stream.linear.scatter [tilespmem:s26], [sflag:$0x1], $0x4000, $0x38;
	[tilespmem:$0x1C980] =	vst v63  }
0x5e: {  	_ =	swait.ge [sflag:s25], $0x4000  }
0x5f: {  	[sflag:s25] =	ssyncset.done $0x0  }
0x60: {  	[sflag:s25] =	ssyncadd.s32 $0xFFFFC000  }
0x61: {  	[spmem:s16] =	stream.linear.scatter [tilespmem:s26], [sflag:$0x1], $0x4000, $0x38;
	[tilespmem:$0x1C980] =	vst v63  }
0x62: {  	_ =	swait.ge [sflag:s25], $0x4000  }
0x63: {  	[sflag:s25] =	ssyncset.done $0x0  }
0x64: {  	[sflag:s25] =	ssyncadd.s32 $0xFFFFC000  }
0x65: {  	[spmem:s17] =	stream.linear.scatter [tilespmem:s26], [sflag:$0x1], $0x4000, $0x38;
	[tilespmem:$0x1C980] =	vst v63  }
0x66: {  	_ =	swait.ge [sflag:s25], $0x4000  }
0x67: {  	[sflag:s25] =	ssyncset.done $0x0  }
0x68: {  	[sflag:s25] =	ssyncadd.s32 $0xFFFFC000  }
0x69: {  	[spmem:s18] =	stream.linear.scatter [tilespmem:s26], [sflag:$0x1], $0x4000, $0x38;
	[tilespmem:$0x1C980] =	vst v63  }
0x6a: {  	_ =	swait.ge [sflag:s25], $0x4000  }
0x6b: {  	[sflag:s25] =	ssyncset.done $0x0  }
0x6c: {  	[sflag:s25] =	ssyncadd.s32 $0xFFFFC000  }
0x6d: {  	[spmem:s19] =	stream.linear.scatter [tilespmem:s26], [sflag:$0x1], $0x4000, $0x38;
	[tilespmem:$0x1C980] =	vst v63  }
0x6e: {  	_ =	swait.ge [sflag:s25], $0x4000  }
0x6f: {  	[sflag:s25] =	ssyncset.done $0x0  }
0x70: {  	[sflag:s25] =	ssyncadd.s32 $0xFFFFC000  }
0x71: {  	[spmem:s20] =	stream.linear.scatter [tilespmem:s26], [sflag:$0x1], $0x800, $0x38;
	[tilespmem:$0x1C980] =	vst v63  }
0x72: {  	_ =	swait.ge [sflag:s25], $0x800  }
0x73: {  	[sflag:s25] =	ssyncset.done $0x0  }
0x74: {  	[sflag:s25] =	ssyncadd.s32 $0xFFFFF800  }
0x75: {  	[bflag:$0x0] =	sbarrier.arrive $0xFFFF  }
0x76: {  	v0 =	vld [tilespmem:$0x0];
	_ =	sdelay $0x4  }
0x77: {  	(v2sf) =	vpush v0, $0x0  }
0x78: {  	(v2sf) =	vpush v0, $0x1  }
0x79: {  	(v2sf) =	vpush v0, $0x2;
	_ =	sdelay $0xc  }
0x7a: {  	s4 =	spop (v2sf)  }
0x7b: {  	s5 =	spop (v2sf)  }
0x7c: {  	s3 =	spop (v2sf)  }
0x7d: {  	s6 =	smov.u32 s3  }
0x7e: {  	s6 =	smov.u32 @p0 s5;
	s5 =	smov.u32 @p0 s4  }
0x7f: {  	s4 =	sadd.s32 s0, s5  }
0x80: {  	s5 =	ssub.s32 s6, s4  }
0x81: {  	s5 =	sadd.s32 $0xF, s5  }
0x82: {  	p4 =	slt.s32 s5, $0x10  }
.Ltmp2:
0x83: {  	_ = 	snop;
	(pc) =	sbr.rel @p4 .LBB2_6-.Ltmp2, $2  }
0x84: {  	_ =	sdelay $0x2  }
0x85: {  	v1 =	vld [tilespmem:$0x10]  }
0x86: {  	s6 =	sshra.s32 s5, $0x1F  }
0x87: {  	s6 =	sshrl.u32 s6, $0x1C  }
0x88: {  	s7 =	sadd.s32 s6, s5  }
0x89: {  	s6 =	sshra.s32 s7, $0x4  }
0x8a: {  	p4 =	sne.s32 s6, $0x1  }
.Ltmp3:
0x8b: {  	_ = 	snop;
	(pc) =	sbr.rel @!p4 .LBB2_5-.Ltmp3, $3  }
0x8c: {  	_ =	sdelay $0x1  }
0x8d: {  	s5 =	sshll.u32 s4, $0x7  }
0x8e: {  	p6 =	por $0x0, $0x0;
	s4 =	sadd.s32 $0xFFFFFFFF, s6;
	s6 =	sshrl.u32 s5, $0x3  }
0x8f: {  	s7 =	sadd.s32 s10, s6  }
0x90: {  	[tilespmem:s28], [sflag:$0x1] =	stream.linear.gather [hbm4b:s7+s1], $0x80, $0x38;
	[tilespmem:$0x1C980] =	vst v63  }
0x91: {  	s7 =	sadd.s32 s11, s6  }
0x92: {  	[tilespmem:s29], [sflag:$0x2] =	stream.linear.gather [hbm4b:s7+s1], $0x80, $0x38;
	[tilespmem:$0x1C980] =	vst v63  }
0x93: {  	_ =	swait.ge [sflag:s25], $0x80  }
0x94: {  	[sflag:s25] =	ssyncset.done $0x0  }
0x95: {  	[sflag:s25] =	ssyncadd.s32 $0xFFFFFF80  }
0x96: {  	_ =	swait.ge [sflag:s30], $0x80  }
0x97: {  	[sflag:s30] =	ssyncset.done $0x0  }
0x98: {  	[sflag:s30] =	ssyncadd.s32 $0xFFFFFF80  }
0x99: {  	[tilespmem:s31], [sflag:$0x1] =	stream.indirect.gather [hbm4b:s9+s28], $0x80, s28, s28, $0xb8;
	[tilespmem:$0x1C980] =	vst v63  }
0x9a: {  	p4 =	sne.s32 s4, $0x1;
	_ =	swait.ge [sflag:s25], $0x4000  }
.Ltmp4:
0x9b: {  	[sflag:s25] =	ssyncset.done $0x0;
	(pc) =	sbr.rel @!p4 .LBB2_5-.Ltmp4, $4  }
0x9c: {  	[sflag:s25] =	ssyncadd.s32 $0xFFFFC000  }
0x9d: {  	[spmem:s12] =	stream.indirect.scatter.add.f32 [tilespmem:s31], [sflag:$0x2], $0x80, s29, s28, $0xb8;
	[tilespmem:$0x1C980] =	vst v63  }
0x9e: {  	s4 =	sadd.s32 $0xFFFFFFFF, s4;
	s5 =	sadd.s32 $0x800, s5;
	_ =	swait.ge [sflag:s30], $0x4000  }
0x9f: {  	p6 =	por $0x1, $0x1;
	s6 =	sshrl.u32 s5, $0x3;
	[sflag:s30] =	ssyncset.done $0x0  }
.LBB2_4:
0xa0: {  	p4 =	sne.s32 s4, $0x1;
	s7 =	sadd.s32 s10, s6;
	[sflag:s30] =	ssyncadd.s32 $0xFFFFC000  }
0xa1: {  	[tilespmem:s28], [sflag:$0x1] =	stream.linear.gather [hbm4b:s7+s1], $0x80, $0x38;
	[tilespmem:$0x1C980] =	vst v63  }
0xa2: {  	s4 =	sadd.s32 $0xFFFFFFFF, s4;
	s6 =	sadd.s32 s11, s6  }
0xa3: {  	[tilespmem:s29], [sflag:$0x2] =	stream.linear.gather [hbm4b:s6+s1], $0x80, $0x38;
	[tilespmem:$0x1C980] =	vst v63  }
0xa4: {  	_ =	swait.ge [sflag:s25], $0x80  }
0xa5: {  	[sflag:s25] =	ssyncset.done $0x0  }
0xa6: {  	[sflag:s25] =	ssyncadd.s32 $0xFFFFFF80  }
0xa7: {  	_ =	swait.ge [sflag:s30], $0x80  }
0xa8: {  	[sflag:s30] =	ssyncset.done $0x0  }
0xa9: {  	[sflag:s30] =	ssyncadd.s32 $0xFFFFFF80  }
0xaa: {  	[tilespmem:s31], [sflag:$0x1] =	stream.indirect.gather [hbm4b:s9+s28], $0x80, s28, s28, $0xb8;
	[tilespmem:$0x1C980] =	vst v63  }
0xab: {  	_ =	swait.ge [sflag:s25], $0x4000  }
.Ltmp5:
0xac: {  	[sflag:s25] =	ssyncset.done $0x0;
	(pc) =	sbr.rel @p4 .LBB2_4-.Ltmp5, $4  }
0xad: {  	[sflag:s25] =	ssyncadd.s32 $0xFFFFC000  }
0xae: {  	[spmem:s12] =	stream.indirect.scatter.add.f32 [tilespmem:s31], [sflag:$0x2], $0x80, s29, s28, $0xb8;
	[tilespmem:$0x1C980] =	vst v63  }
0xaf: {  	s5 =	sadd.s32 $0x800, s5;
	_ =	swait.ge [sflag:s30], $0x4000  }
0xb0: {  	s6 =	sshrl.u32 s5, $0x3;
	[sflag:s30] =	ssyncset.done $0x0  }
.LBB2_5:
0xb1: {  	s4 =	sadd.s32 s10, s6;
	[sflag:s30] =	ssyncadd.s32 @p6 $0xFFFFC000  }
0xb2: {  	[tilespmem:s28], [sflag:$0x1] =	stream.linear.gather [hbm4b:s4+s1], $0x80, $0x38;
	[tilespmem:$0x1C980] =	vst v63  }
0xb3: {  	s7 =	sadd.s32 s11, s6  }
0xb4: {  	[tilespmem:s29], [sflag:$0x2] =	stream.linear.gather [hbm4b:s7+s1], $0x80, $0x38;
	[tilespmem:$0x1C980] =	vst v63  }
0xb5: {  	_ =	swait.ge [sflag:s25], $0x80  }
0xb6: {  	[sflag:s25] =	ssyncset.done $0x0  }
0xb7: {  	[sflag:s25] =	ssyncadd.s32 $0xFFFFFF80  }
0xb8: {  	_ =	swait.ge [sflag:s30], $0x80  }
0xb9: {  	[sflag:s30] =	ssyncset.done $0x0  }
0xba: {  	[sflag:s30] =	ssyncadd.s32 $0xFFFFFF80  }
0xbb: {  	[tilespmem:s31], [sflag:$0x1] =	stream.indirect.gather [hbm4b:s9+s28], $0x80, s28, s28, $0xb8;
	[tilespmem:$0x1C980] =	vst v63  }
0xbc: {  	_ =	swait.ge [sflag:s25], $0x4000  }
0xbd: {  	[sflag:s25] =	ssyncset.done $0x0  }
0xbe: {  	[sflag:s25] =	ssyncadd.s32 $0xFFFFC000  }
0xbf: {  	[spmem:s12] =	stream.indirect.scatter.add.f32 [tilespmem:s31], [sflag:$0x2], $0x80, s29, s28, $0xb8;
	[tilespmem:$0x1C980] =	vst v63  }
0xc0: {  	_ =	swait.ge [sflag:s30], $0x4000  }
0xc1: {  	[sflag:s30] =	ssyncset.done $0x0  }
0xc2: {  	[sflag:s30] =	ssyncadd.s32 $0xFFFFC000  }
.LBB2_6:
0xc3: {  	[bflag:$0x0] =	sbarrier.arrive $0xFFFF  }
0xc4: {  	[tilespmem:s31], [sflag:$0x1] =	stream.linear.gather [spmem:s14], $0x4000, $0x38;
	[tilespmem:$0x1C980] =	vst v63  }
0xc5: {  	_ =	swait.ge [sflag:s25], $0x4000  }
0xc6: {  	s4 =	sld [smem:$0x7EF]  }
0xc7: {  	[sflag:s25] =	ssyncset.done $0x0  }
0xc8: {  	[sflag:s25] =	ssyncadd.s32 $0xFFFFC000  }
0xc9: {  	[hbm4b:s4+s1] =	stream.linear.scatter [tilespmem:s31], [sflag:$0x1], $0x4000, $0x38;
	[tilespmem:$0x1C980] =	vst v63  }
0xca: {  	_ =	swait.ge [sflag:s25], $0x4000  }
0xcb: {  	[sflag:s25] =	ssyncset.done $0x0  }
0xcc: {  	[sflag:s25] =	ssyncadd.s32 $0xFFFFC000  }
0xcd: {  	[tilespmem:s31], [sflag:$0x1] =	stream.linear.gather [spmem:s21], $0x4000, $0x38;
	[tilespmem:$0x1C980] =	vst v63  }
0xce: {  	_ =	swait.ge [sflag:s25], $0x4000  }
0xcf: {  	s7 =	sld [smem:$0x7F0]  }
0xd0: {  	[sflag:s25] =	ssyncset.done $0x0  }
0xd1: {  	[sflag:s25] =	ssyncadd.s32 $0xFFFFC000  }
0xd2: {  	[hbm4b:s7+s1] =	stream.linear.scatter [tilespmem:s31], [sflag:$0x1], $0x4000, $0x38;
	[tilespmem:$0x1C980] =	vst v63  }
0xd3: {  	_ =	swait.ge [sflag:s25], $0x4000  }
0xd4: {  	[sflag:s25] =	ssyncset.done $0x0  }
0xd5: {  	[sflag:s25] =	ssyncadd.s32 $0xFFFFC000  }
0xd6: {  	[tilespmem:s31], [sflag:$0x1] =	stream.linear.gather [spmem:s22], $0x4000, $0x38;
	[tilespmem:$0x1C980] =	vst v63  }
0xd7: {  	_ =	swait.ge [sflag:s25], $0x4000  }
0xd8: {  	s5 =	sld [smem:$0x7F1]  }
0xd9: {  	[sflag:s25] =	ssyncset.done $0x0  }
0xda: {  	[sflag:s25] =	ssyncadd.s32 $0xFFFFC000  }
0xdb: {  	[hbm4b:s5+s1] =	stream.linear.scatter [tilespmem:s31], [sflag:$0x1], $0x4000, $0x38;
	[tilespmem:$0x1C980] =	vst v63  }
0xdc: {  	_ =	swait.ge [sflag:s25], $0x4000  }
0xdd: {  	[sflag:s25] =	ssyncset.done $0x0  }
0xde: {  	[sflag:s25] =	ssyncadd.s32 $0xFFFFC000  }
0xdf: {  	[tilespmem:s31], [sflag:$0x1] =	stream.linear.gather [spmem:s23], $0x4000, $0x38;
	[tilespmem:$0x1C980] =	vst v63  }
0xe0: {  	_ =	swait.ge [sflag:s25], $0x4000  }
0xe1: {  	s6 =	sld [smem:$0x7F2]  }
0xe2: {  	[sflag:s25] =	ssyncset.done $0x0  }
0xe3: {  	[sflag:s25] =	ssyncadd.s32 $0xFFFFC000  }
0xe4: {  	[hbm4b:s6+s1] =	stream.linear.scatter [tilespmem:s31], [sflag:$0x1], $0x4000, $0x38;
	[tilespmem:$0x1C980] =	vst v63  }
0xe5: {  	_ =	swait.ge [sflag:s25], $0x4000  }
0xe6: {  	[sflag:s25] =	ssyncset.done $0x0  }
0xe7: {  	[sflag:s25] =	ssyncadd.s32 $0xFFFFC000  }
0xe8: {  	[tilespmem:s31], [sflag:$0x1] =	stream.linear.gather [spmem:s24], $0x4000, $0x38;
	[tilespmem:$0x1C980] =	vst v63  }
0xe9: {  	_ =	swait.ge [sflag:s25], $0x4000  }
0xea: {  	s7 =	sld [smem:$0x7F3]  }
0xeb: {  	[sflag:s25] =	ssyncset.done $0x0  }
0xec: {  	[sflag:s25] =	ssyncadd.s32 $0xFFFFC000  }
0xed: {  	[hbm4b:s7+s1] =	stream.linear.scatter [tilespmem:s31], [sflag:$0x1], $0x4000, $0x38;
	[tilespmem:$0x1C980] =	vst v63  }
0xee: {  	_ =	swait.ge [sflag:s25], $0x4000  }
0xef: {  	[sflag:s25] =	ssyncset.done $0x0  }
0xf0: {  	[sflag:s25] =	ssyncadd.s32 $0xFFFFC000  }
0xf1: {  	[spmem:s13] =	stream.linear.scatter [tilespmem:s26], [sflag:$0x1], $0x4000, $0x38;
	[tilespmem:$0x1C980] =	vst v63  }
0xf2: {  	_ =	swait.ge [sflag:s25], $0x4000  }
0xf3: {  	[sflag:s25] =	ssyncset.done $0x0  }
0xf4: {  	[sflag:s25] =	ssyncadd.s32 $0xFFFFC000  }
0xf5: {  	[spmem:s16] =	stream.linear.scatter [tilespmem:s26], [sflag:$0x1], $0x4000, $0x38;
	[tilespmem:$0x1C980] =	vst v63  }
0xf6: {  	_ =	swait.ge [sflag:s25], $0x4000  }
0xf7: {  	[sflag:s25] =	ssyncset.done $0x0  }
0xf8: {  	[sflag:s25] =	ssyncadd.s32 $0xFFFFC000  }
0xf9: {  	[spmem:s17] =	stream.linear.scatter [tilespmem:s26], [sflag:$0x1], $0x4000, $0x38;
	[tilespmem:$0x1C980] =	vst v63  }
0xfa: {  	_ =	swait.ge [sflag:s25], $0x4000  }
0xfb: {  	[sflag:s25] =	ssyncset.done $0x0  }
0xfc: {  	[sflag:s25] =	ssyncadd.s32 $0xFFFFC000  }
0xfd: {  	[spmem:s18] =	stream.linear.scatter [tilespmem:s26], [sflag:$0x1], $0x4000, $0x38;
	[tilespmem:$0x1C980] =	vst v63  }
0xfe: {  	_ =	swait.ge [sflag:s25], $0x4000  }
0xff: {  	[sflag:s25] =	ssyncset.done $0x0  }
0x100: {  	[sflag:s25] =	ssyncadd.s32 $0xFFFFC000  }
0x101: {  	[spmem:s19] =	stream.linear.scatter [tilespmem:s26], [sflag:$0x1], $0x4000, $0x38;
	[tilespmem:$0x1C980] =	vst v63  }
0x102: {  	_ =	swait.ge [sflag:s25], $0x4000  }
0x103: {  	[sflag:s25] =	ssyncset.done $0x0  }
0x104: {  	[sflag:s25] =	ssyncadd.s32 $0xFFFFC000  }
0x105: {  	[spmem:s20] =	stream.linear.scatter [tilespmem:s26], [sflag:$0x1], $0x800, $0x38;
	[tilespmem:$0x1C980] =	vst v63  }
0x106: {  	_ =	swait.ge [sflag:s25], $0x800  }
0x107: {  	[sflag:s25] =	ssyncset.done $0x0  }
0x108: {  	[sflag:s25] =	ssyncadd.s32 $0xFFFFF800  }
0x109: {  	[bflag:$0x0] =	sbarrier.arrive $0xFFFF  }
0x10a: {  	(v2sf) =	vpush v0, $0x3  }
0x10b: {  	(v2sf) =	vpush v0, $0x4;
	_ =	sdelay $0xd  }
0x10c: {  	s5 =	spop (v2sf)  }
0x10d: {  	s4 =	spop (v2sf)  }
0x10e: {  	s6 =	smov.u32 s4  }
0x10f: {  	s6 =	smov.u32 @p0 s5;
	s5 =	smov.u32 @p0 s3  }
0x110: {  	s3 =	sadd.s32 s0, s5  }
0x111: {  	s5 =	ssub.s32 s6, s3  }
0x112: {  	s5 =	sadd.s32 $0xF, s5  }
0x113: {  	p4 =	slt.s32 s5, $0x10  }
.Ltmp6:
0x114: {  	_ = 	snop;
	(pc) =	sbr.rel @p4 .LBB2_11-.Ltmp6, $1  }
0x115: {  	_ =	sdelay $0x3  }
0x116: {  	s6 =	sshra.s32 s5, $0x1F  }
0x117: {  	s6 =	sshrl.u32 s6, $0x1C  }
0x118: {  	s7 =	sadd.s32 s6, s5  }
0x119: {  	s6 =	sshra.s32 s7, $0x4  }
0x11a: {  	p4 =	sne.s32 s6, $0x1  }
.Ltmp7:
0x11b: {  	_ = 	snop;
	(pc) =	sbr.rel @!p4 .LBB2_10-.Ltmp7, $3  }
0x11c: {  	_ =	sdelay $0x1  }
0x11d: {  	s5 =	sshll.u32 s3, $0x7  }
0x11e: {  	p6 =	por $0x0, $0x0;
	s3 =	sadd.s32 $0xFFFFFFFF, s6;
	s6 =	sshrl.u32 s5, $0x3  }
0x11f: {  	s7 =	sadd.s32 s10, s6  }
0x120: {  	[tilespmem:s28], [sflag:$0x1] =	stream.linear.gather [hbm4b:s7+s1], $0x80, $0x38;
	[tilespmem:$0x1C980] =	vst v63  }
0x121: {  	s7 =	sadd.s32 s11, s6  }
0x122: {  	[tilespmem:s29], [sflag:$0x2] =	stream.linear.gather [hbm4b:s7+s1], $0x80, $0x38;
	[tilespmem:$0x1C980] =	vst v63  }
0x123: {  	_ =	swait.ge [sflag:s25], $0x80  }
0x124: {  	[sflag:s25] =	ssyncset.done $0x0  }
0x125: {  	[sflag:s25] =	ssyncadd.s32 $0xFFFFFF80  }
0x126: {  	_ =	swait.ge [sflag:s30], $0x80  }
0x127: {  	[sflag:s30] =	ssyncset.done $0x0  }
0x128: {  	[sflag:s30] =	ssyncadd.s32 $0xFFFFFF80  }
0x129: {  	[tilespmem:s31], [sflag:$0x1] =	stream.indirect.gather [hbm4b:s9+s28], $0x80, s28, s28, $0xb8;
	[tilespmem:$0x1C980] =	vst v63  }
0x12a: {  	p4 =	sne.s32 s3, $0x1;
	_ =	swait.ge [sflag:s25], $0x4000  }
.Ltmp8:
0x12b: {  	[sflag:s25] =	ssyncset.done $0x0;
	(pc) =	sbr.rel @!p4 .LBB2_10-.Ltmp8, $4  }
0x12c: {  	[sflag:s25] =	ssyncadd.s32 $0xFFFFC000  }
0x12d: {  	[spmem:s12] =	stream.indirect.scatter.add.f32 [tilespmem:s31], [sflag:$0x2], $0x80, s29, s28, $0xb8;
	[tilespmem:$0x1C980] =	vst v63  }
0x12e: {  	s3 =	sadd.s32 $0xFFFFFFFF, s3;
	s5 =	sadd.s32 $0x800, s5;
	_ =	swait.ge [sflag:s30], $0x4000  }
0x12f: {  	p6 =	por $0x1, $0x1;
	s6 =	sshrl.u32 s5, $0x3;
	[sflag:s30] =	ssyncset.done $0x0  }
.LBB2_9:
0x130: {  	p4 =	sne.s32 s3, $0x1;
	s7 =	sadd.s32 s10, s6;
	[sflag:s30] =	ssyncadd.s32 $0xFFFFC000  }
0x131: {  	[tilespmem:s28], [sflag:$0x1] =	stream.linear.gather [hbm4b:s7+s1], $0x80, $0x38;
	[tilespmem:$0x1C980] =	vst v63  }
0x132: {  	s3 =	sadd.s32 $0xFFFFFFFF, s3;
	s6 =	sadd.s32 s11, s6  }
0x133: {  	[tilespmem:s29], [sflag:$0x2] =	stream.linear.gather [hbm4b:s6+s1], $0x80, $0x38;
	[tilespmem:$0x1C980] =	vst v63  }
0x134: {  	_ =	swait.ge [sflag:s25], $0x80  }
0x135: {  	[sflag:s25] =	ssyncset.done $0x0  }
0x136: {  	[sflag:s25] =	ssyncadd.s32 $0xFFFFFF80  }
0x137: {  	_ =	swait.ge [sflag:s30], $0x80  }
0x138: {  	[sflag:s30] =	ssyncset.done $0x0  }
0x139: {  	[sflag:s30] =	ssyncadd.s32 $0xFFFFFF80  }
0x13a: {  	[tilespmem:s31], [sflag:$0x1] =	stream.indirect.gather [hbm4b:s9+s28], $0x80, s28, s28, $0xb8;
	[tilespmem:$0x1C980] =	vst v63  }
0x13b: {  	_ =	swait.ge [sflag:s25], $0x4000  }
.Ltmp9:
0x13c: {  	[sflag:s25] =	ssyncset.done $0x0;
	(pc) =	sbr.rel @p4 .LBB2_9-.Ltmp9, $4  }
0x13d: {  	[sflag:s25] =	ssyncadd.s32 $0xFFFFC000  }
0x13e: {  	[spmem:s12] =	stream.indirect.scatter.add.f32 [tilespmem:s31], [sflag:$0x2], $0x80, s29, s28, $0xb8;
	[tilespmem:$0x1C980] =	vst v63  }
0x13f: {  	s5 =	sadd.s32 $0x800, s5;
	_ =	swait.ge [sflag:s30], $0x4000  }
0x140: {  	s6 =	sshrl.u32 s5, $0x3;
	[sflag:s30] =	ssyncset.done $0x0  }
.LBB2_10:
0x141: {  	s3 =	sadd.s32 s10, s6;
	[sflag:s30] =	ssyncadd.s32 @p6 $0xFFFFC000  }
0x142: {  	[tilespmem:s28], [sflag:$0x1] =	stream.linear.gather [hbm4b:s3+s1], $0x80, $0x38;
	[tilespmem:$0x1C980] =	vst v63  }
0x143: {  	s7 =	sadd.s32 s11, s6  }
0x144: {  	[tilespmem:s29], [sflag:$0x2] =	stream.linear.gather [hbm4b:s7+s1], $0x80, $0x38;
	[tilespmem:$0x1C980] =	vst v63  }
0x145: {  	_ =	swait.ge [sflag:s25], $0x80  }
0x146: {  	[sflag:s25] =	ssyncset.done $0x0  }
0x147: {  	[sflag:s25] =	ssyncadd.s32 $0xFFFFFF80  }
0x148: {  	_ =	swait.ge [sflag:s30], $0x80  }
0x149: {  	[sflag:s30] =	ssyncset.done $0x0  }
0x14a: {  	[sflag:s30] =	ssyncadd.s32 $0xFFFFFF80  }
0x14b: {  	[tilespmem:s31], [sflag:$0x1] =	stream.indirect.gather [hbm4b:s9+s28], $0x80, s28, s28, $0xb8;
	[tilespmem:$0x1C980] =	vst v63  }
0x14c: {  	_ =	swait.ge [sflag:s25], $0x4000  }
0x14d: {  	[sflag:s25] =	ssyncset.done $0x0  }
0x14e: {  	[sflag:s25] =	ssyncadd.s32 $0xFFFFC000  }
0x14f: {  	[spmem:s12] =	stream.indirect.scatter.add.f32 [tilespmem:s31], [sflag:$0x2], $0x80, s29, s28, $0xb8;
	[tilespmem:$0x1C980] =	vst v63  }
0x150: {  	_ =	swait.ge [sflag:s30], $0x4000  }
0x151: {  	[sflag:s30] =	ssyncset.done $0x0  }
0x152: {  	[sflag:s30] =	ssyncadd.s32 $0xFFFFC000  }
.LBB2_11:
0x153: {  	[bflag:$0x0] =	sbarrier.arrive $0xFFFF  }
0x154: {  	[tilespmem:s31], [sflag:$0x1] =	stream.linear.gather [spmem:s14], $0x4000, $0x38;
	[tilespmem:$0x1C980] =	vst v63  }
0x155: {  	_ =	swait.ge [sflag:s25], $0x4000  }
0x156: {  	[sflag:s25] =	ssyncset.done $0x0  }
0x157: {  	s3 =	rddreg [dreg:$0x8];
	[sflag:s25] =	ssyncadd.s32 $0xFFFFC000  }
0x158: {  	[hbm4b:s3+s1] =	stream.linear.scatter [tilespmem:s31], [sflag:$0x1], $0x4000, $0x38;
	[tilespmem:$0x1C980] =	vst v63  }
0x159: {  	_ =	swait.ge [sflag:s25], $0x4000  }
0x15a: {  	[sflag:s25] =	ssyncset.done $0x0  }
0x15b: {  	[sflag:s25] =	ssyncadd.s32 $0xFFFFC000  }
0x15c: {  	[tilespmem:s31], [sflag:$0x1] =	stream.linear.gather [spmem:s21], $0x4000, $0x38;
	[tilespmem:$0x1C980] =	vst v63  }
0x15d: {  	_ =	swait.ge [sflag:s25], $0x4000  }
0x15e: {  	[sflag:s25] =	ssyncset.done $0x0  }
0x15f: {  	s7 =	rddreg [dreg:$0x9];
	[sflag:s25] =	ssyncadd.s32 $0xFFFFC000  }
0x160: {  	[hbm4b:s7+s1] =	stream.linear.scatter [tilespmem:s31], [sflag:$0x1], $0x4000, $0x38;
	[tilespmem:$0x1C980] =	vst v63  }
0x161: {  	_ =	swait.ge [sflag:s25], $0x4000  }
0x162: {  	[sflag:s25] =	ssyncset.done $0x0  }
0x163: {  	[sflag:s25] =	ssyncadd.s32 $0xFFFFC000  }
0x164: {  	[tilespmem:s31], [sflag:$0x1] =	stream.linear.gather [spmem:s22], $0x4000, $0x38;
	[tilespmem:$0x1C980] =	vst v63  }
0x165: {  	_ =	swait.ge [sflag:s25], $0x4000  }
0x166: {  	[sflag:s25] =	ssyncset.done $0x0  }
0x167: {  	s5 =	rddreg [dreg:$0xa];
	[sflag:s25] =	ssyncadd.s32 $0xFFFFC000  }
0x168: {  	[hbm4b:s5+s1] =	stream.linear.scatter [tilespmem:s31], [sflag:$0x1], $0x4000, $0x38;
	[tilespmem:$0x1C980] =	vst v63  }
0x169: {  	_ =	swait.ge [sflag:s25], $0x4000  }
0x16a: {  	[sflag:s25] =	ssyncset.done $0x0  }
0x16b: {  	[sflag:s25] =	ssyncadd.s32 $0xFFFFC000  }
0x16c: {  	[tilespmem:s31], [sflag:$0x1] =	stream.linear.gather [spmem:s23], $0x4000, $0x38;
	[tilespmem:$0x1C980] =	vst v63  }
0x16d: {  	_ =	swait.ge [sflag:s25], $0x4000  }
0x16e: {  	[sflag:s25] =	ssyncset.done $0x0  }
0x16f: {  	s6 =	rddreg [dreg:$0xb];
	[sflag:s25] =	ssyncadd.s32 $0xFFFFC000  }
0x170: {  	[hbm4b:s6+s1] =	stream.linear.scatter [tilespmem:s31], [sflag:$0x1], $0x4000, $0x38;
	[tilespmem:$0x1C980] =	vst v63  }
0x171: {  	_ =	swait.ge [sflag:s25], $0x4000  }
0x172: {  	[sflag:s25] =	ssyncset.done $0x0  }
0x173: {  	[sflag:s25] =	ssyncadd.s32 $0xFFFFC000  }
0x174: {  	[tilespmem:s31], [sflag:$0x1] =	stream.linear.gather [spmem:s24], $0x4000, $0x38;
	[tilespmem:$0x1C980] =	vst v63  }
0x175: {  	_ =	swait.ge [sflag:s25], $0x4000  }
0x176: {  	[sflag:s25] =	ssyncset.done $0x0  }
0x177: {  	s7 =	rddreg [dreg:$0xc];
	[sflag:s25] =	ssyncadd.s32 $0xFFFFC000  }
0x178: {  	[hbm4b:s7+s1] =	stream.linear.scatter [tilespmem:s31], [sflag:$0x1], $0x4000, $0x38;
	[tilespmem:$0x1C980] =	vst v63  }
0x179: {  	_ =	swait.ge [sflag:s25], $0x4000  }
0x17a: {  	[sflag:s25] =	ssyncset.done $0x0  }
0x17b: {  	[sflag:s25] =	ssyncadd.s32 $0xFFFFC000  }
0x17c: {  	[spmem:s13] =	stream.linear.scatter [tilespmem:s26], [sflag:$0x1], $0x4000, $0x38;
	[tilespmem:$0x1C980] =	vst v63  }
0x17d: {  	_ =	swait.ge [sflag:s25], $0x4000  }
0x17e: {  	[sflag:s25] =	ssyncset.done $0x0  }
0x17f: {  	[sflag:s25] =	ssyncadd.s32 $0xFFFFC000  }
0x180: {  	[spmem:s16] =	stream.linear.scatter [tilespmem:s26], [sflag:$0x1], $0x4000, $0x38;
	[tilespmem:$0x1C980] =	vst v63  }
0x181: {  	_ =	swait.ge [sflag:s25], $0x4000  }
0x182: {  	[sflag:s25] =	ssyncset.done $0x0  }
0x183: {  	[sflag:s25] =	ssyncadd.s32 $0xFFFFC000  }
0x184: {  	[spmem:s17] =	stream.linear.scatter [tilespmem:s26], [sflag:$0x1], $0x4000, $0x38;
	[tilespmem:$0x1C980] =	vst v63  }
0x185: {  	_ =	swait.ge [sflag:s25], $0x4000  }
0x186: {  	[sflag:s25] =	ssyncset.done $0x0  }
0x187: {  	[sflag:s25] =	ssyncadd.s32 $0xFFFFC000  }
0x188: {  	[spmem:s18] =	stream.linear.scatter [tilespmem:s26], [sflag:$0x1], $0x4000, $0x38;
	[tilespmem:$0x1C980] =	vst v63  }
0x189: {  	_ =	swait.ge [sflag:s25], $0x4000  }
0x18a: {  	[sflag:s25] =	ssyncset.done $0x0  }
0x18b: {  	[sflag:s25] =	ssyncadd.s32 $0xFFFFC000  }
0x18c: {  	[spmem:s19] =	stream.linear.scatter [tilespmem:s26], [sflag:$0x1], $0x4000, $0x38;
	[tilespmem:$0x1C980] =	vst v63  }
0x18d: {  	_ =	swait.ge [sflag:s25], $0x4000  }
0x18e: {  	[sflag:s25] =	ssyncset.done $0x0  }
0x18f: {  	[sflag:s25] =	ssyncadd.s32 $0xFFFFC000  }
0x190: {  	[spmem:s20] =	stream.linear.scatter [tilespmem:s26], [sflag:$0x1], $0x800, $0x38;
	[tilespmem:$0x1C980] =	vst v63  }
0x191: {  	_ =	swait.ge [sflag:s25], $0x800  }
0x192: {  	[sflag:s25] =	ssyncset.done $0x0  }
0x193: {  	[sflag:s25] =	ssyncadd.s32 $0xFFFFF800  }
0x194: {  	[bflag:$0x0] =	sbarrier.arrive $0xFFFF  }
0x195: {  	(v2sf) =	vpush v0, $0x5  }
0x196: {  	(v2sf) =	vpush v0, $0x6;
	_ =	sdelay $0xd  }
0x197: {  	s5 =	spop (v2sf)  }
0x198: {  	s3 =	spop (v2sf)  }
0x199: {  	s6 =	smov.u32 s3  }
0x19a: {  	s6 =	smov.u32 @p0 s5;
	s5 =	smov.u32 @p0 s4  }
0x19b: {  	s4 =	sadd.s32 s0, s5  }
0x19c: {  	s5 =	ssub.s32 s6, s4  }
0x19d: {  	s5 =	sadd.s32 $0xF, s5  }
0x19e: {  	p4 =	slt.s32 s5, $0x10  }
.Ltmp10:
0x19f: {  	_ = 	snop;
	(pc) =	sbr.rel @p4 .LBB2_16-.Ltmp10, $1  }
0x1a0: {  	_ =	sdelay $0x3  }
0x1a1: {  	s6 =	sshra.s32 s5, $0x1F  }
0x1a2: {  	s6 =	sshrl.u32 s6, $0x1C  }
0x1a3: {  	s7 =	sadd.s32 s6, s5  }
0x1a4: {  	s6 =	sshra.s32 s7, $0x4  }
0x1a5: {  	p4 =	sne.s32 s6, $0x1  }
.Ltmp11:
0x1a6: {  	_ = 	snop;
	(pc) =	sbr.rel @!p4 .LBB2_15-.Ltmp11, $3  }
0x1a7: {  	_ =	sdelay $0x1  }
0x1a8: {  	s5 =	sshll.u32 s4, $0x7  }
0x1a9: {  	p6 =	por $0x0, $0x0;
	s4 =	sadd.s32 $0xFFFFFFFF, s6;
	s6 =	sshrl.u32 s5, $0x3  }
0x1aa: {  	s7 =	sadd.s32 s10, s6  }
0x1ab: {  	[tilespmem:s28], [sflag:$0x1] =	stream.linear.gather [hbm4b:s7+s1], $0x80, $0x38;
	[tilespmem:$0x1C980] =	vst v63  }
0x1ac: {  	s7 =	sadd.s32 s11, s6  }
0x1ad: {  	[tilespmem:s29], [sflag:$0x2] =	stream.linear.gather [hbm4b:s7+s1], $0x80, $0x38;
	[tilespmem:$0x1C980] =	vst v63  }
0x1ae: {  	_ =	swait.ge [sflag:s25], $0x80  }
0x1af: {  	[sflag:s25] =	ssyncset.done $0x0  }
0x1b0: {  	[sflag:s25] =	ssyncadd.s32 $0xFFFFFF80  }
0x1b1: {  	_ =	swait.ge [sflag:s30], $0x80  }
0x1b2: {  	[sflag:s30] =	ssyncset.done $0x0  }
0x1b3: {  	[sflag:s30] =	ssyncadd.s32 $0xFFFFFF80  }
0x1b4: {  	[tilespmem:s31], [sflag:$0x1] =	stream.indirect.gather [hbm4b:s9+s28], $0x80, s28, s28, $0xb8;
	[tilespmem:$0x1C980] =	vst v63  }
0x1b5: {  	p4 =	sne.s32 s4, $0x1;
	_ =	swait.ge [sflag:s25], $0x4000  }
.Ltmp12:
0x1b6: {  	[sflag:s25] =	ssyncset.done $0x0;
	(pc) =	sbr.rel @!p4 .LBB2_15-.Ltmp12, $4  }
0x1b7: {  	[sflag:s25] =	ssyncadd.s32 $0xFFFFC000  }
0x1b8: {  	[spmem:s12] =	stream.indirect.scatter.add.f32 [tilespmem:s31], [sflag:$0x2], $0x80, s29, s28, $0xb8;
	[tilespmem:$0x1C980] =	vst v63  }
0x1b9: {  	s4 =	sadd.s32 $0xFFFFFFFF, s4;
	s5 =	sadd.s32 $0x800, s5;
	_ =	swait.ge [sflag:s30], $0x4000  }
0x1ba: {  	p6 =	por $0x1, $0x1;
	s6 =	sshrl.u32 s5, $0x3;
	[sflag:s30] =	ssyncset.done $0x0  }
.LBB2_14:
0x1bb: {  	p4 =	sne.s32 s4, $0x1;
	s7 =	sadd.s32 s10, s6;
	[sflag:s30] =	ssyncadd.s32 $0xFFFFC000  }
0x1bc: {  	[tilespmem:s28], [sflag:$0x1] =	stream.linear.gather [hbm4b:s7+s1], $0x80, $0x38;
	[tilespmem:$0x1C980] =	vst v63  }
0x1bd: {  	s4 =	sadd.s32 $0xFFFFFFFF, s4;
	s6 =	sadd.s32 s11, s6  }
0x1be: {  	[tilespmem:s29], [sflag:$0x2] =	stream.linear.gather [hbm4b:s6+s1], $0x80, $0x38;
	[tilespmem:$0x1C980] =	vst v63  }
0x1bf: {  	_ =	swait.ge [sflag:s25], $0x80  }
0x1c0: {  	[sflag:s25] =	ssyncset.done $0x0  }
0x1c1: {  	[sflag:s25] =	ssyncadd.s32 $0xFFFFFF80  }
0x1c2: {  	_ =	swait.ge [sflag:s30], $0x80  }
0x1c3: {  	[sflag:s30] =	ssyncset.done $0x0  }
0x1c4: {  	[sflag:s30] =	ssyncadd.s32 $0xFFFFFF80  }
0x1c5: {  	[tilespmem:s31], [sflag:$0x1] =	stream.indirect.gather [hbm4b:s9+s28], $0x80, s28, s28, $0xb8;
	[tilespmem:$0x1C980] =	vst v63  }
0x1c6: {  	_ =	swait.ge [sflag:s25], $0x4000  }
.Ltmp13:
0x1c7: {  	[sflag:s25] =	ssyncset.done $0x0;
	(pc) =	sbr.rel @p4 .LBB2_14-.Ltmp13, $4  }
0x1c8: {  	[sflag:s25] =	ssyncadd.s32 $0xFFFFC000  }
0x1c9: {  	[spmem:s12] =	stream.indirect.scatter.add.f32 [tilespmem:s31], [sflag:$0x2], $0x80, s29, s28, $0xb8;
	[tilespmem:$0x1C980] =	vst v63  }
0x1ca: {  	s5 =	sadd.s32 $0x800, s5;
	_ =	swait.ge [sflag:s30], $0x4000  }
0x1cb: {  	s6 =	sshrl.u32 s5, $0x3;
	[sflag:s30] =	ssyncset.done $0x0  }
.LBB2_15:
0x1cc: {  	s4 =	sadd.s32 s10, s6;
	[sflag:s30] =	ssyncadd.s32 @p6 $0xFFFFC000  }
0x1cd: {  	[tilespmem:s28], [sflag:$0x1] =	stream.linear.gather [hbm4b:s4+s1], $0x80, $0x38;
	[tilespmem:$0x1C980] =	vst v63  }
0x1ce: {  	s7 =	sadd.s32 s11, s6  }
0x1cf: {  	[tilespmem:s29], [sflag:$0x2] =	stream.linear.gather [hbm4b:s7+s1], $0x80, $0x38;
	[tilespmem:$0x1C980] =	vst v63  }
0x1d0: {  	_ =	swait.ge [sflag:s25], $0x80  }
0x1d1: {  	[sflag:s25] =	ssyncset.done $0x0  }
0x1d2: {  	[sflag:s25] =	ssyncadd.s32 $0xFFFFFF80  }
0x1d3: {  	_ =	swait.ge [sflag:s30], $0x80  }
0x1d4: {  	[sflag:s30] =	ssyncset.done $0x0  }
0x1d5: {  	[sflag:s30] =	ssyncadd.s32 $0xFFFFFF80  }
0x1d6: {  	[tilespmem:s31], [sflag:$0x1] =	stream.indirect.gather [hbm4b:s9+s28], $0x80, s28, s28, $0xb8;
	[tilespmem:$0x1C980] =	vst v63  }
0x1d7: {  	_ =	swait.ge [sflag:s25], $0x4000  }
0x1d8: {  	[sflag:s25] =	ssyncset.done $0x0  }
0x1d9: {  	[sflag:s25] =	ssyncadd.s32 $0xFFFFC000  }
0x1da: {  	[spmem:s12] =	stream.indirect.scatter.add.f32 [tilespmem:s31], [sflag:$0x2], $0x80, s29, s28, $0xb8;
	[tilespmem:$0x1C980] =	vst v63  }
0x1db: {  	_ =	swait.ge [sflag:s30], $0x4000  }
0x1dc: {  	[sflag:s30] =	ssyncset.done $0x0  }
0x1dd: {  	[sflag:s30] =	ssyncadd.s32 $0xFFFFC000  }
.LBB2_16:
0x1de: {  	[bflag:$0x0] =	sbarrier.arrive $0xFFFF  }
0x1df: {  	[tilespmem:s31], [sflag:$0x1] =	stream.linear.gather [spmem:s14], $0x4000, $0x38;
	[tilespmem:$0x1C980] =	vst v63  }
0x1e0: {  	_ =	swait.ge [sflag:s25], $0x4000  }
0x1e1: {  	[sflag:s25] =	ssyncset.done $0x0  }
0x1e2: {  	s4 =	rddreg [dreg:$0xd];
	[sflag:s25] =	ssyncadd.s32 $0xFFFFC000  }
0x1e3: {  	[hbm4b:s4+s1] =	stream.linear.scatter [tilespmem:s31], [sflag:$0x1], $0x4000, $0x38;
	[tilespmem:$0x1C980] =	vst v63  }
0x1e4: {  	_ =	swait.ge [sflag:s25], $0x4000  }
0x1e5: {  	[sflag:s25] =	ssyncset.done $0x0  }
0x1e6: {  	[sflag:s25] =	ssyncadd.s32 $0xFFFFC000  }
0x1e7: {  	[tilespmem:s31], [sflag:$0x1] =	stream.linear.gather [spmem:s21], $0x4000, $0x38;
	[tilespmem:$0x1C980] =	vst v63  }
0x1e8: {  	_ =	swait.ge [sflag:s25], $0x4000  }
0x1e9: {  	[sflag:s25] =	ssyncset.done $0x0  }
0x1ea: {  	s7 =	rddreg [dreg:$0xe];
	[sflag:s25] =	ssyncadd.s32 $0xFFFFC000  }
0x1eb: {  	[hbm4b:s7+s1] =	stream.linear.scatter [tilespmem:s31], [sflag:$0x1], $0x4000, $0x38;
	[tilespmem:$0x1C980] =	vst v63  }
0x1ec: {  	_ =	swait.ge [sflag:s25], $0x4000  }
0x1ed: {  	[sflag:s25] =	ssyncset.done $0x0  }
0x1ee: {  	[sflag:s25] =	ssyncadd.s32 $0xFFFFC000  }
0x1ef: {  	[tilespmem:s31], [sflag:$0x1] =	stream.linear.gather [spmem:s22], $0x4000, $0x38;
	[tilespmem:$0x1C980] =	vst v63  }
0x1f0: {  	_ =	swait.ge [sflag:s25], $0x4000  }
0x1f1: {  	[sflag:s25] =	ssyncset.done $0x0  }
0x1f2: {  	s5 =	rddreg [dreg:$0xf];
	[sflag:s25] =	ssyncadd.s32 $0xFFFFC000  }
0x1f3: {  	[hbm4b:s5+s1] =	stream.linear.scatter [tilespmem:s31], [sflag:$0x1], $0x4000, $0x38;
	[tilespmem:$0x1C980] =	vst v63  }
0x1f4: {  	_ =	swait.ge [sflag:s25], $0x4000  }
0x1f5: {  	[sflag:s25] =	ssyncset.done $0x0  }
0x1f6: {  	[sflag:s25] =	ssyncadd.s32 $0xFFFFC000  }
0x1f7: {  	[tilespmem:s31], [sflag:$0x1] =	stream.linear.gather [spmem:s23], $0x4000, $0x38;
	[tilespmem:$0x1C980] =	vst v63  }
0x1f8: {  	_ =	swait.ge [sflag:s25], $0x4000  }
0x1f9: {  	[sflag:s25] =	ssyncset.done $0x0  }
0x1fa: {  	s6 =	rddreg [dreg:$0x10];
	[sflag:s25] =	ssyncadd.s32 $0xFFFFC000  }
0x1fb: {  	[hbm4b:s6+s1] =	stream.linear.scatter [tilespmem:s31], [sflag:$0x1], $0x4000, $0x38;
	[tilespmem:$0x1C980] =	vst v63  }
0x1fc: {  	_ =	swait.ge [sflag:s25], $0x4000  }
0x1fd: {  	[sflag:s25] =	ssyncset.done $0x0  }
0x1fe: {  	[sflag:s25] =	ssyncadd.s32 $0xFFFFC000  }
0x1ff: {  	[tilespmem:s31], [sflag:$0x1] =	stream.linear.gather [spmem:s24], $0x4000, $0x38;
	[tilespmem:$0x1C980] =	vst v63  }
0x200: {  	_ =	swait.ge [sflag:s25], $0x4000  }
0x201: {  	[sflag:s25] =	ssyncset.done $0x0  }
0x202: {  	s7 =	rddreg [dreg:$0x11];
	[sflag:s25] =	ssyncadd.s32 $0xFFFFC000  }
0x203: {  	[hbm4b:s7+s1] =	stream.linear.scatter [tilespmem:s31], [sflag:$0x1], $0x4000, $0x38;
	[tilespmem:$0x1C980] =	vst v63  }
0x204: {  	_ =	swait.ge [sflag:s25], $0x4000  }
0x205: {  	[sflag:s25] =	ssyncset.done $0x0  }
0x206: {  	[sflag:s25] =	ssyncadd.s32 $0xFFFFC000  }
0x207: {  	[spmem:s13] =	stream.linear.scatter [tilespmem:s26], [sflag:$0x1], $0x4000, $0x38;
	[tilespmem:$0x1C980] =	vst v63  }
0x208: {  	_ =	swait.ge [sflag:s25], $0x4000  }
0x209: {  	[sflag:s25] =	ssyncset.done $0x0  }
0x20a: {  	[sflag:s25] =	ssyncadd.s32 $0xFFFFC000  }
0x20b: {  	[spmem:s16] =	stream.linear.scatter [tilespmem:s26], [sflag:$0x1], $0x4000, $0x38;
	[tilespmem:$0x1C980] =	vst v63  }
0x20c: {  	_ =	swait.ge [sflag:s25], $0x4000  }
0x20d: {  	[sflag:s25] =	ssyncset.done $0x0  }
0x20e: {  	[sflag:s25] =	ssyncadd.s32 $0xFFFFC000  }
0x20f: {  	[spmem:s17] =	stream.linear.scatter [tilespmem:s26], [sflag:$0x1], $0x4000, $0x38;
	[tilespmem:$0x1C980] =	vst v63  }
0x210: {  	_ =	swait.ge [sflag:s25], $0x4000  }
0x211: {  	[sflag:s25] =	ssyncset.done $0x0  }
0x212: {  	[sflag:s25] =	ssyncadd.s32 $0xFFFFC000  }
0x213: {  	[spmem:s18] =	stream.linear.scatter [tilespmem:s26], [sflag:$0x1], $0x4000, $0x38;
	[tilespmem:$0x1C980] =	vst v63  }
0x214: {  	_ =	swait.ge [sflag:s25], $0x4000  }
0x215: {  	[sflag:s25] =	ssyncset.done $0x0  }
0x216: {  	[sflag:s25] =	ssyncadd.s32 $0xFFFFC000  }
0x217: {  	[spmem:s19] =	stream.linear.scatter [tilespmem:s26], [sflag:$0x1], $0x4000, $0x38;
	[tilespmem:$0x1C980] =	vst v63  }
0x218: {  	_ =	swait.ge [sflag:s25], $0x4000  }
0x219: {  	[sflag:s25] =	ssyncset.done $0x0  }
0x21a: {  	[sflag:s25] =	ssyncadd.s32 $0xFFFFC000  }
0x21b: {  	[spmem:s20] =	stream.linear.scatter [tilespmem:s26], [sflag:$0x1], $0x800, $0x38;
	[tilespmem:$0x1C980] =	vst v63  }
0x21c: {  	_ =	swait.ge [sflag:s25], $0x800  }
0x21d: {  	[sflag:s25] =	ssyncset.done $0x0  }
0x21e: {  	[sflag:s25] =	ssyncadd.s32 $0xFFFFF800  }
0x21f: {  	[bflag:$0x0] =	sbarrier.arrive $0xFFFF  }
0x220: {  	(v2sf) =	vpush v0, $0x7  }
0x221: {  	(v2sf) =	vpush v0, $0x8;
	_ =	sdelay $0xd  }
0x222: {  	s5 =	spop (v2sf)  }
0x223: {  	s4 =	spop (v2sf)  }
0x224: {  	s6 =	smov.u32 s4  }
0x225: {  	s6 =	smov.u32 @p0 s5;
	s5 =	smov.u32 @p0 s3  }
0x226: {  	s3 =	sadd.s32 s0, s5  }
0x227: {  	s5 =	ssub.s32 s6, s3  }
0x228: {  	s5 =	sadd.s32 $0xF, s5  }
0x229: {  	p4 =	slt.s32 s5, $0x10  }
.Ltmp14:
0x22a: {  	_ = 	snop;
	(pc) =	sbr.rel @p4 .LBB2_21-.Ltmp14, $1  }
0x22b: {  	_ =	sdelay $0x3  }
0x22c: {  	s6 =	sshra.s32 s5, $0x1F  }
0x22d: {  	s6 =	sshrl.u32 s6, $0x1C  }
0x22e: {  	s7 =	sadd.s32 s6, s5  }
0x22f: {  	s6 =	sshra.s32 s7, $0x4  }
0x230: {  	p4 =	sne.s32 s6, $0x1  }
.Ltmp15:
0x231: {  	_ = 	snop;
	(pc) =	sbr.rel @!p4 .LBB2_20-.Ltmp15, $3  }
0x232: {  	_ =	sdelay $0x1  }
0x233: {  	s5 =	sshll.u32 s3, $0x7  }
0x234: {  	p6 =	por $0x0, $0x0;
	s3 =	sadd.s32 $0xFFFFFFFF, s6;
	s6 =	sshrl.u32 s5, $0x3  }
0x235: {  	s7 =	sadd.s32 s10, s6  }
0x236: {  	[tilespmem:s28], [sflag:$0x1] =	stream.linear.gather [hbm4b:s7+s1], $0x80, $0x38;
	[tilespmem:$0x1C980] =	vst v63  }
0x237: {  	s7 =	sadd.s32 s11, s6  }
0x238: {  	[tilespmem:s29], [sflag:$0x2] =	stream.linear.gather [hbm4b:s7+s1], $0x80, $0x38;
	[tilespmem:$0x1C980] =	vst v63  }
0x239: {  	_ =	swait.ge [sflag:s25], $0x80  }
0x23a: {  	[sflag:s25] =	ssyncset.done $0x0  }
0x23b: {  	[sflag:s25] =	ssyncadd.s32 $0xFFFFFF80  }
0x23c: {  	_ =	swait.ge [sflag:s30], $0x80  }
0x23d: {  	[sflag:s30] =	ssyncset.done $0x0  }
0x23e: {  	[sflag:s30] =	ssyncadd.s32 $0xFFFFFF80  }
0x23f: {  	[tilespmem:s31], [sflag:$0x1] =	stream.indirect.gather [hbm4b:s9+s28], $0x80, s28, s28, $0xb8;
	[tilespmem:$0x1C980] =	vst v63  }
0x240: {  	p4 =	sne.s32 s3, $0x1;
	_ =	swait.ge [sflag:s25], $0x4000  }
.Ltmp16:
0x241: {  	[sflag:s25] =	ssyncset.done $0x0;
	(pc) =	sbr.rel @!p4 .LBB2_20-.Ltmp16, $4  }
0x242: {  	[sflag:s25] =	ssyncadd.s32 $0xFFFFC000  }
0x243: {  	[spmem:s12] =	stream.indirect.scatter.add.f32 [tilespmem:s31], [sflag:$0x2], $0x80, s29, s28, $0xb8;
	[tilespmem:$0x1C980] =	vst v63  }
0x244: {  	s3 =	sadd.s32 $0xFFFFFFFF, s3;
	s5 =	sadd.s32 $0x800, s5;
	_ =	swait.ge [sflag:s30], $0x4000  }
0x245: {  	p6 =	por $0x1, $0x1;
	s6 =	sshrl.u32 s5, $0x3;
	[sflag:s30] =	ssyncset.done $0x0  }
.LBB2_19:
0x246: {  	p4 =	sne.s32 s3, $0x1;
	s7 =	sadd.s32 s10, s6;
	[sflag:s30] =	ssyncadd.s32 $0xFFFFC000  }
0x247: {  	[tilespmem:s28], [sflag:$0x1] =	stream.linear.gather [hbm4b:s7+s1], $0x80, $0x38;
	[tilespmem:$0x1C980] =	vst v63  }
0x248: {  	s3 =	sadd.s32 $0xFFFFFFFF, s3;
	s6 =	sadd.s32 s11, s6  }
0x249: {  	[tilespmem:s29], [sflag:$0x2] =	stream.linear.gather [hbm4b:s6+s1], $0x80, $0x38;
	[tilespmem:$0x1C980] =	vst v63  }
0x24a: {  	_ =	swait.ge [sflag:s25], $0x80  }
0x24b: {  	[sflag:s25] =	ssyncset.done $0x0  }
0x24c: {  	[sflag:s25] =	ssyncadd.s32 $0xFFFFFF80  }
0x24d: {  	_ =	swait.ge [sflag:s30], $0x80  }
0x24e: {  	[sflag:s30] =	ssyncset.done $0x0  }
0x24f: {  	[sflag:s30] =	ssyncadd.s32 $0xFFFFFF80  }
0x250: {  	[tilespmem:s31], [sflag:$0x1] =	stream.indirect.gather [hbm4b:s9+s28], $0x80, s28, s28, $0xb8;
	[tilespmem:$0x1C980] =	vst v63  }
0x251: {  	_ =	swait.ge [sflag:s25], $0x4000  }
.Ltmp17:
0x252: {  	[sflag:s25] =	ssyncset.done $0x0;
	(pc) =	sbr.rel @p4 .LBB2_19-.Ltmp17, $4  }
0x253: {  	[sflag:s25] =	ssyncadd.s32 $0xFFFFC000  }
0x254: {  	[spmem:s12] =	stream.indirect.scatter.add.f32 [tilespmem:s31], [sflag:$0x2], $0x80, s29, s28, $0xb8;
	[tilespmem:$0x1C980] =	vst v63  }
0x255: {  	s5 =	sadd.s32 $0x800, s5;
	_ =	swait.ge [sflag:s30], $0x4000  }
0x256: {  	s6 =	sshrl.u32 s5, $0x3;
	[sflag:s30] =	ssyncset.done $0x0  }
.LBB2_20:
0x257: {  	s3 =	sadd.s32 s10, s6;
	[sflag:s30] =	ssyncadd.s32 @p6 $0xFFFFC000  }
0x258: {  	[tilespmem:s28], [sflag:$0x1] =	stream.linear.gather [hbm4b:s3+s1], $0x80, $0x38;
	[tilespmem:$0x1C980] =	vst v63  }
0x259: {  	s7 =	sadd.s32 s11, s6  }
0x25a: {  	[tilespmem:s29], [sflag:$0x2] =	stream.linear.gather [hbm4b:s7+s1], $0x80, $0x38;
	[tilespmem:$0x1C980] =	vst v63  }
0x25b: {  	_ =	swait.ge [sflag:s25], $0x80  }
0x25c: {  	[sflag:s25] =	ssyncset.done $0x0  }
0x25d: {  	[sflag:s25] =	ssyncadd.s32 $0xFFFFFF80  }
0x25e: {  	_ =	swait.ge [sflag:s30], $0x80  }
0x25f: {  	[sflag:s30] =	ssyncset.done $0x0  }
0x260: {  	[sflag:s30] =	ssyncadd.s32 $0xFFFFFF80  }
0x261: {  	[tilespmem:s31], [sflag:$0x1] =	stream.indirect.gather [hbm4b:s9+s28], $0x80, s28, s28, $0xb8;
	[tilespmem:$0x1C980] =	vst v63  }
0x262: {  	_ =	swait.ge [sflag:s25], $0x4000  }
0x263: {  	[sflag:s25] =	ssyncset.done $0x0  }
0x264: {  	[sflag:s25] =	ssyncadd.s32 $0xFFFFC000  }
0x265: {  	[spmem:s12] =	stream.indirect.scatter.add.f32 [tilespmem:s31], [sflag:$0x2], $0x80, s29, s28, $0xb8;
	[tilespmem:$0x1C980] =	vst v63  }
0x266: {  	_ =	swait.ge [sflag:s30], $0x4000  }
0x267: {  	[sflag:s30] =	ssyncset.done $0x0  }
0x268: {  	[sflag:s30] =	ssyncadd.s32 $0xFFFFC000  }
.LBB2_21:
0x269: {  	[bflag:$0x0] =	sbarrier.arrive $0xFFFF  }
0x26a: {  	[tilespmem:s31], [sflag:$0x1] =	stream.linear.gather [spmem:s14], $0x4000, $0x38;
	[tilespmem:$0x1C980] =	vst v63  }
0x26b: {  	_ =	swait.ge [sflag:s25], $0x4000  }
0x26c: {  	[sflag:s25] =	ssyncset.done $0x0  }
0x26d: {  	s3 =	rddreg [dreg:$0x12];
	[sflag:s25] =	ssyncadd.s32 $0xFFFFC000  }
0x26e: {  	[hbm4b:s3+s1] =	stream.linear.scatter [tilespmem:s31], [sflag:$0x1], $0x4000, $0x38;
	[tilespmem:$0x1C980] =	vst v63  }
0x26f: {  	_ =	swait.ge [sflag:s25], $0x4000  }
0x270: {  	[sflag:s25] =	ssyncset.done $0x0  }
0x271: {  	[sflag:s25] =	ssyncadd.s32 $0xFFFFC000  }
0x272: {  	[tilespmem:s31], [sflag:$0x1] =	stream.linear.gather [spmem:s21], $0x4000, $0x38;
	[tilespmem:$0x1C980] =	vst v63  }
0x273: {  	_ =	swait.ge [sflag:s25], $0x4000  }
0x274: {  	[sflag:s25] =	ssyncset.done $0x0  }
0x275: {  	s7 =	rddreg [dreg:$0x13];
	[sflag:s25] =	ssyncadd.s32 $0xFFFFC000  }
0x276: {  	[hbm4b:s7+s1] =	stream.linear.scatter [tilespmem:s31], [sflag:$0x1], $0x4000, $0x38;
	[tilespmem:$0x1C980] =	vst v63  }
0x277: {  	_ =	swait.ge [sflag:s25], $0x4000  }
0x278: {  	[sflag:s25] =	ssyncset.done $0x0  }
0x279: {  	[sflag:s25] =	ssyncadd.s32 $0xFFFFC000  }
0x27a: {  	[tilespmem:s31], [sflag:$0x1] =	stream.linear.gather [spmem:s22], $0x4000, $0x38;
	[tilespmem:$0x1C980] =	vst v63  }
0x27b: {  	_ =	swait.ge [sflag:s25], $0x4000  }
0x27c: {  	[sflag:s25] =	ssyncset.done $0x0  }
0x27d: {  	s5 =	rddreg [dreg:$0x14];
	[sflag:s25] =	ssyncadd.s32 $0xFFFFC000  }
0x27e: {  	[hbm4b:s5+s1] =	stream.linear.scatter [tilespmem:s31], [sflag:$0x1], $0x4000, $0x38;
	[tilespmem:$0x1C980] =	vst v63  }
0x27f: {  	_ =	swait.ge [sflag:s25], $0x4000  }
0x280: {  	[sflag:s25] =	ssyncset.done $0x0  }
0x281: {  	[sflag:s25] =	ssyncadd.s32 $0xFFFFC000  }
0x282: {  	[tilespmem:s31], [sflag:$0x1] =	stream.linear.gather [spmem:s23], $0x4000, $0x38;
	[tilespmem:$0x1C980] =	vst v63  }
0x283: {  	_ =	swait.ge [sflag:s25], $0x4000  }
0x284: {  	[sflag:s25] =	ssyncset.done $0x0  }
0x285: {  	s6 =	rddreg [dreg:$0x15];
	[sflag:s25] =	ssyncadd.s32 $0xFFFFC000  }
0x286: {  	[hbm4b:s6+s1] =	stream.linear.scatter [tilespmem:s31], [sflag:$0x1], $0x4000, $0x38;
	[tilespmem:$0x1C980] =	vst v63  }
0x287: {  	_ =	swait.ge [sflag:s25], $0x4000  }
0x288: {  	[sflag:s25] =	ssyncset.done $0x0  }
0x289: {  	[sflag:s25] =	ssyncadd.s32 $0xFFFFC000  }
0x28a: {  	[tilespmem:s31], [sflag:$0x1] =	stream.linear.gather [spmem:s24], $0x4000, $0x38;
	[tilespmem:$0x1C980] =	vst v63  }
0x28b: {  	_ =	swait.ge [sflag:s25], $0x4000  }
0x28c: {  	[sflag:s25] =	ssyncset.done $0x0  }
0x28d: {  	s7 =	rddreg [dreg:$0x16];
	[sflag:s25] =	ssyncadd.s32 $0xFFFFC000  }
0x28e: {  	[hbm4b:s7+s1] =	stream.linear.scatter [tilespmem:s31], [sflag:$0x1], $0x4000, $0x38;
	[tilespmem:$0x1C980] =	vst v63  }
0x28f: {  	_ =	swait.ge [sflag:s25], $0x4000  }
0x290: {  	[sflag:s25] =	ssyncset.done $0x0  }
0x291: {  	[sflag:s25] =	ssyncadd.s32 $0xFFFFC000  }
0x292: {  	[spmem:s13] =	stream.linear.scatter [tilespmem:s26], [sflag:$0x1], $0x4000, $0x38;
	[tilespmem:$0x1C980] =	vst v63  }
0x293: {  	_ =	swait.ge [sflag:s25], $0x4000  }
0x294: {  	[sflag:s25] =	ssyncset.done $0x0  }
0x295: {  	[sflag:s25] =	ssyncadd.s32 $0xFFFFC000  }
0x296: {  	[spmem:s16] =	stream.linear.scatter [tilespmem:s26], [sflag:$0x1], $0x4000, $0x38;
	[tilespmem:$0x1C980] =	vst v63  }
0x297: {  	_ =	swait.ge [sflag:s25], $0x4000  }
0x298: {  	[sflag:s25] =	ssyncset.done $0x0  }
0x299: {  	[sflag:s25] =	ssyncadd.s32 $0xFFFFC000  }
0x29a: {  	[spmem:s17] =	stream.linear.scatter [tilespmem:s26], [sflag:$0x1], $0x4000, $0x38;
	[tilespmem:$0x1C980] =	vst v63  }
0x29b: {  	_ =	swait.ge [sflag:s25], $0x4000  }
0x29c: {  	[sflag:s25] =	ssyncset.done $0x0  }
0x29d: {  	[sflag:s25] =	ssyncadd.s32 $0xFFFFC000  }
0x29e: {  	[spmem:s18] =	stream.linear.scatter [tilespmem:s26], [sflag:$0x1], $0x4000, $0x38;
	[tilespmem:$0x1C980] =	vst v63  }
0x29f: {  	_ =	swait.ge [sflag:s25], $0x4000  }
0x2a0: {  	[sflag:s25] =	ssyncset.done $0x0  }
0x2a1: {  	[sflag:s25] =	ssyncadd.s32 $0xFFFFC000  }
0x2a2: {  	[spmem:s19] =	stream.linear.scatter [tilespmem:s26], [sflag:$0x1], $0x4000, $0x38;
	[tilespmem:$0x1C980] =	vst v63  }
0x2a3: {  	_ =	swait.ge [sflag:s25], $0x4000  }
0x2a4: {  	[sflag:s25] =	ssyncset.done $0x0  }
0x2a5: {  	[sflag:s25] =	ssyncadd.s32 $0xFFFFC000  }
0x2a6: {  	[spmem:s20] =	stream.linear.scatter [tilespmem:s26], [sflag:$0x1], $0x800, $0x38;
	[tilespmem:$0x1C980] =	vst v63  }
0x2a7: {  	_ =	swait.ge [sflag:s25], $0x800  }
0x2a8: {  	[sflag:s25] =	ssyncset.done $0x0  }
0x2a9: {  	[sflag:s25] =	ssyncadd.s32 $0xFFFFF800  }
0x2aa: {  	[bflag:$0x0] =	sbarrier.arrive $0xFFFF  }
0x2ab: {  	(v2sf) =	vpush v0, $0x9  }
0x2ac: {  	(v2sf) =	vpush v0, $0xA;
	_ =	sdelay $0xd  }
0x2ad: {  	s5 =	spop (v2sf)  }
0x2ae: {  	s3 =	spop (v2sf)  }
0x2af: {  	s6 =	smov.u32 s3  }
0x2b0: {  	s6 =	smov.u32 @p0 s5;
	s5 =	smov.u32 @p0 s4  }
0x2b1: {  	s4 =	sadd.s32 s0, s5  }
0x2b2: {  	s5 =	ssub.s32 s6, s4  }
0x2b3: {  	s5 =	sadd.s32 $0xF, s5  }
0x2b4: {  	p4 =	slt.s32 s5, $0x10  }
.Ltmp18:
0x2b5: {  	_ = 	snop;
	(pc) =	sbr.rel @p4 .LBB2_26-.Ltmp18, $1  }
0x2b6: {  	_ =	sdelay $0x3  }
0x2b7: {  	s6 =	sshra.s32 s5, $0x1F  }
0x2b8: {  	s6 =	sshrl.u32 s6, $0x1C  }
0x2b9: {  	s7 =	sadd.s32 s6, s5  }
0x2ba: {  	s6 =	sshra.s32 s7, $0x4  }
0x2bb: {  	p4 =	sne.s32 s6, $0x1  }
.Ltmp19:
0x2bc: {  	_ = 	snop;
	(pc) =	sbr.rel @!p4 .LBB2_25-.Ltmp19, $3  }
0x2bd: {  	_ =	sdelay $0x1  }
0x2be: {  	s5 =	sshll.u32 s4, $0x7  }
0x2bf: {  	p6 =	por $0x0, $0x0;
	s4 =	sadd.s32 $0xFFFFFFFF, s6;
	s6 =	sshrl.u32 s5, $0x3  }
0x2c0: {  	s7 =	sadd.s32 s10, s6  }
0x2c1: {  	[tilespmem:s28], [sflag:$0x1] =	stream.linear.gather [hbm4b:s7+s1], $0x80, $0x38;
	[tilespmem:$0x1C980] =	vst v63  }
0x2c2: {  	s7 =	sadd.s32 s11, s6  }
0x2c3: {  	[tilespmem:s29], [sflag:$0x2] =	stream.linear.gather [hbm4b:s7+s1], $0x80, $0x38;
	[tilespmem:$0x1C980] =	vst v63  }
0x2c4: {  	_ =	swait.ge [sflag:s25], $0x80  }
0x2c5: {  	[sflag:s25] =	ssyncset.done $0x0  }
0x2c6: {  	[sflag:s25] =	ssyncadd.s32 $0xFFFFFF80  }
0x2c7: {  	_ =	swait.ge [sflag:s30], $0x80  }
0x2c8: {  	[sflag:s30] =	ssyncset.done $0x0  }
0x2c9: {  	[sflag:s30] =	ssyncadd.s32 $0xFFFFFF80  }
0x2ca: {  	[tilespmem:s31], [sflag:$0x1] =	stream.indirect.gather [hbm4b:s9+s28], $0x80, s28, s28, $0xb8;
	[tilespmem:$0x1C980] =	vst v63  }
0x2cb: {  	p4 =	sne.s32 s4, $0x1;
	_ =	swait.ge [sflag:s25], $0x4000  }
.Ltmp20:
0x2cc: {  	[sflag:s25] =	ssyncset.done $0x0;
	(pc) =	sbr.rel @!p4 .LBB2_25-.Ltmp20, $4  }
0x2cd: {  	[sflag:s25] =	ssyncadd.s32 $0xFFFFC000  }
0x2ce: {  	[spmem:s12] =	stream.indirect.scatter.add.f32 [tilespmem:s31], [sflag:$0x2], $0x80, s29, s28, $0xb8;
	[tilespmem:$0x1C980] =	vst v63  }
0x2cf: {  	s4 =	sadd.s32 $0xFFFFFFFF, s4;
	s5 =	sadd.s32 $0x800, s5;
	_ =	swait.ge [sflag:s30], $0x4000  }
0x2d0: {  	p6 =	por $0x1, $0x1;
	s6 =	sshrl.u32 s5, $0x3;
	[sflag:s30] =	ssyncset.done $0x0  }
.LBB2_24:
0x2d1: {  	p4 =	sne.s32 s4, $0x1;
	s7 =	sadd.s32 s10, s6;
	[sflag:s30] =	ssyncadd.s32 $0xFFFFC000  }
0x2d2: {  	[tilespmem:s28], [sflag:$0x1] =	stream.linear.gather [hbm4b:s7+s1], $0x80, $0x38;
	[tilespmem:$0x1C980] =	vst v63  }
0x2d3: {  	s4 =	sadd.s32 $0xFFFFFFFF, s4;
	s6 =	sadd.s32 s11, s6  }
0x2d4: {  	[tilespmem:s29], [sflag:$0x2] =	stream.linear.gather [hbm4b:s6+s1], $0x80, $0x38;
	[tilespmem:$0x1C980] =	vst v63  }
0x2d5: {  	_ =	swait.ge [sflag:s25], $0x80  }
0x2d6: {  	[sflag:s25] =	ssyncset.done $0x0  }
0x2d7: {  	[sflag:s25] =	ssyncadd.s32 $0xFFFFFF80  }
0x2d8: {  	_ =	swait.ge [sflag:s30], $0x80  }
0x2d9: {  	[sflag:s30] =	ssyncset.done $0x0  }
0x2da: {  	[sflag:s30] =	ssyncadd.s32 $0xFFFFFF80  }
0x2db: {  	[tilespmem:s31], [sflag:$0x1] =	stream.indirect.gather [hbm4b:s9+s28], $0x80, s28, s28, $0xb8;
	[tilespmem:$0x1C980] =	vst v63  }
0x2dc: {  	_ =	swait.ge [sflag:s25], $0x4000  }
.Ltmp21:
0x2dd: {  	[sflag:s25] =	ssyncset.done $0x0;
	(pc) =	sbr.rel @p4 .LBB2_24-.Ltmp21, $4  }
0x2de: {  	[sflag:s25] =	ssyncadd.s32 $0xFFFFC000  }
0x2df: {  	[spmem:s12] =	stream.indirect.scatter.add.f32 [tilespmem:s31], [sflag:$0x2], $0x80, s29, s28, $0xb8;
	[tilespmem:$0x1C980] =	vst v63  }
0x2e0: {  	s5 =	sadd.s32 $0x800, s5;
	_ =	swait.ge [sflag:s30], $0x4000  }
0x2e1: {  	s6 =	sshrl.u32 s5, $0x3;
	[sflag:s30] =	ssyncset.done $0x0  }
.LBB2_25:
0x2e2: {  	s4 =	sadd.s32 s10, s6;
	[sflag:s30] =	ssyncadd.s32 @p6 $0xFFFFC000  }
0x2e3: {  	[tilespmem:s28], [sflag:$0x1] =	stream.linear.gather [hbm4b:s4+s1], $0x80, $0x38;
	[tilespmem:$0x1C980] =	vst v63  }
0x2e4: {  	s7 =	sadd.s32 s11, s6  }
0x2e5: {  	[tilespmem:s29], [sflag:$0x2] =	stream.linear.gather [hbm4b:s7+s1], $0x80, $0x38;
	[tilespmem:$0x1C980] =	vst v63  }
0x2e6: {  	_ =	swait.ge [sflag:s25], $0x80  }
0x2e7: {  	[sflag:s25] =	ssyncset.done $0x0  }
0x2e8: {  	[sflag:s25] =	ssyncadd.s32 $0xFFFFFF80  }
0x2e9: {  	_ =	swait.ge [sflag:s30], $0x80  }
0x2ea: {  	[sflag:s30] =	ssyncset.done $0x0  }
0x2eb: {  	[sflag:s30] =	ssyncadd.s32 $0xFFFFFF80  }
0x2ec: {  	[tilespmem:s31], [sflag:$0x1] =	stream.indirect.gather [hbm4b:s9+s28], $0x80, s28, s28, $0xb8;
	[tilespmem:$0x1C980] =	vst v63  }
0x2ed: {  	_ =	swait.ge [sflag:s25], $0x4000  }
0x2ee: {  	[sflag:s25] =	ssyncset.done $0x0  }
0x2ef: {  	[sflag:s25] =	ssyncadd.s32 $0xFFFFC000  }
0x2f0: {  	[spmem:s12] =	stream.indirect.scatter.add.f32 [tilespmem:s31], [sflag:$0x2], $0x80, s29, s28, $0xb8;
	[tilespmem:$0x1C980] =	vst v63  }
0x2f1: {  	_ =	swait.ge [sflag:s30], $0x4000  }
0x2f2: {  	[sflag:s30] =	ssyncset.done $0x0  }
0x2f3: {  	[sflag:s30] =	ssyncadd.s32 $0xFFFFC000  }
.LBB2_26:
0x2f4: {  	[bflag:$0x0] =	sbarrier.arrive $0xFFFF  }
0x2f5: {  	[tilespmem:s31], [sflag:$0x1] =	stream.linear.gather [spmem:s14], $0x4000, $0x38;
	[tilespmem:$0x1C980] =	vst v63  }
0x2f6: {  	_ =	swait.ge [sflag:s25], $0x4000  }
0x2f7: {  	[sflag:s25] =	ssyncset.done $0x0  }
0x2f8: {  	s4 =	rddreg [dreg:$0x17];
	[sflag:s25] =	ssyncadd.s32 $0xFFFFC000  }
0x2f9: {  	[hbm4b:s4+s1] =	stream.linear.scatter [tilespmem:s31], [sflag:$0x1], $0x4000, $0x38;
	[tilespmem:$0x1C980] =	vst v63  }
0x2fa: {  	_ =	swait.ge [sflag:s25], $0x4000  }
0x2fb: {  	[sflag:s25] =	ssyncset.done $0x0  }
0x2fc: {  	[sflag:s25] =	ssyncadd.s32 $0xFFFFC000  }
0x2fd: {  	[tilespmem:s31], [sflag:$0x1] =	stream.linear.gather [spmem:s21], $0x4000, $0x38;
	[tilespmem:$0x1C980] =	vst v63  }
0x2fe: {  	_ =	swait.ge [sflag:s25], $0x4000  }
0x2ff: {  	[sflag:s25] =	ssyncset.done $0x0  }
0x300: {  	s7 =	rddreg [dreg:$0x18];
	[sflag:s25] =	ssyncadd.s32 $0xFFFFC000  }
0x301: {  	[hbm4b:s7+s1] =	stream.linear.scatter [tilespmem:s31], [sflag:$0x1], $0x4000, $0x38;
	[tilespmem:$0x1C980] =	vst v63  }
0x302: {  	_ =	swait.ge [sflag:s25], $0x4000  }
0x303: {  	[sflag:s25] =	ssyncset.done $0x0  }
0x304: {  	[sflag:s25] =	ssyncadd.s32 $0xFFFFC000  }
0x305: {  	[tilespmem:s31], [sflag:$0x1] =	stream.linear.gather [spmem:s22], $0x4000, $0x38;
	[tilespmem:$0x1C980] =	vst v63  }
0x306: {  	_ =	swait.ge [sflag:s25], $0x4000  }
0x307: {  	[sflag:s25] =	ssyncset.done $0x0  }
0x308: {  	s5 =	rddreg [dreg:$0x19];
	[sflag:s25] =	ssyncadd.s32 $0xFFFFC000  }
0x309: {  	[hbm4b:s5+s1] =	stream.linear.scatter [tilespmem:s31], [sflag:$0x1], $0x4000, $0x38;
	[tilespmem:$0x1C980] =	vst v63  }
0x30a: {  	_ =	swait.ge [sflag:s25], $0x4000  }
0x30b: {  	[sflag:s25] =	ssyncset.done $0x0  }
0x30c: {  	[sflag:s25] =	ssyncadd.s32 $0xFFFFC000  }
0x30d: {  	[tilespmem:s31], [sflag:$0x1] =	stream.linear.gather [spmem:s23], $0x4000, $0x38;
	[tilespmem:$0x1C980] =	vst v63  }
0x30e: {  	_ =	swait.ge [sflag:s25], $0x4000  }
0x30f: {  	[sflag:s25] =	ssyncset.done $0x0  }
0x310: {  	s6 =	rddreg [dreg:$0x1a];
	[sflag:s25] =	ssyncadd.s32 $0xFFFFC000  }
0x311: {  	[hbm4b:s6+s1] =	stream.linear.scatter [tilespmem:s31], [sflag:$0x1], $0x4000, $0x38;
	[tilespmem:$0x1C980] =	vst v63  }
0x312: {  	_ =	swait.ge [sflag:s25], $0x4000  }
0x313: {  	[sflag:s25] =	ssyncset.done $0x0  }
0x314: {  	[sflag:s25] =	ssyncadd.s32 $0xFFFFC000  }
0x315: {  	[tilespmem:s31], [sflag:$0x1] =	stream.linear.gather [spmem:s24], $0x4000, $0x38;
	[tilespmem:$0x1C980] =	vst v63  }
0x316: {  	_ =	swait.ge [sflag:s25], $0x4000  }
0x317: {  	[sflag:s25] =	ssyncset.done $0x0  }
0x318: {  	s7 =	rddreg [dreg:$0x1b];
	[sflag:s25] =	ssyncadd.s32 $0xFFFFC000  }
0x319: {  	[hbm4b:s7+s1] =	stream.linear.scatter [tilespmem:s31], [sflag:$0x1], $0x4000, $0x38;
	[tilespmem:$0x1C980] =	vst v63  }
0x31a: {  	_ =	swait.ge [sflag:s25], $0x4000  }
0x31b: {  	[sflag:s25] =	ssyncset.done $0x0  }
0x31c: {  	[sflag:s25] =	ssyncadd.s32 $0xFFFFC000  }
0x31d: {  	[spmem:s13] =	stream.linear.scatter [tilespmem:s26], [sflag:$0x1], $0x4000, $0x38;
	[tilespmem:$0x1C980] =	vst v63  }
0x31e: {  	_ =	swait.ge [sflag:s25], $0x4000  }
0x31f: {  	[sflag:s25] =	ssyncset.done $0x0  }
0x320: {  	[sflag:s25] =	ssyncadd.s32 $0xFFFFC000  }
0x321: {  	[spmem:s16] =	stream.linear.scatter [tilespmem:s26], [sflag:$0x1], $0x4000, $0x38;
	[tilespmem:$0x1C980] =	vst v63  }
0x322: {  	_ =	swait.ge [sflag:s25], $0x4000  }
0x323: {  	[sflag:s25] =	ssyncset.done $0x0  }
0x324: {  	[sflag:s25] =	ssyncadd.s32 $0xFFFFC000  }
0x325: {  	[spmem:s17] =	stream.linear.scatter [tilespmem:s26], [sflag:$0x1], $0x4000, $0x38;
	[tilespmem:$0x1C980] =	vst v63  }
0x326: {  	_ =	swait.ge [sflag:s25], $0x4000  }
0x327: {  	[sflag:s25] =	ssyncset.done $0x0  }
0x328: {  	[sflag:s25] =	ssyncadd.s32 $0xFFFFC000  }
0x329: {  	[spmem:s18] =	stream.linear.scatter [tilespmem:s26], [sflag:$0x1], $0x4000, $0x38;
	[tilespmem:$0x1C980] =	vst v63  }
0x32a: {  	_ =	swait.ge [sflag:s25], $0x4000  }
0x32b: {  	[sflag:s25] =	ssyncset.done $0x0  }
0x32c: {  	[sflag:s25] =	ssyncadd.s32 $0xFFFFC000  }
0x32d: {  	[spmem:s19] =	stream.linear.scatter [tilespmem:s26], [sflag:$0x1], $0x4000, $0x38;
	[tilespmem:$0x1C980] =	vst v63  }
0x32e: {  	_ =	swait.ge [sflag:s25], $0x4000  }
0x32f: {  	[sflag:s25] =	ssyncset.done $0x0  }
0x330: {  	[sflag:s25] =	ssyncadd.s32 $0xFFFFC000  }
0x331: {  	[spmem:s20] =	stream.linear.scatter [tilespmem:s26], [sflag:$0x1], $0x800, $0x38;
	[tilespmem:$0x1C980] =	vst v63  }
0x332: {  	_ =	swait.ge [sflag:s25], $0x800  }
0x333: {  	[sflag:s25] =	ssyncset.done $0x0  }
0x334: {  	[sflag:s25] =	ssyncadd.s32 $0xFFFFF800  }
0x335: {  	[bflag:$0x0] =	sbarrier.arrive $0xFFFF  }
0x336: {  	(v2sf) =	vpush v0, $0xB  }
0x337: {  	(v2sf) =	vpush v0, $0xC;
	_ =	sdelay $0xd  }
0x338: {  	s5 =	spop (v2sf)  }
0x339: {  	s4 =	spop (v2sf)  }
0x33a: {  	s6 =	smov.u32 s4  }
0x33b: {  	s6 =	smov.u32 @p0 s5;
	s5 =	smov.u32 @p0 s3  }
0x33c: {  	s3 =	sadd.s32 s0, s5  }
0x33d: {  	s5 =	ssub.s32 s6, s3  }
0x33e: {  	s5 =	sadd.s32 $0xF, s5  }
0x33f: {  	p4 =	slt.s32 s5, $0x10  }
.Ltmp22:
0x340: {  	_ = 	snop;
	(pc) =	sbr.rel @p4 .LBB2_31-.Ltmp22, $1  }
0x341: {  	_ =	sdelay $0x3  }
0x342: {  	s6 =	sshra.s32 s5, $0x1F  }
0x343: {  	s6 =	sshrl.u32 s6, $0x1C  }
0x344: {  	s7 =	sadd.s32 s6, s5  }
0x345: {  	s6 =	sshra.s32 s7, $0x4  }
0x346: {  	p4 =	sne.s32 s6, $0x1  }
.Ltmp23:
0x347: {  	_ = 	snop;
	(pc) =	sbr.rel @!p4 .LBB2_30-.Ltmp23, $3  }
0x348: {  	_ =	sdelay $0x1  }
0x349: {  	s5 =	sshll.u32 s3, $0x7  }
0x34a: {  	p6 =	por $0x0, $0x0;
	s3 =	sadd.s32 $0xFFFFFFFF, s6;
	s6 =	sshrl.u32 s5, $0x3  }
0x34b: {  	s7 =	sadd.s32 s10, s6  }
0x34c: {  	[tilespmem:s28], [sflag:$0x1] =	stream.linear.gather [hbm4b:s7+s1], $0x80, $0x38;
	[tilespmem:$0x1C980] =	vst v63  }
0x34d: {  	s7 =	sadd.s32 s11, s6  }
0x34e: {  	[tilespmem:s29], [sflag:$0x2] =	stream.linear.gather [hbm4b:s7+s1], $0x80, $0x38;
	[tilespmem:$0x1C980] =	vst v63  }
0x34f: {  	_ =	swait.ge [sflag:s25], $0x80  }
0x350: {  	[sflag:s25] =	ssyncset.done $0x0  }
0x351: {  	[sflag:s25] =	ssyncadd.s32 $0xFFFFFF80  }
0x352: {  	_ =	swait.ge [sflag:s30], $0x80  }
0x353: {  	[sflag:s30] =	ssyncset.done $0x0  }
0x354: {  	[sflag:s30] =	ssyncadd.s32 $0xFFFFFF80  }
0x355: {  	[tilespmem:s31], [sflag:$0x1] =	stream.indirect.gather [hbm4b:s9+s28], $0x80, s28, s28, $0xb8;
	[tilespmem:$0x1C980] =	vst v63  }
0x356: {  	p4 =	sne.s32 s3, $0x1;
	_ =	swait.ge [sflag:s25], $0x4000  }
.Ltmp24:
0x357: {  	[sflag:s25] =	ssyncset.done $0x0;
	(pc) =	sbr.rel @!p4 .LBB2_30-.Ltmp24, $4  }
0x358: {  	[sflag:s25] =	ssyncadd.s32 $0xFFFFC000  }
0x359: {  	[spmem:s12] =	stream.indirect.scatter.add.f32 [tilespmem:s31], [sflag:$0x2], $0x80, s29, s28, $0xb8;
	[tilespmem:$0x1C980] =	vst v63  }
0x35a: {  	s3 =	sadd.s32 $0xFFFFFFFF, s3;
	s5 =	sadd.s32 $0x800, s5;
	_ =	swait.ge [sflag:s30], $0x4000  }
0x35b: {  	p6 =	por $0x1, $0x1;
	s6 =	sshrl.u32 s5, $0x3;
	[sflag:s30] =	ssyncset.done $0x0  }
.LBB2_29:
0x35c: {  	p4 =	sne.s32 s3, $0x1;
	s7 =	sadd.s32 s10, s6;
	[sflag:s30] =	ssyncadd.s32 $0xFFFFC000  }
0x35d: {  	[tilespmem:s28], [sflag:$0x1] =	stream.linear.gather [hbm4b:s7+s1], $0x80, $0x38;
	[tilespmem:$0x1C980] =	vst v63  }
0x35e: {  	s3 =	sadd.s32 $0xFFFFFFFF, s3;
	s6 =	sadd.s32 s11, s6  }
0x35f: {  	[tilespmem:s29], [sflag:$0x2] =	stream.linear.gather [hbm4b:s6+s1], $0x80, $0x38;
	[tilespmem:$0x1C980] =	vst v63  }
0x360: {  	_ =	swait.ge [sflag:s25], $0x80  }
0x361: {  	[sflag:s25] =	ssyncset.done $0x0  }
0x362: {  	[sflag:s25] =	ssyncadd.s32 $0xFFFFFF80  }
0x363: {  	_ =	swait.ge [sflag:s30], $0x80  }
0x364: {  	[sflag:s30] =	ssyncset.done $0x0  }
0x365: {  	[sflag:s30] =	ssyncadd.s32 $0xFFFFFF80  }
0x366: {  	[tilespmem:s31], [sflag:$0x1] =	stream.indirect.gather [hbm4b:s9+s28], $0x80, s28, s28, $0xb8;
	[tilespmem:$0x1C980] =	vst v63  }
0x367: {  	_ =	swait.ge [sflag:s25], $0x4000  }
.Ltmp25:
0x368: {  	[sflag:s25] =	ssyncset.done $0x0;
	(pc) =	sbr.rel @p4 .LBB2_29-.Ltmp25, $4  }
0x369: {  	[sflag:s25] =	ssyncadd.s32 $0xFFFFC000  }
0x36a: {  	[spmem:s12] =	stream.indirect.scatter.add.f32 [tilespmem:s31], [sflag:$0x2], $0x80, s29, s28, $0xb8;
	[tilespmem:$0x1C980] =	vst v63  }
0x36b: {  	s5 =	sadd.s32 $0x800, s5;
	_ =	swait.ge [sflag:s30], $0x4000  }
0x36c: {  	s6 =	sshrl.u32 s5, $0x3;
	[sflag:s30] =	ssyncset.done $0x0  }
.LBB2_30:
0x36d: {  	s3 =	sadd.s32 s10, s6;
	[sflag:s30] =	ssyncadd.s32 @p6 $0xFFFFC000  }
0x36e: {  	[tilespmem:s28], [sflag:$0x1] =	stream.linear.gather [hbm4b:s3+s1], $0x80, $0x38;
	[tilespmem:$0x1C980] =	vst v63  }
0x36f: {  	s7 =	sadd.s32 s11, s6  }
0x370: {  	[tilespmem:s29], [sflag:$0x2] =	stream.linear.gather [hbm4b:s7+s1], $0x80, $0x38;
	[tilespmem:$0x1C980] =	vst v63  }
0x371: {  	_ =	swait.ge [sflag:s25], $0x80  }
0x372: {  	[sflag:s25] =	ssyncset.done $0x0  }
0x373: {  	[sflag:s25] =	ssyncadd.s32 $0xFFFFFF80  }
0x374: {  	_ =	swait.ge [sflag:s30], $0x80  }
0x375: {  	[sflag:s30] =	ssyncset.done $0x0  }
0x376: {  	[sflag:s30] =	ssyncadd.s32 $0xFFFFFF80  }
0x377: {  	[tilespmem:s31], [sflag:$0x1] =	stream.indirect.gather [hbm4b:s9+s28], $0x80, s28, s28, $0xb8;
	[tilespmem:$0x1C980] =	vst v63  }
0x378: {  	_ =	swait.ge [sflag:s25], $0x4000  }
0x379: {  	[sflag:s25] =	ssyncset.done $0x0  }
0x37a: {  	[sflag:s25] =	ssyncadd.s32 $0xFFFFC000  }
0x37b: {  	[spmem:s12] =	stream.indirect.scatter.add.f32 [tilespmem:s31], [sflag:$0x2], $0x80, s29, s28, $0xb8;
	[tilespmem:$0x1C980] =	vst v63  }
0x37c: {  	_ =	swait.ge [sflag:s30], $0x4000  }
0x37d: {  	[sflag:s30] =	ssyncset.done $0x0  }
0x37e: {  	[sflag:s30] =	ssyncadd.s32 $0xFFFFC000  }
.LBB2_31:
0x37f: {  	[bflag:$0x0] =	sbarrier.arrive $0xFFFF  }
0x380: {  	[tilespmem:s31], [sflag:$0x1] =	stream.linear.gather [spmem:s14], $0x4000, $0x38;
	[tilespmem:$0x1C980] =	vst v63  }
0x381: {  	_ =	swait.ge [sflag:s25], $0x4000  }
0x382: {  	[sflag:s25] =	ssyncset.done $0x0  }
0x383: {  	s3 =	rddreg [dreg:$0x1c];
	[sflag:s25] =	ssyncadd.s32 $0xFFFFC000  }
0x384: {  	[hbm4b:s3+s1] =	stream.linear.scatter [tilespmem:s31], [sflag:$0x1], $0x4000, $0x38;
	[tilespmem:$0x1C980] =	vst v63  }
0x385: {  	_ =	swait.ge [sflag:s25], $0x4000  }
0x386: {  	[sflag:s25] =	ssyncset.done $0x0  }
0x387: {  	[sflag:s25] =	ssyncadd.s32 $0xFFFFC000  }
0x388: {  	[tilespmem:s31], [sflag:$0x1] =	stream.linear.gather [spmem:s21], $0x4000, $0x38;
	[tilespmem:$0x1C980] =	vst v63  }
0x389: {  	_ =	swait.ge [sflag:s25], $0x4000  }
0x38a: {  	[sflag:s25] =	ssyncset.done $0x0  }
0x38b: {  	s7 =	rddreg [dreg:$0x1d];
	[sflag:s25] =	ssyncadd.s32 $0xFFFFC000  }
0x38c: {  	[hbm4b:s7+s1] =	stream.linear.scatter [tilespmem:s31], [sflag:$0x1], $0x4000, $0x38;
	[tilespmem:$0x1C980] =	vst v63  }
0x38d: {  	_ =	swait.ge [sflag:s25], $0x4000  }
0x38e: {  	[sflag:s25] =	ssyncset.done $0x0  }
0x38f: {  	[sflag:s25] =	ssyncadd.s32 $0xFFFFC000  }
0x390: {  	[tilespmem:s31], [sflag:$0x1] =	stream.linear.gather [spmem:s22], $0x4000, $0x38;
	[tilespmem:$0x1C980] =	vst v63  }
0x391: {  	_ =	swait.ge [sflag:s25], $0x4000  }
0x392: {  	[sflag:s25] =	ssyncset.done $0x0  }
0x393: {  	s5 =	rddreg [dreg:$0x1e];
	[sflag:s25] =	ssyncadd.s32 $0xFFFFC000  }
0x394: {  	[hbm4b:s5+s1] =	stream.linear.scatter [tilespmem:s31], [sflag:$0x1], $0x4000, $0x38;
	[tilespmem:$0x1C980] =	vst v63  }
0x395: {  	_ =	swait.ge [sflag:s25], $0x4000  }
0x396: {  	[sflag:s25] =	ssyncset.done $0x0  }
0x397: {  	[sflag:s25] =	ssyncadd.s32 $0xFFFFC000  }
0x398: {  	[tilespmem:s31], [sflag:$0x1] =	stream.linear.gather [spmem:s23], $0x4000, $0x38;
	[tilespmem:$0x1C980] =	vst v63  }
0x399: {  	_ =	swait.ge [sflag:s25], $0x4000  }
0x39a: {  	[sflag:s25] =	ssyncset.done $0x0  }
0x39b: {  	s6 =	rddreg [dreg:$0x1f];
	[sflag:s25] =	ssyncadd.s32 $0xFFFFC000  }
0x39c: {  	[hbm4b:s6+s1] =	stream.linear.scatter [tilespmem:s31], [sflag:$0x1], $0x4000, $0x38;
	[tilespmem:$0x1C980] =	vst v63  }
0x39d: {  	_ =	swait.ge [sflag:s25], $0x4000  }
0x39e: {  	[sflag:s25] =	ssyncset.done $0x0  }
0x39f: {  	[sflag:s25] =	ssyncadd.s32 $0xFFFFC000  }
0x3a0: {  	[tilespmem:s31], [sflag:$0x1] =	stream.linear.gather [spmem:s24], $0x4000, $0x38;
	[tilespmem:$0x1C980] =	vst v63  }
0x3a1: {  	_ =	swait.ge [sflag:s25], $0x4000  }
0x3a2: {  	s7 =	sld [smem:$0x7EE]  }
0x3a3: {  	[sflag:s25] =	ssyncset.done $0x0  }
0x3a4: {  	[sflag:s25] =	ssyncadd.s32 $0xFFFFC000  }
0x3a5: {  	[hbm4b:s7+s1] =	stream.linear.scatter [tilespmem:s31], [sflag:$0x1], $0x4000, $0x38;
	[tilespmem:$0x1C980] =	vst v63  }
0x3a6: {  	_ =	swait.ge [sflag:s25], $0x4000  }
0x3a7: {  	[sflag:s25] =	ssyncset.done $0x0  }
0x3a8: {  	[sflag:s25] =	ssyncadd.s32 $0xFFFFC000  }
0x3a9: {  	[spmem:s13] =	stream.linear.scatter [tilespmem:s26], [sflag:$0x1], $0x4000, $0x38;
	[tilespmem:$0x1C980] =	vst v63  }
0x3aa: {  	_ =	swait.ge [sflag:s25], $0x4000  }
0x3ab: {  	[sflag:s25] =	ssyncset.done $0x0  }
0x3ac: {  	[sflag:s25] =	ssyncadd.s32 $0xFFFFC000  }
0x3ad: {  	[spmem:s16] =	stream.linear.scatter [tilespmem:s26], [sflag:$0x1], $0x4000, $0x38;
	[tilespmem:$0x1C980] =	vst v63  }
0x3ae: {  	_ =	swait.ge [sflag:s25], $0x4000  }
0x3af: {  	[sflag:s25] =	ssyncset.done $0x0  }
0x3b0: {  	[sflag:s25] =	ssyncadd.s32 $0xFFFFC000  }
0x3b1: {  	[spmem:s17] =	stream.linear.scatter [tilespmem:s26], [sflag:$0x1], $0x4000, $0x38;
	[tilespmem:$0x1C980] =	vst v63  }
0x3b2: {  	_ =	swait.ge [sflag:s25], $0x4000  }
0x3b3: {  	[sflag:s25] =	ssyncset.done $0x0  }
0x3b4: {  	[sflag:s25] =	ssyncadd.s32 $0xFFFFC000  }
0x3b5: {  	[spmem:s18] =	stream.linear.scatter [tilespmem:s26], [sflag:$0x1], $0x4000, $0x38;
	[tilespmem:$0x1C980] =	vst v63  }
0x3b6: {  	_ =	swait.ge [sflag:s25], $0x4000  }
0x3b7: {  	[sflag:s25] =	ssyncset.done $0x0  }
0x3b8: {  	[sflag:s25] =	ssyncadd.s32 $0xFFFFC000  }
0x3b9: {  	[spmem:s19] =	stream.linear.scatter [tilespmem:s26], [sflag:$0x1], $0x4000, $0x38;
	[tilespmem:$0x1C980] =	vst v63  }
0x3ba: {  	_ =	swait.ge [sflag:s25], $0x4000  }
0x3bb: {  	[sflag:s25] =	ssyncset.done $0x0  }
0x3bc: {  	[sflag:s25] =	ssyncadd.s32 $0xFFFFC000  }
0x3bd: {  	[spmem:s20] =	stream.linear.scatter [tilespmem:s26], [sflag:$0x1], $0x800, $0x38;
	[tilespmem:$0x1C980] =	vst v63  }
0x3be: {  	_ =	swait.ge [sflag:s25], $0x800  }
0x3bf: {  	[sflag:s25] =	ssyncset.done $0x0  }
0x3c0: {  	[sflag:s25] =	ssyncadd.s32 $0xFFFFF800  }
0x3c1: {  	[bflag:$0x0] =	sbarrier.arrive $0xFFFF  }
0x3c2: {  	(v2sf) =	vpush v0, $0xD  }
0x3c3: {  	(v2sf) =	vpush v0, $0xE;
	_ =	sdelay $0xd  }
0x3c4: {  	s5 =	spop (v2sf)  }
0x3c5: {  	s3 =	spop (v2sf)  }
0x3c6: {  	s6 =	smov.u32 s3  }
0x3c7: {  	s6 =	smov.u32 @p0 s5;
	s5 =	smov.u32 @p0 s4  }
0x3c8: {  	s4 =	sadd.s32 s0, s5  }
0x3c9: {  	s5 =	ssub.s32 s6, s4  }
0x3ca: {  	s5 =	sadd.s32 $0xF, s5  }
0x3cb: {  	p4 =	slt.s32 s5, $0x10  }
.Ltmp26:
0x3cc: {  	_ = 	snop;
	(pc) =	sbr.rel @p4 .LBB2_36-.Ltmp26, $1  }
0x3cd: {  	_ =	sdelay $0x3  }
0x3ce: {  	s6 =	sshra.s32 s5, $0x1F  }
0x3cf: {  	s6 =	sshrl.u32 s6, $0x1C  }
0x3d0: {  	s7 =	sadd.s32 s6, s5  }
0x3d1: {  	s6 =	sshra.s32 s7, $0x4  }
0x3d2: {  	p4 =	sne.s32 s6, $0x1  }
.Ltmp27:
0x3d3: {  	_ = 	snop;
	(pc) =	sbr.rel @!p4 .LBB2_35-.Ltmp27, $3  }
0x3d4: {  	_ =	sdelay $0x1  }
0x3d5: {  	s5 =	sshll.u32 s4, $0x7  }
0x3d6: {  	p6 =	por $0x0, $0x0;
	s4 =	sadd.s32 $0xFFFFFFFF, s6;
	s6 =	sshrl.u32 s5, $0x3  }
0x3d7: {  	s7 =	sadd.s32 s10, s6  }
0x3d8: {  	[tilespmem:s28], [sflag:$0x1] =	stream.linear.gather [hbm4b:s7+s1], $0x80, $0x38;
	[tilespmem:$0x1C980] =	vst v63  }
0x3d9: {  	s7 =	sadd.s32 s11, s6  }
0x3da: {  	[tilespmem:s29], [sflag:$0x2] =	stream.linear.gather [hbm4b:s7+s1], $0x80, $0x38;
	[tilespmem:$0x1C980] =	vst v63  }
0x3db: {  	_ =	swait.ge [sflag:s25], $0x80  }
0x3dc: {  	[sflag:s25] =	ssyncset.done $0x0  }
0x3dd: {  	[sflag:s25] =	ssyncadd.s32 $0xFFFFFF80  }
0x3de: {  	_ =	swait.ge [sflag:s30], $0x80  }
0x3df: {  	[sflag:s30] =	ssyncset.done $0x0  }
0x3e0: {  	[sflag:s30] =	ssyncadd.s32 $0xFFFFFF80  }
0x3e1: {  	[tilespmem:s31], [sflag:$0x1] =	stream.indirect.gather [hbm4b:s9+s28], $0x80, s28, s28, $0xb8;
	[tilespmem:$0x1C980] =	vst v63  }
0x3e2: {  	p4 =	sne.s32 s4, $0x1;
	_ =	swait.ge [sflag:s25], $0x4000  }
.Ltmp28:
0x3e3: {  	[sflag:s25] =	ssyncset.done $0x0;
	(pc) =	sbr.rel @!p4 .LBB2_35-.Ltmp28, $4  }
0x3e4: {  	[sflag:s25] =	ssyncadd.s32 $0xFFFFC000  }
0x3e5: {  	[spmem:s12] =	stream.indirect.scatter.add.f32 [tilespmem:s31], [sflag:$0x2], $0x80, s29, s28, $0xb8;
	[tilespmem:$0x1C980] =	vst v63  }
0x3e6: {  	s4 =	sadd.s32 $0xFFFFFFFF, s4;
	s5 =	sadd.s32 $0x800, s5;
	_ =	swait.ge [sflag:s30], $0x4000  }
0x3e7: {  	p6 =	por $0x1, $0x1;
	s6 =	sshrl.u32 s5, $0x3;
	[sflag:s30] =	ssyncset.done $0x0  }
.LBB2_34:
0x3e8: {  	p4 =	sne.s32 s4, $0x1;
	s7 =	sadd.s32 s10, s6;
	[sflag:s30] =	ssyncadd.s32 $0xFFFFC000  }
0x3e9: {  	[tilespmem:s28], [sflag:$0x1] =	stream.linear.gather [hbm4b:s7+s1], $0x80, $0x38;
	[tilespmem:$0x1C980] =	vst v63  }
0x3ea: {  	s4 =	sadd.s32 $0xFFFFFFFF, s4;
	s6 =	sadd.s32 s11, s6  }
0x3eb: {  	[tilespmem:s29], [sflag:$0x2] =	stream.linear.gather [hbm4b:s6+s1], $0x80, $0x38;
	[tilespmem:$0x1C980] =	vst v63  }
0x3ec: {  	_ =	swait.ge [sflag:s25], $0x80  }
0x3ed: {  	[sflag:s25] =	ssyncset.done $0x0  }
0x3ee: {  	[sflag:s25] =	ssyncadd.s32 $0xFFFFFF80  }
0x3ef: {  	_ =	swait.ge [sflag:s30], $0x80  }
0x3f0: {  	[sflag:s30] =	ssyncset.done $0x0  }
0x3f1: {  	[sflag:s30] =	ssyncadd.s32 $0xFFFFFF80  }
0x3f2: {  	[tilespmem:s31], [sflag:$0x1] =	stream.indirect.gather [hbm4b:s9+s28], $0x80, s28, s28, $0xb8;
	[tilespmem:$0x1C980] =	vst v63  }
0x3f3: {  	_ =	swait.ge [sflag:s25], $0x4000  }
.Ltmp29:
0x3f4: {  	[sflag:s25] =	ssyncset.done $0x0;
	(pc) =	sbr.rel @p4 .LBB2_34-.Ltmp29, $4  }
0x3f5: {  	[sflag:s25] =	ssyncadd.s32 $0xFFFFC000  }
0x3f6: {  	[spmem:s12] =	stream.indirect.scatter.add.f32 [tilespmem:s31], [sflag:$0x2], $0x80, s29, s28, $0xb8;
	[tilespmem:$0x1C980] =	vst v63  }
0x3f7: {  	s5 =	sadd.s32 $0x800, s5;
	_ =	swait.ge [sflag:s30], $0x4000  }
0x3f8: {  	s6 =	sshrl.u32 s5, $0x3;
	[sflag:s30] =	ssyncset.done $0x0  }
.LBB2_35:
0x3f9: {  	s4 =	sadd.s32 s10, s6;
	[sflag:s30] =	ssyncadd.s32 @p6 $0xFFFFC000  }
0x3fa: {  	[tilespmem:s28], [sflag:$0x1] =	stream.linear.gather [hbm4b:s4+s1], $0x80, $0x38;
	[tilespmem:$0x1C980] =	vst v63  }
0x3fb: {  	s7 =	sadd.s32 s11, s6  }
0x3fc: {  	[tilespmem:s29], [sflag:$0x2] =	stream.linear.gather [hbm4b:s7+s1], $0x80, $0x38;
	[tilespmem:$0x1C980] =	vst v63  }
0x3fd: {  	_ =	swait.ge [sflag:s25], $0x80  }
0x3fe: {  	[sflag:s25] =	ssyncset.done $0x0  }
0x3ff: {  	[sflag:s25] =	ssyncadd.s32 $0xFFFFFF80  }
0x400: {  	_ =	swait.ge [sflag:s30], $0x80  }
0x401: {  	[sflag:s30] =	ssyncset.done $0x0  }
0x402: {  	[sflag:s30] =	ssyncadd.s32 $0xFFFFFF80  }
0x403: {  	[tilespmem:s31], [sflag:$0x1] =	stream.indirect.gather [hbm4b:s9+s28], $0x80, s28, s28, $0xb8;
	[tilespmem:$0x1C980] =	vst v63  }
0x404: {  	_ =	swait.ge [sflag:s25], $0x4000  }
0x405: {  	[sflag:s25] =	ssyncset.done $0x0  }
0x406: {  	[sflag:s25] =	ssyncadd.s32 $0xFFFFC000  }
0x407: {  	[spmem:s12] =	stream.indirect.scatter.add.f32 [tilespmem:s31], [sflag:$0x2], $0x80, s29, s28, $0xb8;
	[tilespmem:$0x1C980] =	vst v63  }
0x408: {  	_ =	swait.ge [sflag:s30], $0x4000  }
0x409: {  	[sflag:s30] =	ssyncset.done $0x0  }
0x40a: {  	[sflag:s30] =	ssyncadd.s32 $0xFFFFC000  }
.LBB2_36:
0x40b: {  	[bflag:$0x0] =	sbarrier.arrive $0xFFFF  }
0x40c: {  	[tilespmem:s31], [sflag:$0x1] =	stream.linear.gather [spmem:s14], $0x4000, $0x38;
	[tilespmem:$0x1C980] =	vst v63  }
0x40d: {  	_ =	swait.ge [sflag:s25], $0x4000  }
0x40e: {  	s4 =	sld [smem:$0x7F4]  }
0x40f: {  	[sflag:s25] =	ssyncset.done $0x0  }
0x410: {  	[sflag:s25] =	ssyncadd.s32 $0xFFFFC000  }
0x411: {  	[hbm4b:s4+s1] =	stream.linear.scatter [tilespmem:s31], [sflag:$0x1], $0x4000, $0x38;
	[tilespmem:$0x1C980] =	vst v63  }
0x412: {  	_ =	swait.ge [sflag:s25], $0x4000  }
0x413: {  	[sflag:s25] =	ssyncset.done $0x0  }
0x414: {  	[sflag:s25] =	ssyncadd.s32 $0xFFFFC000  }
0x415: {  	[tilespmem:s31], [sflag:$0x1] =	stream.linear.gather [spmem:s21], $0x4000, $0x38;
	[tilespmem:$0x1C980] =	vst v63  }
0x416: {  	_ =	swait.ge [sflag:s25], $0x4000  }
0x417: {  	s7 =	sld [smem:$0x7F5]  }
0x418: {  	[sflag:s25] =	ssyncset.done $0x0  }
0x419: {  	[sflag:s25] =	ssyncadd.s32 $0xFFFFC000  }
0x41a: {  	[hbm4b:s7+s1] =	stream.linear.scatter [tilespmem:s31], [sflag:$0x1], $0x4000, $0x38;
	[tilespmem:$0x1C980] =	vst v63  }
0x41b: {  	_ =	swait.ge [sflag:s25], $0x4000  }
0x41c: {  	[sflag:s25] =	ssyncset.done $0x0  }
0x41d: {  	[sflag:s25] =	ssyncadd.s32 $0xFFFFC000  }
0x41e: {  	[tilespmem:s31], [sflag:$0x1] =	stream.linear.gather [spmem:s22], $0x4000, $0x38;
	[tilespmem:$0x1C980] =	vst v63  }
0x41f: {  	_ =	swait.ge [sflag:s25], $0x4000  }
0x420: {  	s5 =	sld [smem:$0x7F6]  }
0x421: {  	[sflag:s25] =	ssyncset.done $0x0  }
0x422: {  	[sflag:s25] =	ssyncadd.s32 $0xFFFFC000  }
0x423: {  	[hbm4b:s5+s1] =	stream.linear.scatter [tilespmem:s31], [sflag:$0x1], $0x4000, $0x38;
	[tilespmem:$0x1C980] =	vst v63  }
0x424: {  	_ =	swait.ge [sflag:s25], $0x4000  }
0x425: {  	[sflag:s25] =	ssyncset.done $0x0  }
0x426: {  	[sflag:s25] =	ssyncadd.s32 $0xFFFFC000  }
0x427: {  	[tilespmem:s31], [sflag:$0x1] =	stream.linear.gather [spmem:s23], $0x4000, $0x38;
	[tilespmem:$0x1C980] =	vst v63  }
0x428: {  	_ =	swait.ge [sflag:s25], $0x4000  }
0x429: {  	s6 =	sld [smem:$0x7F7]  }
0x42a: {  	[sflag:s25] =	ssyncset.done $0x0  }
0x42b: {  	[sflag:s25] =	ssyncadd.s32 $0xFFFFC000  }
0x42c: {  	[hbm4b:s6+s1] =	stream.linear.scatter [tilespmem:s31], [sflag:$0x1], $0x4000, $0x38;
	[tilespmem:$0x1C980] =	vst v63  }
0x42d: {  	_ =	swait.ge [sflag:s25], $0x4000  }
0x42e: {  	[sflag:s25] =	ssyncset.done $0x0  }
0x42f: {  	[sflag:s25] =	ssyncadd.s32 $0xFFFFC000  }
0x430: {  	[tilespmem:s31], [sflag:$0x1] =	stream.linear.gather [spmem:s24], $0x4000, $0x38;
	[tilespmem:$0x1C980] =	vst v63  }
0x431: {  	_ =	swait.ge [sflag:s25], $0x4000  }
0x432: {  	s7 =	sld [smem:$0x7F8]  }
0x433: {  	[sflag:s25] =	ssyncset.done $0x0  }
0x434: {  	[sflag:s25] =	ssyncadd.s32 $0xFFFFC000  }
0x435: {  	[hbm4b:s7+s1] =	stream.linear.scatter [tilespmem:s31], [sflag:$0x1], $0x4000, $0x38;
	[tilespmem:$0x1C980] =	vst v63  }
0x436: {  	_ =	swait.ge [sflag:s25], $0x4000  }
0x437: {  	[sflag:s25] =	ssyncset.done $0x0  }
0x438: {  	[sflag:s25] =	ssyncadd.s32 $0xFFFFC000  }
0x439: {  	[spmem:s13] =	stream.linear.scatter [tilespmem:s26], [sflag:$0x1], $0x4000, $0x38;
	[tilespmem:$0x1C980] =	vst v63  }
0x43a: {  	_ =	swait.ge [sflag:s25], $0x4000  }
0x43b: {  	[sflag:s25] =	ssyncset.done $0x0  }
0x43c: {  	[sflag:s25] =	ssyncadd.s32 $0xFFFFC000  }
0x43d: {  	[spmem:s16] =	stream.linear.scatter [tilespmem:s26], [sflag:$0x1], $0x4000, $0x38;
	[tilespmem:$0x1C980] =	vst v63  }
0x43e: {  	_ =	swait.ge [sflag:s25], $0x4000  }
0x43f: {  	[sflag:s25] =	ssyncset.done $0x0  }
0x440: {  	[sflag:s25] =	ssyncadd.s32 $0xFFFFC000  }
0x441: {  	[spmem:s17] =	stream.linear.scatter [tilespmem:s26], [sflag:$0x1], $0x4000, $0x38;
	[tilespmem:$0x1C980] =	vst v63  }
0x442: {  	_ =	swait.ge [sflag:s25], $0x4000  }
0x443: {  	[sflag:s25] =	ssyncset.done $0x0  }
0x444: {  	[sflag:s25] =	ssyncadd.s32 $0xFFFFC000  }
0x445: {  	[spmem:s18] =	stream.linear.scatter [tilespmem:s26], [sflag:$0x1], $0x4000, $0x38;
	[tilespmem:$0x1C980] =	vst v63  }
0x446: {  	_ =	swait.ge [sflag:s25], $0x4000  }
0x447: {  	[sflag:s25] =	ssyncset.done $0x0  }
0x448: {  	[sflag:s25] =	ssyncadd.s32 $0xFFFFC000  }
0x449: {  	[spmem:s19] =	stream.linear.scatter [tilespmem:s26], [sflag:$0x1], $0x4000, $0x38;
	[tilespmem:$0x1C980] =	vst v63  }
0x44a: {  	_ =	swait.ge [sflag:s25], $0x4000  }
0x44b: {  	[sflag:s25] =	ssyncset.done $0x0  }
0x44c: {  	[sflag:s25] =	ssyncadd.s32 $0xFFFFC000  }
0x44d: {  	[spmem:s20] =	stream.linear.scatter [tilespmem:s26], [sflag:$0x1], $0x800, $0x38;
	[tilespmem:$0x1C980] =	vst v63  }
0x44e: {  	_ =	swait.ge [sflag:s25], $0x800  }
0x44f: {  	[sflag:s25] =	ssyncset.done $0x0  }
0x450: {  	[sflag:s25] =	ssyncadd.s32 $0xFFFFF800  }
0x451: {  	[bflag:$0x0] =	sbarrier.arrive $0xFFFF  }
0x452: {  	(v2sf) =	vpush v0, $0xF  }
0x453: {  	(v2sf) =	vpush v1, $0x0;
	_ =	sdelay $0xd  }
0x454: {  	s4 =	spop (v2sf)  }
0x455: {  	s5 =	spop (v2sf)  }
0x456: {  	s5 =	smov.u32 @p0 s4;
	s4 =	smov.u32 @p0 s3  }
0x457: {  	s3 =	sadd.s32 s0, s4  }
0x458: {  	s4 =	ssub.s32 s5, s3  }
0x459: {  	s4 =	sadd.s32 $0xF, s4  }
0x45a: {  	p4 =	slt.s32 s4, $0x10  }
.Ltmp30:
0x45b: {  	_ = 	snop;
	(pc) =	sbr.rel @p4 .LBB2_41-.Ltmp30, $1  }
0x45c: {  	_ =	sdelay $0x3  }
0x45d: {  	s5 =	sshra.s32 s4, $0x1F  }
0x45e: {  	s5 =	sshrl.u32 s5, $0x1C  }
0x45f: {  	s7 =	sadd.s32 s5, s4  }
0x460: {  	s5 =	sshra.s32 s7, $0x4  }
0x461: {  	p4 =	sne.s32 s5, $0x1  }
.Ltmp31:
0x462: {  	_ = 	snop;
	(pc) =	sbr.rel @!p4 .LBB2_40-.Ltmp31, $3  }
0x463: {  	_ =	sdelay $0x1  }
0x464: {  	s4 =	sshll.u32 s3, $0x7  }
0x465: {  	p6 =	por $0x0, $0x0;
	s3 =	sadd.s32 $0xFFFFFFFF, s5;
	s5 =	sshrl.u32 s4, $0x3  }
0x466: {  	s6 =	sadd.s32 s10, s5  }
0x467: {  	[tilespmem:s28], [sflag:$0x1] =	stream.linear.gather [hbm4b:s6+s1], $0x80, $0x38;
	[tilespmem:$0x1C980] =	vst v63  }
0x468: {  	s7 =	sadd.s32 s11, s5  }
0x469: {  	[tilespmem:s29], [sflag:$0x2] =	stream.linear.gather [hbm4b:s7+s1], $0x80, $0x38;
	[tilespmem:$0x1C980] =	vst v63  }
0x46a: {  	_ =	swait.ge [sflag:s25], $0x80  }
0x46b: {  	[sflag:s25] =	ssyncset.done $0x0  }
0x46c: {  	[sflag:s25] =	ssyncadd.s32 $0xFFFFFF80  }
0x46d: {  	_ =	swait.ge [sflag:s30], $0x80  }
0x46e: {  	[sflag:s30] =	ssyncset.done $0x0  }
0x46f: {  	[sflag:s30] =	ssyncadd.s32 $0xFFFFFF80  }
0x470: {  	[tilespmem:s31], [sflag:$0x1] =	stream.indirect.gather [hbm4b:s9+s28], $0x80, s28, s28, $0xb8;
	[tilespmem:$0x1C980] =	vst v63  }
0x471: {  	p4 =	sne.s32 s3, $0x1;
	_ =	swait.ge [sflag:s25], $0x4000  }
.Ltmp32:
0x472: {  	[sflag:s25] =	ssyncset.done $0x0;
	(pc) =	sbr.rel @!p4 .LBB2_40-.Ltmp32, $4  }
0x473: {  	[sflag:s25] =	ssyncadd.s32 $0xFFFFC000  }
0x474: {  	[spmem:s12] =	stream.indirect.scatter.add.f32 [tilespmem:s31], [sflag:$0x2], $0x80, s29, s28, $0xb8;
	[tilespmem:$0x1C980] =	vst v63  }
0x475: {  	s3 =	sadd.s32 $0xFFFFFFFF, s3;
	s4 =	sadd.s32 $0x800, s4;
	_ =	swait.ge [sflag:s30], $0x4000  }
0x476: {  	p6 =	por $0x1, $0x1;
	s5 =	sshrl.u32 s4, $0x3;
	[sflag:s30] =	ssyncset.done $0x0  }
.LBB2_39:
0x477: {  	p4 =	sne.s32 s3, $0x1;
	s6 =	sadd.s32 s10, s5;
	[sflag:s30] =	ssyncadd.s32 $0xFFFFC000  }
0x478: {  	[tilespmem:s28], [sflag:$0x1] =	stream.linear.gather [hbm4b:s6+s1], $0x80, $0x38;
	[tilespmem:$0x1C980] =	vst v63  }
0x479: {  	s3 =	sadd.s32 $0xFFFFFFFF, s3;
	s5 =	sadd.s32 s11, s5  }
0x47a: {  	[tilespmem:s29], [sflag:$0x2] =	stream.linear.gather [hbm4b:s5+s1], $0x80, $0x38;
	[tilespmem:$0x1C980] =	vst v63  }
0x47b: {  	_ =	swait.ge [sflag:s25], $0x80  }
0x47c: {  	[sflag:s25] =	ssyncset.done $0x0  }
0x47d: {  	[sflag:s25] =	ssyncadd.s32 $0xFFFFFF80  }
0x47e: {  	_ =	swait.ge [sflag:s30], $0x80  }
0x47f: {  	[sflag:s30] =	ssyncset.done $0x0  }
0x480: {  	[sflag:s30] =	ssyncadd.s32 $0xFFFFFF80  }
0x481: {  	[tilespmem:s31], [sflag:$0x1] =	stream.indirect.gather [hbm4b:s9+s28], $0x80, s28, s28, $0xb8;
	[tilespmem:$0x1C980] =	vst v63  }
0x482: {  	_ =	swait.ge [sflag:s25], $0x4000  }
.Ltmp33:
0x483: {  	[sflag:s25] =	ssyncset.done $0x0;
	(pc) =	sbr.rel @p4 .LBB2_39-.Ltmp33, $4  }
0x484: {  	[sflag:s25] =	ssyncadd.s32 $0xFFFFC000  }
0x485: {  	[spmem:s12] =	stream.indirect.scatter.add.f32 [tilespmem:s31], [sflag:$0x2], $0x80, s29, s28, $0xb8;
	[tilespmem:$0x1C980] =	vst v63  }
0x486: {  	s4 =	sadd.s32 $0x800, s4;
	_ =	swait.ge [sflag:s30], $0x4000  }
0x487: {  	s5 =	sshrl.u32 s4, $0x3;
	[sflag:s30] =	ssyncset.done $0x0  }
.LBB2_40:
0x488: {  	s3 =	sadd.s32 s10, s5;
	[sflag:s30] =	ssyncadd.s32 @p6 $0xFFFFC000  }
0x489: {  	[tilespmem:s28], [sflag:$0x1] =	stream.linear.gather [hbm4b:s3+s1], $0x80, $0x38;
	[tilespmem:$0x1C980] =	vst v63  }
0x48a: {  	s7 =	sadd.s32 s11, s5  }
0x48b: {  	[tilespmem:s29], [sflag:$0x2] =	stream.linear.gather [hbm4b:s7+s1], $0x80, $0x38;
	[tilespmem:$0x1C980] =	vst v63  }
0x48c: {  	_ =	swait.ge [sflag:s25], $0x80  }
0x48d: {  	[sflag:s25] =	ssyncset.done $0x0  }
0x48e: {  	[sflag:s25] =	ssyncadd.s32 $0xFFFFFF80  }
0x48f: {  	_ =	swait.ge [sflag:s30], $0x80  }
0x490: {  	[sflag:s30] =	ssyncset.done $0x0  }
0x491: {  	[sflag:s30] =	ssyncadd.s32 $0xFFFFFF80  }
0x492: {  	[tilespmem:s31], [sflag:$0x1] =	stream.indirect.gather [hbm4b:s9+s28], $0x80, s28, s28, $0xb8;
	[tilespmem:$0x1C980] =	vst v63  }
0x493: {  	_ =	swait.ge [sflag:s25], $0x4000  }
0x494: {  	[sflag:s25] =	ssyncset.done $0x0  }
0x495: {  	[sflag:s25] =	ssyncadd.s32 $0xFFFFC000  }
0x496: {  	[spmem:s12] =	stream.indirect.scatter.add.f32 [tilespmem:s31], [sflag:$0x2], $0x80, s29, s28, $0xb8;
	[tilespmem:$0x1C980] =	vst v63  }
0x497: {  	_ =	swait.ge [sflag:s30], $0x4000  }
0x498: {  	[sflag:s30] =	ssyncset.done $0x0  }
0x499: {  	[sflag:s30] =	ssyncadd.s32 $0xFFFFC000  }
.LBB2_41:
0x49a: {  	[bflag:$0x0] =	sbarrier.arrive $0xFFFF;
	s3 =	simm.s32 @!p1 $0x180;
	s4 =	simm.s32 @!p1 $0x1  }
0x49b: {  	[tilespmem:s3], [sflag:$0x1] =	stream.linear.gather @!p1 [spmem:s14], $0x4000, $0x38;
	[tilespmem:$0x1C980] =	vst v63  }
0x49c: {  	_ =	swait.ge @!p1 [sflag:s4], $0x4000  }
0x49d: {  	[sflag:s4] =	ssyncset.done @!p1 $0x0  }
0x49e: {  	s5 =	simm.s32 @!p1 $0x0;
	[sflag:s4] =	ssyncadd.s32 @!p1 $0xFFFFC000  }
0x49f: {  	[hbm4b:s8+s5] =	stream.linear.scatter @!p1 [tilespmem:s3], [sflag:$0x1], $0x4000, $0x38;
	[tilespmem:$0x1C980] =	vst v63  }
0x4a0: {  	_ =	swait.ge @!p1 [sflag:s4], $0x4000  }
0x4a1: {  	s7 =	sld [smem:$0x7FD];
	_ =	sdelay $0x2  }
0x4a2: {  	p4 =	seq.s32 s7, $0x1  }
.Ltmp34:
0x4a3: {  	_ = 	snop;
	(pc) =	sbr.rel @p4 .LBB2_43-.Ltmp34, $3  }
0x4a4: {  	_ =	sdelay $0x1  }
0x4a5: {  	[sflag:s4] =	ssyncset.done @!p1 $0x0  }
0x4a6: {  	[sflag:s4] =	ssyncadd.s32 @!p1 $0xFFFFC000  }
0x4a7: {  	[tilespmem:s31], [sflag:$0x1] =	stream.linear.gather [spmem:s21], $0x4000, $0x38;
	[tilespmem:$0x1C980] =	vst v63  }
0x4a8: {  	_ =	swait.ge [sflag:s25], $0x4000  }
0x4a9: {  	s3 =	sld [smem:$0x7F9]  }
0x4aa: {  	[sflag:s25] =	ssyncset.done $0x0  }
0x4ab: {  	[sflag:s25] =	ssyncadd.s32 $0xFFFFC000  }
0x4ac: {  	[hbm4b:s3+s1] =	stream.linear.scatter [tilespmem:s31], [sflag:$0x1], $0x4000, $0x38;
	[tilespmem:$0x1C980] =	vst v63  }
0x4ad: {  	_ =	swait.ge [sflag:s25], $0x4000  }
0x4ae: {  	[sflag:s25] =	ssyncset.done $0x0  }
0x4af: {  	s4 =	simm.s32 @!p2 $0x1;
	s3 =	simm.s32 @!p2 $0x180;
	[sflag:s25] =	ssyncadd.s32 $0xFFFFC000  }
0x4b0: {  	[tilespmem:s3], [sflag:$0x1] =	stream.linear.gather @!p2 [spmem:s22], $0x4000, $0x38;
	[tilespmem:$0x1C980] =	vst v63  }
0x4b1: {  	_ =	swait.ge @!p2 [sflag:s4], $0x4000  }
0x4b2: {  	s6 =	sld [smem:$0x7FA]  }
0x4b3: {  	[sflag:s4] =	ssyncset.done @!p2 $0x0  }
0x4b4: {  	s5 =	simm.s32 @!p2 $0x0;
	[sflag:s4] =	ssyncadd.s32 @!p2 $0xFFFFC000  }
0x4b5: {  	[hbm4b:s6+s5] =	stream.linear.scatter @!p2 [tilespmem:s3], [sflag:$0x1], $0x4000, $0x38;
	[tilespmem:$0x1C980] =	vst v63  }
0x4b6: {  	_ =	swait.ge @!p2 [sflag:s4], $0x4000  }
0x4b7: {  	[sflag:s4] =	ssyncset.done @!p2 $0x0  }
0x4b8: {  	s3 =	simm.s32 @!p3 $0x180;
	[sflag:s4] =	ssyncadd.s32 @!p2 $0xFFFFC000;
	s4 =	simm.s32 @!p3 $0x1  }
0x4b9: {  	[tilespmem:s3], [sflag:$0x1] =	stream.linear.gather @!p3 [spmem:s23], $0x4000, $0x38;
	[tilespmem:$0x1C980] =	vst v63  }
0x4ba: {  	_ =	swait.ge @!p3 [sflag:s4], $0x4000  }
0x4bb: {  	s6 =	sld [smem:$0x7FB]  }
0x4bc: {  	[sflag:s4] =	ssyncset.done @!p3 $0x0  }
0x4bd: {  	s5 =	simm.s32 @!p3 $0x0;
	[sflag:s4] =	ssyncadd.s32 @!p3 $0xFFFFC000  }
0x4be: {  	[hbm4b:s6+s5] =	stream.linear.scatter @!p3 [tilespmem:s3], [sflag:$0x1], $0x4000, $0x38;
	[tilespmem:$0x1C980] =	vst v63  }
0x4bf: {  	_ =	swait.ge @!p3 [sflag:s4], $0x4000  }
0x4c0: {  	[sflag:s4] =	ssyncset.done @!p3 $0x0  }
0x4c1: {  	s3 =	simm.s32 @!p5 $0x180;
	[sflag:s4] =	ssyncadd.s32 @!p3 $0xFFFFC000;
	s4 =	simm.s32 @!p5 $0x1  }
0x4c2: {  	[tilespmem:s3], [sflag:$0x1] =	stream.linear.gather @!p5 [spmem:s24], $0x4000, $0x38;
	[tilespmem:$0x1C980] =	vst v63  }
0x4c3: {  	_ =	swait.ge @!p5 [sflag:s4], $0x4000  }
0x4c4: {  	s6 =	sld [smem:$0x7FC]  }
0x4c5: {  	[sflag:s4] =	ssyncset.done @!p5 $0x0  }
.Ltmp35:
0x4c6: {  	s5 =	simm.s32 @!p5 $0x0;
	[sflag:s4] =	ssyncadd.s32 @!p5 $0xFFFFC000;
	(pc) =	sbr.rel .LBB2_43-.Ltmp35, $4  }
0x4c7: {  	[hbm4b:s6+s5] =	stream.linear.scatter @!p5 [tilespmem:s3], [sflag:$0x1], $0x4000, $0x38;
	[tilespmem:$0x1C980] =	vst v63  }
0x4c8: {  	_ =	swait.ge @!p5 [sflag:s4], $0x4000  }
0x4c9: {  	[sflag:s4] =	ssyncset.done @!p5 $0x0  }
0x4ca: {  	[sflag:s4] =	ssyncadd.s32 @!p5 $0xFFFFC000  }
.LBB2_44:
0x4cb: {  	_ =	sfence.sel $0x180000  }
0x4cc: {  	[bflag:$0x0] =	sbarrier.arrive $0xFFFF  }
0x4cd: {  	_ =	strace $0x90000047  }
0x4ce: {  	[bflag:$0x2] =	sbarrier.arrive $0xFFFF  }
0x4cf: {  	p0 =	sne.s32 s0, $0x0;
	s0 =	rddreg [dreg:$0x7]  }
0x4d0: {  	s0 =	sadd.s32 @!p0 $0x100000, s0  }
0x4d1: {  	[sflag:s0] =	ssyncadd.tile.s32 @!p0 $0x1;
	_ =	shalt  }
.Lfunc_end2:
_tile_overlayer_lowered:
.L_overlay_start_2:
0x4d2: {  	(tag) =	ssettag $0x2  }
0x4d3: {  	s0 =	rddreg [dreg:$0x0];
	s2 =	stileid.u32  }
0x4d4: {  	s1 =	rddreg [dreg:$0x1];
	p0 =	sne.s32 s2, $0x0  }
0x4d5: {  	s3 =	rddreg [dreg:$0x2];
	[bflag:$0x3] =	sbarrier.arrive $0xFFFF;
	s2 =	simm.s32 @!p0 $0x1C03  }
0x4d6: {  	[timem:s3], [sflag:s2] =	dma.local @!p0 [hbm:s0], s1  }
0x4d7: {  	s0 =	simm.s32 @!p0 $0x3  }
0x4d8: {  	_ =	swait.ge @!p0 [sflag:s0], s1  }
0x4d9: {  	s1 =	ssub.s32 @!p0 $0x0, s1;
	[sflag:s0] =	ssyncset.done @!p0 $0x0  }
0x4da: {  	[sflag:s0] =	ssyncadd.s32 @!p0 s1  }
0x4db: {  	[bflag:$0x3] =	sbarrier.arrive $0xFFFF  }
0x4dc: {  	_ =	shalt  }

</sc_bundles>
